<compile_context>
chip_gen: v7x
topology: tpu7x:2x2x1
jax: 0.10.2.dev20260603
libtpu: 0.0.44.dev20260713+nightly
codegen_flags: <defaults>
</compile_context>

<pallas_src>
import functools

import jax
import jax.numpy as jnp
from jax import lax
from jax.experimental import pallas as pl
from jax.experimental.pallas import tpu as pltpu
from jax.experimental.pallas import tpu_sc as plsc

_NW = 32
_C = 400
_NBUF = 4
_SPLITS = ((0, 128), (128, 128), (256, 128), (384, 16))
_LANES = 16


def _emb_body(idx_hbm, pos_hbm, tok_hbm, out_hbm, idx_v, gbuf_v, pos_v,
              sem_g, sem_s, *, rows_per_w, seq_len, embed):
    nc = 2
    wid = lax.axis_index("s") * nc + lax.axis_index("c")
    base = wid * rows_per_w
    n_chunks = rows_per_w // _C
    quarter = embed // _LANES

    pltpu.sync_copy(pos_hbm, pos_v)

    def gather_copy(off, sz, b):
        return pltpu.make_async_copy(
            tok_hbm.at[idx_v.at[b, pl.ds(off, sz)]],
            gbuf_v.at[b, pl.ds(off, sz), :],
            sem_g.at[b],
        )

    def store_copy(rbase, b):
        return pltpu.make_async_copy(
            gbuf_v.at[b],
            out_hbm.at[pl.ds(rbase, _C), pl.ds(0, embed)],
            sem_s.at[b],
        )

    def fire(g, b, first):
        rbase = base + g * _C
        if not first:
            store_copy(rbase - _NBUF * _C, b).wait()
        pltpu.sync_copy(idx_hbm.at[pl.ds(rbase, _C)], idx_v.at[b])
        for off, sz in _SPLITS:
            gather_copy(off, sz, b).start()

    def proc(g, b):
        for off, sz in _SPLITS:
            gather_copy(off, sz, b).wait()

        @plsc.parallel_loop(0, seq_len, 1, unroll=2)
        def _(r):
            for dr in (0, seq_len):
                for u in range(quarter):
                    sl = pl.ds(u * _LANES, _LANES)
                    psl = pl.ds(r * embed + u * _LANES, _LANES)
                    gbuf_v[b, r + dr, sl] = gbuf_v[b, r + dr, sl] + pos_v[psl]

        store_copy(base + g * _C, b).start()

    for b in range(_NBUF):
        fire(b, b, first=True)

    def loop_body(it, carry):
        g0 = it * _NBUF
        for b in range(_NBUF):
            proc(g0 + b, b)
        for b in range(_NBUF):
            fire(g0 + _NBUF + b, b, first=False)
        return carry

    lax.fori_loop(0, n_chunks // _NBUF - 1, loop_body, 0)

    g_last = n_chunks - _NBUF
    for b in range(_NBUF):
        proc(g_last + b, b)
    for b in range(_NBUF):
        store_copy(base + (g_last + b) * _C, b).wait()


def kernel(x, token_table, pos_table):
    batch, seq_len = x.shape
    _, embed = token_table.shape
    n = batch * seq_len
    rows_per_w = n // _NW

    idx_flat = x.reshape(n).astype(jnp.int32)
    pos_flat = pos_table.reshape(seq_len * embed)

    mesh = plsc.VectorSubcoreMesh(core_axis_name="c", subcore_axis_name="s")
    body = functools.partial(
        _emb_body, rows_per_w=rows_per_w, seq_len=seq_len, embed=embed
    )
    out = pl.kernel(
        body,
        out_type=jax.ShapeDtypeStruct((n, 2 * embed), jnp.float32),
        mesh=mesh,
        scratch_types=[
            pltpu.VMEM((_NBUF, _C), jnp.int32),
            pltpu.VMEM((_NBUF, _C, embed), jnp.float32),
            pltpu.VMEM((seq_len * embed,), jnp.float32),
            pltpu.SemaphoreType.DMA((_NBUF,)),
            pltpu.SemaphoreType.DMA((_NBUF,)),
        ],
        compiler_params=pltpu.CompilerParams(use_tc_tiling_on_sc=False),
    )(idx_flat, pos_flat, token_table)
    return out[:, :embed].reshape(batch, seq_len, embed)

# --- scband reference (transcript-rebuilt; emitter-appended) ---
"""Pipeline reference for scband-token-and-position-embedding-13194139533535 (READ-ONLY COPY).

The authoritative reference and input builder live on the scoring server;
editing this copy changes nothing except your own understanding.
"""

import jax, jax.numpy as jnp
import numpy as np

MAXLEN = 200
VOCAB = 100000
EMBED = 64

def setup_inputs(seed: int = 0) -> dict:
    key = jax.random.key(seed)
    k1, k2, k3 = jax.random.split(key, 3)
    x = jax.random.randint(k1, (4096, 200), 0, VOCAB, dtype=jnp.int64 if jax.config.jax_enable_x64 else jnp.int32)
    token_table = jax.random.normal(k2, (VOCAB, EMBED), dtype=jnp.float32) * 0.05
    pos_table = jax.random.normal(k3, (MAXLEN, EMBED), dtype=jnp.float32) * 0.05
    return {"x": x, "token_table": token_table, "pos_table": pos_table}

def reference(x, token_table, pos_table):
    seq_len = x.shape[-1]
    positions = jnp.arange(seq_len)
    pos_emb = jnp.take(pos_table, positions, axis=0)          # [S, E]
    tok_emb = jnp.take(token_table, x, axis=0)                # [B, S, E]
    return tok_emb + pos_emb[None, :, :]

if __name__ == "__main__":
    import jax
    _d = setup_inputs()
    print(jax.jit(kernel)(*tuple(_d.values())))

</pallas_src>

<mosaic_0001>
#map = affine_map<(d0, d1) -> (0)>
#map1 = affine_map<(d0, d1) -> (0, 0)>
module attributes {stable_mosaic.version = 14 : i64} {
  func.func @_emb_body(%arg0: i32, %arg1: i32, %arg2: memref<819200xi32, #tpu.memory_space<hbm>>, %arg3: memref<12800xf32, #tpu.memory_space<hbm>>, %arg4: memref<100000x64xf32, #tpu.memory_space<hbm>>, %arg5: memref<819200x128xf32, #tpu.memory_space<hbm>>, %arg6: memref<4x400xi32, #tpu.memory_space<vmem>>, %arg7: memref<4x400x64xf32, #tpu.memory_space<vmem>>, %arg8: memref<12800xf32, #tpu.memory_space<vmem>>, %arg9: memref<4x!tpu.dma_semaphore, #tpu.memory_space<semaphore_mem>>, %arg10: memref<4x!tpu.dma_semaphore, #tpu.memory_space<semaphore_mem>>) attributes {dimension_semantics = [#tpu.dimension_semantics<core_parallel>, #tpu.dimension_semantics<subcore_parallel>], iteration_bounds = array<i64: 2, 16>, scalar_prefetch = 0 : i64, scratch_operands = 5 : i64, tpu.core_type = #tpu.core_type<sc_vector_subcore>, window_params = [{transform_indices = #map}, {transform_indices = #map}, {transform_indices = #map1}, {transform_indices = #map1}]} {
    %mul3A = arith.constant 2 : i32
    %mul3A_0 = arith.muli %arg1, %mul3A : i32
    %add3A = arith.addi %mul3A_0, %arg0 : i32
    %mul3A_1 = arith.constant 25600 : i32
    %mul3A_2 = arith.muli %add3A, %mul3A_1 : i32
    "tpu.region"() ({
      %run_scoped3A_652 = tpu.sem_alloc : memref<!tpu.dma_semaphore, #tpu.memory_space<semaphore_mem>>
      tpu.enqueue_dma source(%arg3 : memref<12800xf32, #tpu.memory_space<hbm>>) target(%arg8 : memref<12800xf32, #tpu.memory_space<vmem>>) target_semaphore(%run_scoped3A_652 : memref<!tpu.dma_semaphore, #tpu.memory_space<semaphore_mem>>)
      tpu.wait_dma2 semaphore(%run_scoped3A_652 : memref<!tpu.dma_semaphore, #tpu.memory_space<semaphore_mem>>) src(%arg3 : memref<12800xf32, #tpu.memory_space<hbm>>) dst(%arg8 : memref<12800xf32, #tpu.memory_space<vmem>>)
      tpu.yield
    }) : () -> ()
    %add3A_3 = arith.constant 0 : i32
    %add3A_4 = arith.addi %mul3A_2, %add3A_3 : i32
    %run_scoped3A = arith.constant 0 : i32
    "tpu.region"() ({
      %run_scoped3A_652 = tpu.sem_alloc : memref<!tpu.dma_semaphore, #tpu.memory_space<semaphore_mem>>
      %dma_start3A_653 = arith.constant 0 : i32
      %dma_start3A_654 = tpu.memref_slice %arg6[%run_scoped3A, %dma_start3A_653] : memref<4x400xi32, #tpu.memory_space<vmem>> -> memref<1x400xi32, #tpu.memory_space<vmem>>
      %dma_start3A_655 = tpu.memref_squeeze %dma_start3A_654 : memref<1x400xi32, #tpu.memory_space<vmem>> -> memref<400xi32, #tpu.memory_space<vmem>>
      %dma_start3A_656 = tpu.memref_slice %arg2[%add3A_4] : memref<819200xi32, #tpu.memory_space<hbm>> -> memref<400xi32, #tpu.memory_space<hbm>>
      %dma_start3A_657 = arith.constant 0 : i32
      %dma_start3A_658 = tpu.memref_slice %arg6[%run_scoped3A, %dma_start3A_657] : memref<4x400xi32, #tpu.memory_space<vmem>> -> memref<1x400xi32, #tpu.memory_space<vmem>>
      %dma_start3A_659 = tpu.memref_squeeze %dma_start3A_658 : memref<1x400xi32, #tpu.memory_space<vmem>> -> memref<400xi32, #tpu.memory_space<vmem>>
      %dma_start3A_660 = tpu.memref_slice %arg2[%add3A_4] : memref<819200xi32, #tpu.memory_space<hbm>> -> memref<400xi32, #tpu.memory_space<hbm>>
      tpu.enqueue_dma source(%dma_start3A_660 : memref<400xi32, #tpu.memory_space<hbm>>) target(%dma_start3A_659 : memref<400xi32, #tpu.memory_space<vmem>>) target_semaphore(%run_scoped3A_652 : memref<!tpu.dma_semaphore, #tpu.memory_space<semaphore_mem>>)
      %dma_wait3A_661 = arith.constant 0 : i32
      %dma_wait3A_662 = tpu.memref_slice %arg6[%run_scoped3A, %dma_wait3A_661] : memref<4x400xi32, #tpu.memory_space<vmem>> -> memref<1x400xi32, #tpu.memory_space<vmem>>
      %dma_wait3A_663 = tpu.memref_squeeze %dma_wait3A_662 : memref<1x400xi32, #tpu.memory_space<vmem>> -> memref<400xi32, #tpu.memory_space<vmem>>
      %dma_wait3A_664 = tpu.memref_slice %arg2[%add3A_4] : memref<819200xi32, #tpu.memory_space<hbm>> -> memref<400xi32, #tpu.memory_space<hbm>>
      %dma_wait3A_665 = arith.constant 0 : i32
      %dma_wait3A_666 = tpu.memref_slice %arg6[%run_scoped3A, %dma_wait3A_665] : memref<4x400xi32, #tpu.memory_space<vmem>> -> memref<1x400xi32, #tpu.memory_space<vmem>>
      %dma_wait3A_667 = tpu.memref_squeeze %dma_wait3A_666 : memref<1x400xi32, #tpu.memory_space<vmem>> -> memref<400xi32, #tpu.memory_space<vmem>>
      %dma_wait3A_668 = tpu.memref_slice %arg2[%add3A_4] : memref<819200xi32, #tpu.memory_space<hbm>> -> memref<400xi32, #tpu.memory_space<hbm>>
      tpu.wait_dma2 semaphore(%run_scoped3A_652 : memref<!tpu.dma_semaphore, #tpu.memory_space<semaphore_mem>>) src(%dma_wait3A_668 : memref<400xi32, #tpu.memory_space<hbm>>) dst(%dma_wait3A_667 : memref<400xi32, #tpu.memory_space<vmem>>)
      tpu.yield
    }) : () -> ()
    %dma_start3A = arith.constant 0 : i32
    %dma_start3A_5 = arith.constant 0 : i32
    %dma_start3A_6 = arith.constant 0 : i32
    %dma_start3A_7 = arith.constant 0 : i32
    %dma_start3A_8 = arith.constant 0 : i32
    %dma_start3A_9 = tpu.memref_slice %arg7[%dma_start3A_5, %dma_start3A_7, %dma_start3A_8] : memref<4x400x64xf32, #tpu.memory_space<vmem>> -> memref<1x128x64xf32, #tpu.memory_space<vmem>>
    %dma_start3A_10 = tpu.memref_squeeze %dma_start3A_9 : memref<1x128x64xf32, #tpu.memory_space<vmem>> -> memref<128x64xf32, #tpu.memory_space<vmem>>
    %dma_start3A_11 = arith.constant 0 : i32
    %dma_start3A_12 = tpu.memref_slice %arg6[%dma_start3A, %dma_start3A_11] : memref<4x400xi32, #tpu.memory_space<vmem>> -> memref<1x128xi32, #tpu.memory_space<vmem>>
    %dma_start3A_13 = tpu.memref_squeeze %dma_start3A_12 : memref<1x128xi32, #tpu.memory_space<vmem>> -> memref<128xi32, #tpu.memory_space<vmem>>
    %dma_start3A_14 = arith.constant 0 : i32
    %dma_start3A_15 = arith.constant 0 : i32
    %dma_start3A_16 = tpu.memref_slice %arg4[%dma_start3A_14, %dma_start3A_15] : memref<100000x64xf32, #tpu.memory_space<hbm>> -> memref<100000x64xf32, #tpu.memory_space<hbm>>
    %dma_start3A_17 = tpu.memref_slice %arg9[%dma_start3A_6] : memref<4x!tpu.dma_semaphore, #tpu.memory_space<semaphore_mem>> -> memref<1x!tpu.dma_semaphore, #tpu.memory_space<semaphore_mem>>
    %dma_start3A_18 = tpu.memref_squeeze %dma_start3A_17 : memref<1x!tpu.dma_semaphore, #tpu.memory_space<semaphore_mem>> -> memref<!tpu.dma_semaphore, #tpu.memory_space<semaphore_mem>>
    tpu.enqueue_indirect_dma source(%dma_start3A_16 : memref<100000x64xf32, #tpu.memory_space<hbm>>) target(%dma_start3A_10 : memref<128x64xf32, #tpu.memory_space<vmem>>) offsets(%dma_start3A_13 : memref<128xi32, #tpu.memory_space<vmem>>) semaphore(%dma_start3A_18 : memref<!tpu.dma_semaphore, #tpu.memory_space<semaphore_mem>>)
    %dma_start3A_19 = arith.constant 0 : i32
    %dma_start3A_20 = arith.constant 0 : i32
    %dma_start3A_21 = arith.constant 0 : i32
    %dma_start3A_22 = arith.constant 128 : i32
    %dma_start3A_23 = arith.constant 0 : i32
    %dma_start3A_24 = tpu.memref_slice %arg7[%dma_start3A_20, %dma_start3A_22, %dma_start3A_23] : memref<4x400x64xf32, #tpu.memory_space<vmem>> -> memref<1x128x64xf32, #tpu.memory_space<vmem>>
    %dma_start3A_25 = tpu.memref_squeeze %dma_start3A_24 : memref<1x128x64xf32, #tpu.memory_space<vmem>> -> memref<128x64xf32, #tpu.memory_space<vmem>>
    %dma_start3A_26 = arith.constant 128 : i32
    %dma_start3A_27 = tpu.memref_slice %arg6[%dma_start3A_19, %dma_start3A_26] : memref<4x400xi32, #tpu.memory_space<vmem>> -> memref<1x128xi32, #tpu.memory_space<vmem>>
    %dma_start3A_28 = tpu.memref_squeeze %dma_start3A_27 : memref<1x128xi32, #tpu.memory_space<vmem>> -> memref<128xi32, #tpu.memory_space<vmem>>
    %dma_start3A_29 = arith.constant 0 : i32
    %dma_start3A_30 = arith.constant 0 : i32
    %dma_start3A_31 = tpu.memref_slice %arg4[%dma_start3A_29, %dma_start3A_30] : memref<100000x64xf32, #tpu.memory_space<hbm>> -> memref<100000x64xf32, #tpu.memory_space<hbm>>
    %dma_start3A_32 = tpu.memref_slice %arg9[%dma_start3A_21] : memref<4x!tpu.dma_semaphore, #tpu.memory_space<semaphore_mem>> -> memref<1x!tpu.dma_semaphore, #tpu.memory_space<semaphore_mem>>
    %dma_start3A_33 = tpu.memref_squeeze %dma_start3A_32 : memref<1x!tpu.dma_semaphore, #tpu.memory_space<semaphore_mem>> -> memref<!tpu.dma_semaphore, #tpu.memory_space<semaphore_mem>>
    tpu.enqueue_indirect_dma source(%dma_start3A_31 : memref<100000x64xf32, #tpu.memory_space<hbm>>) target(%dma_start3A_25 : memref<128x64xf32, #tpu.memory_space<vmem>>) offsets(%dma_start3A_28 : memref<128xi32, #tpu.memory_space<vmem>>) semaphore(%dma_start3A_33 : memref<!tpu.dma_semaphore, #tpu.memory_space<semaphore_mem>>)
    %dma_start3A_34 = arith.constant 0 : i32
    %dma_start3A_35 = arith.constant 0 : i32
    %dma_start3A_36 = arith.constant 0 : i32
    %dma_start3A_37 = arith.constant 256 : i32
    %dma_start3A_38 = arith.constant 0 : i32
    %dma_start3A_39 = tpu.memref_slice %arg7[%dma_start3A_35, %dma_start3A_37, %dma_start3A_38] : memref<4x400x64xf32, #tpu.memory_space<vmem>> -> memref<1x128x64xf32, #tpu.memory_space<vmem>>
    %dma_start3A_40 = tpu.memref_squeeze %dma_start3A_39 : memref<1x128x64xf32, #tpu.memory_space<vmem>> -> memref<128x64xf32, #tpu.memory_space<vmem>>
    %dma_start3A_41 = arith.constant 256 : i32
    %dma_start3A_42 = tpu.memref_slice %arg6[%dma_start3A_34, %dma_start3A_41] : memref<4x400xi32, #tpu.memory_space<vmem>> -> memref<1x128xi32, #tpu.memory_space<vmem>>
    %dma_start3A_43 = tpu.memref_squeeze %dma_start3A_42 : memref<1x128xi32, #tpu.memory_space<vmem>> -> memref<128xi32, #tpu.memory_space<vmem>>
    %dma_start3A_44 = arith.constant 0 : i32
    %dma_start3A_45 = arith.constant 0 : i32
    %dma_start3A_46 = tpu.memref_slice %arg4[%dma_start3A_44, %dma_start3A_45] : memref<100000x64xf32, #tpu.memory_space<hbm>> -> memref<100000x64xf32, #tpu.memory_space<hbm>>
    %dma_start3A_47 = tpu.memref_slice %arg9[%dma_start3A_36] : memref<4x!tpu.dma_semaphore, #tpu.memory_space<semaphore_mem>> -> memref<1x!tpu.dma_semaphore, #tpu.memory_space<semaphore_mem>>
    %dma_start3A_48 = tpu.memref_squeeze %dma_start3A_47 : memref<1x!tpu.dma_semaphore, #tpu.memory_space<semaphore_mem>> -> memref<!tpu.dma_semaphore, #tpu.memory_space<semaphore_mem>>
    tpu.enqueue_indirect_dma source(%dma_start3A_46 : memref<100000x64xf32, #tpu.memory_space<hbm>>) target(%dma_start3A_40 : memref<128x64xf32, #tpu.memory_space<vmem>>) offsets(%dma_start3A_43 : memref<128xi32, #tpu.memory_space<vmem>>) semaphore(%dma_start3A_48 : memref<!tpu.dma_semaphore, #tpu.memory_space<semaphore_mem>>)
    %dma_start3A_49 = arith.constant 0 : i32
    %dma_start3A_50 = arith.constant 0 : i32
    %dma_start3A_51 = arith.constant 0 : i32
    %dma_start3A_52 = arith.constant 384 : i32
    %dma_start3A_53 = arith.constant 0 : i32
    %dma_start3A_54 = tpu.memref_slice %arg7[%dma_start3A_50, %dma_start3A_52, %dma_start3A_53] : memref<4x400x64xf32, #tpu.memory_space<vmem>> -> memref<1x16x64xf32, #tpu.memory_space<vmem>>
    %dma_start3A_55 = tpu.memref_squeeze %dma_start3A_54 : memref<1x16x64xf32, #tpu.memory_space<vmem>> -> memref<16x64xf32, #tpu.memory_space<vmem>>
    %dma_start3A_56 = arith.constant 384 : i32
    %dma_start3A_57 = tpu.memref_slice %arg6[%dma_start3A_49, %dma_start3A_56] : memref<4x400xi32, #tpu.memory_space<vmem>> -> memref<1x16xi32, #tpu.memory_space<vmem>>
    %dma_start3A_58 = tpu.memref_squeeze %dma_start3A_57 : memref<1x16xi32, #tpu.memory_space<vmem>> -> memref<16xi32, #tpu.memory_space<vmem>>
    %dma_start3A_59 = arith.constant 0 : i32
    %dma_start3A_60 = arith.constant 0 : i32
    %dma_start3A_61 = tpu.memref_slice %arg4[%dma_start3A_59, %dma_start3A_60] : memref<100000x64xf32, #tpu.memory_space<hbm>> -> memref<100000x64xf32, #tpu.memory_space<hbm>>
    %dma_start3A_62 = tpu.memref_slice %arg9[%dma_start3A_51] : memref<4x!tpu.dma_semaphore, #tpu.memory_space<semaphore_mem>> -> memref<1x!tpu.dma_semaphore, #tpu.memory_space<semaphore_mem>>
    %dma_start3A_63 = tpu.memref_squeeze %dma_start3A_62 : memref<1x!tpu.dma_semaphore, #tpu.memory_space<semaphore_mem>> -> memref<!tpu.dma_semaphore, #tpu.memory_space<semaphore_mem>>
    tpu.enqueue_indirect_dma source(%dma_start3A_61 : memref<100000x64xf32, #tpu.memory_space<hbm>>) target(%dma_start3A_55 : memref<16x64xf32, #tpu.memory_space<vmem>>) offsets(%dma_start3A_58 : memref<16xi32, #tpu.memory_space<vmem>>) semaphore(%dma_start3A_63 : memref<!tpu.dma_semaphore, #tpu.memory_space<semaphore_mem>>)
    %add3A_64 = arith.constant 400 : i32
    %add3A_65 = arith.addi %mul3A_2, %add3A_64 : i32
    %run_scoped3A_66 = arith.constant 1 : i32
    "tpu.region"() ({
      %run_scoped3A_652 = tpu.sem_alloc : memref<!tpu.dma_semaphore, #tpu.memory_space<semaphore_mem>>
      %dma_start3A_653 = arith.constant 0 : i32
      %dma_start3A_654 = tpu.memref_slice %arg6[%run_scoped3A_66, %dma_start3A_653] : memref<4x400xi32, #tpu.memory_space<vmem>> -> memref<1x400xi32, #tpu.memory_space<vmem>>
      %dma_start3A_655 = tpu.memref_squeeze %dma_start3A_654 : memref<1x400xi32, #tpu.memory_space<vmem>> -> memref<400xi32, #tpu.memory_space<vmem>>
      %dma_start3A_656 = tpu.memref_slice %arg2[%add3A_65] : memref<819200xi32, #tpu.memory_space<hbm>> -> memref<400xi32, #tpu.memory_space<hbm>>
      %dma_start3A_657 = arith.constant 0 : i32
      %dma_start3A_658 = tpu.memref_slice %arg6[%run_scoped3A_66, %dma_start3A_657] : memref<4x400xi32, #tpu.memory_space<vmem>> -> memref<1x400xi32, #tpu.memory_space<vmem>>
      %dma_start3A_659 = tpu.memref_squeeze %dma_start3A_658 : memref<1x400xi32, #tpu.memory_space<vmem>> -> memref<400xi32, #tpu.memory_space<vmem>>
      %dma_start3A_660 = tpu.memref_slice %arg2[%add3A_65] : memref<819200xi32, #tpu.memory_space<hbm>> -> memref<400xi32, #tpu.memory_space<hbm>>
      tpu.enqueue_dma source(%dma_start3A_660 : memref<400xi32, #tpu.memory_space<hbm>>) target(%dma_start3A_659 : memref<400xi32, #tpu.memory_space<vmem>>) target_semaphore(%run_scoped3A_652 : memref<!tpu.dma_semaphore, #tpu.memory_space<semaphore_mem>>)
      %dma_wait3A_661 = arith.constant 0 : i32
      %dma_wait3A_662 = tpu.memref_slice %arg6[%run_scoped3A_66, %dma_wait3A_661] : memref<4x400xi32, #tpu.memory_space<vmem>> -> memref<1x400xi32, #tpu.memory_space<vmem>>
      %dma_wait3A_663 = tpu.memref_squeeze %dma_wait3A_662 : memref<1x400xi32, #tpu.memory_space<vmem>> -> memref<400xi32, #tpu.memory_space<vmem>>
      %dma_wait3A_664 = tpu.memref_slice %arg2[%add3A_65] : memref<819200xi32, #tpu.memory_space<hbm>> -> memref<400xi32, #tpu.memory_space<hbm>>
      %dma_wait3A_665 = arith.constant 0 : i32
      %dma_wait3A_666 = tpu.memref_slice %arg6[%run_scoped3A_66, %dma_wait3A_665] : memref<4x400xi32, #tpu.memory_space<vmem>> -> memref<1x400xi32, #tpu.memory_space<vmem>>
      %dma_wait3A_667 = tpu.memref_squeeze %dma_wait3A_666 : memref<1x400xi32, #tpu.memory_space<vmem>> -> memref<400xi32, #tpu.memory_space<vmem>>
      %dma_wait3A_668 = tpu.memref_slice %arg2[%add3A_65] : memref<819200xi32, #tpu.memory_space<hbm>> -> memref<400xi32, #tpu.memory_space<hbm>>
      tpu.wait_dma2 semaphore(%run_scoped3A_652 : memref<!tpu.dma_semaphore, #tpu.memory_space<semaphore_mem>>) src(%dma_wait3A_668 : memref<400xi32, #tpu.memory_space<hbm>>) dst(%dma_wait3A_667 : memref<400xi32, #tpu.memory_space<vmem>>)
      tpu.yield
    }) : () -> ()
    %dma_start3A_67 = arith.constant 1 : i32
    %dma_start3A_68 = arith.constant 1 : i32
    %dma_start3A_69 = arith.constant 1 : i32
    %dma_start3A_70 = arith.constant 0 : i32
    %dma_start3A_71 = arith.constant 0 : i32
    %dma_start3A_72 = tpu.memref_slice %arg7[%dma_start3A_68, %dma_start3A_70, %dma_start3A_71] : memref<4x400x64xf32, #tpu.memory_space<vmem>> -> memref<1x128x64xf32, #tpu.memory_space<vmem>>
    %dma_start3A_73 = tpu.memref_squeeze %dma_start3A_72 : memref<1x128x64xf32, #tpu.memory_space<vmem>> -> memref<128x64xf32, #tpu.memory_space<vmem>>
    %dma_start3A_74 = arith.constant 0 : i32
    %dma_start3A_75 = tpu.memref_slice %arg6[%dma_start3A_67, %dma_start3A_74] : memref<4x400xi32, #tpu.memory_space<vmem>> -> memref<1x128xi32, #tpu.memory_space<vmem>>
    %dma_start3A_76 = tpu.memref_squeeze %dma_start3A_75 : memref<1x128xi32, #tpu.memory_space<vmem>> -> memref<128xi32, #tpu.memory_space<vmem>>
    %dma_start3A_77 = arith.constant 0 : i32
    %dma_start3A_78 = arith.constant 0 : i32
    %dma_start3A_79 = tpu.memref_slice %arg4[%dma_start3A_77, %dma_start3A_78] : memref<100000x64xf32, #tpu.memory_space<hbm>> -> memref<100000x64xf32, #tpu.memory_space<hbm>>
    %dma_start3A_80 = tpu.memref_slice %arg9[%dma_start3A_69] : memref<4x!tpu.dma_semaphore, #tpu.memory_space<semaphore_mem>> -> memref<1x!tpu.dma_semaphore, #tpu.memory_space<semaphore_mem>>
    %dma_start3A_81 = tpu.memref_squeeze %dma_start3A_80 : memref<1x!tpu.dma_semaphore, #tpu.memory_space<semaphore_mem>> -> memref<!tpu.dma_semaphore, #tpu.memory_space<semaphore_mem>>
    tpu.enqueue_indirect_dma source(%dma_start3A_79 : memref<100000x64xf32, #tpu.memory_space<hbm>>) target(%dma_start3A_73 : memref<128x64xf32, #tpu.memory_space<vmem>>) offsets(%dma_start3A_76 : memref<128xi32, #tpu.memory_space<vmem>>) semaphore(%dma_start3A_81 : memref<!tpu.dma_semaphore, #tpu.memory_space<semaphore_mem>>)
    %dma_start3A_82 = arith.constant 1 : i32
    %dma_start3A_83 = arith.constant 1 : i32
    %dma_start3A_84 = arith.constant 1 : i32
    %dma_start3A_85 = arith.constant 128 : i32
    %dma_start3A_86 = arith.constant 0 : i32
    %dma_start3A_87 = tpu.memref_slice %arg7[%dma_start3A_83, %dma_start3A_85, %dma_start3A_86] : memref<4x400x64xf32, #tpu.memory_space<vmem>> -> memref<1x128x64xf32, #tpu.memory_space<vmem>>
    %dma_start3A_88 = tpu.memref_squeeze %dma_start3A_87 : memref<1x128x64xf32, #tpu.memory_space<vmem>> -> memref<128x64xf32, #tpu.memory_space<vmem>>
    %dma_start3A_89 = arith.constant 128 : i32
    %dma_start3A_90 = tpu.memref_slice %arg6[%dma_start3A_82, %dma_start3A_89] : memref<4x400xi32, #tpu.memory_space<vmem>> -> memref<1x128xi32, #tpu.memory_space<vmem>>
    %dma_start3A_91 = tpu.memref_squeeze %dma_start3A_90 : memref<1x128xi32, #tpu.memory_space<vmem>> -> memref<128xi32, #tpu.memory_space<vmem>>
    %dma_start3A_92 = arith.constant 0 : i32
    %dma_start3A_93 = arith.constant 0 : i32
    %dma_start3A_94 = tpu.memref_slice %arg4[%dma_start3A_92, %dma_start3A_93] : memref<100000x64xf32, #tpu.memory_space<hbm>> -> memref<100000x64xf32, #tpu.memory_space<hbm>>
    %dma_start3A_95 = tpu.memref_slice %arg9[%dma_start3A_84] : memref<4x!tpu.dma_semaphore, #tpu.memory_space<semaphore_mem>> -> memref<1x!tpu.dma_semaphore, #tpu.memory_space<semaphore_mem>>
    %dma_start3A_96 = tpu.memref_squeeze %dma_start3A_95 : memref<1x!tpu.dma_semaphore, #tpu.memory_space<semaphore_mem>> -> memref<!tpu.dma_semaphore, #tpu.memory_space<semaphore_mem>>
    tpu.enqueue_indirect_dma source(%dma_start3A_94 : memref<100000x64xf32, #tpu.memory_space<hbm>>) target(%dma_start3A_88 : memref<128x64xf32, #tpu.memory_space<vmem>>) offsets(%dma_start3A_91 : memref<128xi32, #tpu.memory_space<vmem>>) semaphore(%dma_start3A_96 : memref<!tpu.dma_semaphore, #tpu.memory_space<semaphore_mem>>)
    %dma_start3A_97 = arith.constant 1 : i32
    %dma_start3A_98 = arith.constant 1 : i32
    %dma_start3A_99 = arith.constant 1 : i32
    %dma_start3A_100 = arith.constant 256 : i32
    %dma_start3A_101 = arith.constant 0 : i32
    %dma_start3A_102 = tpu.memref_slice %arg7[%dma_start3A_98, %dma_start3A_100, %dma_start3A_101] : memref<4x400x64xf32, #tpu.memory_space<vmem>> -> memref<1x128x64xf32, #tpu.memory_space<vmem>>
    %dma_start3A_103 = tpu.memref_squeeze %dma_start3A_102 : memref<1x128x64xf32, #tpu.memory_space<vmem>> -> memref<128x64xf32, #tpu.memory_space<vmem>>
    %dma_start3A_104 = arith.constant 256 : i32
    %dma_start3A_105 = tpu.memref_slice %arg6[%dma_start3A_97, %dma_start3A_104] : memref<4x400xi32, #tpu.memory_space<vmem>> -> memref<1x128xi32, #tpu.memory_space<vmem>>
    %dma_start3A_106 = tpu.memref_squeeze %dma_start3A_105 : memref<1x128xi32, #tpu.memory_space<vmem>> -> memref<128xi32, #tpu.memory_space<vmem>>
    %dma_start3A_107 = arith.constant 0 : i32
    %dma_start3A_108 = arith.constant 0 : i32
    %dma_start3A_109 = tpu.memref_slice %arg4[%dma_start3A_107, %dma_start3A_108] : memref<100000x64xf32, #tpu.memory_space<hbm>> -> memref<100000x64xf32, #tpu.memory_space<hbm>>
    %dma_start3A_110 = tpu.memref_slice %arg9[%dma_start3A_99] : memref<4x!tpu.dma_semaphore, #tpu.memory_space<semaphore_mem>> -> memref<1x!tpu.dma_semaphore, #tpu.memory_space<semaphore_mem>>
    %dma_start3A_111 = tpu.memref_squeeze %dma_start3A_110 : memref<1x!tpu.dma_semaphore, #tpu.memory_space<semaphore_mem>> -> memref<!tpu.dma_semaphore, #tpu.memory_space<semaphore_mem>>
    tpu.enqueue_indirect_dma source(%dma_start3A_109 : memref<100000x64xf32, #tpu.memory_space<hbm>>) target(%dma_start3A_103 : memref<128x64xf32, #tpu.memory_space<vmem>>) offsets(%dma_start3A_106 : memref<128xi32, #tpu.memory_space<vmem>>) semaphore(%dma_start3A_111 : memref<!tpu.dma_semaphore, #tpu.memory_space<semaphore_mem>>)
    %dma_start3A_112 = arith.constant 1 : i32
    %dma_start3A_113 = arith.constant 1 : i32
    %dma_start3A_114 = arith.constant 1 : i32
    %dma_start3A_115 = arith.constant 384 : i32
    %dma_start3A_116 = arith.constant 0 : i32
    %dma_start3A_117 = tpu.memref_slice %arg7[%dma_start3A_113, %dma_start3A_115, %dma_start3A_116] : memref<4x400x64xf32, #tpu.memory_space<vmem>> -> memref<1x16x64xf32, #tpu.memory_space<vmem>>
    %dma_start3A_118 = tpu.memref_squeeze %dma_start3A_117 : memref<1x16x64xf32, #tpu.memory_space<vmem>> -> memref<16x64xf32, #tpu.memory_space<vmem>>
    %dma_start3A_119 = arith.constant 384 : i32
    %dma_start3A_120 = tpu.memref_slice %arg6[%dma_start3A_112, %dma_start3A_119] : memref<4x400xi32, #tpu.memory_space<vmem>> -> memref<1x16xi32, #tpu.memory_space<vmem>>
    %dma_start3A_121 = tpu.memref_squeeze %dma_start3A_120 : memref<1x16xi32, #tpu.memory_space<vmem>> -> memref<16xi32, #tpu.memory_space<vmem>>
    %dma_start3A_122 = arith.constant 0 : i32
    %dma_start3A_123 = arith.constant 0 : i32
    %dma_start3A_124 = tpu.memref_slice %arg4[%dma_start3A_122, %dma_start3A_123] : memref<100000x64xf32, #tpu.memory_space<hbm>> -> memref<100000x64xf32, #tpu.memory_space<hbm>>
    %dma_start3A_125 = tpu.memref_slice %arg9[%dma_start3A_114] : memref<4x!tpu.dma_semaphore, #tpu.memory_space<semaphore_mem>> -> memref<1x!tpu.dma_semaphore, #tpu.memory_space<semaphore_mem>>
    %dma_start3A_126 = tpu.memref_squeeze %dma_start3A_125 : memref<1x!tpu.dma_semaphore, #tpu.memory_space<semaphore_mem>> -> memref<!tpu.dma_semaphore, #tpu.memory_space<semaphore_mem>>
    tpu.enqueue_indirect_dma source(%dma_start3A_124 : memref<100000x64xf32, #tpu.memory_space<hbm>>) target(%dma_start3A_118 : memref<16x64xf32, #tpu.memory_space<vmem>>) offsets(%dma_start3A_121 : memref<16xi32, #tpu.memory_space<vmem>>) semaphore(%dma_start3A_126 : memref<!tpu.dma_semaphore, #tpu.memory_space<semaphore_mem>>)
    %add3A_127 = arith.constant 800 : i32
    %add3A_128 = arith.addi %mul3A_2, %add3A_127 : i32
    %run_scoped3A_129 = arith.constant 2 : i32
    "tpu.region"() ({
      %run_scoped3A_652 = tpu.sem_alloc : memref<!tpu.dma_semaphore, #tpu.memory_space<semaphore_mem>>
      %dma_start3A_653 = arith.constant 0 : i32
      %dma_start3A_654 = tpu.memref_slice %arg6[%run_scoped3A_129, %dma_start3A_653] : memref<4x400xi32, #tpu.memory_space<vmem>> -> memref<1x400xi32, #tpu.memory_space<vmem>>
      %dma_start3A_655 = tpu.memref_squeeze %dma_start3A_654 : memref<1x400xi32, #tpu.memory_space<vmem>> -> memref<400xi32, #tpu.memory_space<vmem>>
      %dma_start3A_656 = tpu.memref_slice %arg2[%add3A_128] : memref<819200xi32, #tpu.memory_space<hbm>> -> memref<400xi32, #tpu.memory_space<hbm>>
      %dma_start3A_657 = arith.constant 0 : i32
      %dma_start3A_658 = tpu.memref_slice %arg6[%run_scoped3A_129, %dma_start3A_657] : memref<4x400xi32, #tpu.memory_space<vmem>> -> memref<1x400xi32, #tpu.memory_space<vmem>>
      %dma_start3A_659 = tpu.memref_squeeze %dma_start3A_658 : memref<1x400xi32, #tpu.memory_space<vmem>> -> memref<400xi32, #tpu.memory_space<vmem>>
      %dma_start3A_660 = tpu.memref_slice %arg2[%add3A_128] : memref<819200xi32, #tpu.memory_space<hbm>> -> memref<400xi32, #tpu.memory_space<hbm>>
      tpu.enqueue_dma source(%dma_start3A_660 : memref<400xi32, #tpu.memory_space<hbm>>) target(%dma_start3A_659 : memref<400xi32, #tpu.memory_space<vmem>>) target_semaphore(%run_scoped3A_652 : memref<!tpu.dma_semaphore, #tpu.memory_space<semaphore_mem>>)
      %dma_wait3A_661 = arith.constant 0 : i32
      %dma_wait3A_662 = tpu.memref_slice %arg6[%run_scoped3A_129, %dma_wait3A_661] : memref<4x400xi32, #tpu.memory_space<vmem>> -> memref<1x400xi32, #tpu.memory_space<vmem>>
      %dma_wait3A_663 = tpu.memref_squeeze %dma_wait3A_662 : memref<1x400xi32, #tpu.memory_space<vmem>> -> memref<400xi32, #tpu.memory_space<vmem>>
      %dma_wait3A_664 = tpu.memref_slice %arg2[%add3A_128] : memref<819200xi32, #tpu.memory_space<hbm>> -> memref<400xi32, #tpu.memory_space<hbm>>
      %dma_wait3A_665 = arith.constant 0 : i32
      %dma_wait3A_666 = tpu.memref_slice %arg6[%run_scoped3A_129, %dma_wait3A_665] : memref<4x400xi32, #tpu.memory_space<vmem>> -> memref<1x400xi32, #tpu.memory_space<vmem>>
      %dma_wait3A_667 = tpu.memref_squeeze %dma_wait3A_666 : memref<1x400xi32, #tpu.memory_space<vmem>> -> memref<400xi32, #tpu.memory_space<vmem>>
      %dma_wait3A_668 = tpu.memref_slice %arg2[%add3A_128] : memref<819200xi32, #tpu.memory_space<hbm>> -> memref<400xi32, #tpu.memory_space<hbm>>
      tpu.wait_dma2 semaphore(%run_scoped3A_652 : memref<!tpu.dma_semaphore, #tpu.memory_space<semaphore_mem>>) src(%dma_wait3A_668 : memref<400xi32, #tpu.memory_space<hbm>>) dst(%dma_wait3A_667 : memref<400xi32, #tpu.memory_space<vmem>>)
      tpu.yield
    }) : () -> ()
    %dma_start3A_130 = arith.constant 2 : i32
    %dma_start3A_131 = arith.constant 2 : i32
    %dma_start3A_132 = arith.constant 2 : i32
    %dma_start3A_133 = arith.constant 0 : i32
    %dma_start3A_134 = arith.constant 0 : i32
    %dma_start3A_135 = tpu.memref_slice %arg7[%dma_start3A_131, %dma_start3A_133, %dma_start3A_134] : memref<4x400x64xf32, #tpu.memory_space<vmem>> -> memref<1x128x64xf32, #tpu.memory_space<vmem>>
    %dma_start3A_136 = tpu.memref_squeeze %dma_start3A_135 : memref<1x128x64xf32, #tpu.memory_space<vmem>> -> memref<128x64xf32, #tpu.memory_space<vmem>>
    %dma_start3A_137 = arith.constant 0 : i32
    %dma_start3A_138 = tpu.memref_slice %arg6[%dma_start3A_130, %dma_start3A_137] : memref<4x400xi32, #tpu.memory_space<vmem>> -> memref<1x128xi32, #tpu.memory_space<vmem>>
    %dma_start3A_139 = tpu.memref_squeeze %dma_start3A_138 : memref<1x128xi32, #tpu.memory_space<vmem>> -> memref<128xi32, #tpu.memory_space<vmem>>
    %dma_start3A_140 = arith.constant 0 : i32
    %dma_start3A_141 = arith.constant 0 : i32
    %dma_start3A_142 = tpu.memref_slice %arg4[%dma_start3A_140, %dma_start3A_141] : memref<100000x64xf32, #tpu.memory_space<hbm>> -> memref<100000x64xf32, #tpu.memory_space<hbm>>
    %dma_start3A_143 = tpu.memref_slice %arg9[%dma_start3A_132] : memref<4x!tpu.dma_semaphore, #tpu.memory_space<semaphore_mem>> -> memref<1x!tpu.dma_semaphore, #tpu.memory_space<semaphore_mem>>
    %dma_start3A_144 = tpu.memref_squeeze %dma_start3A_143 : memref<1x!tpu.dma_semaphore, #tpu.memory_space<semaphore_mem>> -> memref<!tpu.dma_semaphore, #tpu.memory_space<semaphore_mem>>
    tpu.enqueue_indirect_dma source(%dma_start3A_142 : memref<100000x64xf32, #tpu.memory_space<hbm>>) target(%dma_start3A_136 : memref<128x64xf32, #tpu.memory_space<vmem>>) offsets(%dma_start3A_139 : memref<128xi32, #tpu.memory_space<vmem>>) semaphore(%dma_start3A_144 : memref<!tpu.dma_semaphore, #tpu.memory_space<semaphore_mem>>)
    %dma_start3A_145 = arith.constant 2 : i32
    %dma_start3A_146 = arith.constant 2 : i32
    %dma_start3A_147 = arith.constant 2 : i32
    %dma_start3A_148 = arith.constant 128 : i32
    %dma_start3A_149 = arith.constant 0 : i32
    %dma_start3A_150 = tpu.memref_slice %arg7[%dma_start3A_146, %dma_start3A_148, %dma_start3A_149] : memref<4x400x64xf32, #tpu.memory_space<vmem>> -> memref<1x128x64xf32, #tpu.memory_space<vmem>>
    %dma_start3A_151 = tpu.memref_squeeze %dma_start3A_150 : memref<1x128x64xf32, #tpu.memory_space<vmem>> -> memref<128x64xf32, #tpu.memory_space<vmem>>
    %dma_start3A_152 = arith.constant 128 : i32
    %dma_start3A_153 = tpu.memref_slice %arg6[%dma_start3A_145, %dma_start3A_152] : memref<4x400xi32, #tpu.memory_space<vmem>> -> memref<1x128xi32, #tpu.memory_space<vmem>>
    %dma_start3A_154 = tpu.memref_squeeze %dma_start3A_153 : memref<1x128xi32, #tpu.memory_space<vmem>> -> memref<128xi32, #tpu.memory_space<vmem>>
    %dma_start3A_155 = arith.constant 0 : i32
    %dma_start3A_156 = arith.constant 0 : i32
    %dma_start3A_157 = tpu.memref_slice %arg4[%dma_start3A_155, %dma_start3A_156] : memref<100000x64xf32, #tpu.memory_space<hbm>> -> memref<100000x64xf32, #tpu.memory_space<hbm>>
    %dma_start3A_158 = tpu.memref_slice %arg9[%dma_start3A_147] : memref<4x!tpu.dma_semaphore, #tpu.memory_space<semaphore_mem>> -> memref<1x!tpu.dma_semaphore, #tpu.memory_space<semaphore_mem>>
    %dma_start3A_159 = tpu.memref_squeeze %dma_start3A_158 : memref<1x!tpu.dma_semaphore, #tpu.memory_space<semaphore_mem>> -> memref<!tpu.dma_semaphore, #tpu.memory_space<semaphore_mem>>
    tpu.enqueue_indirect_dma source(%dma_start3A_157 : memref<100000x64xf32, #tpu.memory_space<hbm>>) target(%dma_start3A_151 : memref<128x64xf32, #tpu.memory_space<vmem>>) offsets(%dma_start3A_154 : memref<128xi32, #tpu.memory_space<vmem>>) semaphore(%dma_start3A_159 : memref<!tpu.dma_semaphore, #tpu.memory_space<semaphore_mem>>)
    %dma_start3A_160 = arith.constant 2 : i32
    %dma_start3A_161 = arith.constant 2 : i32
    %dma_start3A_162 = arith.constant 2 : i32
    %dma_start3A_163 = arith.constant 256 : i32
    %dma_start3A_164 = arith.constant 0 : i32
    %dma_start3A_165 = tpu.memref_slice %arg7[%dma_start3A_161, %dma_start3A_163, %dma_start3A_164] : memref<4x400x64xf32, #tpu.memory_space<vmem>> -> memref<1x128x64xf32, #tpu.memory_space<vmem>>
    %dma_start3A_166 = tpu.memref_squeeze %dma_start3A_165 : memref<1x128x64xf32, #tpu.memory_space<vmem>> -> memref<128x64xf32, #tpu.memory_space<vmem>>
    %dma_start3A_167 = arith.constant 256 : i32
    %dma_start3A_168 = tpu.memref_slice %arg6[%dma_start3A_160, %dma_start3A_167] : memref<4x400xi32, #tpu.memory_space<vmem>> -> memref<1x128xi32, #tpu.memory_space<vmem>>
    %dma_start3A_169 = tpu.memref_squeeze %dma_start3A_168 : memref<1x128xi32, #tpu.memory_space<vmem>> -> memref<128xi32, #tpu.memory_space<vmem>>
    %dma_start3A_170 = arith.constant 0 : i32
    %dma_start3A_171 = arith.constant 0 : i32
    %dma_start3A_172 = tpu.memref_slice %arg4[%dma_start3A_170, %dma_start3A_171] : memref<100000x64xf32, #tpu.memory_space<hbm>> -> memref<100000x64xf32, #tpu.memory_space<hbm>>
    %dma_start3A_173 = tpu.memref_slice %arg9[%dma_start3A_162] : memref<4x!tpu.dma_semaphore, #tpu.memory_space<semaphore_mem>> -> memref<1x!tpu.dma_semaphore, #tpu.memory_space<semaphore_mem>>
    %dma_start3A_174 = tpu.memref_squeeze %dma_start3A_173 : memref<1x!tpu.dma_semaphore, #tpu.memory_space<semaphore_mem>> -> memref<!tpu.dma_semaphore, #tpu.memory_space<semaphore_mem>>
    tpu.enqueue_indirect_dma source(%dma_start3A_172 : memref<100000x64xf32, #tpu.memory_space<hbm>>) target(%dma_start3A_166 : memref<128x64xf32, #tpu.memory_space<vmem>>) offsets(%dma_start3A_169 : memref<128xi32, #tpu.memory_space<vmem>>) semaphore(%dma_start3A_174 : memref<!tpu.dma_semaphore, #tpu.memory_space<semaphore_mem>>)
    %dma_start3A_175 = arith.constant 2 : i32
    %dma_start3A_176 = arith.constant 2 : i32
    %dma_start3A_177 = arith.constant 2 : i32
    %dma_start3A_178 = arith.constant 384 : i32
    %dma_start3A_179 = arith.constant 0 : i32
    %dma_start3A_180 = tpu.memref_slice %arg7[%dma_start3A_176, %dma_start3A_178, %dma_start3A_179] : memref<4x400x64xf32, #tpu.memory_space<vmem>> -> memref<1x16x64xf32, #tpu.memory_space<vmem>>
    %dma_start3A_181 = tpu.memref_squeeze %dma_start3A_180 : memref<1x16x64xf32, #tpu.memory_space<vmem>> -> memref<16x64xf32, #tpu.memory_space<vmem>>
    %dma_start3A_182 = arith.constant 384 : i32
    %dma_start3A_183 = tpu.memref_slice %arg6[%dma_start3A_175, %dma_start3A_182] : memref<4x400xi32, #tpu.memory_space<vmem>> -> memref<1x16xi32, #tpu.memory_space<vmem>>
    %dma_start3A_184 = tpu.memref_squeeze %dma_start3A_183 : memref<1x16xi32, #tpu.memory_space<vmem>> -> memref<16xi32, #tpu.memory_space<vmem>>
    %dma_start3A_185 = arith.constant 0 : i32
    %dma_start3A_186 = arith.constant 0 : i32
    %dma_start3A_187 = tpu.memref_slice %arg4[%dma_start3A_185, %dma_start3A_186] : memref<100000x64xf32, #tpu.memory_space<hbm>> -> memref<100000x64xf32, #tpu.memory_space<hbm>>
    %dma_start3A_188 = tpu.memref_slice %arg9[%dma_start3A_177] : memref<4x!tpu.dma_semaphore, #tpu.memory_space<semaphore_mem>> -> memref<1x!tpu.dma_semaphore, #tpu.memory_space<semaphore_mem>>
    %dma_start3A_189 = tpu.memref_squeeze %dma_start3A_188 : memref<1x!tpu.dma_semaphore, #tpu.memory_space<semaphore_mem>> -> memref<!tpu.dma_semaphore, #tpu.memory_space<semaphore_mem>>
    tpu.enqueue_indirect_dma source(%dma_start3A_187 : memref<100000x64xf32, #tpu.memory_space<hbm>>) target(%dma_start3A_181 : memref<16x64xf32, #tpu.memory_space<vmem>>) offsets(%dma_start3A_184 : memref<16xi32, #tpu.memory_space<vmem>>) semaphore(%dma_start3A_189 : memref<!tpu.dma_semaphore, #tpu.memory_space<semaphore_mem>>)
    %add3A_190 = arith.constant 1200 : i32
    %add3A_191 = arith.addi %mul3A_2, %add3A_190 : i32
    %run_scoped3A_192 = arith.constant 3 : i32
    "tpu.region"() ({
      %run_scoped3A_652 = tpu.sem_alloc : memref<!tpu.dma_semaphore, #tpu.memory_space<semaphore_mem>>
      %dma_start3A_653 = arith.constant 0 : i32
      %dma_start3A_654 = tpu.memref_slice %arg6[%run_scoped3A_192, %dma_start3A_653] : memref<4x400xi32, #tpu.memory_space<vmem>> -> memref<1x400xi32, #tpu.memory_space<vmem>>
      %dma_start3A_655 = tpu.memref_squeeze %dma_start3A_654 : memref<1x400xi32, #tpu.memory_space<vmem>> -> memref<400xi32, #tpu.memory_space<vmem>>
      %dma_start3A_656 = tpu.memref_slice %arg2[%add3A_191] : memref<819200xi32, #tpu.memory_space<hbm>> -> memref<400xi32, #tpu.memory_space<hbm>>
      %dma_start3A_657 = arith.constant 0 : i32
      %dma_start3A_658 = tpu.memref_slice %arg6[%run_scoped3A_192, %dma_start3A_657] : memref<4x400xi32, #tpu.memory_space<vmem>> -> memref<1x400xi32, #tpu.memory_space<vmem>>
      %dma_start3A_659 = tpu.memref_squeeze %dma_start3A_658 : memref<1x400xi32, #tpu.memory_space<vmem>> -> memref<400xi32, #tpu.memory_space<vmem>>
      %dma_start3A_660 = tpu.memref_slice %arg2[%add3A_191] : memref<819200xi32, #tpu.memory_space<hbm>> -> memref<400xi32, #tpu.memory_space<hbm>>
      tpu.enqueue_dma source(%dma_start3A_660 : memref<400xi32, #tpu.memory_space<hbm>>) target(%dma_start3A_659 : memref<400xi32, #tpu.memory_space<vmem>>) target_semaphore(%run_scoped3A_652 : memref<!tpu.dma_semaphore, #tpu.memory_space<semaphore_mem>>)
      %dma_wait3A_661 = arith.constant 0 : i32
      %dma_wait3A_662 = tpu.memref_slice %arg6[%run_scoped3A_192, %dma_wait3A_661] : memref<4x400xi32, #tpu.memory_space<vmem>> -> memref<1x400xi32, #tpu.memory_space<vmem>>
      %dma_wait3A_663 = tpu.memref_squeeze %dma_wait3A_662 : memref<1x400xi32, #tpu.memory_space<vmem>> -> memref<400xi32, #tpu.memory_space<vmem>>
      %dma_wait3A_664 = tpu.memref_slice %arg2[%add3A_191] : memref<819200xi32, #tpu.memory_space<hbm>> -> memref<400xi32, #tpu.memory_space<hbm>>
      %dma_wait3A_665 = arith.constant 0 : i32
      %dma_wait3A_666 = tpu.memref_slice %arg6[%run_scoped3A_192, %dma_wait3A_665] : memref<4x400xi32, #tpu.memory_space<vmem>> -> memref<1x400xi32, #tpu.memory_space<vmem>>
      %dma_wait3A_667 = tpu.memref_squeeze %dma_wait3A_666 : memref<1x400xi32, #tpu.memory_space<vmem>> -> memref<400xi32, #tpu.memory_space<vmem>>
      %dma_wait3A_668 = tpu.memref_slice %arg2[%add3A_191] : memref<819200xi32, #tpu.memory_space<hbm>> -> memref<400xi32, #tpu.memory_space<hbm>>
      tpu.wait_dma2 semaphore(%run_scoped3A_652 : memref<!tpu.dma_semaphore, #tpu.memory_space<semaphore_mem>>) src(%dma_wait3A_668 : memref<400xi32, #tpu.memory_space<hbm>>) dst(%dma_wait3A_667 : memref<400xi32, #tpu.memory_space<vmem>>)
      tpu.yield
    }) : () -> ()
    %dma_start3A_193 = arith.constant 3 : i32
    %dma_start3A_194 = arith.constant 3 : i32
    %dma_start3A_195 = arith.constant 3 : i32
    %dma_start3A_196 = arith.constant 0 : i32
    %dma_start3A_197 = arith.constant 0 : i32
    %dma_start3A_198 = tpu.memref_slice %arg7[%dma_start3A_194, %dma_start3A_196, %dma_start3A_197] : memref<4x400x64xf32, #tpu.memory_space<vmem>> -> memref<1x128x64xf32, #tpu.memory_space<vmem>>
    %dma_start3A_199 = tpu.memref_squeeze %dma_start3A_198 : memref<1x128x64xf32, #tpu.memory_space<vmem>> -> memref<128x64xf32, #tpu.memory_space<vmem>>
    %dma_start3A_200 = arith.constant 0 : i32
    %dma_start3A_201 = tpu.memref_slice %arg6[%dma_start3A_193, %dma_start3A_200] : memref<4x400xi32, #tpu.memory_space<vmem>> -> memref<1x128xi32, #tpu.memory_space<vmem>>
    %dma_start3A_202 = tpu.memref_squeeze %dma_start3A_201 : memref<1x128xi32, #tpu.memory_space<vmem>> -> memref<128xi32, #tpu.memory_space<vmem>>
    %dma_start3A_203 = arith.constant 0 : i32
    %dma_start3A_204 = arith.constant 0 : i32
    %dma_start3A_205 = tpu.memref_slice %arg4[%dma_start3A_203, %dma_start3A_204] : memref<100000x64xf32, #tpu.memory_space<hbm>> -> memref<100000x64xf32, #tpu.memory_space<hbm>>
    %dma_start3A_206 = tpu.memref_slice %arg9[%dma_start3A_195] : memref<4x!tpu.dma_semaphore, #tpu.memory_space<semaphore_mem>> -> memref<1x!tpu.dma_semaphore, #tpu.memory_space<semaphore_mem>>
    %dma_start3A_207 = tpu.memref_squeeze %dma_start3A_206 : memref<1x!tpu.dma_semaphore, #tpu.memory_space<semaphore_mem>> -> memref<!tpu.dma_semaphore, #tpu.memory_space<semaphore_mem>>
    tpu.enqueue_indirect_dma source(%dma_start3A_205 : memref<100000x64xf32, #tpu.memory_space<hbm>>) target(%dma_start3A_199 : memref<128x64xf32, #tpu.memory_space<vmem>>) offsets(%dma_start3A_202 : memref<128xi32, #tpu.memory_space<vmem>>) semaphore(%dma_start3A_207 : memref<!tpu.dma_semaphore, #tpu.memory_space<semaphore_mem>>)
    %dma_start3A_208 = arith.constant 3 : i32
    %dma_start3A_209 = arith.constant 3 : i32
    %dma_start3A_210 = arith.constant 3 : i32
    %dma_start3A_211 = arith.constant 128 : i32
    %dma_start3A_212 = arith.constant 0 : i32
    %dma_start3A_213 = tpu.memref_slice %arg7[%dma_start3A_209, %dma_start3A_211, %dma_start3A_212] : memref<4x400x64xf32, #tpu.memory_space<vmem>> -> memref<1x128x64xf32, #tpu.memory_space<vmem>>
    %dma_start3A_214 = tpu.memref_squeeze %dma_start3A_213 : memref<1x128x64xf32, #tpu.memory_space<vmem>> -> memref<128x64xf32, #tpu.memory_space<vmem>>
    %dma_start3A_215 = arith.constant 128 : i32
    %dma_start3A_216 = tpu.memref_slice %arg6[%dma_start3A_208, %dma_start3A_215] : memref<4x400xi32, #tpu.memory_space<vmem>> -> memref<1x128xi32, #tpu.memory_space<vmem>>
    %dma_start3A_217 = tpu.memref_squeeze %dma_start3A_216 : memref<1x128xi32, #tpu.memory_space<vmem>> -> memref<128xi32, #tpu.memory_space<vmem>>
    %dma_start3A_218 = arith.constant 0 : i32
    %dma_start3A_219 = arith.constant 0 : i32
    %dma_start3A_220 = tpu.memref_slice %arg4[%dma_start3A_218, %dma_start3A_219] : memref<100000x64xf32, #tpu.memory_space<hbm>> -> memref<100000x64xf32, #tpu.memory_space<hbm>>
    %dma_start3A_221 = tpu.memref_slice %arg9[%dma_start3A_210] : memref<4x!tpu.dma_semaphore, #tpu.memory_space<semaphore_mem>> -> memref<1x!tpu.dma_semaphore, #tpu.memory_space<semaphore_mem>>
    %dma_start3A_222 = tpu.memref_squeeze %dma_start3A_221 : memref<1x!tpu.dma_semaphore, #tpu.memory_space<semaphore_mem>> -> memref<!tpu.dma_semaphore, #tpu.memory_space<semaphore_mem>>
    tpu.enqueue_indirect_dma source(%dma_start3A_220 : memref<100000x64xf32, #tpu.memory_space<hbm>>) target(%dma_start3A_214 : memref<128x64xf32, #tpu.memory_space<vmem>>) offsets(%dma_start3A_217 : memref<128xi32, #tpu.memory_space<vmem>>) semaphore(%dma_start3A_222 : memref<!tpu.dma_semaphore, #tpu.memory_space<semaphore_mem>>)
    %dma_start3A_223 = arith.constant 3 : i32
    %dma_start3A_224 = arith.constant 3 : i32
    %dma_start3A_225 = arith.constant 3 : i32
    %dma_start3A_226 = arith.constant 256 : i32
    %dma_start3A_227 = arith.constant 0 : i32
    %dma_start3A_228 = tpu.memref_slice %arg7[%dma_start3A_224, %dma_start3A_226, %dma_start3A_227] : memref<4x400x64xf32, #tpu.memory_space<vmem>> -> memref<1x128x64xf32, #tpu.memory_space<vmem>>
    %dma_start3A_229 = tpu.memref_squeeze %dma_start3A_228 : memref<1x128x64xf32, #tpu.memory_space<vmem>> -> memref<128x64xf32, #tpu.memory_space<vmem>>
    %dma_start3A_230 = arith.constant 256 : i32
    %dma_start3A_231 = tpu.memref_slice %arg6[%dma_start3A_223, %dma_start3A_230] : memref<4x400xi32, #tpu.memory_space<vmem>> -> memref<1x128xi32, #tpu.memory_space<vmem>>
    %dma_start3A_232 = tpu.memref_squeeze %dma_start3A_231 : memref<1x128xi32, #tpu.memory_space<vmem>> -> memref<128xi32, #tpu.memory_space<vmem>>
    %dma_start3A_233 = arith.constant 0 : i32
    %dma_start3A_234 = arith.constant 0 : i32
    %dma_start3A_235 = tpu.memref_slice %arg4[%dma_start3A_233, %dma_start3A_234] : memref<100000x64xf32, #tpu.memory_space<hbm>> -> memref<100000x64xf32, #tpu.memory_space<hbm>>
    %dma_start3A_236 = tpu.memref_slice %arg9[%dma_start3A_225] : memref<4x!tpu.dma_semaphore, #tpu.memory_space<semaphore_mem>> -> memref<1x!tpu.dma_semaphore, #tpu.memory_space<semaphore_mem>>
    %dma_start3A_237 = tpu.memref_squeeze %dma_start3A_236 : memref<1x!tpu.dma_semaphore, #tpu.memory_space<semaphore_mem>> -> memref<!tpu.dma_semaphore, #tpu.memory_space<semaphore_mem>>
    tpu.enqueue_indirect_dma source(%dma_start3A_235 : memref<100000x64xf32, #tpu.memory_space<hbm>>) target(%dma_start3A_229 : memref<128x64xf32, #tpu.memory_space<vmem>>) offsets(%dma_start3A_232 : memref<128xi32, #tpu.memory_space<vmem>>) semaphore(%dma_start3A_237 : memref<!tpu.dma_semaphore, #tpu.memory_space<semaphore_mem>>)
    %dma_start3A_238 = arith.constant 3 : i32
    %dma_start3A_239 = arith.constant 3 : i32
    %dma_start3A_240 = arith.constant 3 : i32
    %dma_start3A_241 = arith.constant 384 : i32
    %dma_start3A_242 = arith.constant 0 : i32
    %dma_start3A_243 = tpu.memref_slice %arg7[%dma_start3A_239, %dma_start3A_241, %dma_start3A_242] : memref<4x400x64xf32, #tpu.memory_space<vmem>> -> memref<1x16x64xf32, #tpu.memory_space<vmem>>
    %dma_start3A_244 = tpu.memref_squeeze %dma_start3A_243 : memref<1x16x64xf32, #tpu.memory_space<vmem>> -> memref<16x64xf32, #tpu.memory_space<vmem>>
    %dma_start3A_245 = arith.constant 384 : i32
    %dma_start3A_246 = tpu.memref_slice %arg6[%dma_start3A_238, %dma_start3A_245] : memref<4x400xi32, #tpu.memory_space<vmem>> -> memref<1x16xi32, #tpu.memory_space<vmem>>
    %dma_start3A_247 = tpu.memref_squeeze %dma_start3A_246 : memref<1x16xi32, #tpu.memory_space<vmem>> -> memref<16xi32, #tpu.memory_space<vmem>>
    %dma_start3A_248 = arith.constant 0 : i32
    %dma_start3A_249 = arith.constant 0 : i32
    %dma_start3A_250 = tpu.memref_slice %arg4[%dma_start3A_248, %dma_start3A_249] : memref<100000x64xf32, #tpu.memory_space<hbm>> -> memref<100000x64xf32, #tpu.memory_space<hbm>>
    %dma_start3A_251 = tpu.memref_slice %arg9[%dma_start3A_240] : memref<4x!tpu.dma_semaphore, #tpu.memory_space<semaphore_mem>> -> memref<1x!tpu.dma_semaphore, #tpu.memory_space<semaphore_mem>>
    %dma_start3A_252 = tpu.memref_squeeze %dma_start3A_251 : memref<1x!tpu.dma_semaphore, #tpu.memory_space<semaphore_mem>> -> memref<!tpu.dma_semaphore, #tpu.memory_space<semaphore_mem>>
    tpu.enqueue_indirect_dma source(%dma_start3A_250 : memref<100000x64xf32, #tpu.memory_space<hbm>>) target(%dma_start3A_244 : memref<16x64xf32, #tpu.memory_space<vmem>>) offsets(%dma_start3A_247 : memref<16xi32, #tpu.memory_space<vmem>>) semaphore(%dma_start3A_252 : memref<!tpu.dma_semaphore, #tpu.memory_space<semaphore_mem>>)
    %scan3A = arith.constant 0 : i32
    %scan3A_253 = arith.constant 0 : i32
    %scan3A_254 = arith.constant 15 : i32
    %scan3A_255 = arith.addi %scan3A_253, %scan3A_254 : i32
    %scan3A_256 = arith.constant 1 : i32
    scf.for %scan3A_652 = %scan3A_253 to %scan3A_255 step %scan3A_256  : i32 {
      %mul3A_653 = arith.constant 4 : i32
      %mul3A_654 = arith.muli %scan3A_652, %mul3A_653 : i32
      %add3A_655 = arith.constant 0 : i32
      %add3A_656 = arith.addi %mul3A_654, %add3A_655 : i32
      %dma_wait3A_657 = arith.constant 0 : i32
      %dma_wait3A_658 = arith.constant 0 : i32
      %dma_wait3A_659 = arith.constant 0 : i32
      %dma_wait3A_660 = arith.constant 0 : i32
      %dma_wait3A_661 = arith.constant 0 : i32
      %dma_wait3A_662 = tpu.memref_slice %arg7[%dma_wait3A_658, %dma_wait3A_660, %dma_wait3A_661] : memref<4x400x64xf32, #tpu.memory_space<vmem>> -> memref<1x128x64xf32, #tpu.memory_space<vmem>>
      %dma_wait3A_663 = tpu.memref_squeeze %dma_wait3A_662 : memref<1x128x64xf32, #tpu.memory_space<vmem>> -> memref<128x64xf32, #tpu.memory_space<vmem>>
      %dma_wait3A_664 = arith.constant 0 : i32
      %dma_wait3A_665 = tpu.memref_slice %arg6[%dma_wait3A_657, %dma_wait3A_664] : memref<4x400xi32, #tpu.memory_space<vmem>> -> memref<1x128xi32, #tpu.memory_space<vmem>>
      %dma_wait3A_666 = tpu.memref_squeeze %dma_wait3A_665 : memref<1x128xi32, #tpu.memory_space<vmem>> -> memref<128xi32, #tpu.memory_space<vmem>>
      %dma_wait3A_667 = arith.constant 0 : i32
      %dma_wait3A_668 = arith.constant 0 : i32
      %dma_wait3A_669 = tpu.memref_slice %arg4[%dma_wait3A_667, %dma_wait3A_668] : memref<100000x64xf32, #tpu.memory_space<hbm>> -> memref<100000x64xf32, #tpu.memory_space<hbm>>
      %dma_wait3A_670 = tpu.memref_slice %arg9[%dma_wait3A_659] : memref<4x!tpu.dma_semaphore, #tpu.memory_space<semaphore_mem>> -> memref<1x!tpu.dma_semaphore, #tpu.memory_space<semaphore_mem>>
      %dma_wait3A_671 = tpu.memref_squeeze %dma_wait3A_670 : memref<1x!tpu.dma_semaphore, #tpu.memory_space<semaphore_mem>> -> memref<!tpu.dma_semaphore, #tpu.memory_space<semaphore_mem>>
      tpu.wait_indirect_dma semaphore(%dma_wait3A_671 : memref<!tpu.dma_semaphore, #tpu.memory_space<semaphore_mem>>) src(%dma_wait3A_669 : memref<100000x64xf32, #tpu.memory_space<hbm>>) dst(%dma_wait3A_663 : memref<128x64xf32, #tpu.memory_space<vmem>>)
      %dma_wait3A_672 = arith.constant 0 : i32
      %dma_wait3A_673 = arith.constant 0 : i32
      %dma_wait3A_674 = arith.constant 0 : i32
      %dma_wait3A_675 = arith.constant 128 : i32
      %dma_wait3A_676 = arith.constant 0 : i32
      %dma_wait3A_677 = tpu.memref_slice %arg7[%dma_wait3A_673, %dma_wait3A_675, %dma_wait3A_676] : memref<4x400x64xf32, #tpu.memory_space<vmem>> -> memref<1x128x64xf32, #tpu.memory_space<vmem>>
      %dma_wait3A_678 = tpu.memref_squeeze %dma_wait3A_677 : memref<1x128x64xf32, #tpu.memory_space<vmem>> -> memref<128x64xf32, #tpu.memory_space<vmem>>
      %dma_wait3A_679 = arith.constant 128 : i32
      %dma_wait3A_680 = tpu.memref_slice %arg6[%dma_wait3A_672, %dma_wait3A_679] : memref<4x400xi32, #tpu.memory_space<vmem>> -> memref<1x128xi32, #tpu.memory_space<vmem>>
      %dma_wait3A_681 = tpu.memref_squeeze %dma_wait3A_680 : memref<1x128xi32, #tpu.memory_space<vmem>> -> memref<128xi32, #tpu.memory_space<vmem>>
      %dma_wait3A_682 = arith.constant 0 : i32
      %dma_wait3A_683 = arith.constant 0 : i32
      %dma_wait3A_684 = tpu.memref_slice %arg4[%dma_wait3A_682, %dma_wait3A_683] : memref<100000x64xf32, #tpu.memory_space<hbm>> -> memref<100000x64xf32, #tpu.memory_space<hbm>>
      %dma_wait3A_685 = tpu.memref_slice %arg9[%dma_wait3A_674] : memref<4x!tpu.dma_semaphore, #tpu.memory_space<semaphore_mem>> -> memref<1x!tpu.dma_semaphore, #tpu.memory_space<semaphore_mem>>
      %dma_wait3A_686 = tpu.memref_squeeze %dma_wait3A_685 : memref<1x!tpu.dma_semaphore, #tpu.memory_space<semaphore_mem>> -> memref<!tpu.dma_semaphore, #tpu.memory_space<semaphore_mem>>
      tpu.wait_indirect_dma semaphore(%dma_wait3A_686 : memref<!tpu.dma_semaphore, #tpu.memory_space<semaphore_mem>>) src(%dma_wait3A_684 : memref<100000x64xf32, #tpu.memory_space<hbm>>) dst(%dma_wait3A_678 : memref<128x64xf32, #tpu.memory_space<vmem>>)
      %dma_wait3A_687 = arith.constant 0 : i32
      %dma_wait3A_688 = arith.constant 0 : i32
      %dma_wait3A_689 = arith.constant 0 : i32
      %dma_wait3A_690 = arith.constant 256 : i32
      %dma_wait3A_691 = arith.constant 0 : i32
      %dma_wait3A_692 = tpu.memref_slice %arg7[%dma_wait3A_688, %dma_wait3A_690, %dma_wait3A_691] : memref<4x400x64xf32, #tpu.memory_space<vmem>> -> memref<1x128x64xf32, #tpu.memory_space<vmem>>
      %dma_wait3A_693 = tpu.memref_squeeze %dma_wait3A_692 : memref<1x128x64xf32, #tpu.memory_space<vmem>> -> memref<128x64xf32, #tpu.memory_space<vmem>>
      %dma_wait3A_694 = arith.constant 256 : i32
      %dma_wait3A_695 = tpu.memref_slice %arg6[%dma_wait3A_687, %dma_wait3A_694] : memref<4x400xi32, #tpu.memory_space<vmem>> -> memref<1x128xi32, #tpu.memory_space<vmem>>
      %dma_wait3A_696 = tpu.memref_squeeze %dma_wait3A_695 : memref<1x128xi32, #tpu.memory_space<vmem>> -> memref<128xi32, #tpu.memory_space<vmem>>
      %dma_wait3A_697 = arith.constant 0 : i32
      %dma_wait3A_698 = arith.constant 0 : i32
      %dma_wait3A_699 = tpu.memref_slice %arg4[%dma_wait3A_697, %dma_wait3A_698] : memref<100000x64xf32, #tpu.memory_space<hbm>> -> memref<100000x64xf32, #tpu.memory_space<hbm>>
      %dma_wait3A_700 = tpu.memref_slice %arg9[%dma_wait3A_689] : memref<4x!tpu.dma_semaphore, #tpu.memory_space<semaphore_mem>> -> memref<1x!tpu.dma_semaphore, #tpu.memory_space<semaphore_mem>>
      %dma_wait3A_701 = tpu.memref_squeeze %dma_wait3A_700 : memref<1x!tpu.dma_semaphore, #tpu.memory_space<semaphore_mem>> -> memref<!tpu.dma_semaphore, #tpu.memory_space<semaphore_mem>>
      tpu.wait_indirect_dma semaphore(%dma_wait3A_701 : memref<!tpu.dma_semaphore, #tpu.memory_space<semaphore_mem>>) src(%dma_wait3A_699 : memref<100000x64xf32, #tpu.memory_space<hbm>>) dst(%dma_wait3A_693 : memref<128x64xf32, #tpu.memory_space<vmem>>)
      %dma_wait3A_702 = arith.constant 0 : i32
      %dma_wait3A_703 = arith.constant 0 : i32
      %dma_wait3A_704 = arith.constant 0 : i32
      %dma_wait3A_705 = arith.constant 384 : i32
      %dma_wait3A_706 = arith.constant 0 : i32
      %dma_wait3A_707 = tpu.memref_slice %arg7[%dma_wait3A_703, %dma_wait3A_705, %dma_wait3A_706] : memref<4x400x64xf32, #tpu.memory_space<vmem>> -> memref<1x16x64xf32, #tpu.memory_space<vmem>>
      %dma_wait3A_708 = tpu.memref_squeeze %dma_wait3A_707 : memref<1x16x64xf32, #tpu.memory_space<vmem>> -> memref<16x64xf32, #tpu.memory_space<vmem>>
      %dma_wait3A_709 = arith.constant 384 : i32
      %dma_wait3A_710 = tpu.memref_slice %arg6[%dma_wait3A_702, %dma_wait3A_709] : memref<4x400xi32, #tpu.memory_space<vmem>> -> memref<1x16xi32, #tpu.memory_space<vmem>>
      %dma_wait3A_711 = tpu.memref_squeeze %dma_wait3A_710 : memref<1x16xi32, #tpu.memory_space<vmem>> -> memref<16xi32, #tpu.memory_space<vmem>>
      %dma_wait3A_712 = arith.constant 0 : i32
      %dma_wait3A_713 = arith.constant 0 : i32
      %dma_wait3A_714 = tpu.memref_slice %arg4[%dma_wait3A_712, %dma_wait3A_713] : memref<100000x64xf32, #tpu.memory_space<hbm>> -> memref<100000x64xf32, #tpu.memory_space<hbm>>
      %dma_wait3A_715 = tpu.memref_slice %arg9[%dma_wait3A_704] : memref<4x!tpu.dma_semaphore, #tpu.memory_space<semaphore_mem>> -> memref<1x!tpu.dma_semaphore, #tpu.memory_space<semaphore_mem>>
      %dma_wait3A_716 = tpu.memref_squeeze %dma_wait3A_715 : memref<1x!tpu.dma_semaphore, #tpu.memory_space<semaphore_mem>> -> memref<!tpu.dma_semaphore, #tpu.memory_space<semaphore_mem>>
      tpu.wait_indirect_dma semaphore(%dma_wait3A_716 : memref<!tpu.dma_semaphore, #tpu.memory_space<semaphore_mem>>) src(%dma_wait3A_714 : memref<100000x64xf32, #tpu.memory_space<hbm>>) dst(%dma_wait3A_708 : memref<16x64xf32, #tpu.memory_space<vmem>>)
      %parallel_loop3A_717 = arith.constant 0 : i32
      %parallel_loop3A_718 = arith.constant 200 : i32
      %parallel_loop3A_719 = arith.constant 1 : i32
      scf.for %parallel_loop3A_1334 = %parallel_loop3A_717 to %parallel_loop3A_718 step %parallel_loop3A_719  : i32 {
        %parallel_loop3A_1335 = arith.constant 64 : i32
        %parallel_loop3A_1336 = arith.muli %parallel_loop3A_1334, %parallel_loop3A_1335 : i32
        %parallel_loop3A_1337 = arith.constant 0 : i32
        %parallel_loop3A_1338 = arith.addi %parallel_loop3A_1336, %parallel_loop3A_1337 : i32
        %parallel_loop3A_1339 = arith.constant 0 : i32
        %parallel_loop3A_1340 = arith.addi %parallel_loop3A_1334, %parallel_loop3A_1339 : i32
        %parallel_loop3A_1341 = arith.constant 0 : i32
        %parallel_loop3A_1342 = arith.index_cast %parallel_loop3A_1341 : i32 to index
        %parallel_loop3A_1343 = arith.index_cast %parallel_loop3A_1340 : i32 to index
        %parallel_loop3A_1344 = arith.constant 0 : index
        %parallel_loop3A_1345 = tpu.vector_load %arg7[%parallel_loop3A_1342, %parallel_loop3A_1343, %parallel_loop3A_1344] {strides = array<i32>} : memref<4x400x64xf32, #tpu.memory_space<vmem>>, vector<1x1x16xf32>,
        %parallel_loop3A_1346 = vector.shape_cast %parallel_loop3A_1345 : vector<1x1x16xf32> to vector<16xf32>
        %parallel_loop3A_1347 = arith.index_cast %parallel_loop3A_1338 : i32 to index
        %parallel_loop3A_1348 = tpu.vector_load %arg8[%parallel_loop3A_1347] {strides = array<i32>} : memref<12800xf32, #tpu.memory_space<vmem>>, vector<16xf32>,
        %parallel_loop3A_1349 = vector.shape_cast %parallel_loop3A_1348 : vector<16xf32> to vector<16xf32>
        %parallel_loop3A_1350 = arith.addf %parallel_loop3A_1346, %parallel_loop3A_1349 : vector<16xf32>
        %parallel_loop3A_1351 = arith.constant 0 : i32
        %parallel_loop3A_1352 = arith.addi %parallel_loop3A_1334, %parallel_loop3A_1351 : i32
        %parallel_loop3A_1353 = arith.constant 0 : i32
        %parallel_loop3A_1354 = arith.index_cast %parallel_loop3A_1353 : i32 to index
        %parallel_loop3A_1355 = arith.index_cast %parallel_loop3A_1352 : i32 to index
        %parallel_loop3A_1356 = arith.constant 0 : index
        %parallel_loop3A_1357 = tpu.vector_load %arg7[%parallel_loop3A_1354, %parallel_loop3A_1355, %parallel_loop3A_1356] {strides = array<i32>} : memref<4x400x64xf32, #tpu.memory_space<vmem>>, vector<1x1x16xf32>,
        %parallel_loop3A_1358 = vector.shape_cast %parallel_loop3A_1357 : vector<1x1x16xf32> to vector<16xf32>
        %parallel_loop3A_1359 = vector.shape_cast %parallel_loop3A_1350 : vector<16xf32> to vector<1x1x16xf32>
        tpu.vector_store %arg7[%parallel_loop3A_1354, %parallel_loop3A_1355, %parallel_loop3A_1356], %parallel_loop3A_1359 {strides = array<i32>} : memref<4x400x64xf32, #tpu.memory_space<vmem>>, vector<1x1x16xf32>,
        %parallel_loop3A_1360 = arith.constant 64 : i32
        %parallel_loop3A_1361 = arith.muli %parallel_loop3A_1334, %parallel_loop3A_1360 : i32
        %parallel_loop3A_1362 = arith.constant 16 : i32
        %parallel_loop3A_1363 = arith.addi %parallel_loop3A_1361, %parallel_loop3A_1362 : i32
        %parallel_loop3A_1364 = arith.constant 0 : i32
        %parallel_loop3A_1365 = arith.addi %parallel_loop3A_1334, %parallel_loop3A_1364 : i32
        %parallel_loop3A_1366 = arith.constant 0 : i32
        %parallel_loop3A_1367 = arith.index_cast %parallel_loop3A_1366 : i32 to index
        %parallel_loop3A_1368 = arith.index_cast %parallel_loop3A_1365 : i32 to index
        %parallel_loop3A_1369 = arith.constant 16 : index
        %parallel_loop3A_1370 = tpu.vector_load %arg7[%parallel_loop3A_1367, %parallel_loop3A_1368, %parallel_loop3A_1369] {strides = array<i32>} : memref<4x400x64xf32, #tpu.memory_space<vmem>>, vector<1x1x16xf32>,
        %parallel_loop3A_1371 = vector.shape_cast %parallel_loop3A_1370 : vector<1x1x16xf32> to vector<16xf32>
        %parallel_loop3A_1372 = arith.index_cast %parallel_loop3A_1363 : i32 to index
        %parallel_loop3A_1373 = tpu.vector_load %arg8[%parallel_loop3A_1372] {strides = array<i32>} : memref<12800xf32, #tpu.memory_space<vmem>>, vector<16xf32>,
        %parallel_loop3A_1374 = vector.shape_cast %parallel_loop3A_1373 : vector<16xf32> to vector<16xf32>
        %parallel_loop3A_1375 = arith.addf %parallel_loop3A_1371, %parallel_loop3A_1374 : vector<16xf32>
        %parallel_loop3A_1376 = arith.constant 0 : i32
        %parallel_loop3A_1377 = arith.addi %parallel_loop3A_1334, %parallel_loop3A_1376 : i32
        %parallel_loop3A_1378 = arith.constant 0 : i32
        %parallel_loop3A_1379 = arith.index_cast %parallel_loop3A_1378 : i32 to index
        %parallel_loop3A_1380 = arith.index_cast %parallel_loop3A_1377 : i32 to index
        %parallel_loop3A_1381 = arith.constant 16 : index
        %parallel_loop3A_1382 = tpu.vector_load %arg7[%parallel_loop3A_1379, %parallel_loop3A_1380, %parallel_loop3A_1381] {strides = array<i32>} : memref<4x400x64xf32, #tpu.memory_space<vmem>>, vector<1x1x16xf32>,
        %parallel_loop3A_1383 = vector.shape_cast %parallel_loop3A_1382 : vector<1x1x16xf32> to vector<16xf32>
        %parallel_loop3A_1384 = vector.shape_cast %parallel_loop3A_1375 : vector<16xf32> to vector<1x1x16xf32>
        tpu.vector_store %arg7[%parallel_loop3A_1379, %parallel_loop3A_1380, %parallel_loop3A_1381], %parallel_loop3A_1384 {strides = array<i32>} : memref<4x400x64xf32, #tpu.memory_space<vmem>>, vector<1x1x16xf32>,
        %parallel_loop3A_1385 = arith.constant 64 : i32
        %parallel_loop3A_1386 = arith.muli %parallel_loop3A_1334, %parallel_loop3A_1385 : i32
        %parallel_loop3A_1387 = arith.constant 32 : i32
        %parallel_loop3A_1388 = arith.addi %parallel_loop3A_1386, %parallel_loop3A_1387 : i32
        %parallel_loop3A_1389 = arith.constant 0 : i32
        %parallel_loop3A_1390 = arith.addi %parallel_loop3A_1334, %parallel_loop3A_1389 : i32
        %parallel_loop3A_1391 = arith.constant 0 : i32
        %parallel_loop3A_1392 = arith.index_cast %parallel_loop3A_1391 : i32 to index
        %parallel_loop3A_1393 = arith.index_cast %parallel_loop3A_1390 : i32 to index
        %parallel_loop3A_1394 = arith.constant 32 : index
        %parallel_loop3A_1395 = tpu.vector_load %arg7[%parallel_loop3A_1392, %parallel_loop3A_1393, %parallel_loop3A_1394] {strides = array<i32>} : memref<4x400x64xf32, #tpu.memory_space<vmem>>, vector<1x1x16xf32>,
        %parallel_loop3A_1396 = vector.shape_cast %parallel_loop3A_1395 : vector<1x1x16xf32> to vector<16xf32>
        %parallel_loop3A_1397 = arith.index_cast %parallel_loop3A_1388 : i32 to index
        %parallel_loop3A_1398 = tpu.vector_load %arg8[%parallel_loop3A_1397] {strides = array<i32>} : memref<12800xf32, #tpu.memory_space<vmem>>, vector<16xf32>,
        %parallel_loop3A_1399 = vector.shape_cast %parallel_loop3A_1398 : vector<16xf32> to vector<16xf32>
        %parallel_loop3A_1400 = arith.addf %parallel_loop3A_1396, %parallel_loop3A_1399 : vector<16xf32>
        %parallel_loop3A_1401 = arith.constant 0 : i32
        %parallel_loop3A_1402 = arith.addi %parallel_loop3A_1334, %parallel_loop3A_1401 : i32
        %parallel_loop3A_1403 = arith.constant 0 : i32
        %parallel_loop3A_1404 = arith.index_cast %parallel_loop3A_1403 : i32 to index
        %parallel_loop3A_1405 = arith.index_cast %parallel_loop3A_1402 : i32 to index
        %parallel_loop3A_1406 = arith.constant 32 : index
        %parallel_loop3A_1407 = tpu.vector_load %arg7[%parallel_loop3A_1404, %parallel_loop3A_1405, %parallel_loop3A_1406] {strides = array<i32>} : memref<4x400x64xf32, #tpu.memory_space<vmem>>, vector<1x1x16xf32>,
        %parallel_loop3A_1408 = vector.shape_cast %parallel_loop3A_1407 : vector<1x1x16xf32> to vector<16xf32>
        %parallel_loop3A_1409 = vector.shape_cast %parallel_loop3A_1400 : vector<16xf32> to vector<1x1x16xf32>
        tpu.vector_store %arg7[%parallel_loop3A_1404, %parallel_loop3A_1405, %parallel_loop3A_1406], %parallel_loop3A_1409 {strides = array<i32>} : memref<4x400x64xf32, #tpu.memory_space<vmem>>, vector<1x1x16xf32>,
        %parallel_loop3A_1410 = arith.constant 64 : i32
        %parallel_loop3A_1411 = arith.muli %parallel_loop3A_1334, %parallel_loop3A_1410 : i32
        %parallel_loop3A_1412 = arith.constant 48 : i32
        %parallel_loop3A_1413 = arith.addi %parallel_loop3A_1411, %parallel_loop3A_1412 : i32
        %parallel_loop3A_1414 = arith.constant 0 : i32
        %parallel_loop3A_1415 = arith.addi %parallel_loop3A_1334, %parallel_loop3A_1414 : i32
        %parallel_loop3A_1416 = arith.constant 0 : i32
        %parallel_loop3A_1417 = arith.index_cast %parallel_loop3A_1416 : i32 to index
        %parallel_loop3A_1418 = arith.index_cast %parallel_loop3A_1415 : i32 to index
        %parallel_loop3A_1419 = arith.constant 48 : index
        %parallel_loop3A_1420 = tpu.vector_load %arg7[%parallel_loop3A_1417, %parallel_loop3A_1418, %parallel_loop3A_1419] {strides = array<i32>} : memref<4x400x64xf32, #tpu.memory_space<vmem>>, vector<1x1x16xf32>,
        %parallel_loop3A_1421 = vector.shape_cast %parallel_loop3A_1420 : vector<1x1x16xf32> to vector<16xf32>
        %parallel_loop3A_1422 = arith.index_cast %parallel_loop3A_1413 : i32 to index
        %parallel_loop3A_1423 = tpu.vector_load %arg8[%parallel_loop3A_1422] {strides = array<i32>} : memref<12800xf32, #tpu.memory_space<vmem>>, vector<16xf32>,
        %parallel_loop3A_1424 = vector.shape_cast %parallel_loop3A_1423 : vector<16xf32> to vector<16xf32>
        %parallel_loop3A_1425 = arith.addf %parallel_loop3A_1421, %parallel_loop3A_1424 : vector<16xf32>
        %parallel_loop3A_1426 = arith.constant 0 : i32
        %parallel_loop3A_1427 = arith.addi %parallel_loop3A_1334, %parallel_loop3A_1426 : i32
        %parallel_loop3A_1428 = arith.constant 0 : i32
        %parallel_loop3A_1429 = arith.index_cast %parallel_loop3A_1428 : i32 to index
        %parallel_loop3A_1430 = arith.index_cast %parallel_loop3A_1427 : i32 to index
        %parallel_loop3A_1431 = arith.constant 48 : index
        %parallel_loop3A_1432 = tpu.vector_load %arg7[%parallel_loop3A_1429, %parallel_loop3A_1430, %parallel_loop3A_1431] {strides = array<i32>} : memref<4x400x64xf32, #tpu.memory_space<vmem>>, vector<1x1x16xf32>,
        %parallel_loop3A_1433 = vector.shape_cast %parallel_loop3A_1432 : vector<1x1x16xf32> to vector<16xf32>
        %parallel_loop3A_1434 = vector.shape_cast %parallel_loop3A_1425 : vector<16xf32> to vector<1x1x16xf32>
        tpu.vector_store %arg7[%parallel_loop3A_1429, %parallel_loop3A_1430, %parallel_loop3A_1431], %parallel_loop3A_1434 {strides = array<i32>} : memref<4x400x64xf32, #tpu.memory_space<vmem>>, vector<1x1x16xf32>,
        %parallel_loop3A_1435 = arith.constant 64 : i32
        %parallel_loop3A_1436 = arith.muli %parallel_loop3A_1334, %parallel_loop3A_1435 : i32
        %parallel_loop3A_1437 = arith.constant 0 : i32
        %parallel_loop3A_1438 = arith.addi %parallel_loop3A_1436, %parallel_loop3A_1437 : i32
        %parallel_loop3A_1439 = arith.constant 200 : i32
        %parallel_loop3A_1440 = arith.addi %parallel_loop3A_1334, %parallel_loop3A_1439 : i32
        %parallel_loop3A_1441 = arith.constant 0 : i32
        %parallel_loop3A_1442 = arith.index_cast %parallel_loop3A_1441 : i32 to index
        %parallel_loop3A_1443 = arith.index_cast %parallel_loop3A_1440 : i32 to index
        %parallel_loop3A_1444 = arith.constant 0 : index
        %parallel_loop3A_1445 = tpu.vector_load %arg7[%parallel_loop3A_1442, %parallel_loop3A_1443, %parallel_loop3A_1444] {strides = array<i32>} : memref<4x400x64xf32, #tpu.memory_space<vmem>>, vector<1x1x16xf32>,
        %parallel_loop3A_1446 = vector.shape_cast %parallel_loop3A_1445 : vector<1x1x16xf32> to vector<16xf32>
        %parallel_loop3A_1447 = arith.index_cast %parallel_loop3A_1438 : i32 to index
        %parallel_loop3A_1448 = tpu.vector_load %arg8[%parallel_loop3A_1447] {strides = array<i32>} : memref<12800xf32, #tpu.memory_space<vmem>>, vector<16xf32>,
        %parallel_loop3A_1449 = vector.shape_cast %parallel_loop3A_1448 : vector<16xf32> to vector<16xf32>
        %parallel_loop3A_1450 = arith.addf %parallel_loop3A_1446, %parallel_loop3A_1449 : vector<16xf32>
        %parallel_loop3A_1451 = arith.constant 200 : i32
        %parallel_loop3A_1452 = arith.addi %parallel_loop3A_1334, %parallel_loop3A_1451 : i32
        %parallel_loop3A_1453 = arith.constant 0 : i32
        %parallel_loop3A_1454 = arith.index_cast %parallel_loop3A_1453 : i32 to index
        %parallel_loop3A_1455 = arith.index_cast %parallel_loop3A_1452 : i32 to index
        %parallel_loop3A_1456 = arith.constant 0 : index
        %parallel_loop3A_1457 = tpu.vector_load %arg7[%parallel_loop3A_1454, %parallel_loop3A_1455, %parallel_loop3A_1456] {strides = array<i32>} : memref<4x400x64xf32, #tpu.memory_space<vmem>>, vector<1x1x16xf32>,
        %parallel_loop3A_1458 = vector.shape_cast %parallel_loop3A_1457 : vector<1x1x16xf32> to vector<16xf32>
        %parallel_loop3A_1459 = vector.shape_cast %parallel_loop3A_1450 : vector<16xf32> to vector<1x1x16xf32>
        tpu.vector_store %arg7[%parallel_loop3A_1454, %parallel_loop3A_1455, %parallel_loop3A_1456], %parallel_loop3A_1459 {strides = array<i32>} : memref<4x400x64xf32, #tpu.memory_space<vmem>>, vector<1x1x16xf32>,
        %parallel_loop3A_1460 = arith.constant 64 : i32
        %parallel_loop3A_1461 = arith.muli %parallel_loop3A_1334, %parallel_loop3A_1460 : i32
        %parallel_loop3A_1462 = arith.constant 16 : i32
        %parallel_loop3A_1463 = arith.addi %parallel_loop3A_1461, %parallel_loop3A_1462 : i32
        %parallel_loop3A_1464 = arith.constant 200 : i32
        %parallel_loop3A_1465 = arith.addi %parallel_loop3A_1334, %parallel_loop3A_1464 : i32
        %parallel_loop3A_1466 = arith.constant 0 : i32
        %parallel_loop3A_1467 = arith.index_cast %parallel_loop3A_1466 : i32 to index
        %parallel_loop3A_1468 = arith.index_cast %parallel_loop3A_1465 : i32 to index
        %parallel_loop3A_1469 = arith.constant 16 : index
        %parallel_loop3A_1470 = tpu.vector_load %arg7[%parallel_loop3A_1467, %parallel_loop3A_1468, %parallel_loop3A_1469] {strides = array<i32>} : memref<4x400x64xf32, #tpu.memory_space<vmem>>, vector<1x1x16xf32>,
        %parallel_loop3A_1471 = vector.shape_cast %parallel_loop3A_1470 : vector<1x1x16xf32> to vector<16xf32>
        %parallel_loop3A_1472 = arith.index_cast %parallel_loop3A_1463 : i32 to index
        %parallel_loop3A_1473 = tpu.vector_load %arg8[%parallel_loop3A_1472] {strides = array<i32>} : memref<12800xf32, #tpu.memory_space<vmem>>, vector<16xf32>,
        %parallel_loop3A_1474 = vector.shape_cast %parallel_loop3A_1473 : vector<16xf32> to vector<16xf32>
        %parallel_loop3A_1475 = arith.addf %parallel_loop3A_1471, %parallel_loop3A_1474 : vector<16xf32>
        %parallel_loop3A_1476 = arith.constant 200 : i32
        %parallel_loop3A_1477 = arith.addi %parallel_loop3A_1334, %parallel_loop3A_1476 : i32
        %parallel_loop3A_1478 = arith.constant 0 : i32
        %parallel_loop3A_1479 = arith.index_cast %parallel_loop3A_1478 : i32 to index
        %parallel_loop3A_1480 = arith.index_cast %parallel_loop3A_1477 : i32 to index
        %parallel_loop3A_1481 = arith.constant 16 : index
        %parallel_loop3A_1482 = tpu.vector_load %arg7[%parallel_loop3A_1479, %parallel_loop3A_1480, %parallel_loop3A_1481] {strides = array<i32>} : memref<4x400x64xf32, #tpu.memory_space<vmem>>, vector<1x1x16xf32>,
        %parallel_loop3A_1483 = vector.shape_cast %parallel_loop3A_1482 : vector<1x1x16xf32> to vector<16xf32>
        %parallel_loop3A_1484 = vector.shape_cast %parallel_loop3A_1475 : vector<16xf32> to vector<1x1x16xf32>
        tpu.vector_store %arg7[%parallel_loop3A_1479, %parallel_loop3A_1480, %parallel_loop3A_1481], %parallel_loop3A_1484 {strides = array<i32>} : memref<4x400x64xf32, #tpu.memory_space<vmem>>, vector<1x1x16xf32>,
        %parallel_loop3A_1485 = arith.constant 64 : i32
        %parallel_loop3A_1486 = arith.muli %parallel_loop3A_1334, %parallel_loop3A_1485 : i32
        %parallel_loop3A_1487 = arith.constant 32 : i32
        %parallel_loop3A_1488 = arith.addi %parallel_loop3A_1486, %parallel_loop3A_1487 : i32
        %parallel_loop3A_1489 = arith.constant 200 : i32
        %parallel_loop3A_1490 = arith.addi %parallel_loop3A_1334, %parallel_loop3A_1489 : i32
        %parallel_loop3A_1491 = arith.constant 0 : i32
        %parallel_loop3A_1492 = arith.index_cast %parallel_loop3A_1491 : i32 to index
        %parallel_loop3A_1493 = arith.index_cast %parallel_loop3A_1490 : i32 to index
        %parallel_loop3A_1494 = arith.constant 32 : index
        %parallel_loop3A_1495 = tpu.vector_load %arg7[%parallel_loop3A_1492, %parallel_loop3A_1493, %parallel_loop3A_1494] {strides = array<i32>} : memref<4x400x64xf32, #tpu.memory_space<vmem>>, vector<1x1x16xf32>,
        %parallel_loop3A_1496 = vector.shape_cast %parallel_loop3A_1495 : vector<1x1x16xf32> to vector<16xf32>
        %parallel_loop3A_1497 = arith.index_cast %parallel_loop3A_1488 : i32 to index
        %parallel_loop3A_1498 = tpu.vector_load %arg8[%parallel_loop3A_1497] {strides = array<i32>} : memref<12800xf32, #tpu.memory_space<vmem>>, vector<16xf32>,
        %parallel_loop3A_1499 = vector.shape_cast %parallel_loop3A_1498 : vector<16xf32> to vector<16xf32>
        %parallel_loop3A_1500 = arith.addf %parallel_loop3A_1496, %parallel_loop3A_1499 : vector<16xf32>
        %parallel_loop3A_1501 = arith.constant 200 : i32
        %parallel_loop3A_1502 = arith.addi %parallel_loop3A_1334, %parallel_loop3A_1501 : i32
        %parallel_loop3A_1503 = arith.constant 0 : i32
        %parallel_loop3A_1504 = arith.index_cast %parallel_loop3A_1503 : i32 to index
        %parallel_loop3A_1505 = arith.index_cast %parallel_loop3A_1502 : i32 to index
        %parallel_loop3A_1506 = arith.constant 32 : index
        %parallel_loop3A_1507 = tpu.vector_load %arg7[%parallel_loop3A_1504, %parallel_loop3A_1505, %parallel_loop3A_1506] {strides = array<i32>} : memref<4x400x64xf32, #tpu.memory_space<vmem>>, vector<1x1x16xf32>,
        %parallel_loop3A_1508 = vector.shape_cast %parallel_loop3A_1507 : vector<1x1x16xf32> to vector<16xf32>
        %parallel_loop3A_1509 = vector.shape_cast %parallel_loop3A_1500 : vector<16xf32> to vector<1x1x16xf32>
        tpu.vector_store %arg7[%parallel_loop3A_1504, %parallel_loop3A_1505, %parallel_loop3A_1506], %parallel_loop3A_1509 {strides = array<i32>} : memref<4x400x64xf32, #tpu.memory_space<vmem>>, vector<1x1x16xf32>,
        %parallel_loop3A_1510 = arith.constant 64 : i32
        %parallel_loop3A_1511 = arith.muli %parallel_loop3A_1334, %parallel_loop3A_1510 : i32
        %parallel_loop3A_1512 = arith.constant 48 : i32
        %parallel_loop3A_1513 = arith.addi %parallel_loop3A_1511, %parallel_loop3A_1512 : i32
        %parallel_loop3A_1514 = arith.constant 200 : i32
        %parallel_loop3A_1515 = arith.addi %parallel_loop3A_1334, %parallel_loop3A_1514 : i32
        %parallel_loop3A_1516 = arith.constant 0 : i32
        %parallel_loop3A_1517 = arith.index_cast %parallel_loop3A_1516 : i32 to index
        %parallel_loop3A_1518 = arith.index_cast %parallel_loop3A_1515 : i32 to index
        %parallel_loop3A_1519 = arith.constant 48 : index
        %parallel_loop3A_1520 = tpu.vector_load %arg7[%parallel_loop3A_1517, %parallel_loop3A_1518, %parallel_loop3A_1519] {strides = array<i32>} : memref<4x400x64xf32, #tpu.memory_space<vmem>>, vector<1x1x16xf32>,
        %parallel_loop3A_1521 = vector.shape_cast %parallel_loop3A_1520 : vector<1x1x16xf32> to vector<16xf32>
        %parallel_loop3A_1522 = arith.index_cast %parallel_loop3A_1513 : i32 to index
        %parallel_loop3A_1523 = tpu.vector_load %arg8[%parallel_loop3A_1522] {strides = array<i32>} : memref<12800xf32, #tpu.memory_space<vmem>>, vector<16xf32>,
        %parallel_loop3A_1524 = vector.shape_cast %parallel_loop3A_1523 : vector<16xf32> to vector<16xf32>
        %parallel_loop3A_1525 = arith.addf %parallel_loop3A_1521, %parallel_loop3A_1524 : vector<16xf32>
        %parallel_loop3A_1526 = arith.constant 200 : i32
        %parallel_loop3A_1527 = arith.addi %parallel_loop3A_1334, %parallel_loop3A_1526 : i32
        %parallel_loop3A_1528 = arith.constant 0 : i32
        %parallel_loop3A_1529 = arith.index_cast %parallel_loop3A_1528 : i32 to index
        %parallel_loop3A_1530 = arith.index_cast %parallel_loop3A_1527 : i32 to index
        %parallel_loop3A_1531 = arith.constant 48 : index
        %parallel_loop3A_1532 = tpu.vector_load %arg7[%parallel_loop3A_1529, %parallel_loop3A_1530, %parallel_loop3A_1531] {strides = array<i32>} : memref<4x400x64xf32, #tpu.memory_space<vmem>>, vector<1x1x16xf32>,
        %parallel_loop3A_1533 = vector.shape_cast %parallel_loop3A_1532 : vector<1x1x16xf32> to vector<16xf32>
        %parallel_loop3A_1534 = vector.shape_cast %parallel_loop3A_1525 : vector<16xf32> to vector<1x1x16xf32>
        tpu.vector_store %arg7[%parallel_loop3A_1529, %parallel_loop3A_1530, %parallel_loop3A_1531], %parallel_loop3A_1534 {strides = array<i32>} : memref<4x400x64xf32, #tpu.memory_space<vmem>>, vector<1x1x16xf32>,
      } {sc.loop_unroll_factor = 2 : i64, sc.parallel_access}
      %mul3A_720 = arith.constant 400 : i32
      %mul3A_721 = arith.muli %add3A_656, %mul3A_720 : i32
      %add3A_722 = arith.addi %mul3A_2, %mul3A_721 : i32
      %dma_start3A_723 = arith.constant 0 : i32
      %dma_start3A_724 = arith.constant 0 : i32
      %dma_start3A_725 = arith.constant 0 : i32
      %dma_start3A_726 = arith.constant 0 : i32
      %dma_start3A_727 = tpu.memref_slice %arg7[%dma_start3A_723, %dma_start3A_725, %dma_start3A_726] : memref<4x400x64xf32, #tpu.memory_space<vmem>> -> memref<1x400x64xf32, #tpu.memory_space<vmem>>
      %dma_start3A_728 = tpu.memref_squeeze %dma_start3A_727 : memref<1x400x64xf32, #tpu.memory_space<vmem>> -> memref<400x64xf32, #tpu.memory_space<vmem>>
      %dma_start3A_729 = arith.constant 0 : i32
      %dma_start3A_730 = tpu.memref_slice %arg5[%add3A_722, %dma_start3A_729] : memref<819200x128xf32, #tpu.memory_space<hbm>> -> memref<400x64xf32, #tpu.memory_space<hbm>>
      %dma_start3A_731 = tpu.memref_slice %arg10[%dma_start3A_724] : memref<4x!tpu.dma_semaphore, #tpu.memory_space<semaphore_mem>> -> memref<1x!tpu.dma_semaphore, #tpu.memory_space<semaphore_mem>>
      %dma_start3A_732 = tpu.memref_squeeze %dma_start3A_731 : memref<1x!tpu.dma_semaphore, #tpu.memory_space<semaphore_mem>> -> memref<!tpu.dma_semaphore, #tpu.memory_space<semaphore_mem>>
      %dma_start3A_733 = arith.constant 0 : i32
      %dma_start3A_734 = tpu.memref_slice %arg5[%add3A_722, %dma_start3A_733] : memref<819200x128xf32, #tpu.memory_space<hbm>> -> memref<400x64xf32, #tpu.memory_space<hbm>>
      %dma_start3A_735 = arith.constant 0 : i32
      %dma_start3A_736 = arith.constant 0 : i32
      %dma_start3A_737 = tpu.memref_slice %arg7[%dma_start3A_723, %dma_start3A_735, %dma_start3A_736] : memref<4x400x64xf32, #tpu.memory_space<vmem>> -> memref<1x400x64xf32, #tpu.memory_space<vmem>>
      %dma_start3A_738 = tpu.memref_squeeze %dma_start3A_737 : memref<1x400x64xf32, #tpu.memory_space<vmem>> -> memref<400x64xf32, #tpu.memory_space<vmem>>
      tpu.enqueue_dma source(%dma_start3A_738 : memref<400x64xf32, #tpu.memory_space<vmem>>) target(%dma_start3A_734 : memref<400x64xf32, #tpu.memory_space<hbm>>) target_semaphore(%dma_start3A_732 : memref<!tpu.dma_semaphore, #tpu.memory_space<semaphore_mem>>)
      %add3A_739 = arith.constant 1 : i32
      %add3A_740 = arith.addi %mul3A_654, %add3A_739 : i32
      %dma_wait3A_741 = arith.constant 1 : i32
      %dma_wait3A_742 = arith.constant 1 : i32
      %dma_wait3A_743 = arith.constant 1 : i32
      %dma_wait3A_744 = arith.constant 0 : i32
      %dma_wait3A_745 = arith.constant 0 : i32
      %dma_wait3A_746 = tpu.memref_slice %arg7[%dma_wait3A_742, %dma_wait3A_744, %dma_wait3A_745] : memref<4x400x64xf32, #tpu.memory_space<vmem>> -> memref<1x128x64xf32, #tpu.memory_space<vmem>>
      %dma_wait3A_747 = tpu.memref_squeeze %dma_wait3A_746 : memref<1x128x64xf32, #tpu.memory_space<vmem>> -> memref<128x64xf32, #tpu.memory_space<vmem>>
      %dma_wait3A_748 = arith.constant 0 : i32
      %dma_wait3A_749 = tpu.memref_slice %arg6[%dma_wait3A_741, %dma_wait3A_748] : memref<4x400xi32, #tpu.memory_space<vmem>> -> memref<1x128xi32, #tpu.memory_space<vmem>>
      %dma_wait3A_750 = tpu.memref_squeeze %dma_wait3A_749 : memref<1x128xi32, #tpu.memory_space<vmem>> -> memref<128xi32, #tpu.memory_space<vmem>>
      %dma_wait3A_751 = arith.constant 0 : i32
      %dma_wait3A_752 = arith.constant 0 : i32
      %dma_wait3A_753 = tpu.memref_slice %arg4[%dma_wait3A_751, %dma_wait3A_752] : memref<100000x64xf32, #tpu.memory_space<hbm>> -> memref<100000x64xf32, #tpu.memory_space<hbm>>
      %dma_wait3A_754 = tpu.memref_slice %arg9[%dma_wait3A_743] : memref<4x!tpu.dma_semaphore, #tpu.memory_space<semaphore_mem>> -> memref<1x!tpu.dma_semaphore, #tpu.memory_space<semaphore_mem>>
      %dma_wait3A_755 = tpu.memref_squeeze %dma_wait3A_754 : memref<1x!tpu.dma_semaphore, #tpu.memory_space<semaphore_mem>> -> memref<!tpu.dma_semaphore, #tpu.memory_space<semaphore_mem>>
      tpu.wait_indirect_dma semaphore(%dma_wait3A_755 : memref<!tpu.dma_semaphore, #tpu.memory_space<semaphore_mem>>) src(%dma_wait3A_753 : memref<100000x64xf32, #tpu.memory_space<hbm>>) dst(%dma_wait3A_747 : memref<128x64xf32, #tpu.memory_space<vmem>>)
      %dma_wait3A_756 = arith.constant 1 : i32
      %dma_wait3A_757 = arith.constant 1 : i32
      %dma_wait3A_758 = arith.constant 1 : i32
      %dma_wait3A_759 = arith.constant 128 : i32
      %dma_wait3A_760 = arith.constant 0 : i32
      %dma_wait3A_761 = tpu.memref_slice %arg7[%dma_wait3A_757, %dma_wait3A_759, %dma_wait3A_760] : memref<4x400x64xf32, #tpu.memory_space<vmem>> -> memref<1x128x64xf32, #tpu.memory_space<vmem>>
      %dma_wait3A_762 = tpu.memref_squeeze %dma_wait3A_761 : memref<1x128x64xf32, #tpu.memory_space<vmem>> -> memref<128x64xf32, #tpu.memory_space<vmem>>
      %dma_wait3A_763 = arith.constant 128 : i32
      %dma_wait3A_764 = tpu.memref_slice %arg6[%dma_wait3A_756, %dma_wait3A_763] : memref<4x400xi32, #tpu.memory_space<vmem>> -> memref<1x128xi32, #tpu.memory_space<vmem>>
      %dma_wait3A_765 = tpu.memref_squeeze %dma_wait3A_764 : memref<1x128xi32, #tpu.memory_space<vmem>> -> memref<128xi32, #tpu.memory_space<vmem>>
      %dma_wait3A_766 = arith.constant 0 : i32
      %dma_wait3A_767 = arith.constant 0 : i32
      %dma_wait3A_768 = tpu.memref_slice %arg4[%dma_wait3A_766, %dma_wait3A_767] : memref<100000x64xf32, #tpu.memory_space<hbm>> -> memref<100000x64xf32, #tpu.memory_space<hbm>>
      %dma_wait3A_769 = tpu.memref_slice %arg9[%dma_wait3A_758] : memref<4x!tpu.dma_semaphore, #tpu.memory_space<semaphore_mem>> -> memref<1x!tpu.dma_semaphore, #tpu.memory_space<semaphore_mem>>
      %dma_wait3A_770 = tpu.memref_squeeze %dma_wait3A_769 : memref<1x!tpu.dma_semaphore, #tpu.memory_space<semaphore_mem>> -> memref<!tpu.dma_semaphore, #tpu.memory_space<semaphore_mem>>
      tpu.wait_indirect_dma semaphore(%dma_wait3A_770 : memref<!tpu.dma_semaphore, #tpu.memory_space<semaphore_mem>>) src(%dma_wait3A_768 : memref<100000x64xf32, #tpu.memory_space<hbm>>) dst(%dma_wait3A_762 : memref<128x64xf32, #tpu.memory_space<vmem>>)
      %dma_wait3A_771 = arith.constant 1 : i32
      %dma_wait3A_772 = arith.constant 1 : i32
      %dma_wait3A_773 = arith.constant 1 : i32
      %dma_wait3A_774 = arith.constant 256 : i32
      %dma_wait3A_775 = arith.constant 0 : i32
      %dma_wait3A_776 = tpu.memref_slice %arg7[%dma_wait3A_772, %dma_wait3A_774, %dma_wait3A_775] : memref<4x400x64xf32, #tpu.memory_space<vmem>> -> memref<1x128x64xf32, #tpu.memory_space<vmem>>
      %dma_wait3A_777 = tpu.memref_squeeze %dma_wait3A_776 : memref<1x128x64xf32, #tpu.memory_space<vmem>> -> memref<128x64xf32, #tpu.memory_space<vmem>>
      %dma_wait3A_778 = arith.constant 256 : i32
      %dma_wait3A_779 = tpu.memref_slice %arg6[%dma_wait3A_771, %dma_wait3A_778] : memref<4x400xi32, #tpu.memory_space<vmem>> -> memref<1x128xi32, #tpu.memory_space<vmem>>
      %dma_wait3A_780 = tpu.memref_squeeze %dma_wait3A_779 : memref<1x128xi32, #tpu.memory_space<vmem>> -> memref<128xi32, #tpu.memory_space<vmem>>
      %dma_wait3A_781 = arith.constant 0 : i32
      %dma_wait3A_782 = arith.constant 0 : i32
      %dma_wait3A_783 = tpu.memref_slice %arg4[%dma_wait3A_781, %dma_wait3A_782] : memref<100000x64xf32, #tpu.memory_space<hbm>> -> memref<100000x64xf32, #tpu.memory_space<hbm>>
      %dma_wait3A_784 = tpu.memref_slice %arg9[%dma_wait3A_773] : memref<4x!tpu.dma_semaphore, #tpu.memory_space<semaphore_mem>> -> memref<1x!tpu.dma_semaphore, #tpu.memory_space<semaphore_mem>>
      %dma_wait3A_785 = tpu.memref_squeeze %dma_wait3A_784 : memref<1x!tpu.dma_semaphore, #tpu.memory_space<semaphore_mem>> -> memref<!tpu.dma_semaphore, #tpu.memory_space<semaphore_mem>>
      tpu.wait_indirect_dma semaphore(%dma_wait3A_785 : memref<!tpu.dma_semaphore, #tpu.memory_space<semaphore_mem>>) src(%dma_wait3A_783 : memref<100000x64xf32, #tpu.memory_space<hbm>>) dst(%dma_wait3A_777 : memref<128x64xf32, #tpu.memory_space<vmem>>)
      %dma_wait3A_786 = arith.constant 1 : i32
      %dma_wait3A_787 = arith.constant 1 : i32
      %dma_wait3A_788 = arith.constant 1 : i32
      %dma_wait3A_789 = arith.constant 384 : i32
      %dma_wait3A_790 = arith.constant 0 : i32
      %dma_wait3A_791 = tpu.memref_slice %arg7[%dma_wait3A_787, %dma_wait3A_789, %dma_wait3A_790] : memref<4x400x64xf32, #tpu.memory_space<vmem>> -> memref<1x16x64xf32, #tpu.memory_space<vmem>>
      %dma_wait3A_792 = tpu.memref_squeeze %dma_wait3A_791 : memref<1x16x64xf32, #tpu.memory_space<vmem>> -> memref<16x64xf32, #tpu.memory_space<vmem>>
      %dma_wait3A_793 = arith.constant 384 : i32
      %dma_wait3A_794 = tpu.memref_slice %arg6[%dma_wait3A_786, %dma_wait3A_793] : memref<4x400xi32, #tpu.memory_space<vmem>> -> memref<1x16xi32, #tpu.memory_space<vmem>>
      %dma_wait3A_795 = tpu.memref_squeeze %dma_wait3A_794 : memref<1x16xi32, #tpu.memory_space<vmem>> -> memref<16xi32, #tpu.memory_space<vmem>>
      %dma_wait3A_796 = arith.constant 0 : i32
      %dma_wait3A_797 = arith.constant 0 : i32
      %dma_wait3A_798 = tpu.memref_slice %arg4[%dma_wait3A_796, %dma_wait3A_797] : memref<100000x64xf32, #tpu.memory_space<hbm>> -> memref<100000x64xf32, #tpu.memory_space<hbm>>
      %dma_wait3A_799 = tpu.memref_slice %arg9[%dma_wait3A_788] : memref<4x!tpu.dma_semaphore, #tpu.memory_space<semaphore_mem>> -> memref<1x!tpu.dma_semaphore, #tpu.memory_space<semaphore_mem>>
      %dma_wait3A_800 = tpu.memref_squeeze %dma_wait3A_799 : memref<1x!tpu.dma_semaphore, #tpu.memory_space<semaphore_mem>> -> memref<!tpu.dma_semaphore, #tpu.memory_space<semaphore_mem>>
      tpu.wait_indirect_dma semaphore(%dma_wait3A_800 : memref<!tpu.dma_semaphore, #tpu.memory_space<semaphore_mem>>) src(%dma_wait3A_798 : memref<100000x64xf32, #tpu.memory_space<hbm>>) dst(%dma_wait3A_792 : memref<16x64xf32, #tpu.memory_space<vmem>>)
      %parallel_loop3A_801 = arith.constant 0 : i32
      %parallel_loop3A_802 = arith.constant 200 : i32
      %parallel_loop3A_803 = arith.constant 1 : i32
      scf.for %parallel_loop3A_1334 = %parallel_loop3A_801 to %parallel_loop3A_802 step %parallel_loop3A_803  : i32 {
        %parallel_loop3A_1335 = arith.constant 64 : i32
        %parallel_loop3A_1336 = arith.muli %parallel_loop3A_1334, %parallel_loop3A_1335 : i32
        %parallel_loop3A_1337 = arith.constant 0 : i32
        %parallel_loop3A_1338 = arith.addi %parallel_loop3A_1336, %parallel_loop3A_1337 : i32
        %parallel_loop3A_1339 = arith.constant 0 : i32
        %parallel_loop3A_1340 = arith.addi %parallel_loop3A_1334, %parallel_loop3A_1339 : i32
        %parallel_loop3A_1341 = arith.constant 1 : i32
        %parallel_loop3A_1342 = arith.index_cast %parallel_loop3A_1341 : i32 to index
        %parallel_loop3A_1343 = arith.index_cast %parallel_loop3A_1340 : i32 to index
        %parallel_loop3A_1344 = arith.constant 0 : index
        %parallel_loop3A_1345 = tpu.vector_load %arg7[%parallel_loop3A_1342, %parallel_loop3A_1343, %parallel_loop3A_1344] {strides = array<i32>} : memref<4x400x64xf32, #tpu.memory_space<vmem>>, vector<1x1x16xf32>,
        %parallel_loop3A_1346 = vector.shape_cast %parallel_loop3A_1345 : vector<1x1x16xf32> to vector<16xf32>
        %parallel_loop3A_1347 = arith.index_cast %parallel_loop3A_1338 : i32 to index
        %parallel_loop3A_1348 = tpu.vector_load %arg8[%parallel_loop3A_1347] {strides = array<i32>} : memref<12800xf32, #tpu.memory_space<vmem>>, vector<16xf32>,
        %parallel_loop3A_1349 = vector.shape_cast %parallel_loop3A_1348 : vector<16xf32> to vector<16xf32>
        %parallel_loop3A_1350 = arith.addf %parallel_loop3A_1346, %parallel_loop3A_1349 : vector<16xf32>
        %parallel_loop3A_1351 = arith.constant 0 : i32
        %parallel_loop3A_1352 = arith.addi %parallel_loop3A_1334, %parallel_loop3A_1351 : i32
        %parallel_loop3A_1353 = arith.constant 1 : i32
        %parallel_loop3A_1354 = arith.index_cast %parallel_loop3A_1353 : i32 to index
        %parallel_loop3A_1355 = arith.index_cast %parallel_loop3A_1352 : i32 to index
        %parallel_loop3A_1356 = arith.constant 0 : index
        %parallel_loop3A_1357 = tpu.vector_load %arg7[%parallel_loop3A_1354, %parallel_loop3A_1355, %parallel_loop3A_1356] {strides = array<i32>} : memref<4x400x64xf32, #tpu.memory_space<vmem>>, vector<1x1x16xf32>,
        %parallel_loop3A_1358 = vector.shape_cast %parallel_loop3A_1357 : vector<1x1x16xf32> to vector<16xf32>
        %parallel_loop3A_1359 = vector.shape_cast %parallel_loop3A_1350 : vector<16xf32> to vector<1x1x16xf32>
        tpu.vector_store %arg7[%parallel_loop3A_1354, %parallel_loop3A_1355, %parallel_loop3A_1356], %parallel_loop3A_1359 {strides = array<i32>} : memref<4x400x64xf32, #tpu.memory_space<vmem>>, vector<1x1x16xf32>,
        %parallel_loop3A_1360 = arith.constant 64 : i32
        %parallel_loop3A_1361 = arith.muli %parallel_loop3A_1334, %parallel_loop3A_1360 : i32
        %parallel_loop3A_1362 = arith.constant 16 : i32
        %parallel_loop3A_1363 = arith.addi %parallel_loop3A_1361, %parallel_loop3A_1362 : i32
        %parallel_loop3A_1364 = arith.constant 0 : i32
        %parallel_loop3A_1365 = arith.addi %parallel_loop3A_1334, %parallel_loop3A_1364 : i32
        %parallel_loop3A_1366 = arith.constant 1 : i32
        %parallel_loop3A_1367 = arith.index_cast %parallel_loop3A_1366 : i32 to index
        %parallel_loop3A_1368 = arith.index_cast %parallel_loop3A_1365 : i32 to index
        %parallel_loop3A_1369 = arith.constant 16 : index
        %parallel_loop3A_1370 = tpu.vector_load %arg7[%parallel_loop3A_1367, %parallel_loop3A_1368, %parallel_loop3A_1369] {strides = array<i32>} : memref<4x400x64xf32, #tpu.memory_space<vmem>>, vector<1x1x16xf32>,
        %parallel_loop3A_1371 = vector.shape_cast %parallel_loop3A_1370 : vector<1x1x16xf32> to vector<16xf32>
        %parallel_loop3A_1372 = arith.index_cast %parallel_loop3A_1363 : i32 to index
        %parallel_loop3A_1373 = tpu.vector_load %arg8[%parallel_loop3A_1372] {strides = array<i32>} : memref<12800xf32, #tpu.memory_space<vmem>>, vector<16xf32>,
        %parallel_loop3A_1374 = vector.shape_cast %parallel_loop3A_1373 : vector<16xf32> to vector<16xf32>
        %parallel_loop3A_1375 = arith.addf %parallel_loop3A_1371, %parallel_loop3A_1374 : vector<16xf32>
        %parallel_loop3A_1376 = arith.constant 0 : i32
        %parallel_loop3A_1377 = arith.addi %parallel_loop3A_1334, %parallel_loop3A_1376 : i32
        %parallel_loop3A_1378 = arith.constant 1 : i32
        %parallel_loop3A_1379 = arith.index_cast %parallel_loop3A_1378 : i32 to index
        %parallel_loop3A_1380 = arith.index_cast %parallel_loop3A_1377 : i32 to index
        %parallel_loop3A_1381 = arith.constant 16 : index
        %parallel_loop3A_1382 = tpu.vector_load %arg7[%parallel_loop3A_1379, %parallel_loop3A_1380, %parallel_loop3A_1381] {strides = array<i32>} : memref<4x400x64xf32, #tpu.memory_space<vmem>>, vector<1x1x16xf32>,
        %parallel_loop3A_1383 = vector.shape_cast %parallel_loop3A_1382 : vector<1x1x16xf32> to vector<16xf32>
        %parallel_loop3A_1384 = vector.shape_cast %parallel_loop3A_1375 : vector<16xf32> to vector<1x1x16xf32>
        tpu.vector_store %arg7[%parallel_loop3A_1379, %parallel_loop3A_1380, %parallel_loop3A_1381], %parallel_loop3A_1384 {strides = array<i32>} : memref<4x400x64xf32, #tpu.memory_space<vmem>>, vector<1x1x16xf32>,
        %parallel_loop3A_1385 = arith.constant 64 : i32
        %parallel_loop3A_1386 = arith.muli %parallel_loop3A_1334, %parallel_loop3A_1385 : i32
        %parallel_loop3A_1387 = arith.constant 32 : i32
        %parallel_loop3A_1388 = arith.addi %parallel_loop3A_1386, %parallel_loop3A_1387 : i32
        %parallel_loop3A_1389 = arith.constant 0 : i32
        %parallel_loop3A_1390 = arith.addi %parallel_loop3A_1334, %parallel_loop3A_1389 : i32
        %parallel_loop3A_1391 = arith.constant 1 : i32
        %parallel_loop3A_1392 = arith.index_cast %parallel_loop3A_1391 : i32 to index
        %parallel_loop3A_1393 = arith.index_cast %parallel_loop3A_1390 : i32 to index
        %parallel_loop3A_1394 = arith.constant 32 : index
        %parallel_loop3A_1395 = tpu.vector_load %arg7[%parallel_loop3A_1392, %parallel_loop3A_1393, %parallel_loop3A_1394] {strides = array<i32>} : memref<4x400x64xf32, #tpu.memory_space<vmem>>, vector<1x1x16xf32>,
        %parallel_loop3A_1396 = vector.shape_cast %parallel_loop3A_1395 : vector<1x1x16xf32> to vector<16xf32>
        %parallel_loop3A_1397 = arith.index_cast %parallel_loop3A_1388 : i32 to index
        %parallel_loop3A_1398 = tpu.vector_load %arg8[%parallel_loop3A_1397] {strides = array<i32>} : memref<12800xf32, #tpu.memory_space<vmem>>, vector<16xf32>,
        %parallel_loop3A_1399 = vector.shape_cast %parallel_loop3A_1398 : vector<16xf32> to vector<16xf32>
        %parallel_loop3A_1400 = arith.addf %parallel_loop3A_1396, %parallel_loop3A_1399 : vector<16xf32>
        %parallel_loop3A_1401 = arith.constant 0 : i32
        %parallel_loop3A_1402 = arith.addi %parallel_loop3A_1334, %parallel_loop3A_1401 : i32
        %parallel_loop3A_1403 = arith.constant 1 : i32
        %parallel_loop3A_1404 = arith.index_cast %parallel_loop3A_1403 : i32 to index
        %parallel_loop3A_1405 = arith.index_cast %parallel_loop3A_1402 : i32 to index
        %parallel_loop3A_1406 = arith.constant 32 : index
        %parallel_loop3A_1407 = tpu.vector_load %arg7[%parallel_loop3A_1404, %parallel_loop3A_1405, %parallel_loop3A_1406] {strides = array<i32>} : memref<4x400x64xf32, #tpu.memory_space<vmem>>, vector<1x1x16xf32>,
        %parallel_loop3A_1408 = vector.shape_cast %parallel_loop3A_1407 : vector<1x1x16xf32> to vector<16xf32>
        %parallel_loop3A_1409 = vector.shape_cast %parallel_loop3A_1400 : vector<16xf32> to vector<1x1x16xf32>
        tpu.vector_store %arg7[%parallel_loop3A_1404, %parallel_loop3A_1405, %parallel_loop3A_1406], %parallel_loop3A_1409 {strides = array<i32>} : memref<4x400x64xf32, #tpu.memory_space<vmem>>, vector<1x1x16xf32>,
        %parallel_loop3A_1410 = arith.constant 64 : i32
        %parallel_loop3A_1411 = arith.muli %parallel_loop3A_1334, %parallel_loop3A_1410 : i32
        %parallel_loop3A_1412 = arith.constant 48 : i32
        %parallel_loop3A_1413 = arith.addi %parallel_loop3A_1411, %parallel_loop3A_1412 : i32
        %parallel_loop3A_1414 = arith.constant 0 : i32
        %parallel_loop3A_1415 = arith.addi %parallel_loop3A_1334, %parallel_loop3A_1414 : i32
        %parallel_loop3A_1416 = arith.constant 1 : i32
        %parallel_loop3A_1417 = arith.index_cast %parallel_loop3A_1416 : i32 to index
        %parallel_loop3A_1418 = arith.index_cast %parallel_loop3A_1415 : i32 to index
        %parallel_loop3A_1419 = arith.constant 48 : index
        %parallel_loop3A_1420 = tpu.vector_load %arg7[%parallel_loop3A_1417, %parallel_loop3A_1418, %parallel_loop3A_1419] {strides = array<i32>} : memref<4x400x64xf32, #tpu.memory_space<vmem>>, vector<1x1x16xf32>,
        %parallel_loop3A_1421 = vector.shape_cast %parallel_loop3A_1420 : vector<1x1x16xf32> to vector<16xf32>
        %parallel_loop3A_1422 = arith.index_cast %parallel_loop3A_1413 : i32 to index
        %parallel_loop3A_1423 = tpu.vector_load %arg8[%parallel_loop3A_1422] {strides = array<i32>} : memref<12800xf32, #tpu.memory_space<vmem>>, vector<16xf32>,
        %parallel_loop3A_1424 = vector.shape_cast %parallel_loop3A_1423 : vector<16xf32> to vector<16xf32>
        %parallel_loop3A_1425 = arith.addf %parallel_loop3A_1421, %parallel_loop3A_1424 : vector<16xf32>
        %parallel_loop3A_1426 = arith.constant 0 : i32
        %parallel_loop3A_1427 = arith.addi %parallel_loop3A_1334, %parallel_loop3A_1426 : i32
        %parallel_loop3A_1428 = arith.constant 1 : i32
        %parallel_loop3A_1429 = arith.index_cast %parallel_loop3A_1428 : i32 to index
        %parallel_loop3A_1430 = arith.index_cast %parallel_loop3A_1427 : i32 to index
        %parallel_loop3A_1431 = arith.constant 48 : index
        %parallel_loop3A_1432 = tpu.vector_load %arg7[%parallel_loop3A_1429, %parallel_loop3A_1430, %parallel_loop3A_1431] {strides = array<i32>} : memref<4x400x64xf32, #tpu.memory_space<vmem>>, vector<1x1x16xf32>,
        %parallel_loop3A_1433 = vector.shape_cast %parallel_loop3A_1432 : vector<1x1x16xf32> to vector<16xf32>
        %parallel_loop3A_1434 = vector.shape_cast %parallel_loop3A_1425 : vector<16xf32> to vector<1x1x16xf32>
        tpu.vector_store %arg7[%parallel_loop3A_1429, %parallel_loop3A_1430, %parallel_loop3A_1431], %parallel_loop3A_1434 {strides = array<i32>} : memref<4x400x64xf32, #tpu.memory_space<vmem>>, vector<1x1x16xf32>,
        %parallel_loop3A_1435 = arith.constant 64 : i32
        %parallel_loop3A_1436 = arith.muli %parallel_loop3A_1334, %parallel_loop3A_1435 : i32
        %parallel_loop3A_1437 = arith.constant 0 : i32
        %parallel_loop3A_1438 = arith.addi %parallel_loop3A_1436, %parallel_loop3A_1437 : i32
        %parallel_loop3A_1439 = arith.constant 200 : i32
        %parallel_loop3A_1440 = arith.addi %parallel_loop3A_1334, %parallel_loop3A_1439 : i32
        %parallel_loop3A_1441 = arith.constant 1 : i32
        %parallel_loop3A_1442 = arith.index_cast %parallel_loop3A_1441 : i32 to index
        %parallel_loop3A_1443 = arith.index_cast %parallel_loop3A_1440 : i32 to index
        %parallel_loop3A_1444 = arith.constant 0 : index
        %parallel_loop3A_1445 = tpu.vector_load %arg7[%parallel_loop3A_1442, %parallel_loop3A_1443, %parallel_loop3A_1444] {strides = array<i32>} : memref<4x400x64xf32, #tpu.memory_space<vmem>>, vector<1x1x16xf32>,
        %parallel_loop3A_1446 = vector.shape_cast %parallel_loop3A_1445 : vector<1x1x16xf32> to vector<16xf32>
        %parallel_loop3A_1447 = arith.index_cast %parallel_loop3A_1438 : i32 to index
        %parallel_loop3A_1448 = tpu.vector_load %arg8[%parallel_loop3A_1447] {strides = array<i32>} : memref<12800xf32, #tpu.memory_space<vmem>>, vector<16xf32>,
        %parallel_loop3A_1449 = vector.shape_cast %parallel_loop3A_1448 : vector<16xf32> to vector<16xf32>
        %parallel_loop3A_1450 = arith.addf %parallel_loop3A_1446, %parallel_loop3A_1449 : vector<16xf32>
        %parallel_loop3A_1451 = arith.constant 200 : i32
        %parallel_loop3A_1452 = arith.addi %parallel_loop3A_1334, %parallel_loop3A_1451 : i32
        %parallel_loop3A_1453 = arith.constant 1 : i32
        %parallel_loop3A_1454 = arith.index_cast %parallel_loop3A_1453 : i32 to index
        %parallel_loop3A_1455 = arith.index_cast %parallel_loop3A_1452 : i32 to index
        %parallel_loop3A_1456 = arith.constant 0 : index
        %parallel_loop3A_1457 = tpu.vector_load %arg7[%parallel_loop3A_1454, %parallel_loop3A_1455, %parallel_loop3A_1456] {strides = array<i32>} : memref<4x400x64xf32, #tpu.memory_space<vmem>>, vector<1x1x16xf32>,
        %parallel_loop3A_1458 = vector.shape_cast %parallel_loop3A_1457 : vector<1x1x16xf32> to vector<16xf32>
        %parallel_loop3A_1459 = vector.shape_cast %parallel_loop3A_1450 : vector<16xf32> to vector<1x1x16xf32>
        tpu.vector_store %arg7[%parallel_loop3A_1454, %parallel_loop3A_1455, %parallel_loop3A_1456], %parallel_loop3A_1459 {strides = array<i32>} : memref<4x400x64xf32, #tpu.memory_space<vmem>>, vector<1x1x16xf32>,
        %parallel_loop3A_1460 = arith.constant 64 : i32
        %parallel_loop3A_1461 = arith.muli %parallel_loop3A_1334, %parallel_loop3A_1460 : i32
        %parallel_loop3A_1462 = arith.constant 16 : i32
        %parallel_loop3A_1463 = arith.addi %parallel_loop3A_1461, %parallel_loop3A_1462 : i32
        %parallel_loop3A_1464 = arith.constant 200 : i32
        %parallel_loop3A_1465 = arith.addi %parallel_loop3A_1334, %parallel_loop3A_1464 : i32
        %parallel_loop3A_1466 = arith.constant 1 : i32
        %parallel_loop3A_1467 = arith.index_cast %parallel_loop3A_1466 : i32 to index
        %parallel_loop3A_1468 = arith.index_cast %parallel_loop3A_1465 : i32 to index
        %parallel_loop3A_1469 = arith.constant 16 : index
        %parallel_loop3A_1470 = tpu.vector_load %arg7[%parallel_loop3A_1467, %parallel_loop3A_1468, %parallel_loop3A_1469] {strides = array<i32>} : memref<4x400x64xf32, #tpu.memory_space<vmem>>, vector<1x1x16xf32>,
        %parallel_loop3A_1471 = vector.shape_cast %parallel_loop3A_1470 : vector<1x1x16xf32> to vector<16xf32>
        %parallel_loop3A_1472 = arith.index_cast %parallel_loop3A_1463 : i32 to index
        %parallel_loop3A_1473 = tpu.vector_load %arg8[%parallel_loop3A_1472] {strides = array<i32>} : memref<12800xf32, #tpu.memory_space<vmem>>, vector<16xf32>,
        %parallel_loop3A_1474 = vector.shape_cast %parallel_loop3A_1473 : vector<16xf32> to vector<16xf32>
        %parallel_loop3A_1475 = arith.addf %parallel_loop3A_1471, %parallel_loop3A_1474 : vector<16xf32>
        %parallel_loop3A_1476 = arith.constant 200 : i32
        %parallel_loop3A_1477 = arith.addi %parallel_loop3A_1334, %parallel_loop3A_1476 : i32
        %parallel_loop3A_1478 = arith.constant 1 : i32
        %parallel_loop3A_1479 = arith.index_cast %parallel_loop3A_1478 : i32 to index
        %parallel_loop3A_1480 = arith.index_cast %parallel_loop3A_1477 : i32 to index
        %parallel_loop3A_1481 = arith.constant 16 : index
        %parallel_loop3A_1482 = tpu.vector_load %arg7[%parallel_loop3A_1479, %parallel_loop3A_1480, %parallel_loop3A_1481] {strides = array<i32>} : memref<4x400x64xf32, #tpu.memory_space<vmem>>, vector<1x1x16xf32>,
        %parallel_loop3A_1483 = vector.shape_cast %parallel_loop3A_1482 : vector<1x1x16xf32> to vector<16xf32>
        %parallel_loop3A_1484 = vector.shape_cast %parallel_loop3A_1475 : vector<16xf32> to vector<1x1x16xf32>
        tpu.vector_store %arg7[%parallel_loop3A_1479, %parallel_loop3A_1480, %parallel_loop3A_1481], %parallel_loop3A_1484 {strides = array<i32>} : memref<4x400x64xf32, #tpu.memory_space<vmem>>, vector<1x1x16xf32>,
        %parallel_loop3A_1485 = arith.constant 64 : i32
        %parallel_loop3A_1486 = arith.muli %parallel_loop3A_1334, %parallel_loop3A_1485 : i32
        %parallel_loop3A_1487 = arith.constant 32 : i32
        %parallel_loop3A_1488 = arith.addi %parallel_loop3A_1486, %parallel_loop3A_1487 : i32
        %parallel_loop3A_1489 = arith.constant 200 : i32
        %parallel_loop3A_1490 = arith.addi %parallel_loop3A_1334, %parallel_loop3A_1489 : i32
        %parallel_loop3A_1491 = arith.constant 1 : i32
        %parallel_loop3A_1492 = arith.index_cast %parallel_loop3A_1491 : i32 to index
        %parallel_loop3A_1493 = arith.index_cast %parallel_loop3A_1490 : i32 to index
        %parallel_loop3A_1494 = arith.constant 32 : index
        %parallel_loop3A_1495 = tpu.vector_load %arg7[%parallel_loop3A_1492, %parallel_loop3A_1493, %parallel_loop3A_1494] {strides = array<i32>} : memref<4x400x64xf32, #tpu.memory_space<vmem>>, vector<1x1x16xf32>,
        %parallel_loop3A_1496 = vector.shape_cast %parallel_loop3A_1495 : vector<1x1x16xf32> to vector<16xf32>
        %parallel_loop3A_1497 = arith.index_cast %parallel_loop3A_1488 : i32 to index
        %parallel_loop3A_1498 = tpu.vector_load %arg8[%parallel_loop3A_1497] {strides = array<i32>} : memref<12800xf32, #tpu.memory_space<vmem>>, vector<16xf32>,
        %parallel_loop3A_1499 = vector.shape_cast %parallel_loop3A_1498 : vector<16xf32> to vector<16xf32>
        %parallel_loop3A_1500 = arith.addf %parallel_loop3A_1496, %parallel_loop3A_1499 : vector<16xf32>
        %parallel_loop3A_1501 = arith.constant 200 : i32
        %parallel_loop3A_1502 = arith.addi %parallel_loop3A_1334, %parallel_loop3A_1501 : i32
        %parallel_loop3A_1503 = arith.constant 1 : i32
        %parallel_loop3A_1504 = arith.index_cast %parallel_loop3A_1503 : i32 to index
        %parallel_loop3A_1505 = arith.index_cast %parallel_loop3A_1502 : i32 to index
        %parallel_loop3A_1506 = arith.constant 32 : index
        %parallel_loop3A_1507 = tpu.vector_load %arg7[%parallel_loop3A_1504, %parallel_loop3A_1505, %parallel_loop3A_1506] {strides = array<i32>} : memref<4x400x64xf32, #tpu.memory_space<vmem>>, vector<1x1x16xf32>,
        %parallel_loop3A_1508 = vector.shape_cast %parallel_loop3A_1507 : vector<1x1x16xf32> to vector<16xf32>
        %parallel_loop3A_1509 = vector.shape_cast %parallel_loop3A_1500 : vector<16xf32> to vector<1x1x16xf32>
        tpu.vector_store %arg7[%parallel_loop3A_1504, %parallel_loop3A_1505, %parallel_loop3A_1506], %parallel_loop3A_1509 {strides = array<i32>} : memref<4x400x64xf32, #tpu.memory_space<vmem>>, vector<1x1x16xf32>,
        %parallel_loop3A_1510 = arith.constant 64 : i32
        %parallel_loop3A_1511 = arith.muli %parallel_loop3A_1334, %parallel_loop3A_1510 : i32
        %parallel_loop3A_1512 = arith.constant 48 : i32
        %parallel_loop3A_1513 = arith.addi %parallel_loop3A_1511, %parallel_loop3A_1512 : i32
        %parallel_loop3A_1514 = arith.constant 200 : i32
        %parallel_loop3A_1515 = arith.addi %parallel_loop3A_1334, %parallel_loop3A_1514 : i32
        %parallel_loop3A_1516 = arith.constant 1 : i32
        %parallel_loop3A_1517 = arith.index_cast %parallel_loop3A_1516 : i32 to index
        %parallel_loop3A_1518 = arith.index_cast %parallel_loop3A_1515 : i32 to index
        %parallel_loop3A_1519 = arith.constant 48 : index
        %parallel_loop3A_1520 = tpu.vector_load %arg7[%parallel_loop3A_1517, %parallel_loop3A_1518, %parallel_loop3A_1519] {strides = array<i32>} : memref<4x400x64xf32, #tpu.memory_space<vmem>>, vector<1x1x16xf32>,
        %parallel_loop3A_1521 = vector.shape_cast %parallel_loop3A_1520 : vector<1x1x16xf32> to vector<16xf32>
        %parallel_loop3A_1522 = arith.index_cast %parallel_loop3A_1513 : i32 to index
        %parallel_loop3A_1523 = tpu.vector_load %arg8[%parallel_loop3A_1522] {strides = array<i32>} : memref<12800xf32, #tpu.memory_space<vmem>>, vector<16xf32>,
        %parallel_loop3A_1524 = vector.shape_cast %parallel_loop3A_1523 : vector<16xf32> to vector<16xf32>
        %parallel_loop3A_1525 = arith.addf %parallel_loop3A_1521, %parallel_loop3A_1524 : vector<16xf32>
        %parallel_loop3A_1526 = arith.constant 200 : i32
        %parallel_loop3A_1527 = arith.addi %parallel_loop3A_1334, %parallel_loop3A_1526 : i32
        %parallel_loop3A_1528 = arith.constant 1 : i32
        %parallel_loop3A_1529 = arith.index_cast %parallel_loop3A_1528 : i32 to index
        %parallel_loop3A_1530 = arith.index_cast %parallel_loop3A_1527 : i32 to index
        %parallel_loop3A_1531 = arith.constant 48 : index
        %parallel_loop3A_1532 = tpu.vector_load %arg7[%parallel_loop3A_1529, %parallel_loop3A_1530, %parallel_loop3A_1531] {strides = array<i32>} : memref<4x400x64xf32, #tpu.memory_space<vmem>>, vector<1x1x16xf32>,
        %parallel_loop3A_1533 = vector.shape_cast %parallel_loop3A_1532 : vector<1x1x16xf32> to vector<16xf32>
        %parallel_loop3A_1534 = vector.shape_cast %parallel_loop3A_1525 : vector<16xf32> to vector<1x1x16xf32>
        tpu.vector_store %arg7[%parallel_loop3A_1529, %parallel_loop3A_1530, %parallel_loop3A_1531], %parallel_loop3A_1534 {strides = array<i32>} : memref<4x400x64xf32, #tpu.memory_space<vmem>>, vector<1x1x16xf32>,
      } {sc.loop_unroll_factor = 2 : i64, sc.parallel_access}
      %mul3A_804 = arith.constant 400 : i32
      %mul3A_805 = arith.muli %add3A_740, %mul3A_804 : i32
      %add3A_806 = arith.addi %mul3A_2, %mul3A_805 : i32
      %dma_start3A_807 = arith.constant 1 : i32
      %dma_start3A_808 = arith.constant 1 : i32
      %dma_start3A_809 = arith.constant 0 : i32
      %dma_start3A_810 = arith.constant 0 : i32
      %dma_start3A_811 = tpu.memref_slice %arg7[%dma_start3A_807, %dma_start3A_809, %dma_start3A_810] : memref<4x400x64xf32, #tpu.memory_space<vmem>> -> memref<1x400x64xf32, #tpu.memory_space<vmem>>
      %dma_start3A_812 = tpu.memref_squeeze %dma_start3A_811 : memref<1x400x64xf32, #tpu.memory_space<vmem>> -> memref<400x64xf32, #tpu.memory_space<vmem>>
      %dma_start3A_813 = arith.constant 0 : i32
      %dma_start3A_814 = tpu.memref_slice %arg5[%add3A_806, %dma_start3A_813] : memref<819200x128xf32, #tpu.memory_space<hbm>> -> memref<400x64xf32, #tpu.memory_space<hbm>>
      %dma_start3A_815 = tpu.memref_slice %arg10[%dma_start3A_808] : memref<4x!tpu.dma_semaphore, #tpu.memory_space<semaphore_mem>> -> memref<1x!tpu.dma_semaphore, #tpu.memory_space<semaphore_mem>>
      %dma_start3A_816 = tpu.memref_squeeze %dma_start3A_815 : memref<1x!tpu.dma_semaphore, #tpu.memory_space<semaphore_mem>> -> memref<!tpu.dma_semaphore, #tpu.memory_space<semaphore_mem>>
      %dma_start3A_817 = arith.constant 0 : i32
      %dma_start3A_818 = tpu.memref_slice %arg5[%add3A_806, %dma_start3A_817] : memref<819200x128xf32, #tpu.memory_space<hbm>> -> memref<400x64xf32, #tpu.memory_space<hbm>>
      %dma_start3A_819 = arith.constant 0 : i32
      %dma_start3A_820 = arith.constant 0 : i32
      %dma_start3A_821 = tpu.memref_slice %arg7[%dma_start3A_807, %dma_start3A_819, %dma_start3A_820] : memref<4x400x64xf32, #tpu.memory_space<vmem>> -> memref<1x400x64xf32, #tpu.memory_space<vmem>>
      %dma_start3A_822 = tpu.memref_squeeze %dma_start3A_821 : memref<1x400x64xf32, #tpu.memory_space<vmem>> -> memref<400x64xf32, #tpu.memory_space<vmem>>
      tpu.enqueue_dma source(%dma_start3A_822 : memref<400x64xf32, #tpu.memory_space<vmem>>) target(%dma_start3A_818 : memref<400x64xf32, #tpu.memory_space<hbm>>) target_semaphore(%dma_start3A_816 : memref<!tpu.dma_semaphore, #tpu.memory_space<semaphore_mem>>)
      %add3A_823 = arith.constant 2 : i32
      %add3A_824 = arith.addi %mul3A_654, %add3A_823 : i32
      %dma_wait3A_825 = arith.constant 2 : i32
      %dma_wait3A_826 = arith.constant 2 : i32
      %dma_wait3A_827 = arith.constant 2 : i32
      %dma_wait3A_828 = arith.constant 0 : i32
      %dma_wait3A_829 = arith.constant 0 : i32
      %dma_wait3A_830 = tpu.memref_slice %arg7[%dma_wait3A_826, %dma_wait3A_828, %dma_wait3A_829] : memref<4x400x64xf32, #tpu.memory_space<vmem>> -> memref<1x128x64xf32, #tpu.memory_space<vmem>>
      %dma_wait3A_831 = tpu.memref_squeeze %dma_wait3A_830 : memref<1x128x64xf32, #tpu.memory_space<vmem>> -> memref<128x64xf32, #tpu.memory_space<vmem>>
      %dma_wait3A_832 = arith.constant 0 : i32
      %dma_wait3A_833 = tpu.memref_slice %arg6[%dma_wait3A_825, %dma_wait3A_832] : memref<4x400xi32, #tpu.memory_space<vmem>> -> memref<1x128xi32, #tpu.memory_space<vmem>>
      %dma_wait3A_834 = tpu.memref_squeeze %dma_wait3A_833 : memref<1x128xi32, #tpu.memory_space<vmem>> -> memref<128xi32, #tpu.memory_space<vmem>>
      %dma_wait3A_835 = arith.constant 0 : i32
      %dma_wait3A_836 = arith.constant 0 : i32
      %dma_wait3A_837 = tpu.memref_slice %arg4[%dma_wait3A_835, %dma_wait3A_836] : memref<100000x64xf32, #tpu.memory_space<hbm>> -> memref<100000x64xf32, #tpu.memory_space<hbm>>
      %dma_wait3A_838 = tpu.memref_slice %arg9[%dma_wait3A_827] : memref<4x!tpu.dma_semaphore, #tpu.memory_space<semaphore_mem>> -> memref<1x!tpu.dma_semaphore, #tpu.memory_space<semaphore_mem>>
      %dma_wait3A_839 = tpu.memref_squeeze %dma_wait3A_838 : memref<1x!tpu.dma_semaphore, #tpu.memory_space<semaphore_mem>> -> memref<!tpu.dma_semaphore, #tpu.memory_space<semaphore_mem>>
      tpu.wait_indirect_dma semaphore(%dma_wait3A_839 : memref<!tpu.dma_semaphore, #tpu.memory_space<semaphore_mem>>) src(%dma_wait3A_837 : memref<100000x64xf32, #tpu.memory_space<hbm>>) dst(%dma_wait3A_831 : memref<128x64xf32, #tpu.memory_space<vmem>>)
      %dma_wait3A_840 = arith.constant 2 : i32
      %dma_wait3A_841 = arith.constant 2 : i32
      %dma_wait3A_842 = arith.constant 2 : i32
      %dma_wait3A_843 = arith.constant 128 : i32
      %dma_wait3A_844 = arith.constant 0 : i32
      %dma_wait3A_845 = tpu.memref_slice %arg7[%dma_wait3A_841, %dma_wait3A_843, %dma_wait3A_844] : memref<4x400x64xf32, #tpu.memory_space<vmem>> -> memref<1x128x64xf32, #tpu.memory_space<vmem>>
      %dma_wait3A_846 = tpu.memref_squeeze %dma_wait3A_845 : memref<1x128x64xf32, #tpu.memory_space<vmem>> -> memref<128x64xf32, #tpu.memory_space<vmem>>
      %dma_wait3A_847 = arith.constant 128 : i32
      %dma_wait3A_848 = tpu.memref_slice %arg6[%dma_wait3A_840, %dma_wait3A_847] : memref<4x400xi32, #tpu.memory_space<vmem>> -> memref<1x128xi32, #tpu.memory_space<vmem>>
      %dma_wait3A_849 = tpu.memref_squeeze %dma_wait3A_848 : memref<1x128xi32, #tpu.memory_space<vmem>> -> memref<128xi32, #tpu.memory_space<vmem>>
      %dma_wait3A_850 = arith.constant 0 : i32
      %dma_wait3A_851 = arith.constant 0 : i32
      %dma_wait3A_852 = tpu.memref_slice %arg4[%dma_wait3A_850, %dma_wait3A_851] : memref<100000x64xf32, #tpu.memory_space<hbm>> -> memref<100000x64xf32, #tpu.memory_space<hbm>>
      %dma_wait3A_853 = tpu.memref_slice %arg9[%dma_wait3A_842] : memref<4x!tpu.dma_semaphore, #tpu.memory_space<semaphore_mem>> -> memref<1x!tpu.dma_semaphore, #tpu.memory_space<semaphore_mem>>
      %dma_wait3A_854 = tpu.memref_squeeze %dma_wait3A_853 : memref<1x!tpu.dma_semaphore, #tpu.memory_space<semaphore_mem>> -> memref<!tpu.dma_semaphore, #tpu.memory_space<semaphore_mem>>
      tpu.wait_indirect_dma semaphore(%dma_wait3A_854 : memref<!tpu.dma_semaphore, #tpu.memory_space<semaphore_mem>>) src(%dma_wait3A_852 : memref<100000x64xf32, #tpu.memory_space<hbm>>) dst(%dma_wait3A_846 : memref<128x64xf32, #tpu.memory_space<vmem>>)
      %dma_wait3A_855 = arith.constant 2 : i32
      %dma_wait3A_856 = arith.constant 2 : i32
      %dma_wait3A_857 = arith.constant 2 : i32
      %dma_wait3A_858 = arith.constant 256 : i32
      %dma_wait3A_859 = arith.constant 0 : i32
      %dma_wait3A_860 = tpu.memref_slice %arg7[%dma_wait3A_856, %dma_wait3A_858, %dma_wait3A_859] : memref<4x400x64xf32, #tpu.memory_space<vmem>> -> memref<1x128x64xf32, #tpu.memory_space<vmem>>
      %dma_wait3A_861 = tpu.memref_squeeze %dma_wait3A_860 : memref<1x128x64xf32, #tpu.memory_space<vmem>> -> memref<128x64xf32, #tpu.memory_space<vmem>>
      %dma_wait3A_862 = arith.constant 256 : i32
      %dma_wait3A_863 = tpu.memref_slice %arg6[%dma_wait3A_855, %dma_wait3A_862] : memref<4x400xi32, #tpu.memory_space<vmem>> -> memref<1x128xi32, #tpu.memory_space<vmem>>
      %dma_wait3A_864 = tpu.memref_squeeze %dma_wait3A_863 : memref<1x128xi32, #tpu.memory_space<vmem>> -> memref<128xi32, #tpu.memory_space<vmem>>
      %dma_wait3A_865 = arith.constant 0 : i32
      %dma_wait3A_866 = arith.constant 0 : i32
      %dma_wait3A_867 = tpu.memref_slice %arg4[%dma_wait3A_865, %dma_wait3A_866] : memref<100000x64xf32, #tpu.memory_space<hbm>> -> memref<100000x64xf32, #tpu.memory_space<hbm>>
      %dma_wait3A_868 = tpu.memref_slice %arg9[%dma_wait3A_857] : memref<4x!tpu.dma_semaphore, #tpu.memory_space<semaphore_mem>> -> memref<1x!tpu.dma_semaphore, #tpu.memory_space<semaphore_mem>>
      %dma_wait3A_869 = tpu.memref_squeeze %dma_wait3A_868 : memref<1x!tpu.dma_semaphore, #tpu.memory_space<semaphore_mem>> -> memref<!tpu.dma_semaphore, #tpu.memory_space<semaphore_mem>>
      tpu.wait_indirect_dma semaphore(%dma_wait3A_869 : memref<!tpu.dma_semaphore, #tpu.memory_space<semaphore_mem>>) src(%dma_wait3A_867 : memref<100000x64xf32, #tpu.memory_space<hbm>>) dst(%dma_wait3A_861 : memref<128x64xf32, #tpu.memory_space<vmem>>)
      %dma_wait3A_870 = arith.constant 2 : i32
      %dma_wait3A_871 = arith.constant 2 : i32
      %dma_wait3A_872 = arith.constant 2 : i32
      %dma_wait3A_873 = arith.constant 384 : i32
      %dma_wait3A_874 = arith.constant 0 : i32
      %dma_wait3A_875 = tpu.memref_slice %arg7[%dma_wait3A_871, %dma_wait3A_873, %dma_wait3A_874] : memref<4x400x64xf32, #tpu.memory_space<vmem>> -> memref<1x16x64xf32, #tpu.memory_space<vmem>>
      %dma_wait3A_876 = tpu.memref_squeeze %dma_wait3A_875 : memref<1x16x64xf32, #tpu.memory_space<vmem>> -> memref<16x64xf32, #tpu.memory_space<vmem>>
      %dma_wait3A_877 = arith.constant 384 : i32
      %dma_wait3A_878 = tpu.memref_slice %arg6[%dma_wait3A_870, %dma_wait3A_877] : memref<4x400xi32, #tpu.memory_space<vmem>> -> memref<1x16xi32, #tpu.memory_space<vmem>>
      %dma_wait3A_879 = tpu.memref_squeeze %dma_wait3A_878 : memref<1x16xi32, #tpu.memory_space<vmem>> -> memref<16xi32, #tpu.memory_space<vmem>>
      %dma_wait3A_880 = arith.constant 0 : i32
      %dma_wait3A_881 = arith.constant 0 : i32
      %dma_wait3A_882 = tpu.memref_slice %arg4[%dma_wait3A_880, %dma_wait3A_881] : memref<100000x64xf32, #tpu.memory_space<hbm>> -> memref<100000x64xf32, #tpu.memory_space<hbm>>
      %dma_wait3A_883 = tpu.memref_slice %arg9[%dma_wait3A_872] : memref<4x!tpu.dma_semaphore, #tpu.memory_space<semaphore_mem>> -> memref<1x!tpu.dma_semaphore, #tpu.memory_space<semaphore_mem>>
      %dma_wait3A_884 = tpu.memref_squeeze %dma_wait3A_883 : memref<1x!tpu.dma_semaphore, #tpu.memory_space<semaphore_mem>> -> memref<!tpu.dma_semaphore, #tpu.memory_space<semaphore_mem>>
      tpu.wait_indirect_dma semaphore(%dma_wait3A_884 : memref<!tpu.dma_semaphore, #tpu.memory_space<semaphore_mem>>) src(%dma_wait3A_882 : memref<100000x64xf32, #tpu.memory_space<hbm>>) dst(%dma_wait3A_876 : memref<16x64xf32, #tpu.memory_space<vmem>>)
      %parallel_loop3A_885 = arith.constant 0 : i32
      %parallel_loop3A_886 = arith.constant 200 : i32
      %parallel_loop3A_887 = arith.constant 1 : i32
      scf.for %parallel_loop3A_1334 = %parallel_loop3A_885 to %parallel_loop3A_886 step %parallel_loop3A_887  : i32 {
        %parallel_loop3A_1335 = arith.constant 64 : i32
        %parallel_loop3A_1336 = arith.muli %parallel_loop3A_1334, %parallel_loop3A_1335 : i32
        %parallel_loop3A_1337 = arith.constant 0 : i32
        %parallel_loop3A_1338 = arith.addi %parallel_loop3A_1336, %parallel_loop3A_1337 : i32
        %parallel_loop3A_1339 = arith.constant 0 : i32
        %parallel_loop3A_1340 = arith.addi %parallel_loop3A_1334, %parallel_loop3A_1339 : i32
        %parallel_loop3A_1341 = arith.constant 2 : i32
        %parallel_loop3A_1342 = arith.index_cast %parallel_loop3A_1341 : i32 to index
        %parallel_loop3A_1343 = arith.index_cast %parallel_loop3A_1340 : i32 to index
        %parallel_loop3A_1344 = arith.constant 0 : index
        %parallel_loop3A_1345 = tpu.vector_load %arg7[%parallel_loop3A_1342, %parallel_loop3A_1343, %parallel_loop3A_1344] {strides = array<i32>} : memref<4x400x64xf32, #tpu.memory_space<vmem>>, vector<1x1x16xf32>,
        %parallel_loop3A_1346 = vector.shape_cast %parallel_loop3A_1345 : vector<1x1x16xf32> to vector<16xf32>
        %parallel_loop3A_1347 = arith.index_cast %parallel_loop3A_1338 : i32 to index
        %parallel_loop3A_1348 = tpu.vector_load %arg8[%parallel_loop3A_1347] {strides = array<i32>} : memref<12800xf32, #tpu.memory_space<vmem>>, vector<16xf32>,
        %parallel_loop3A_1349 = vector.shape_cast %parallel_loop3A_1348 : vector<16xf32> to vector<16xf32>
        %parallel_loop3A_1350 = arith.addf %parallel_loop3A_1346, %parallel_loop3A_1349 : vector<16xf32>
        %parallel_loop3A_1351 = arith.constant 0 : i32
        %parallel_loop3A_1352 = arith.addi %parallel_loop3A_1334, %parallel_loop3A_1351 : i32
        %parallel_loop3A_1353 = arith.constant 2 : i32
        %parallel_loop3A_1354 = arith.index_cast %parallel_loop3A_1353 : i32 to index
        %parallel_loop3A_1355 = arith.index_cast %parallel_loop3A_1352 : i32 to index
        %parallel_loop3A_1356 = arith.constant 0 : index
        %parallel_loop3A_1357 = tpu.vector_load %arg7[%parallel_loop3A_1354, %parallel_loop3A_1355, %parallel_loop3A_1356] {strides = array<i32>} : memref<4x400x64xf32, #tpu.memory_space<vmem>>, vector<1x1x16xf32>,
        %parallel_loop3A_1358 = vector.shape_cast %parallel_loop3A_1357 : vector<1x1x16xf32> to vector<16xf32>
        %parallel_loop3A_1359 = vector.shape_cast %parallel_loop3A_1350 : vector<16xf32> to vector<1x1x16xf32>
        tpu.vector_store %arg7[%parallel_loop3A_1354, %parallel_loop3A_1355, %parallel_loop3A_1356], %parallel_loop3A_1359 {strides = array<i32>} : memref<4x400x64xf32, #tpu.memory_space<vmem>>, vector<1x1x16xf32>,
        %parallel_loop3A_1360 = arith.constant 64 : i32
        %parallel_loop3A_1361 = arith.muli %parallel_loop3A_1334, %parallel_loop3A_1360 : i32
        %parallel_loop3A_1362 = arith.constant 16 : i32
        %parallel_loop3A_1363 = arith.addi %parallel_loop3A_1361, %parallel_loop3A_1362 : i32
        %parallel_loop3A_1364 = arith.constant 0 : i32
        %parallel_loop3A_1365 = arith.addi %parallel_loop3A_1334, %parallel_loop3A_1364 : i32
        %parallel_loop3A_1366 = arith.constant 2 : i32
        %parallel_loop3A_1367 = arith.index_cast %parallel_loop3A_1366 : i32 to index
        %parallel_loop3A_1368 = arith.index_cast %parallel_loop3A_1365 : i32 to index
        %parallel_loop3A_1369 = arith.constant 16 : index
        %parallel_loop3A_1370 = tpu.vector_load %arg7[%parallel_loop3A_1367, %parallel_loop3A_1368, %parallel_loop3A_1369] {strides = array<i32>} : memref<4x400x64xf32, #tpu.memory_space<vmem>>, vector<1x1x16xf32>,
        %parallel_loop3A_1371 = vector.shape_cast %parallel_loop3A_1370 : vector<1x1x16xf32> to vector<16xf32>
        %parallel_loop3A_1372 = arith.index_cast %parallel_loop3A_1363 : i32 to index
        %parallel_loop3A_1373 = tpu.vector_load %arg8[%parallel_loop3A_1372] {strides = array<i32>} : memref<12800xf32, #tpu.memory_space<vmem>>, vector<16xf32>,
        %parallel_loop3A_1374 = vector.shape_cast %parallel_loop3A_1373 : vector<16xf32> to vector<16xf32>
        %parallel_loop3A_1375 = arith.addf %parallel_loop3A_1371, %parallel_loop3A_1374 : vector<16xf32>
        %parallel_loop3A_1376 = arith.constant 0 : i32
        %parallel_loop3A_1377 = arith.addi %parallel_loop3A_1334, %parallel_loop3A_1376 : i32
        %parallel_loop3A_1378 = arith.constant 2 : i32
        %parallel_loop3A_1379 = arith.index_cast %parallel_loop3A_1378 : i32 to index
        %parallel_loop3A_1380 = arith.index_cast %parallel_loop3A_1377 : i32 to index
        %parallel_loop3A_1381 = arith.constant 16 : index
        %parallel_loop3A_1382 = tpu.vector_load %arg7[%parallel_loop3A_1379, %parallel_loop3A_1380, %parallel_loop3A_1381] {strides = array<i32>} : memref<4x400x64xf32, #tpu.memory_space<vmem>>, vector<1x1x16xf32>,
        %parallel_loop3A_1383 = vector.shape_cast %parallel_loop3A_1382 : vector<1x1x16xf32> to vector<16xf32>
        %parallel_loop3A_1384 = vector.shape_cast %parallel_loop3A_1375 : vector<16xf32> to vector<1x1x16xf32>
        tpu.vector_store %arg7[%parallel_loop3A_1379, %parallel_loop3A_1380, %parallel_loop3A_1381], %parallel_loop3A_1384 {strides = array<i32>} : memref<4x400x64xf32, #tpu.memory_space<vmem>>, vector<1x1x16xf32>,
        %parallel_loop3A_1385 = arith.constant 64 : i32
        %parallel_loop3A_1386 = arith.muli %parallel_loop3A_1334, %parallel_loop3A_1385 : i32
        %parallel_loop3A_1387 = arith.constant 32 : i32
        %parallel_loop3A_1388 = arith.addi %parallel_loop3A_1386, %parallel_loop3A_1387 : i32
        %parallel_loop3A_1389 = arith.constant 0 : i32
        %parallel_loop3A_1390 = arith.addi %parallel_loop3A_1334, %parallel_loop3A_1389 : i32
        %parallel_loop3A_1391 = arith.constant 2 : i32
        %parallel_loop3A_1392 = arith.index_cast %parallel_loop3A_1391 : i32 to index
        %parallel_loop3A_1393 = arith.index_cast %parallel_loop3A_1390 : i32 to index
        %parallel_loop3A_1394 = arith.constant 32 : index
        %parallel_loop3A_1395 = tpu.vector_load %arg7[%parallel_loop3A_1392, %parallel_loop3A_1393, %parallel_loop3A_1394] {strides = array<i32>} : memref<4x400x64xf32, #tpu.memory_space<vmem>>, vector<1x1x16xf32>,
        %parallel_loop3A_1396 = vector.shape_cast %parallel_loop3A_1395 : vector<1x1x16xf32> to vector<16xf32>
        %parallel_loop3A_1397 = arith.index_cast %parallel_loop3A_1388 : i32 to index
        %parallel_loop3A_1398 = tpu.vector_load %arg8[%parallel_loop3A_1397] {strides = array<i32>} : memref<12800xf32, #tpu.memory_space<vmem>>, vector<16xf32>,
        %parallel_loop3A_1399 = vector.shape_cast %parallel_loop3A_1398 : vector<16xf32> to vector<16xf32>
        %parallel_loop3A_1400 = arith.addf %parallel_loop3A_1396, %parallel_loop3A_1399 : vector<16xf32>
        %parallel_loop3A_1401 = arith.constant 0 : i32
        %parallel_loop3A_1402 = arith.addi %parallel_loop3A_1334, %parallel_loop3A_1401 : i32
        %parallel_loop3A_1403 = arith.constant 2 : i32
        %parallel_loop3A_1404 = arith.index_cast %parallel_loop3A_1403 : i32 to index
        %parallel_loop3A_1405 = arith.index_cast %parallel_loop3A_1402 : i32 to index
        %parallel_loop3A_1406 = arith.constant 32 : index
        %parallel_loop3A_1407 = tpu.vector_load %arg7[%parallel_loop3A_1404, %parallel_loop3A_1405, %parallel_loop3A_1406] {strides = array<i32>} : memref<4x400x64xf32, #tpu.memory_space<vmem>>, vector<1x1x16xf32>,
        %parallel_loop3A_1408 = vector.shape_cast %parallel_loop3A_1407 : vector<1x1x16xf32> to vector<16xf32>
        %parallel_loop3A_1409 = vector.shape_cast %parallel_loop3A_1400 : vector<16xf32> to vector<1x1x16xf32>
        tpu.vector_store %arg7[%parallel_loop3A_1404, %parallel_loop3A_1405, %parallel_loop3A_1406], %parallel_loop3A_1409 {strides = array<i32>} : memref<4x400x64xf32, #tpu.memory_space<vmem>>, vector<1x1x16xf32>,
        %parallel_loop3A_1410 = arith.constant 64 : i32
        %parallel_loop3A_1411 = arith.muli %parallel_loop3A_1334, %parallel_loop3A_1410 : i32
        %parallel_loop3A_1412 = arith.constant 48 : i32
        %parallel_loop3A_1413 = arith.addi %parallel_loop3A_1411, %parallel_loop3A_1412 : i32
        %parallel_loop3A_1414 = arith.constant 0 : i32
        %parallel_loop3A_1415 = arith.addi %parallel_loop3A_1334, %parallel_loop3A_1414 : i32
        %parallel_loop3A_1416 = arith.constant 2 : i32
        %parallel_loop3A_1417 = arith.index_cast %parallel_loop3A_1416 : i32 to index
        %parallel_loop3A_1418 = arith.index_cast %parallel_loop3A_1415 : i32 to index
        %parallel_loop3A_1419 = arith.constant 48 : index
        %parallel_loop3A_1420 = tpu.vector_load %arg7[%parallel_loop3A_1417, %parallel_loop3A_1418, %parallel_loop3A_1419] {strides = array<i32>} : memref<4x400x64xf32, #tpu.memory_space<vmem>>, vector<1x1x16xf32>,
        %parallel_loop3A_1421 = vector.shape_cast %parallel_loop3A_1420 : vector<1x1x16xf32> to vector<16xf32>
        %parallel_loop3A_1422 = arith.index_cast %parallel_loop3A_1413 : i32 to index
        %parallel_loop3A_1423 = tpu.vector_load %arg8[%parallel_loop3A_1422] {strides = array<i32>} : memref<12800xf32, #tpu.memory_space<vmem>>, vector<16xf32>,
        %parallel_loop3A_1424 = vector.shape_cast %parallel_loop3A_1423 : vector<16xf32> to vector<16xf32>
        %parallel_loop3A_1425 = arith.addf %parallel_loop3A_1421, %parallel_loop3A_1424 : vector<16xf32>
        %parallel_loop3A_1426 = arith.constant 0 : i32
        %parallel_loop3A_1427 = arith.addi %parallel_loop3A_1334, %parallel_loop3A_1426 : i32
        %parallel_loop3A_1428 = arith.constant 2 : i32
        %parallel_loop3A_1429 = arith.index_cast %parallel_loop3A_1428 : i32 to index
        %parallel_loop3A_1430 = arith.index_cast %parallel_loop3A_1427 : i32 to index
        %parallel_loop3A_1431 = arith.constant 48 : index
        %parallel_loop3A_1432 = tpu.vector_load %arg7[%parallel_loop3A_1429, %parallel_loop3A_1430, %parallel_loop3A_1431] {strides = array<i32>} : memref<4x400x64xf32, #tpu.memory_space<vmem>>, vector<1x1x16xf32>,
        %parallel_loop3A_1433 = vector.shape_cast %parallel_loop3A_1432 : vector<1x1x16xf32> to vector<16xf32>
        %parallel_loop3A_1434 = vector.shape_cast %parallel_loop3A_1425 : vector<16xf32> to vector<1x1x16xf32>
        tpu.vector_store %arg7[%parallel_loop3A_1429, %parallel_loop3A_1430, %parallel_loop3A_1431], %parallel_loop3A_1434 {strides = array<i32>} : memref<4x400x64xf32, #tpu.memory_space<vmem>>, vector<1x1x16xf32>,
        %parallel_loop3A_1435 = arith.constant 64 : i32
        %parallel_loop3A_1436 = arith.muli %parallel_loop3A_1334, %parallel_loop3A_1435 : i32
        %parallel_loop3A_1437 = arith.constant 0 : i32
        %parallel_loop3A_1438 = arith.addi %parallel_loop3A_1436, %parallel_loop3A_1437 : i32
        %parallel_loop3A_1439 = arith.constant 200 : i32
        %parallel_loop3A_1440 = arith.addi %parallel_loop3A_1334, %parallel_loop3A_1439 : i32
        %parallel_loop3A_1441 = arith.constant 2 : i32
        %parallel_loop3A_1442 = arith.index_cast %parallel_loop3A_1441 : i32 to index
        %parallel_loop3A_1443 = arith.index_cast %parallel_loop3A_1440 : i32 to index
        %parallel_loop3A_1444 = arith.constant 0 : index
        %parallel_loop3A_1445 = tpu.vector_load %arg7[%parallel_loop3A_1442, %parallel_loop3A_1443, %parallel_loop3A_1444] {strides = array<i32>} : memref<4x400x64xf32, #tpu.memory_space<vmem>>, vector<1x1x16xf32>,
        %parallel_loop3A_1446 = vector.shape_cast %parallel_loop3A_1445 : vector<1x1x16xf32> to vector<16xf32>
        %parallel_loop3A_1447 = arith.index_cast %parallel_loop3A_1438 : i32 to index
        %parallel_loop3A_1448 = tpu.vector_load %arg8[%parallel_loop3A_1447] {strides = array<i32>} : memref<12800xf32, #tpu.memory_space<vmem>>, vector<16xf32>,
        %parallel_loop3A_1449 = vector.shape_cast %parallel_loop3A_1448 : vector<16xf32> to vector<16xf32>
        %parallel_loop3A_1450 = arith.addf %parallel_loop3A_1446, %parallel_loop3A_1449 : vector<16xf32>
        %parallel_loop3A_1451 = arith.constant 200 : i32
        %parallel_loop3A_1452 = arith.addi %parallel_loop3A_1334, %parallel_loop3A_1451 : i32
        %parallel_loop3A_1453 = arith.constant 2 : i32
        %parallel_loop3A_1454 = arith.index_cast %parallel_loop3A_1453 : i32 to index
        %parallel_loop3A_1455 = arith.index_cast %parallel_loop3A_1452 : i32 to index
        %parallel_loop3A_1456 = arith.constant 0 : index
        %parallel_loop3A_1457 = tpu.vector_load %arg7[%parallel_loop3A_1454, %parallel_loop3A_1455, %parallel_loop3A_1456] {strides = array<i32>} : memref<4x400x64xf32, #tpu.memory_space<vmem>>, vector<1x1x16xf32>,
        %parallel_loop3A_1458 = vector.shape_cast %parallel_loop3A_1457 : vector<1x1x16xf32> to vector<16xf32>
        %parallel_loop3A_1459 = vector.shape_cast %parallel_loop3A_1450 : vector<16xf32> to vector<1x1x16xf32>
        tpu.vector_store %arg7[%parallel_loop3A_1454, %parallel_loop3A_1455, %parallel_loop3A_1456], %parallel_loop3A_1459 {strides = array<i32>} : memref<4x400x64xf32, #tpu.memory_space<vmem>>, vector<1x1x16xf32>,
        %parallel_loop3A_1460 = arith.constant 64 : i32
        %parallel_loop3A_1461 = arith.muli %parallel_loop3A_1334, %parallel_loop3A_1460 : i32
        %parallel_loop3A_1462 = arith.constant 16 : i32
        %parallel_loop3A_1463 = arith.addi %parallel_loop3A_1461, %parallel_loop3A_1462 : i32
        %parallel_loop3A_1464 = arith.constant 200 : i32
        %parallel_loop3A_1465 = arith.addi %parallel_loop3A_1334, %parallel_loop3A_1464 : i32
        %parallel_loop3A_1466 = arith.constant 2 : i32
        %parallel_loop3A_1467 = arith.index_cast %parallel_loop3A_1466 : i32 to index
        %parallel_loop3A_1468 = arith.index_cast %parallel_loop3A_1465 : i32 to index
        %parallel_loop3A_1469 = arith.constant 16 : index
        %parallel_loop3A_1470 = tpu.vector_load %arg7[%parallel_loop3A_1467, %parallel_loop3A_1468, %parallel_loop3A_1469] {strides = array<i32>} : memref<4x400x64xf32, #tpu.memory_space<vmem>>, vector<1x1x16xf32>,
        %parallel_loop3A_1471 = vector.shape_cast %parallel_loop3A_1470 : vector<1x1x16xf32> to vector<16xf32>
        %parallel_loop3A_1472 = arith.index_cast %parallel_loop3A_1463 : i32 to index
        %parallel_loop3A_1473 = tpu.vector_load %arg8[%parallel_loop3A_1472] {strides = array<i32>} : memref<12800xf32, #tpu.memory_space<vmem>>, vector<16xf32>,
        %parallel_loop3A_1474 = vector.shape_cast %parallel_loop3A_1473 : vector<16xf32> to vector<16xf32>
        %parallel_loop3A_1475 = arith.addf %parallel_loop3A_1471, %parallel_loop3A_1474 : vector<16xf32>
        %parallel_loop3A_1476 = arith.constant 200 : i32
        %parallel_loop3A_1477 = arith.addi %parallel_loop3A_1334, %parallel_loop3A_1476 : i32
        %parallel_loop3A_1478 = arith.constant 2 : i32
        %parallel_loop3A_1479 = arith.index_cast %parallel_loop3A_1478 : i32 to index
        %parallel_loop3A_1480 = arith.index_cast %parallel_loop3A_1477 : i32 to index
        %parallel_loop3A_1481 = arith.constant 16 : index
        %parallel_loop3A_1482 = tpu.vector_load %arg7[%parallel_loop3A_1479, %parallel_loop3A_1480, %parallel_loop3A_1481] {strides = array<i32>} : memref<4x400x64xf32, #tpu.memory_space<vmem>>, vector<1x1x16xf32>,
        %parallel_loop3A_1483 = vector.shape_cast %parallel_loop3A_1482 : vector<1x1x16xf32> to vector<16xf32>
        %parallel_loop3A_1484 = vector.shape_cast %parallel_loop3A_1475 : vector<16xf32> to vector<1x1x16xf32>
        tpu.vector_store %arg7[%parallel_loop3A_1479, %parallel_loop3A_1480, %parallel_loop3A_1481], %parallel_loop3A_1484 {strides = array<i32>} : memref<4x400x64xf32, #tpu.memory_space<vmem>>, vector<1x1x16xf32>,
        %parallel_loop3A_1485 = arith.constant 64 : i32
        %parallel_loop3A_1486 = arith.muli %parallel_loop3A_1334, %parallel_loop3A_1485 : i32
        %parallel_loop3A_1487 = arith.constant 32 : i32
        %parallel_loop3A_1488 = arith.addi %parallel_loop3A_1486, %parallel_loop3A_1487 : i32
        %parallel_loop3A_1489 = arith.constant 200 : i32
        %parallel_loop3A_1490 = arith.addi %parallel_loop3A_1334, %parallel_loop3A_1489 : i32
        %parallel_loop3A_1491 = arith.constant 2 : i32
        %parallel_loop3A_1492 = arith.index_cast %parallel_loop3A_1491 : i32 to index
        %parallel_loop3A_1493 = arith.index_cast %parallel_loop3A_1490 : i32 to index
        %parallel_loop3A_1494 = arith.constant 32 : index
        %parallel_loop3A_1495 = tpu.vector_load %arg7[%parallel_loop3A_1492, %parallel_loop3A_1493, %parallel_loop3A_1494] {strides = array<i32>} : memref<4x400x64xf32, #tpu.memory_space<vmem>>, vector<1x1x16xf32>,
        %parallel_loop3A_1496 = vector.shape_cast %parallel_loop3A_1495 : vector<1x1x16xf32> to vector<16xf32>
        %parallel_loop3A_1497 = arith.index_cast %parallel_loop3A_1488 : i32 to index
        %parallel_loop3A_1498 = tpu.vector_load %arg8[%parallel_loop3A_1497] {strides = array<i32>} : memref<12800xf32, #tpu.memory_space<vmem>>, vector<16xf32>,
        %parallel_loop3A_1499 = vector.shape_cast %parallel_loop3A_1498 : vector<16xf32> to vector<16xf32>
        %parallel_loop3A_1500 = arith.addf %parallel_loop3A_1496, %parallel_loop3A_1499 : vector<16xf32>
        %parallel_loop3A_1501 = arith.constant 200 : i32
        %parallel_loop3A_1502 = arith.addi %parallel_loop3A_1334, %parallel_loop3A_1501 : i32
        %parallel_loop3A_1503 = arith.constant 2 : i32
        %parallel_loop3A_1504 = arith.index_cast %parallel_loop3A_1503 : i32 to index
        %parallel_loop3A_1505 = arith.index_cast %parallel_loop3A_1502 : i32 to index
        %parallel_loop3A_1506 = arith.constant 32 : index
        %parallel_loop3A_1507 = tpu.vector_load %arg7[%parallel_loop3A_1504, %parallel_loop3A_1505, %parallel_loop3A_1506] {strides = array<i32>} : memref<4x400x64xf32, #tpu.memory_space<vmem>>, vector<1x1x16xf32>,
        %parallel_loop3A_1508 = vector.shape_cast %parallel_loop3A_1507 : vector<1x1x16xf32> to vector<16xf32>
        %parallel_loop3A_1509 = vector.shape_cast %parallel_loop3A_1500 : vector<16xf32> to vector<1x1x16xf32>
        tpu.vector_store %arg7[%parallel_loop3A_1504, %parallel_loop3A_1505, %parallel_loop3A_1506], %parallel_loop3A_1509 {strides = array<i32>} : memref<4x400x64xf32, #tpu.memory_space<vmem>>, vector<1x1x16xf32>,
        %parallel_loop3A_1510 = arith.constant 64 : i32
        %parallel_loop3A_1511 = arith.muli %parallel_loop3A_1334, %parallel_loop3A_1510 : i32
        %parallel_loop3A_1512 = arith.constant 48 : i32
        %parallel_loop3A_1513 = arith.addi %parallel_loop3A_1511, %parallel_loop3A_1512 : i32
        %parallel_loop3A_1514 = arith.constant 200 : i32
        %parallel_loop3A_1515 = arith.addi %parallel_loop3A_1334, %parallel_loop3A_1514 : i32
        %parallel_loop3A_1516 = arith.constant 2 : i32
        %parallel_loop3A_1517 = arith.index_cast %parallel_loop3A_1516 : i32 to index
        %parallel_loop3A_1518 = arith.index_cast %parallel_loop3A_1515 : i32 to index
        %parallel_loop3A_1519 = arith.constant 48 : index
        %parallel_loop3A_1520 = tpu.vector_load %arg7[%parallel_loop3A_1517, %parallel_loop3A_1518, %parallel_loop3A_1519] {strides = array<i32>} : memref<4x400x64xf32, #tpu.memory_space<vmem>>, vector<1x1x16xf32>,
        %parallel_loop3A_1521 = vector.shape_cast %parallel_loop3A_1520 : vector<1x1x16xf32> to vector<16xf32>
        %parallel_loop3A_1522 = arith.index_cast %parallel_loop3A_1513 : i32 to index
        %parallel_loop3A_1523 = tpu.vector_load %arg8[%parallel_loop3A_1522] {strides = array<i32>} : memref<12800xf32, #tpu.memory_space<vmem>>, vector<16xf32>,
        %parallel_loop3A_1524 = vector.shape_cast %parallel_loop3A_1523 : vector<16xf32> to vector<16xf32>
        %parallel_loop3A_1525 = arith.addf %parallel_loop3A_1521, %parallel_loop3A_1524 : vector<16xf32>
        %parallel_loop3A_1526 = arith.constant 200 : i32
        %parallel_loop3A_1527 = arith.addi %parallel_loop3A_1334, %parallel_loop3A_1526 : i32
        %parallel_loop3A_1528 = arith.constant 2 : i32
        %parallel_loop3A_1529 = arith.index_cast %parallel_loop3A_1528 : i32 to index
        %parallel_loop3A_1530 = arith.index_cast %parallel_loop3A_1527 : i32 to index
        %parallel_loop3A_1531 = arith.constant 48 : index
        %parallel_loop3A_1532 = tpu.vector_load %arg7[%parallel_loop3A_1529, %parallel_loop3A_1530, %parallel_loop3A_1531] {strides = array<i32>} : memref<4x400x64xf32, #tpu.memory_space<vmem>>, vector<1x1x16xf32>,
        %parallel_loop3A_1533 = vector.shape_cast %parallel_loop3A_1532 : vector<1x1x16xf32> to vector<16xf32>
        %parallel_loop3A_1534 = vector.shape_cast %parallel_loop3A_1525 : vector<16xf32> to vector<1x1x16xf32>
        tpu.vector_store %arg7[%parallel_loop3A_1529, %parallel_loop3A_1530, %parallel_loop3A_1531], %parallel_loop3A_1534 {strides = array<i32>} : memref<4x400x64xf32, #tpu.memory_space<vmem>>, vector<1x1x16xf32>,
      } {sc.loop_unroll_factor = 2 : i64, sc.parallel_access}
      %mul3A_888 = arith.constant 400 : i32
      %mul3A_889 = arith.muli %add3A_824, %mul3A_888 : i32
      %add3A_890 = arith.addi %mul3A_2, %mul3A_889 : i32
      %dma_start3A_891 = arith.constant 2 : i32
      %dma_start3A_892 = arith.constant 2 : i32
      %dma_start3A_893 = arith.constant 0 : i32
      %dma_start3A_894 = arith.constant 0 : i32
      %dma_start3A_895 = tpu.memref_slice %arg7[%dma_start3A_891, %dma_start3A_893, %dma_start3A_894] : memref<4x400x64xf32, #tpu.memory_space<vmem>> -> memref<1x400x64xf32, #tpu.memory_space<vmem>>
      %dma_start3A_896 = tpu.memref_squeeze %dma_start3A_895 : memref<1x400x64xf32, #tpu.memory_space<vmem>> -> memref<400x64xf32, #tpu.memory_space<vmem>>
      %dma_start3A_897 = arith.constant 0 : i32
      %dma_start3A_898 = tpu.memref_slice %arg5[%add3A_890, %dma_start3A_897] : memref<819200x128xf32, #tpu.memory_space<hbm>> -> memref<400x64xf32, #tpu.memory_space<hbm>>
      %dma_start3A_899 = tpu.memref_slice %arg10[%dma_start3A_892] : memref<4x!tpu.dma_semaphore, #tpu.memory_space<semaphore_mem>> -> memref<1x!tpu.dma_semaphore, #tpu.memory_space<semaphore_mem>>
      %dma_start3A_900 = tpu.memref_squeeze %dma_start3A_899 : memref<1x!tpu.dma_semaphore, #tpu.memory_space<semaphore_mem>> -> memref<!tpu.dma_semaphore, #tpu.memory_space<semaphore_mem>>
      %dma_start3A_901 = arith.constant 0 : i32
      %dma_start3A_902 = tpu.memref_slice %arg5[%add3A_890, %dma_start3A_901] : memref<819200x128xf32, #tpu.memory_space<hbm>> -> memref<400x64xf32, #tpu.memory_space<hbm>>
      %dma_start3A_903 = arith.constant 0 : i32
      %dma_start3A_904 = arith.constant 0 : i32
      %dma_start3A_905 = tpu.memref_slice %arg7[%dma_start3A_891, %dma_start3A_903, %dma_start3A_904] : memref<4x400x64xf32, #tpu.memory_space<vmem>> -> memref<1x400x64xf32, #tpu.memory_space<vmem>>
      %dma_start3A_906 = tpu.memref_squeeze %dma_start3A_905 : memref<1x400x64xf32, #tpu.memory_space<vmem>> -> memref<400x64xf32, #tpu.memory_space<vmem>>
      tpu.enqueue_dma source(%dma_start3A_906 : memref<400x64xf32, #tpu.memory_space<vmem>>) target(%dma_start3A_902 : memref<400x64xf32, #tpu.memory_space<hbm>>) target_semaphore(%dma_start3A_900 : memref<!tpu.dma_semaphore, #tpu.memory_space<semaphore_mem>>)
      %add3A_907 = arith.constant 3 : i32
      %add3A_908 = arith.addi %mul3A_654, %add3A_907 : i32
      %dma_wait3A_909 = arith.constant 3 : i32
      %dma_wait3A_910 = arith.constant 3 : i32
      %dma_wait3A_911 = arith.constant 3 : i32
      %dma_wait3A_912 = arith.constant 0 : i32
      %dma_wait3A_913 = arith.constant 0 : i32
      %dma_wait3A_914 = tpu.memref_slice %arg7[%dma_wait3A_910, %dma_wait3A_912, %dma_wait3A_913] : memref<4x400x64xf32, #tpu.memory_space<vmem>> -> memref<1x128x64xf32, #tpu.memory_space<vmem>>
      %dma_wait3A_915 = tpu.memref_squeeze %dma_wait3A_914 : memref<1x128x64xf32, #tpu.memory_space<vmem>> -> memref<128x64xf32, #tpu.memory_space<vmem>>
      %dma_wait3A_916 = arith.constant 0 : i32
      %dma_wait3A_917 = tpu.memref_slice %arg6[%dma_wait3A_909, %dma_wait3A_916] : memref<4x400xi32, #tpu.memory_space<vmem>> -> memref<1x128xi32, #tpu.memory_space<vmem>>
      %dma_wait3A_918 = tpu.memref_squeeze %dma_wait3A_917 : memref<1x128xi32, #tpu.memory_space<vmem>> -> memref<128xi32, #tpu.memory_space<vmem>>
      %dma_wait3A_919 = arith.constant 0 : i32
      %dma_wait3A_920 = arith.constant 0 : i32
      %dma_wait3A_921 = tpu.memref_slice %arg4[%dma_wait3A_919, %dma_wait3A_920] : memref<100000x64xf32, #tpu.memory_space<hbm>> -> memref<100000x64xf32, #tpu.memory_space<hbm>>
      %dma_wait3A_922 = tpu.memref_slice %arg9[%dma_wait3A_911] : memref<4x!tpu.dma_semaphore, #tpu.memory_space<semaphore_mem>> -> memref<1x!tpu.dma_semaphore, #tpu.memory_space<semaphore_mem>>
      %dma_wait3A_923 = tpu.memref_squeeze %dma_wait3A_922 : memref<1x!tpu.dma_semaphore, #tpu.memory_space<semaphore_mem>> -> memref<!tpu.dma_semaphore, #tpu.memory_space<semaphore_mem>>
      tpu.wait_indirect_dma semaphore(%dma_wait3A_923 : memref<!tpu.dma_semaphore, #tpu.memory_space<semaphore_mem>>) src(%dma_wait3A_921 : memref<100000x64xf32, #tpu.memory_space<hbm>>) dst(%dma_wait3A_915 : memref<128x64xf32, #tpu.memory_space<vmem>>)
      %dma_wait3A_924 = arith.constant 3 : i32
      %dma_wait3A_925 = arith.constant 3 : i32
      %dma_wait3A_926 = arith.constant 3 : i32
      %dma_wait3A_927 = arith.constant 128 : i32
      %dma_wait3A_928 = arith.constant 0 : i32
      %dma_wait3A_929 = tpu.memref_slice %arg7[%dma_wait3A_925, %dma_wait3A_927, %dma_wait3A_928] : memref<4x400x64xf32, #tpu.memory_space<vmem>> -> memref<1x128x64xf32, #tpu.memory_space<vmem>>
      %dma_wait3A_930 = tpu.memref_squeeze %dma_wait3A_929 : memref<1x128x64xf32, #tpu.memory_space<vmem>> -> memref<128x64xf32, #tpu.memory_space<vmem>>
      %dma_wait3A_931 = arith.constant 128 : i32
      %dma_wait3A_932 = tpu.memref_slice %arg6[%dma_wait3A_924, %dma_wait3A_931] : memref<4x400xi32, #tpu.memory_space<vmem>> -> memref<1x128xi32, #tpu.memory_space<vmem>>
      %dma_wait3A_933 = tpu.memref_squeeze %dma_wait3A_932 : memref<1x128xi32, #tpu.memory_space<vmem>> -> memref<128xi32, #tpu.memory_space<vmem>>
      %dma_wait3A_934 = arith.constant 0 : i32
      %dma_wait3A_935 = arith.constant 0 : i32
      %dma_wait3A_936 = tpu.memref_slice %arg4[%dma_wait3A_934, %dma_wait3A_935] : memref<100000x64xf32, #tpu.memory_space<hbm>> -> memref<100000x64xf32, #tpu.memory_space<hbm>>
      %dma_wait3A_937 = tpu.memref_slice %arg9[%dma_wait3A_926] : memref<4x!tpu.dma_semaphore, #tpu.memory_space<semaphore_mem>> -> memref<1x!tpu.dma_semaphore, #tpu.memory_space<semaphore_mem>>
      %dma_wait3A_938 = tpu.memref_squeeze %dma_wait3A_937 : memref<1x!tpu.dma_semaphore, #tpu.memory_space<semaphore_mem>> -> memref<!tpu.dma_semaphore, #tpu.memory_space<semaphore_mem>>
      tpu.wait_indirect_dma semaphore(%dma_wait3A_938 : memref<!tpu.dma_semaphore, #tpu.memory_space<semaphore_mem>>) src(%dma_wait3A_936 : memref<100000x64xf32, #tpu.memory_space<hbm>>) dst(%dma_wait3A_930 : memref<128x64xf32, #tpu.memory_space<vmem>>)
      %dma_wait3A_939 = arith.constant 3 : i32
      %dma_wait3A_940 = arith.constant 3 : i32
      %dma_wait3A_941 = arith.constant 3 : i32
      %dma_wait3A_942 = arith.constant 256 : i32
      %dma_wait3A_943 = arith.constant 0 : i32
      %dma_wait3A_944 = tpu.memref_slice %arg7[%dma_wait3A_940, %dma_wait3A_942, %dma_wait3A_943] : memref<4x400x64xf32, #tpu.memory_space<vmem>> -> memref<1x128x64xf32, #tpu.memory_space<vmem>>
      %dma_wait3A_945 = tpu.memref_squeeze %dma_wait3A_944 : memref<1x128x64xf32, #tpu.memory_space<vmem>> -> memref<128x64xf32, #tpu.memory_space<vmem>>
      %dma_wait3A_946 = arith.constant 256 : i32
      %dma_wait3A_947 = tpu.memref_slice %arg6[%dma_wait3A_939, %dma_wait3A_946] : memref<4x400xi32, #tpu.memory_space<vmem>> -> memref<1x128xi32, #tpu.memory_space<vmem>>
      %dma_wait3A_948 = tpu.memref_squeeze %dma_wait3A_947 : memref<1x128xi32, #tpu.memory_space<vmem>> -> memref<128xi32, #tpu.memory_space<vmem>>
      %dma_wait3A_949 = arith.constant 0 : i32
      %dma_wait3A_950 = arith.constant 0 : i32
      %dma_wait3A_951 = tpu.memref_slice %arg4[%dma_wait3A_949, %dma_wait3A_950] : memref<100000x64xf32, #tpu.memory_space<hbm>> -> memref<100000x64xf32, #tpu.memory_space<hbm>>
      %dma_wait3A_952 = tpu.memref_slice %arg9[%dma_wait3A_941] : memref<4x!tpu.dma_semaphore, #tpu.memory_space<semaphore_mem>> -> memref<1x!tpu.dma_semaphore, #tpu.memory_space<semaphore_mem>>
      %dma_wait3A_953 = tpu.memref_squeeze %dma_wait3A_952 : memref<1x!tpu.dma_semaphore, #tpu.memory_space<semaphore_mem>> -> memref<!tpu.dma_semaphore, #tpu.memory_space<semaphore_mem>>
      tpu.wait_indirect_dma semaphore(%dma_wait3A_953 : memref<!tpu.dma_semaphore, #tpu.memory_space<semaphore_mem>>) src(%dma_wait3A_951 : memref<100000x64xf32, #tpu.memory_space<hbm>>) dst(%dma_wait3A_945 : memref<128x64xf32, #tpu.memory_space<vmem>>)
      %dma_wait3A_954 = arith.constant 3 : i32
      %dma_wait3A_955 = arith.constant 3 : i32
      %dma_wait3A_956 = arith.constant 3 : i32
      %dma_wait3A_957 = arith.constant 384 : i32
      %dma_wait3A_958 = arith.constant 0 : i32
      %dma_wait3A_959 = tpu.memref_slice %arg7[%dma_wait3A_955, %dma_wait3A_957, %dma_wait3A_958] : memref<4x400x64xf32, #tpu.memory_space<vmem>> -> memref<1x16x64xf32, #tpu.memory_space<vmem>>
      %dma_wait3A_960 = tpu.memref_squeeze %dma_wait3A_959 : memref<1x16x64xf32, #tpu.memory_space<vmem>> -> memref<16x64xf32, #tpu.memory_space<vmem>>
      %dma_wait3A_961 = arith.constant 384 : i32
      %dma_wait3A_962 = tpu.memref_slice %arg6[%dma_wait3A_954, %dma_wait3A_961] : memref<4x400xi32, #tpu.memory_space<vmem>> -> memref<1x16xi32, #tpu.memory_space<vmem>>
      %dma_wait3A_963 = tpu.memref_squeeze %dma_wait3A_962 : memref<1x16xi32, #tpu.memory_space<vmem>> -> memref<16xi32, #tpu.memory_space<vmem>>
      %dma_wait3A_964 = arith.constant 0 : i32
      %dma_wait3A_965 = arith.constant 0 : i32
      %dma_wait3A_966 = tpu.memref_slice %arg4[%dma_wait3A_964, %dma_wait3A_965] : memref<100000x64xf32, #tpu.memory_space<hbm>> -> memref<100000x64xf32, #tpu.memory_space<hbm>>
      %dma_wait3A_967 = tpu.memref_slice %arg9[%dma_wait3A_956] : memref<4x!tpu.dma_semaphore, #tpu.memory_space<semaphore_mem>> -> memref<1x!tpu.dma_semaphore, #tpu.memory_space<semaphore_mem>>
      %dma_wait3A_968 = tpu.memref_squeeze %dma_wait3A_967 : memref<1x!tpu.dma_semaphore, #tpu.memory_space<semaphore_mem>> -> memref<!tpu.dma_semaphore, #tpu.memory_space<semaphore_mem>>
      tpu.wait_indirect_dma semaphore(%dma_wait3A_968 : memref<!tpu.dma_semaphore, #tpu.memory_space<semaphore_mem>>) src(%dma_wait3A_966 : memref<100000x64xf32, #tpu.memory_space<hbm>>) dst(%dma_wait3A_960 : memref<16x64xf32, #tpu.memory_space<vmem>>)
      %parallel_loop3A_969 = arith.constant 0 : i32
      %parallel_loop3A_970 = arith.constant 200 : i32
      %parallel_loop3A_971 = arith.constant 1 : i32
      scf.for %parallel_loop3A_1334 = %parallel_loop3A_969 to %parallel_loop3A_970 step %parallel_loop3A_971  : i32 {
        %parallel_loop3A_1335 = arith.constant 64 : i32
        %parallel_loop3A_1336 = arith.muli %parallel_loop3A_1334, %parallel_loop3A_1335 : i32
        %parallel_loop3A_1337 = arith.constant 0 : i32
        %parallel_loop3A_1338 = arith.addi %parallel_loop3A_1336, %parallel_loop3A_1337 : i32
        %parallel_loop3A_1339 = arith.constant 0 : i32
        %parallel_loop3A_1340 = arith.addi %parallel_loop3A_1334, %parallel_loop3A_1339 : i32
        %parallel_loop3A_1341 = arith.constant 3 : i32
        %parallel_loop3A_1342 = arith.index_cast %parallel_loop3A_1341 : i32 to index
        %parallel_loop3A_1343 = arith.index_cast %parallel_loop3A_1340 : i32 to index
        %parallel_loop3A_1344 = arith.constant 0 : index
        %parallel_loop3A_1345 = tpu.vector_load %arg7[%parallel_loop3A_1342, %parallel_loop3A_1343, %parallel_loop3A_1344] {strides = array<i32>} : memref<4x400x64xf32, #tpu.memory_space<vmem>>, vector<1x1x16xf32>,
        %parallel_loop3A_1346 = vector.shape_cast %parallel_loop3A_1345 : vector<1x1x16xf32> to vector<16xf32>
        %parallel_loop3A_1347 = arith.index_cast %parallel_loop3A_1338 : i32 to index
        %parallel_loop3A_1348 = tpu.vector_load %arg8[%parallel_loop3A_1347] {strides = array<i32>} : memref<12800xf32, #tpu.memory_space<vmem>>, vector<16xf32>,
        %parallel_loop3A_1349 = vector.shape_cast %parallel_loop3A_1348 : vector<16xf32> to vector<16xf32>
        %parallel_loop3A_1350 = arith.addf %parallel_loop3A_1346, %parallel_loop3A_1349 : vector<16xf32>
        %parallel_loop3A_1351 = arith.constant 0 : i32
        %parallel_loop3A_1352 = arith.addi %parallel_loop3A_1334, %parallel_loop3A_1351 : i32
        %parallel_loop3A_1353 = arith.constant 3 : i32
        %parallel_loop3A_1354 = arith.index_cast %parallel_loop3A_1353 : i32 to index
        %parallel_loop3A_1355 = arith.index_cast %parallel_loop3A_1352 : i32 to index
        %parallel_loop3A_1356 = arith.constant 0 : index
        %parallel_loop3A_1357 = tpu.vector_load %arg7[%parallel_loop3A_1354, %parallel_loop3A_1355, %parallel_loop3A_1356] {strides = array<i32>} : memref<4x400x64xf32, #tpu.memory_space<vmem>>, vector<1x1x16xf32>,
        %parallel_loop3A_1358 = vector.shape_cast %parallel_loop3A_1357 : vector<1x1x16xf32> to vector<16xf32>
        %parallel_loop3A_1359 = vector.shape_cast %parallel_loop3A_1350 : vector<16xf32> to vector<1x1x16xf32>
        tpu.vector_store %arg7[%parallel_loop3A_1354, %parallel_loop3A_1355, %parallel_loop3A_1356], %parallel_loop3A_1359 {strides = array<i32>} : memref<4x400x64xf32, #tpu.memory_space<vmem>>, vector<1x1x16xf32>,
        %parallel_loop3A_1360 = arith.constant 64 : i32
        %parallel_loop3A_1361 = arith.muli %parallel_loop3A_1334, %parallel_loop3A_1360 : i32
        %parallel_loop3A_1362 = arith.constant 16 : i32
        %parallel_loop3A_1363 = arith.addi %parallel_loop3A_1361, %parallel_loop3A_1362 : i32
        %parallel_loop3A_1364 = arith.constant 0 : i32
        %parallel_loop3A_1365 = arith.addi %parallel_loop3A_1334, %parallel_loop3A_1364 : i32
        %parallel_loop3A_1366 = arith.constant 3 : i32
        %parallel_loop3A_1367 = arith.index_cast %parallel_loop3A_1366 : i32 to index
        %parallel_loop3A_1368 = arith.index_cast %parallel_loop3A_1365 : i32 to index
        %parallel_loop3A_1369 = arith.constant 16 : index
        %parallel_loop3A_1370 = tpu.vector_load %arg7[%parallel_loop3A_1367, %parallel_loop3A_1368, %parallel_loop3A_1369] {strides = array<i32>} : memref<4x400x64xf32, #tpu.memory_space<vmem>>, vector<1x1x16xf32>,
        %parallel_loop3A_1371 = vector.shape_cast %parallel_loop3A_1370 : vector<1x1x16xf32> to vector<16xf32>
        %parallel_loop3A_1372 = arith.index_cast %parallel_loop3A_1363 : i32 to index
        %parallel_loop3A_1373 = tpu.vector_load %arg8[%parallel_loop3A_1372] {strides = array<i32>} : memref<12800xf32, #tpu.memory_space<vmem>>, vector<16xf32>,
        %parallel_loop3A_1374 = vector.shape_cast %parallel_loop3A_1373 : vector<16xf32> to vector<16xf32>
        %parallel_loop3A_1375 = arith.addf %parallel_loop3A_1371, %parallel_loop3A_1374 : vector<16xf32>
        %parallel_loop3A_1376 = arith.constant 0 : i32
        %parallel_loop3A_1377 = arith.addi %parallel_loop3A_1334, %parallel_loop3A_1376 : i32
        %parallel_loop3A_1378 = arith.constant 3 : i32
        %parallel_loop3A_1379 = arith.index_cast %parallel_loop3A_1378 : i32 to index
        %parallel_loop3A_1380 = arith.index_cast %parallel_loop3A_1377 : i32 to index
        %parallel_loop3A_1381 = arith.constant 16 : index
        %parallel_loop3A_1382 = tpu.vector_load %arg7[%parallel_loop3A_1379, %parallel_loop3A_1380, %parallel_loop3A_1381] {strides = array<i32>} : memref<4x400x64xf32, #tpu.memory_space<vmem>>, vector<1x1x16xf32>,
        %parallel_loop3A_1383 = vector.shape_cast %parallel_loop3A_1382 : vector<1x1x16xf32> to vector<16xf32>
        %parallel_loop3A_1384 = vector.shape_cast %parallel_loop3A_1375 : vector<16xf32> to vector<1x1x16xf32>
        tpu.vector_store %arg7[%parallel_loop3A_1379, %parallel_loop3A_1380, %parallel_loop3A_1381], %parallel_loop3A_1384 {strides = array<i32>} : memref<4x400x64xf32, #tpu.memory_space<vmem>>, vector<1x1x16xf32>,
        %parallel_loop3A_1385 = arith.constant 64 : i32
        %parallel_loop3A_1386 = arith.muli %parallel_loop3A_1334, %parallel_loop3A_1385 : i32
        %parallel_loop3A_1387 = arith.constant 32 : i32
        %parallel_loop3A_1388 = arith.addi %parallel_loop3A_1386, %parallel_loop3A_1387 : i32
        %parallel_loop3A_1389 = arith.constant 0 : i32
        %parallel_loop3A_1390 = arith.addi %parallel_loop3A_1334, %parallel_loop3A_1389 : i32
        %parallel_loop3A_1391 = arith.constant 3 : i32
        %parallel_loop3A_1392 = arith.index_cast %parallel_loop3A_1391 : i32 to index
        %parallel_loop3A_1393 = arith.index_cast %parallel_loop3A_1390 : i32 to index
        %parallel_loop3A_1394 = arith.constant 32 : index
        %parallel_loop3A_1395 = tpu.vector_load %arg7[%parallel_loop3A_1392, %parallel_loop3A_1393, %parallel_loop3A_1394] {strides = array<i32>} : memref<4x400x64xf32, #tpu.memory_space<vmem>>, vector<1x1x16xf32>,
        %parallel_loop3A_1396 = vector.shape_cast %parallel_loop3A_1395 : vector<1x1x16xf32> to vector<16xf32>
        %parallel_loop3A_1397 = arith.index_cast %parallel_loop3A_1388 : i32 to index
        %parallel_loop3A_1398 = tpu.vector_load %arg8[%parallel_loop3A_1397] {strides = array<i32>} : memref<12800xf32, #tpu.memory_space<vmem>>, vector<16xf32>,
        %parallel_loop3A_1399 = vector.shape_cast %parallel_loop3A_1398 : vector<16xf32> to vector<16xf32>
        %parallel_loop3A_1400 = arith.addf %parallel_loop3A_1396, %parallel_loop3A_1399 : vector<16xf32>
        %parallel_loop3A_1401 = arith.constant 0 : i32
        %parallel_loop3A_1402 = arith.addi %parallel_loop3A_1334, %parallel_loop3A_1401 : i32
        %parallel_loop3A_1403 = arith.constant 3 : i32
        %parallel_loop3A_1404 = arith.index_cast %parallel_loop3A_1403 : i32 to index
        %parallel_loop3A_1405 = arith.index_cast %parallel_loop3A_1402 : i32 to index
        %parallel_loop3A_1406 = arith.constant 32 : index
        %parallel_loop3A_1407 = tpu.vector_load %arg7[%parallel_loop3A_1404, %parallel_loop3A_1405, %parallel_loop3A_1406] {strides = array<i32>} : memref<4x400x64xf32, #tpu.memory_space<vmem>>, vector<1x1x16xf32>,
        %parallel_loop3A_1408 = vector.shape_cast %parallel_loop3A_1407 : vector<1x1x16xf32> to vector<16xf32>
        %parallel_loop3A_1409 = vector.shape_cast %parallel_loop3A_1400 : vector<16xf32> to vector<1x1x16xf32>
        tpu.vector_store %arg7[%parallel_loop3A_1404, %parallel_loop3A_1405, %parallel_loop3A_1406], %parallel_loop3A_1409 {strides = array<i32>} : memref<4x400x64xf32, #tpu.memory_space<vmem>>, vector<1x1x16xf32>,
        %parallel_loop3A_1410 = arith.constant 64 : i32
        %parallel_loop3A_1411 = arith.muli %parallel_loop3A_1334, %parallel_loop3A_1410 : i32
        %parallel_loop3A_1412 = arith.constant 48 : i32
        %parallel_loop3A_1413 = arith.addi %parallel_loop3A_1411, %parallel_loop3A_1412 : i32
        %parallel_loop3A_1414 = arith.constant 0 : i32
        %parallel_loop3A_1415 = arith.addi %parallel_loop3A_1334, %parallel_loop3A_1414 : i32
        %parallel_loop3A_1416 = arith.constant 3 : i32
        %parallel_loop3A_1417 = arith.index_cast %parallel_loop3A_1416 : i32 to index
        %parallel_loop3A_1418 = arith.index_cast %parallel_loop3A_1415 : i32 to index
        %parallel_loop3A_1419 = arith.constant 48 : index
        %parallel_loop3A_1420 = tpu.vector_load %arg7[%parallel_loop3A_1417, %parallel_loop3A_1418, %parallel_loop3A_1419] {strides = array<i32>} : memref<4x400x64xf32, #tpu.memory_space<vmem>>, vector<1x1x16xf32>,
        %parallel_loop3A_1421 = vector.shape_cast %parallel_loop3A_1420 : vector<1x1x16xf32> to vector<16xf32>
        %parallel_loop3A_1422 = arith.index_cast %parallel_loop3A_1413 : i32 to index
        %parallel_loop3A_1423 = tpu.vector_load %arg8[%parallel_loop3A_1422] {strides = array<i32>} : memref<12800xf32, #tpu.memory_space<vmem>>, vector<16xf32>,
        %parallel_loop3A_1424 = vector.shape_cast %parallel_loop3A_1423 : vector<16xf32> to vector<16xf32>
        %parallel_loop3A_1425 = arith.addf %parallel_loop3A_1421, %parallel_loop3A_1424 : vector<16xf32>
        %parallel_loop3A_1426 = arith.constant 0 : i32
        %parallel_loop3A_1427 = arith.addi %parallel_loop3A_1334, %parallel_loop3A_1426 : i32
        %parallel_loop3A_1428 = arith.constant 3 : i32
        %parallel_loop3A_1429 = arith.index_cast %parallel_loop3A_1428 : i32 to index
        %parallel_loop3A_1430 = arith.index_cast %parallel_loop3A_1427 : i32 to index
        %parallel_loop3A_1431 = arith.constant 48 : index
        %parallel_loop3A_1432 = tpu.vector_load %arg7[%parallel_loop3A_1429, %parallel_loop3A_1430, %parallel_loop3A_1431] {strides = array<i32>} : memref<4x400x64xf32, #tpu.memory_space<vmem>>, vector<1x1x16xf32>,
        %parallel_loop3A_1433 = vector.shape_cast %parallel_loop3A_1432 : vector<1x1x16xf32> to vector<16xf32>
        %parallel_loop3A_1434 = vector.shape_cast %parallel_loop3A_1425 : vector<16xf32> to vector<1x1x16xf32>
        tpu.vector_store %arg7[%parallel_loop3A_1429, %parallel_loop3A_1430, %parallel_loop3A_1431], %parallel_loop3A_1434 {strides = array<i32>} : memref<4x400x64xf32, #tpu.memory_space<vmem>>, vector<1x1x16xf32>,
        %parallel_loop3A_1435 = arith.constant 64 : i32
        %parallel_loop3A_1436 = arith.muli %parallel_loop3A_1334, %parallel_loop3A_1435 : i32
        %parallel_loop3A_1437 = arith.constant 0 : i32
        %parallel_loop3A_1438 = arith.addi %parallel_loop3A_1436, %parallel_loop3A_1437 : i32
        %parallel_loop3A_1439 = arith.constant 200 : i32
        %parallel_loop3A_1440 = arith.addi %parallel_loop3A_1334, %parallel_loop3A_1439 : i32
        %parallel_loop3A_1441 = arith.constant 3 : i32
        %parallel_loop3A_1442 = arith.index_cast %parallel_loop3A_1441 : i32 to index
        %parallel_loop3A_1443 = arith.index_cast %parallel_loop3A_1440 : i32 to index
        %parallel_loop3A_1444 = arith.constant 0 : index
        %parallel_loop3A_1445 = tpu.vector_load %arg7[%parallel_loop3A_1442, %parallel_loop3A_1443, %parallel_loop3A_1444] {strides = array<i32>} : memref<4x400x64xf32, #tpu.memory_space<vmem>>, vector<1x1x16xf32>,
        %parallel_loop3A_1446 = vector.shape_cast %parallel_loop3A_1445 : vector<1x1x16xf32> to vector<16xf32>
        %parallel_loop3A_1447 = arith.index_cast %parallel_loop3A_1438 : i32 to index
        %parallel_loop3A_1448 = tpu.vector_load %arg8[%parallel_loop3A_1447] {strides = array<i32>} : memref<12800xf32, #tpu.memory_space<vmem>>, vector<16xf32>,
        %parallel_loop3A_1449 = vector.shape_cast %parallel_loop3A_1448 : vector<16xf32> to vector<16xf32>
        %parallel_loop3A_1450 = arith.addf %parallel_loop3A_1446, %parallel_loop3A_1449 : vector<16xf32>
        %parallel_loop3A_1451 = arith.constant 200 : i32
        %parallel_loop3A_1452 = arith.addi %parallel_loop3A_1334, %parallel_loop3A_1451 : i32
        %parallel_loop3A_1453 = arith.constant 3 : i32
        %parallel_loop3A_1454 = arith.index_cast %parallel_loop3A_1453 : i32 to index
        %parallel_loop3A_1455 = arith.index_cast %parallel_loop3A_1452 : i32 to index
        %parallel_loop3A_1456 = arith.constant 0 : index
        %parallel_loop3A_1457 = tpu.vector_load %arg7[%parallel_loop3A_1454, %parallel_loop3A_1455, %parallel_loop3A_1456] {strides = array<i32>} : memref<4x400x64xf32, #tpu.memory_space<vmem>>, vector<1x1x16xf32>,
        %parallel_loop3A_1458 = vector.shape_cast %parallel_loop3A_1457 : vector<1x1x16xf32> to vector<16xf32>
        %parallel_loop3A_1459 = vector.shape_cast %parallel_loop3A_1450 : vector<16xf32> to vector<1x1x16xf32>
        tpu.vector_store %arg7[%parallel_loop3A_1454, %parallel_loop3A_1455, %parallel_loop3A_1456], %parallel_loop3A_1459 {strides = array<i32>} : memref<4x400x64xf32, #tpu.memory_space<vmem>>, vector<1x1x16xf32>,
        %parallel_loop3A_1460 = arith.constant 64 : i32
        %parallel_loop3A_1461 = arith.muli %parallel_loop3A_1334, %parallel_loop3A_1460 : i32
        %parallel_loop3A_1462 = arith.constant 16 : i32
        %parallel_loop3A_1463 = arith.addi %parallel_loop3A_1461, %parallel_loop3A_1462 : i32
        %parallel_loop3A_1464 = arith.constant 200 : i32
        %parallel_loop3A_1465 = arith.addi %parallel_loop3A_1334, %parallel_loop3A_1464 : i32
        %parallel_loop3A_1466 = arith.constant 3 : i32
        %parallel_loop3A_1467 = arith.index_cast %parallel_loop3A_1466 : i32 to index
        %parallel_loop3A_1468 = arith.index_cast %parallel_loop3A_1465 : i32 to index
        %parallel_loop3A_1469 = arith.constant 16 : index
        %parallel_loop3A_1470 = tpu.vector_load %arg7[%parallel_loop3A_1467, %parallel_loop3A_1468, %parallel_loop3A_1469] {strides = array<i32>} : memref<4x400x64xf32, #tpu.memory_space<vmem>>, vector<1x1x16xf32>,
        %parallel_loop3A_1471 = vector.shape_cast %parallel_loop3A_1470 : vector<1x1x16xf32> to vector<16xf32>
        %parallel_loop3A_1472 = arith.index_cast %parallel_loop3A_1463 : i32 to index
        %parallel_loop3A_1473 = tpu.vector_load %arg8[%parallel_loop3A_1472] {strides = array<i32>} : memref<12800xf32, #tpu.memory_space<vmem>>, vector<16xf32>,
        %parallel_loop3A_1474 = vector.shape_cast %parallel_loop3A_1473 : vector<16xf32> to vector<16xf32>
        %parallel_loop3A_1475 = arith.addf %parallel_loop3A_1471, %parallel_loop3A_1474 : vector<16xf32>
        %parallel_loop3A_1476 = arith.constant 200 : i32
        %parallel_loop3A_1477 = arith.addi %parallel_loop3A_1334, %parallel_loop3A_1476 : i32
        %parallel_loop3A_1478 = arith.constant 3 : i32
        %parallel_loop3A_1479 = arith.index_cast %parallel_loop3A_1478 : i32 to index
        %parallel_loop3A_1480 = arith.index_cast %parallel_loop3A_1477 : i32 to index
        %parallel_loop3A_1481 = arith.constant 16 : index
        %parallel_loop3A_1482 = tpu.vector_load %arg7[%parallel_loop3A_1479, %parallel_loop3A_1480, %parallel_loop3A_1481] {strides = array<i32>} : memref<4x400x64xf32, #tpu.memory_space<vmem>>, vector<1x1x16xf32>,
        %parallel_loop3A_1483 = vector.shape_cast %parallel_loop3A_1482 : vector<1x1x16xf32> to vector<16xf32>
        %parallel_loop3A_1484 = vector.shape_cast %parallel_loop3A_1475 : vector<16xf32> to vector<1x1x16xf32>
        tpu.vector_store %arg7[%parallel_loop3A_1479, %parallel_loop3A_1480, %parallel_loop3A_1481], %parallel_loop3A_1484 {strides = array<i32>} : memref<4x400x64xf32, #tpu.memory_space<vmem>>, vector<1x1x16xf32>,
        %parallel_loop3A_1485 = arith.constant 64 : i32
        %parallel_loop3A_1486 = arith.muli %parallel_loop3A_1334, %parallel_loop3A_1485 : i32
        %parallel_loop3A_1487 = arith.constant 32 : i32
        %parallel_loop3A_1488 = arith.addi %parallel_loop3A_1486, %parallel_loop3A_1487 : i32
        %parallel_loop3A_1489 = arith.constant 200 : i32
        %parallel_loop3A_1490 = arith.addi %parallel_loop3A_1334, %parallel_loop3A_1489 : i32
        %parallel_loop3A_1491 = arith.constant 3 : i32
        %parallel_loop3A_1492 = arith.index_cast %parallel_loop3A_1491 : i32 to index
        %parallel_loop3A_1493 = arith.index_cast %parallel_loop3A_1490 : i32 to index
        %parallel_loop3A_1494 = arith.constant 32 : index
        %parallel_loop3A_1495 = tpu.vector_load %arg7[%parallel_loop3A_1492, %parallel_loop3A_1493, %parallel_loop3A_1494] {strides = array<i32>} : memref<4x400x64xf32, #tpu.memory_space<vmem>>, vector<1x1x16xf32>,
        %parallel_loop3A_1496 = vector.shape_cast %parallel_loop3A_1495 : vector<1x1x16xf32> to vector<16xf32>
        %parallel_loop3A_1497 = arith.index_cast %parallel_loop3A_1488 : i32 to index
        %parallel_loop3A_1498 = tpu.vector_load %arg8[%parallel_loop3A_1497] {strides = array<i32>} : memref<12800xf32, #tpu.memory_space<vmem>>, vector<16xf32>,
        %parallel_loop3A_1499 = vector.shape_cast %parallel_loop3A_1498 : vector<16xf32> to vector<16xf32>
        %parallel_loop3A_1500 = arith.addf %parallel_loop3A_1496, %parallel_loop3A_1499 : vector<16xf32>
        %parallel_loop3A_1501 = arith.constant 200 : i32
        %parallel_loop3A_1502 = arith.addi %parallel_loop3A_1334, %parallel_loop3A_1501 : i32
        %parallel_loop3A_1503 = arith.constant 3 : i32
        %parallel_loop3A_1504 = arith.index_cast %parallel_loop3A_1503 : i32 to index
        %parallel_loop3A_1505 = arith.index_cast %parallel_loop3A_1502 : i32 to index
        %parallel_loop3A_1506 = arith.constant 32 : index
        %parallel_loop3A_1507 = tpu.vector_load %arg7[%parallel_loop3A_1504, %parallel_loop3A_1505, %parallel_loop3A_1506] {strides = array<i32>} : memref<4x400x64xf32, #tpu.memory_space<vmem>>, vector<1x1x16xf32>,
        %parallel_loop3A_1508 = vector.shape_cast %parallel_loop3A_1507 : vector<1x1x16xf32> to vector<16xf32>
        %parallel_loop3A_1509 = vector.shape_cast %parallel_loop3A_1500 : vector<16xf32> to vector<1x1x16xf32>
        tpu.vector_store %arg7[%parallel_loop3A_1504, %parallel_loop3A_1505, %parallel_loop3A_1506], %parallel_loop3A_1509 {strides = array<i32>} : memref<4x400x64xf32, #tpu.memory_space<vmem>>, vector<1x1x16xf32>,
        %parallel_loop3A_1510 = arith.constant 64 : i32
        %parallel_loop3A_1511 = arith.muli %parallel_loop3A_1334, %parallel_loop3A_1510 : i32
        %parallel_loop3A_1512 = arith.constant 48 : i32
        %parallel_loop3A_1513 = arith.addi %parallel_loop3A_1511, %parallel_loop3A_1512 : i32
        %parallel_loop3A_1514 = arith.constant 200 : i32
        %parallel_loop3A_1515 = arith.addi %parallel_loop3A_1334, %parallel_loop3A_1514 : i32
        %parallel_loop3A_1516 = arith.constant 3 : i32
        %parallel_loop3A_1517 = arith.index_cast %parallel_loop3A_1516 : i32 to index
        %parallel_loop3A_1518 = arith.index_cast %parallel_loop3A_1515 : i32 to index
        %parallel_loop3A_1519 = arith.constant 48 : index
        %parallel_loop3A_1520 = tpu.vector_load %arg7[%parallel_loop3A_1517, %parallel_loop3A_1518, %parallel_loop3A_1519] {strides = array<i32>} : memref<4x400x64xf32, #tpu.memory_space<vmem>>, vector<1x1x16xf32>,
        %parallel_loop3A_1521 = vector.shape_cast %parallel_loop3A_1520 : vector<1x1x16xf32> to vector<16xf32>
        %parallel_loop3A_1522 = arith.index_cast %parallel_loop3A_1513 : i32 to index
        %parallel_loop3A_1523 = tpu.vector_load %arg8[%parallel_loop3A_1522] {strides = array<i32>} : memref<12800xf32, #tpu.memory_space<vmem>>, vector<16xf32>,
        %parallel_loop3A_1524 = vector.shape_cast %parallel_loop3A_1523 : vector<16xf32> to vector<16xf32>
        %parallel_loop3A_1525 = arith.addf %parallel_loop3A_1521, %parallel_loop3A_1524 : vector<16xf32>
        %parallel_loop3A_1526 = arith.constant 200 : i32
        %parallel_loop3A_1527 = arith.addi %parallel_loop3A_1334, %parallel_loop3A_1526 : i32
        %parallel_loop3A_1528 = arith.constant 3 : i32
        %parallel_loop3A_1529 = arith.index_cast %parallel_loop3A_1528 : i32 to index
        %parallel_loop3A_1530 = arith.index_cast %parallel_loop3A_1527 : i32 to index
        %parallel_loop3A_1531 = arith.constant 48 : index
        %parallel_loop3A_1532 = tpu.vector_load %arg7[%parallel_loop3A_1529, %parallel_loop3A_1530, %parallel_loop3A_1531] {strides = array<i32>} : memref<4x400x64xf32, #tpu.memory_space<vmem>>, vector<1x1x16xf32>,
        %parallel_loop3A_1533 = vector.shape_cast %parallel_loop3A_1532 : vector<1x1x16xf32> to vector<16xf32>
        %parallel_loop3A_1534 = vector.shape_cast %parallel_loop3A_1525 : vector<16xf32> to vector<1x1x16xf32>
        tpu.vector_store %arg7[%parallel_loop3A_1529, %parallel_loop3A_1530, %parallel_loop3A_1531], %parallel_loop3A_1534 {strides = array<i32>} : memref<4x400x64xf32, #tpu.memory_space<vmem>>, vector<1x1x16xf32>,
      } {sc.loop_unroll_factor = 2 : i64, sc.parallel_access}
      %mul3A_972 = arith.constant 400 : i32
      %mul3A_973 = arith.muli %add3A_908, %mul3A_972 : i32
      %add3A_974 = arith.addi %mul3A_2, %mul3A_973 : i32
      %dma_start3A_975 = arith.constant 3 : i32
      %dma_start3A_976 = arith.constant 3 : i32
      %dma_start3A_977 = arith.constant 0 : i32
      %dma_start3A_978 = arith.constant 0 : i32
      %dma_start3A_979 = tpu.memref_slice %arg7[%dma_start3A_975, %dma_start3A_977, %dma_start3A_978] : memref<4x400x64xf32, #tpu.memory_space<vmem>> -> memref<1x400x64xf32, #tpu.memory_space<vmem>>
      %dma_start3A_980 = tpu.memref_squeeze %dma_start3A_979 : memref<1x400x64xf32, #tpu.memory_space<vmem>> -> memref<400x64xf32, #tpu.memory_space<vmem>>
      %dma_start3A_981 = arith.constant 0 : i32
      %dma_start3A_982 = tpu.memref_slice %arg5[%add3A_974, %dma_start3A_981] : memref<819200x128xf32, #tpu.memory_space<hbm>> -> memref<400x64xf32, #tpu.memory_space<hbm>>
      %dma_start3A_983 = tpu.memref_slice %arg10[%dma_start3A_976] : memref<4x!tpu.dma_semaphore, #tpu.memory_space<semaphore_mem>> -> memref<1x!tpu.dma_semaphore, #tpu.memory_space<semaphore_mem>>
      %dma_start3A_984 = tpu.memref_squeeze %dma_start3A_983 : memref<1x!tpu.dma_semaphore, #tpu.memory_space<semaphore_mem>> -> memref<!tpu.dma_semaphore, #tpu.memory_space<semaphore_mem>>
      %dma_start3A_985 = arith.constant 0 : i32
      %dma_start3A_986 = tpu.memref_slice %arg5[%add3A_974, %dma_start3A_985] : memref<819200x128xf32, #tpu.memory_space<hbm>> -> memref<400x64xf32, #tpu.memory_space<hbm>>
      %dma_start3A_987 = arith.constant 0 : i32
      %dma_start3A_988 = arith.constant 0 : i32
      %dma_start3A_989 = tpu.memref_slice %arg7[%dma_start3A_975, %dma_start3A_987, %dma_start3A_988] : memref<4x400x64xf32, #tpu.memory_space<vmem>> -> memref<1x400x64xf32, #tpu.memory_space<vmem>>
      %dma_start3A_990 = tpu.memref_squeeze %dma_start3A_989 : memref<1x400x64xf32, #tpu.memory_space<vmem>> -> memref<400x64xf32, #tpu.memory_space<vmem>>
      tpu.enqueue_dma source(%dma_start3A_990 : memref<400x64xf32, #tpu.memory_space<vmem>>) target(%dma_start3A_986 : memref<400x64xf32, #tpu.memory_space<hbm>>) target_semaphore(%dma_start3A_984 : memref<!tpu.dma_semaphore, #tpu.memory_space<semaphore_mem>>)
      %add3A_991 = arith.constant 4 : i32
      %add3A_992 = arith.addi %mul3A_654, %add3A_991 : i32
      %add3A_993 = arith.constant 0 : i32
      %add3A_994 = arith.addi %add3A_992, %add3A_993 : i32
      %mul3A_995 = arith.constant 400 : i32
      %mul3A_996 = arith.muli %add3A_994, %mul3A_995 : i32
      %add3A_997 = arith.addi %mul3A_2, %mul3A_996 : i32
      %sub3A = arith.constant 1600 : i32
      %sub3A_998 = arith.subi %add3A_997, %sub3A : i32
      %dma_wait3A_999 = arith.constant 0 : i32
      %dma_wait3A_1000 = arith.constant 0 : i32
      %dma_wait3A_1001 = arith.constant 0 : i32
      %dma_wait3A_1002 = arith.constant 0 : i32
      %dma_wait3A_1003 = tpu.memref_slice %arg7[%dma_wait3A_999, %dma_wait3A_1001, %dma_wait3A_1002] : memref<4x400x64xf32, #tpu.memory_space<vmem>> -> memref<1x400x64xf32, #tpu.memory_space<vmem>>
      %dma_wait3A_1004 = tpu.memref_squeeze %dma_wait3A_1003 : memref<1x400x64xf32, #tpu.memory_space<vmem>> -> memref<400x64xf32, #tpu.memory_space<vmem>>
      %dma_wait3A_1005 = arith.constant 0 : i32
      %dma_wait3A_1006 = tpu.memref_slice %arg5[%sub3A_998, %dma_wait3A_1005] : memref<819200x128xf32, #tpu.memory_space<hbm>> -> memref<400x64xf32, #tpu.memory_space<hbm>>
      %dma_wait3A_1007 = tpu.memref_slice %arg10[%dma_wait3A_1000] : memref<4x!tpu.dma_semaphore, #tpu.memory_space<semaphore_mem>> -> memref<1x!tpu.dma_semaphore, #tpu.memory_space<semaphore_mem>>
      %dma_wait3A_1008 = tpu.memref_squeeze %dma_wait3A_1007 : memref<1x!tpu.dma_semaphore, #tpu.memory_space<semaphore_mem>> -> memref<!tpu.dma_semaphore, #tpu.memory_space<semaphore_mem>>
      %dma_wait3A_1009 = arith.constant 0 : i32
      %dma_wait3A_1010 = tpu.memref_slice %arg5[%sub3A_998, %dma_wait3A_1009] : memref<819200x128xf32, #tpu.memory_space<hbm>> -> memref<400x64xf32, #tpu.memory_space<hbm>>
      %dma_wait3A_1011 = arith.constant 0 : i32
      %dma_wait3A_1012 = arith.constant 0 : i32
      %dma_wait3A_1013 = tpu.memref_slice %arg7[%dma_wait3A_999, %dma_wait3A_1011, %dma_wait3A_1012] : memref<4x400x64xf32, #tpu.memory_space<vmem>> -> memref<1x400x64xf32, #tpu.memory_space<vmem>>
      %dma_wait3A_1014 = tpu.memref_squeeze %dma_wait3A_1013 : memref<1x400x64xf32, #tpu.memory_space<vmem>> -> memref<400x64xf32, #tpu.memory_space<vmem>>
      tpu.wait_dma2 semaphore(%dma_wait3A_1008 : memref<!tpu.dma_semaphore, #tpu.memory_space<semaphore_mem>>) src(%dma_wait3A_1014 : memref<400x64xf32, #tpu.memory_space<vmem>>) dst(%dma_wait3A_1010 : memref<400x64xf32, #tpu.memory_space<hbm>>)
      %run_scoped3A_1015 = arith.constant 0 : i32
      "tpu.region"() ({
        %run_scoped3A_1334 = tpu.sem_alloc : memref<!tpu.dma_semaphore, #tpu.memory_space<semaphore_mem>>
        %dma_start3A_1335 = arith.constant 0 : i32
        %dma_start3A_1336 = tpu.memref_slice %arg6[%run_scoped3A_1015, %dma_start3A_1335] : memref<4x400xi32, #tpu.memory_space<vmem>> -> memref<1x400xi32, #tpu.memory_space<vmem>>
        %dma_start3A_1337 = tpu.memref_squeeze %dma_start3A_1336 : memref<1x400xi32, #tpu.memory_space<vmem>> -> memref<400xi32, #tpu.memory_space<vmem>>
        %dma_start3A_1338 = tpu.memref_slice %arg2[%add3A_997] : memref<819200xi32, #tpu.memory_space<hbm>> -> memref<400xi32, #tpu.memory_space<hbm>>
        %dma_start3A_1339 = arith.constant 0 : i32
        %dma_start3A_1340 = tpu.memref_slice %arg6[%run_scoped3A_1015, %dma_start3A_1339] : memref<4x400xi32, #tpu.memory_space<vmem>> -> memref<1x400xi32, #tpu.memory_space<vmem>>
        %dma_start3A_1341 = tpu.memref_squeeze %dma_start3A_1340 : memref<1x400xi32, #tpu.memory_space<vmem>> -> memref<400xi32, #tpu.memory_space<vmem>>
        %dma_start3A_1342 = tpu.memref_slice %arg2[%add3A_997] : memref<819200xi32, #tpu.memory_space<hbm>> -> memref<400xi32, #tpu.memory_space<hbm>>
        tpu.enqueue_dma source(%dma_start3A_1342 : memref<400xi32, #tpu.memory_space<hbm>>) target(%dma_start3A_1341 : memref<400xi32, #tpu.memory_space<vmem>>) target_semaphore(%run_scoped3A_1334 : memref<!tpu.dma_semaphore, #tpu.memory_space<semaphore_mem>>)
        %dma_wait3A_1343 = arith.constant 0 : i32
        %dma_wait3A_1344 = tpu.memref_slice %arg6[%run_scoped3A_1015, %dma_wait3A_1343] : memref<4x400xi32, #tpu.memory_space<vmem>> -> memref<1x400xi32, #tpu.memory_space<vmem>>
        %dma_wait3A_1345 = tpu.memref_squeeze %dma_wait3A_1344 : memref<1x400xi32, #tpu.memory_space<vmem>> -> memref<400xi32, #tpu.memory_space<vmem>>
        %dma_wait3A_1346 = tpu.memref_slice %arg2[%add3A_997] : memref<819200xi32, #tpu.memory_space<hbm>> -> memref<400xi32, #tpu.memory_space<hbm>>
        %dma_wait3A_1347 = arith.constant 0 : i32
        %dma_wait3A_1348 = tpu.memref_slice %arg6[%run_scoped3A_1015, %dma_wait3A_1347] : memref<4x400xi32, #tpu.memory_space<vmem>> -> memref<1x400xi32, #tpu.memory_space<vmem>>
        %dma_wait3A_1349 = tpu.memref_squeeze %dma_wait3A_1348 : memref<1x400xi32, #tpu.memory_space<vmem>> -> memref<400xi32, #tpu.memory_space<vmem>>
        %dma_wait3A_1350 = tpu.memref_slice %arg2[%add3A_997] : memref<819200xi32, #tpu.memory_space<hbm>> -> memref<400xi32, #tpu.memory_space<hbm>>
        tpu.wait_dma2 semaphore(%run_scoped3A_1334 : memref<!tpu.dma_semaphore, #tpu.memory_space<semaphore_mem>>) src(%dma_wait3A_1350 : memref<400xi32, #tpu.memory_space<hbm>>) dst(%dma_wait3A_1349 : memref<400xi32, #tpu.memory_space<vmem>>)
        tpu.yield
      }) : () -> ()
      %dma_start3A_1016 = arith.constant 0 : i32
      %dma_start3A_1017 = arith.constant 0 : i32
      %dma_start3A_1018 = arith.constant 0 : i32
      %dma_start3A_1019 = arith.constant 0 : i32
      %dma_start3A_1020 = arith.constant 0 : i32
      %dma_start3A_1021 = tpu.memref_slice %arg7[%dma_start3A_1017, %dma_start3A_1019, %dma_start3A_1020] : memref<4x400x64xf32, #tpu.memory_space<vmem>> -> memref<1x128x64xf32, #tpu.memory_space<vmem>>
      %dma_start3A_1022 = tpu.memref_squeeze %dma_start3A_1021 : memref<1x128x64xf32, #tpu.memory_space<vmem>> -> memref<128x64xf32, #tpu.memory_space<vmem>>
      %dma_start3A_1023 = arith.constant 0 : i32
      %dma_start3A_1024 = tpu.memref_slice %arg6[%dma_start3A_1016, %dma_start3A_1023] : memref<4x400xi32, #tpu.memory_space<vmem>> -> memref<1x128xi32, #tpu.memory_space<vmem>>
      %dma_start3A_1025 = tpu.memref_squeeze %dma_start3A_1024 : memref<1x128xi32, #tpu.memory_space<vmem>> -> memref<128xi32, #tpu.memory_space<vmem>>
      %dma_start3A_1026 = arith.constant 0 : i32
      %dma_start3A_1027 = arith.constant 0 : i32
      %dma_start3A_1028 = tpu.memref_slice %arg4[%dma_start3A_1026, %dma_start3A_1027] : memref<100000x64xf32, #tpu.memory_space<hbm>> -> memref<100000x64xf32, #tpu.memory_space<hbm>>
      %dma_start3A_1029 = tpu.memref_slice %arg9[%dma_start3A_1018] : memref<4x!tpu.dma_semaphore, #tpu.memory_space<semaphore_mem>> -> memref<1x!tpu.dma_semaphore, #tpu.memory_space<semaphore_mem>>
      %dma_start3A_1030 = tpu.memref_squeeze %dma_start3A_1029 : memref<1x!tpu.dma_semaphore, #tpu.memory_space<semaphore_mem>> -> memref<!tpu.dma_semaphore, #tpu.memory_space<semaphore_mem>>
      tpu.enqueue_indirect_dma source(%dma_start3A_1028 : memref<100000x64xf32, #tpu.memory_space<hbm>>) target(%dma_start3A_1022 : memref<128x64xf32, #tpu.memory_space<vmem>>) offsets(%dma_start3A_1025 : memref<128xi32, #tpu.memory_space<vmem>>) semaphore(%dma_start3A_1030 : memref<!tpu.dma_semaphore, #tpu.memory_space<semaphore_mem>>)
      %dma_start3A_1031 = arith.constant 0 : i32
      %dma_start3A_1032 = arith.constant 0 : i32
      %dma_start3A_1033 = arith.constant 0 : i32
      %dma_start3A_1034 = arith.constant 128 : i32
      %dma_start3A_1035 = arith.constant 0 : i32
      %dma_start3A_1036 = tpu.memref_slice %arg7[%dma_start3A_1032, %dma_start3A_1034, %dma_start3A_1035] : memref<4x400x64xf32, #tpu.memory_space<vmem>> -> memref<1x128x64xf32, #tpu.memory_space<vmem>>
      %dma_start3A_1037 = tpu.memref_squeeze %dma_start3A_1036 : memref<1x128x64xf32, #tpu.memory_space<vmem>> -> memref<128x64xf32, #tpu.memory_space<vmem>>
      %dma_start3A_1038 = arith.constant 128 : i32
      %dma_start3A_1039 = tpu.memref_slice %arg6[%dma_start3A_1031, %dma_start3A_1038] : memref<4x400xi32, #tpu.memory_space<vmem>> -> memref<1x128xi32, #tpu.memory_space<vmem>>
      %dma_start3A_1040 = tpu.memref_squeeze %dma_start3A_1039 : memref<1x128xi32, #tpu.memory_space<vmem>> -> memref<128xi32, #tpu.memory_space<vmem>>
      %dma_start3A_1041 = arith.constant 0 : i32
      %dma_start3A_1042 = arith.constant 0 : i32
      %dma_start3A_1043 = tpu.memref_slice %arg4[%dma_start3A_1041, %dma_start3A_1042] : memref<100000x64xf32, #tpu.memory_space<hbm>> -> memref<100000x64xf32, #tpu.memory_space<hbm>>
      %dma_start3A_1044 = tpu.memref_slice %arg9[%dma_start3A_1033] : memref<4x!tpu.dma_semaphore, #tpu.memory_space<semaphore_mem>> -> memref<1x!tpu.dma_semaphore, #tpu.memory_space<semaphore_mem>>
      %dma_start3A_1045 = tpu.memref_squeeze %dma_start3A_1044 : memref<1x!tpu.dma_semaphore, #tpu.memory_space<semaphore_mem>> -> memref<!tpu.dma_semaphore, #tpu.memory_space<semaphore_mem>>
      tpu.enqueue_indirect_dma source(%dma_start3A_1043 : memref<100000x64xf32, #tpu.memory_space<hbm>>) target(%dma_start3A_1037 : memref<128x64xf32, #tpu.memory_space<vmem>>) offsets(%dma_start3A_1040 : memref<128xi32, #tpu.memory_space<vmem>>) semaphore(%dma_start3A_1045 : memref<!tpu.dma_semaphore, #tpu.memory_space<semaphore_mem>>)
      %dma_start3A_1046 = arith.constant 0 : i32
      %dma_start3A_1047 = arith.constant 0 : i32
      %dma_start3A_1048 = arith.constant 0 : i32
      %dma_start3A_1049 = arith.constant 256 : i32
      %dma_start3A_1050 = arith.constant 0 : i32
      %dma_start3A_1051 = tpu.memref_slice %arg7[%dma_start3A_1047, %dma_start3A_1049, %dma_start3A_1050] : memref<4x400x64xf32, #tpu.memory_space<vmem>> -> memref<1x128x64xf32, #tpu.memory_space<vmem>>
      %dma_start3A_1052 = tpu.memref_squeeze %dma_start3A_1051 : memref<1x128x64xf32, #tpu.memory_space<vmem>> -> memref<128x64xf32, #tpu.memory_space<vmem>>
      %dma_start3A_1053 = arith.constant 256 : i32
      %dma_start3A_1054 = tpu.memref_slice %arg6[%dma_start3A_1046, %dma_start3A_1053] : memref<4x400xi32, #tpu.memory_space<vmem>> -> memref<1x128xi32, #tpu.memory_space<vmem>>
      %dma_start3A_1055 = tpu.memref_squeeze %dma_start3A_1054 : memref<1x128xi32, #tpu.memory_space<vmem>> -> memref<128xi32, #tpu.memory_space<vmem>>
      %dma_start3A_1056 = arith.constant 0 : i32
      %dma_start3A_1057 = arith.constant 0 : i32
      %dma_start3A_1058 = tpu.memref_slice %arg4[%dma_start3A_1056, %dma_start3A_1057] : memref<100000x64xf32, #tpu.memory_space<hbm>> -> memref<100000x64xf32, #tpu.memory_space<hbm>>
      %dma_start3A_1059 = tpu.memref_slice %arg9[%dma_start3A_1048] : memref<4x!tpu.dma_semaphore, #tpu.memory_space<semaphore_mem>> -> memref<1x!tpu.dma_semaphore, #tpu.memory_space<semaphore_mem>>
      %dma_start3A_1060 = tpu.memref_squeeze %dma_start3A_1059 : memref<1x!tpu.dma_semaphore, #tpu.memory_space<semaphore_mem>> -> memref<!tpu.dma_semaphore, #tpu.memory_space<semaphore_mem>>
      tpu.enqueue_indirect_dma source(%dma_start3A_1058 : memref<100000x64xf32, #tpu.memory_space<hbm>>) target(%dma_start3A_1052 : memref<128x64xf32, #tpu.memory_space<vmem>>) offsets(%dma_start3A_1055 : memref<128xi32, #tpu.memory_space<vmem>>) semaphore(%dma_start3A_1060 : memref<!tpu.dma_semaphore, #tpu.memory_space<semaphore_mem>>)
      %dma_start3A_1061 = arith.constant 0 : i32
      %dma_start3A_1062 = arith.constant 0 : i32
      %dma_start3A_1063 = arith.constant 0 : i32
      %dma_start3A_1064 = arith.constant 384 : i32
      %dma_start3A_1065 = arith.constant 0 : i32
      %dma_start3A_1066 = tpu.memref_slice %arg7[%dma_start3A_1062, %dma_start3A_1064, %dma_start3A_1065] : memref<4x400x64xf32, #tpu.memory_space<vmem>> -> memref<1x16x64xf32, #tpu.memory_space<vmem>>
      %dma_start3A_1067 = tpu.memref_squeeze %dma_start3A_1066 : memref<1x16x64xf32, #tpu.memory_space<vmem>> -> memref<16x64xf32, #tpu.memory_space<vmem>>
      %dma_start3A_1068 = arith.constant 384 : i32
      %dma_start3A_1069 = tpu.memref_slice %arg6[%dma_start3A_1061, %dma_start3A_1068] : memref<4x400xi32, #tpu.memory_space<vmem>> -> memref<1x16xi32, #tpu.memory_space<vmem>>
      %dma_start3A_1070 = tpu.memref_squeeze %dma_start3A_1069 : memref<1x16xi32, #tpu.memory_space<vmem>> -> memref<16xi32, #tpu.memory_space<vmem>>
      %dma_start3A_1071 = arith.constant 0 : i32
      %dma_start3A_1072 = arith.constant 0 : i32
      %dma_start3A_1073 = tpu.memref_slice %arg4[%dma_start3A_1071, %dma_start3A_1072] : memref<100000x64xf32, #tpu.memory_space<hbm>> -> memref<100000x64xf32, #tpu.memory_space<hbm>>
      %dma_start3A_1074 = tpu.memref_slice %arg9[%dma_start3A_1063] : memref<4x!tpu.dma_semaphore, #tpu.memory_space<semaphore_mem>> -> memref<1x!tpu.dma_semaphore, #tpu.memory_space<semaphore_mem>>
      %dma_start3A_1075 = tpu.memref_squeeze %dma_start3A_1074 : memref<1x!tpu.dma_semaphore, #tpu.memory_space<semaphore_mem>> -> memref<!tpu.dma_semaphore, #tpu.memory_space<semaphore_mem>>
      tpu.enqueue_indirect_dma source(%dma_start3A_1073 : memref<100000x64xf32, #tpu.memory_space<hbm>>) target(%dma_start3A_1067 : memref<16x64xf32, #tpu.memory_space<vmem>>) offsets(%dma_start3A_1070 : memref<16xi32, #tpu.memory_space<vmem>>) semaphore(%dma_start3A_1075 : memref<!tpu.dma_semaphore, #tpu.memory_space<semaphore_mem>>)
      %add3A_1076 = arith.constant 4 : i32
      %add3A_1077 = arith.addi %mul3A_654, %add3A_1076 : i32
      %add3A_1078 = arith.constant 1 : i32
      %add3A_1079 = arith.addi %add3A_1077, %add3A_1078 : i32
      %mul3A_1080 = arith.constant 400 : i32
      %mul3A_1081 = arith.muli %add3A_1079, %mul3A_1080 : i32
      %add3A_1082 = arith.addi %mul3A_2, %mul3A_1081 : i32
      %sub3A_1083 = arith.constant 1600 : i32
      %sub3A_1084 = arith.subi %add3A_1082, %sub3A_1083 : i32
      %dma_wait3A_1085 = arith.constant 1 : i32
      %dma_wait3A_1086 = arith.constant 1 : i32
      %dma_wait3A_1087 = arith.constant 0 : i32
      %dma_wait3A_1088 = arith.constant 0 : i32
      %dma_wait3A_1089 = tpu.memref_slice %arg7[%dma_wait3A_1085, %dma_wait3A_1087, %dma_wait3A_1088] : memref<4x400x64xf32, #tpu.memory_space<vmem>> -> memref<1x400x64xf32, #tpu.memory_space<vmem>>
      %dma_wait3A_1090 = tpu.memref_squeeze %dma_wait3A_1089 : memref<1x400x64xf32, #tpu.memory_space<vmem>> -> memref<400x64xf32, #tpu.memory_space<vmem>>
      %dma_wait3A_1091 = arith.constant 0 : i32
      %dma_wait3A_1092 = tpu.memref_slice %arg5[%sub3A_1084, %dma_wait3A_1091] : memref<819200x128xf32, #tpu.memory_space<hbm>> -> memref<400x64xf32, #tpu.memory_space<hbm>>
      %dma_wait3A_1093 = tpu.memref_slice %arg10[%dma_wait3A_1086] : memref<4x!tpu.dma_semaphore, #tpu.memory_space<semaphore_mem>> -> memref<1x!tpu.dma_semaphore, #tpu.memory_space<semaphore_mem>>
      %dma_wait3A_1094 = tpu.memref_squeeze %dma_wait3A_1093 : memref<1x!tpu.dma_semaphore, #tpu.memory_space<semaphore_mem>> -> memref<!tpu.dma_semaphore, #tpu.memory_space<semaphore_mem>>
      %dma_wait3A_1095 = arith.constant 0 : i32
      %dma_wait3A_1096 = tpu.memref_slice %arg5[%sub3A_1084, %dma_wait3A_1095] : memref<819200x128xf32, #tpu.memory_space<hbm>> -> memref<400x64xf32, #tpu.memory_space<hbm>>
      %dma_wait3A_1097 = arith.constant 0 : i32
      %dma_wait3A_1098 = arith.constant 0 : i32
      %dma_wait3A_1099 = tpu.memref_slice %arg7[%dma_wait3A_1085, %dma_wait3A_1097, %dma_wait3A_1098] : memref<4x400x64xf32, #tpu.memory_space<vmem>> -> memref<1x400x64xf32, #tpu.memory_space<vmem>>
      %dma_wait3A_1100 = tpu.memref_squeeze %dma_wait3A_1099 : memref<1x400x64xf32, #tpu.memory_space<vmem>> -> memref<400x64xf32, #tpu.memory_space<vmem>>
      tpu.wait_dma2 semaphore(%dma_wait3A_1094 : memref<!tpu.dma_semaphore, #tpu.memory_space<semaphore_mem>>) src(%dma_wait3A_1100 : memref<400x64xf32, #tpu.memory_space<vmem>>) dst(%dma_wait3A_1096 : memref<400x64xf32, #tpu.memory_space<hbm>>)
      %run_scoped3A_1101 = arith.constant 1 : i32
      "tpu.region"() ({
        %run_scoped3A_1334 = tpu.sem_alloc : memref<!tpu.dma_semaphore, #tpu.memory_space<semaphore_mem>>
        %dma_start3A_1335 = arith.constant 0 : i32
        %dma_start3A_1336 = tpu.memref_slice %arg6[%run_scoped3A_1101, %dma_start3A_1335] : memref<4x400xi32, #tpu.memory_space<vmem>> -> memref<1x400xi32, #tpu.memory_space<vmem>>
        %dma_start3A_1337 = tpu.memref_squeeze %dma_start3A_1336 : memref<1x400xi32, #tpu.memory_space<vmem>> -> memref<400xi32, #tpu.memory_space<vmem>>
        %dma_start3A_1338 = tpu.memref_slice %arg2[%add3A_1082] : memref<819200xi32, #tpu.memory_space<hbm>> -> memref<400xi32, #tpu.memory_space<hbm>>
        %dma_start3A_1339 = arith.constant 0 : i32
        %dma_start3A_1340 = tpu.memref_slice %arg6[%run_scoped3A_1101, %dma_start3A_1339] : memref<4x400xi32, #tpu.memory_space<vmem>> -> memref<1x400xi32, #tpu.memory_space<vmem>>
        %dma_start3A_1341 = tpu.memref_squeeze %dma_start3A_1340 : memref<1x400xi32, #tpu.memory_space<vmem>> -> memref<400xi32, #tpu.memory_space<vmem>>
        %dma_start3A_1342 = tpu.memref_slice %arg2[%add3A_1082] : memref<819200xi32, #tpu.memory_space<hbm>> -> memref<400xi32, #tpu.memory_space<hbm>>
        tpu.enqueue_dma source(%dma_start3A_1342 : memref<400xi32, #tpu.memory_space<hbm>>) target(%dma_start3A_1341 : memref<400xi32, #tpu.memory_space<vmem>>) target_semaphore(%run_scoped3A_1334 : memref<!tpu.dma_semaphore, #tpu.memory_space<semaphore_mem>>)
        %dma_wait3A_1343 = arith.constant 0 : i32
        %dma_wait3A_1344 = tpu.memref_slice %arg6[%run_scoped3A_1101, %dma_wait3A_1343] : memref<4x400xi32, #tpu.memory_space<vmem>> -> memref<1x400xi32, #tpu.memory_space<vmem>>
        %dma_wait3A_1345 = tpu.memref_squeeze %dma_wait3A_1344 : memref<1x400xi32, #tpu.memory_space<vmem>> -> memref<400xi32, #tpu.memory_space<vmem>>
        %dma_wait3A_1346 = tpu.memref_slice %arg2[%add3A_1082] : memref<819200xi32, #tpu.memory_space<hbm>> -> memref<400xi32, #tpu.memory_space<hbm>>
        %dma_wait3A_1347 = arith.constant 0 : i32
        %dma_wait3A_1348 = tpu.memref_slice %arg6[%run_scoped3A_1101, %dma_wait3A_1347] : memref<4x400xi32, #tpu.memory_space<vmem>> -> memref<1x400xi32, #tpu.memory_space<vmem>>
        %dma_wait3A_1349 = tpu.memref_squeeze %dma_wait3A_1348 : memref<1x400xi32, #tpu.memory_space<vmem>> -> memref<400xi32, #tpu.memory_space<vmem>>
        %dma_wait3A_1350 = tpu.memref_slice %arg2[%add3A_1082] : memref<819200xi32, #tpu.memory_space<hbm>> -> memref<400xi32, #tpu.memory_space<hbm>>
        tpu.wait_dma2 semaphore(%run_scoped3A_1334 : memref<!tpu.dma_semaphore, #tpu.memory_space<semaphore_mem>>) src(%dma_wait3A_1350 : memref<400xi32, #tpu.memory_space<hbm>>) dst(%dma_wait3A_1349 : memref<400xi32, #tpu.memory_space<vmem>>)
        tpu.yield
      }) : () -> ()
      %dma_start3A_1102 = arith.constant 1 : i32
      %dma_start3A_1103 = arith.constant 1 : i32
      %dma_start3A_1104 = arith.constant 1 : i32
      %dma_start3A_1105 = arith.constant 0 : i32
      %dma_start3A_1106 = arith.constant 0 : i32
      %dma_start3A_1107 = tpu.memref_slice %arg7[%dma_start3A_1103, %dma_start3A_1105, %dma_start3A_1106] : memref<4x400x64xf32, #tpu.memory_space<vmem>> -> memref<1x128x64xf32, #tpu.memory_space<vmem>>
      %dma_start3A_1108 = tpu.memref_squeeze %dma_start3A_1107 : memref<1x128x64xf32, #tpu.memory_space<vmem>> -> memref<128x64xf32, #tpu.memory_space<vmem>>
      %dma_start3A_1109 = arith.constant 0 : i32
      %dma_start3A_1110 = tpu.memref_slice %arg6[%dma_start3A_1102, %dma_start3A_1109] : memref<4x400xi32, #tpu.memory_space<vmem>> -> memref<1x128xi32, #tpu.memory_space<vmem>>
      %dma_start3A_1111 = tpu.memref_squeeze %dma_start3A_1110 : memref<1x128xi32, #tpu.memory_space<vmem>> -> memref<128xi32, #tpu.memory_space<vmem>>
      %dma_start3A_1112 = arith.constant 0 : i32
      %dma_start3A_1113 = arith.constant 0 : i32
      %dma_start3A_1114 = tpu.memref_slice %arg4[%dma_start3A_1112, %dma_start3A_1113] : memref<100000x64xf32, #tpu.memory_space<hbm>> -> memref<100000x64xf32, #tpu.memory_space<hbm>>
      %dma_start3A_1115 = tpu.memref_slice %arg9[%dma_start3A_1104] : memref<4x!tpu.dma_semaphore, #tpu.memory_space<semaphore_mem>> -> memref<1x!tpu.dma_semaphore, #tpu.memory_space<semaphore_mem>>
      %dma_start3A_1116 = tpu.memref_squeeze %dma_start3A_1115 : memref<1x!tpu.dma_semaphore, #tpu.memory_space<semaphore_mem>> -> memref<!tpu.dma_semaphore, #tpu.memory_space<semaphore_mem>>
      tpu.enqueue_indirect_dma source(%dma_start3A_1114 : memref<100000x64xf32, #tpu.memory_space<hbm>>) target(%dma_start3A_1108 : memref<128x64xf32, #tpu.memory_space<vmem>>) offsets(%dma_start3A_1111 : memref<128xi32, #tpu.memory_space<vmem>>) semaphore(%dma_start3A_1116 : memref<!tpu.dma_semaphore, #tpu.memory_space<semaphore_mem>>)
      %dma_start3A_1117 = arith.constant 1 : i32
      %dma_start3A_1118 = arith.constant 1 : i32
      %dma_start3A_1119 = arith.constant 1 : i32
      %dma_start3A_1120 = arith.constant 128 : i32
      %dma_start3A_1121 = arith.constant 0 : i32
      %dma_start3A_1122 = tpu.memref_slice %arg7[%dma_start3A_1118, %dma_start3A_1120, %dma_start3A_1121] : memref<4x400x64xf32, #tpu.memory_space<vmem>> -> memref<1x128x64xf32, #tpu.memory_space<vmem>>
      %dma_start3A_1123 = tpu.memref_squeeze %dma_start3A_1122 : memref<1x128x64xf32, #tpu.memory_space<vmem>> -> memref<128x64xf32, #tpu.memory_space<vmem>>
      %dma_start3A_1124 = arith.constant 128 : i32
      %dma_start3A_1125 = tpu.memref_slice %arg6[%dma_start3A_1117, %dma_start3A_1124] : memref<4x400xi32, #tpu.memory_space<vmem>> -> memref<1x128xi32, #tpu.memory_space<vmem>>
      %dma_start3A_1126 = tpu.memref_squeeze %dma_start3A_1125 : memref<1x128xi32, #tpu.memory_space<vmem>> -> memref<128xi32, #tpu.memory_space<vmem>>
      %dma_start3A_1127 = arith.constant 0 : i32
      %dma_start3A_1128 = arith.constant 0 : i32
      %dma_start3A_1129 = tpu.memref_slice %arg4[%dma_start3A_1127, %dma_start3A_1128] : memref<100000x64xf32, #tpu.memory_space<hbm>> -> memref<100000x64xf32, #tpu.memory_space<hbm>>
      %dma_start3A_1130 = tpu.memref_slice %arg9[%dma_start3A_1119] : memref<4x!tpu.dma_semaphore, #tpu.memory_space<semaphore_mem>> -> memref<1x!tpu.dma_semaphore, #tpu.memory_space<semaphore_mem>>
      %dma_start3A_1131 = tpu.memref_squeeze %dma_start3A_1130 : memref<1x!tpu.dma_semaphore, #tpu.memory_space<semaphore_mem>> -> memref<!tpu.dma_semaphore, #tpu.memory_space<semaphore_mem>>
      tpu.enqueue_indirect_dma source(%dma_start3A_1129 : memref<100000x64xf32, #tpu.memory_space<hbm>>) target(%dma_start3A_1123 : memref<128x64xf32, #tpu.memory_space<vmem>>) offsets(%dma_start3A_1126 : memref<128xi32, #tpu.memory_space<vmem>>) semaphore(%dma_start3A_1131 : memref<!tpu.dma_semaphore, #tpu.memory_space<semaphore_mem>>)
      %dma_start3A_1132 = arith.constant 1 : i32
      %dma_start3A_1133 = arith.constant 1 : i32
      %dma_start3A_1134 = arith.constant 1 : i32
      %dma_start3A_1135 = arith.constant 256 : i32
      %dma_start3A_1136 = arith.constant 0 : i32
      %dma_start3A_1137 = tpu.memref_slice %arg7[%dma_start3A_1133, %dma_start3A_1135, %dma_start3A_1136] : memref<4x400x64xf32, #tpu.memory_space<vmem>> -> memref<1x128x64xf32, #tpu.memory_space<vmem>>
      %dma_start3A_1138 = tpu.memref_squeeze %dma_start3A_1137 : memref<1x128x64xf32, #tpu.memory_space<vmem>> -> memref<128x64xf32, #tpu.memory_space<vmem>>
      %dma_start3A_1139 = arith.constant 256 : i32
      %dma_start3A_1140 = tpu.memref_slice %arg6[%dma_start3A_1132, %dma_start3A_1139] : memref<4x400xi32, #tpu.memory_space<vmem>> -> memref<1x128xi32, #tpu.memory_space<vmem>>
      %dma_start3A_1141 = tpu.memref_squeeze %dma_start3A_1140 : memref<1x128xi32, #tpu.memory_space<vmem>> -> memref<128xi32, #tpu.memory_space<vmem>>
      %dma_start3A_1142 = arith.constant 0 : i32
      %dma_start3A_1143 = arith.constant 0 : i32
      %dma_start3A_1144 = tpu.memref_slice %arg4[%dma_start3A_1142, %dma_start3A_1143] : memref<100000x64xf32, #tpu.memory_space<hbm>> -> memref<100000x64xf32, #tpu.memory_space<hbm>>
      %dma_start3A_1145 = tpu.memref_slice %arg9[%dma_start3A_1134] : memref<4x!tpu.dma_semaphore, #tpu.memory_space<semaphore_mem>> -> memref<1x!tpu.dma_semaphore, #tpu.memory_space<semaphore_mem>>
      %dma_start3A_1146 = tpu.memref_squeeze %dma_start3A_1145 : memref<1x!tpu.dma_semaphore, #tpu.memory_space<semaphore_mem>> -> memref<!tpu.dma_semaphore, #tpu.memory_space<semaphore_mem>>
      tpu.enqueue_indirect_dma source(%dma_start3A_1144 : memref<100000x64xf32, #tpu.memory_space<hbm>>) target(%dma_start3A_1138 : memref<128x64xf32, #tpu.memory_space<vmem>>) offsets(%dma_start3A_1141 : memref<128xi32, #tpu.memory_space<vmem>>) semaphore(%dma_start3A_1146 : memref<!tpu.dma_semaphore, #tpu.memory_space<semaphore_mem>>)
      %dma_start3A_1147 = arith.constant 1 : i32
      %dma_start3A_1148 = arith.constant 1 : i32
      %dma_start3A_1149 = arith.constant 1 : i32
      %dma_start3A_1150 = arith.constant 384 : i32
      %dma_start3A_1151 = arith.constant 0 : i32
      %dma_start3A_1152 = tpu.memref_slice %arg7[%dma_start3A_1148, %dma_start3A_1150, %dma_start3A_1151] : memref<4x400x64xf32, #tpu.memory_space<vmem>> -> memref<1x16x64xf32, #tpu.memory_space<vmem>>
      %dma_start3A_1153 = tpu.memref_squeeze %dma_start3A_1152 : memref<1x16x64xf32, #tpu.memory_space<vmem>> -> memref<16x64xf32, #tpu.memory_space<vmem>>
      %dma_start3A_1154 = arith.constant 384 : i32
      %dma_start3A_1155 = tpu.memref_slice %arg6[%dma_start3A_1147, %dma_start3A_1154] : memref<4x400xi32, #tpu.memory_space<vmem>> -> memref<1x16xi32, #tpu.memory_space<vmem>>
      %dma_start3A_1156 = tpu.memref_squeeze %dma_start3A_1155 : memref<1x16xi32, #tpu.memory_space<vmem>> -> memref<16xi32, #tpu.memory_space<vmem>>
      %dma_start3A_1157 = arith.constant 0 : i32
      %dma_start3A_1158 = arith.constant 0 : i32
      %dma_start3A_1159 = tpu.memref_slice %arg4[%dma_start3A_1157, %dma_start3A_1158] : memref<100000x64xf32, #tpu.memory_space<hbm>> -> memref<100000x64xf32, #tpu.memory_space<hbm>>
      %dma_start3A_1160 = tpu.memref_slice %arg9[%dma_start3A_1149] : memref<4x!tpu.dma_semaphore, #tpu.memory_space<semaphore_mem>> -> memref<1x!tpu.dma_semaphore, #tpu.memory_space<semaphore_mem>>
      %dma_start3A_1161 = tpu.memref_squeeze %dma_start3A_1160 : memref<1x!tpu.dma_semaphore, #tpu.memory_space<semaphore_mem>> -> memref<!tpu.dma_semaphore, #tpu.memory_space<semaphore_mem>>
      tpu.enqueue_indirect_dma source(%dma_start3A_1159 : memref<100000x64xf32, #tpu.memory_space<hbm>>) target(%dma_start3A_1153 : memref<16x64xf32, #tpu.memory_space<vmem>>) offsets(%dma_start3A_1156 : memref<16xi32, #tpu.memory_space<vmem>>) semaphore(%dma_start3A_1161 : memref<!tpu.dma_semaphore, #tpu.memory_space<semaphore_mem>>)
      %add3A_1162 = arith.constant 4 : i32
      %add3A_1163 = arith.addi %mul3A_654, %add3A_1162 : i32
      %add3A_1164 = arith.constant 2 : i32
      %add3A_1165 = arith.addi %add3A_1163, %add3A_1164 : i32
      %mul3A_1166 = arith.constant 400 : i32
      %mul3A_1167 = arith.muli %add3A_1165, %mul3A_1166 : i32
      %add3A_1168 = arith.addi %mul3A_2, %mul3A_1167 : i32
      %sub3A_1169 = arith.constant 1600 : i32
      %sub3A_1170 = arith.subi %add3A_1168, %sub3A_1169 : i32
      %dma_wait3A_1171 = arith.constant 2 : i32
      %dma_wait3A_1172 = arith.constant 2 : i32
      %dma_wait3A_1173 = arith.constant 0 : i32
      %dma_wait3A_1174 = arith.constant 0 : i32
      %dma_wait3A_1175 = tpu.memref_slice %arg7[%dma_wait3A_1171, %dma_wait3A_1173, %dma_wait3A_1174] : memref<4x400x64xf32, #tpu.memory_space<vmem>> -> memref<1x400x64xf32, #tpu.memory_space<vmem>>
      %dma_wait3A_1176 = tpu.memref_squeeze %dma_wait3A_1175 : memref<1x400x64xf32, #tpu.memory_space<vmem>> -> memref<400x64xf32, #tpu.memory_space<vmem>>
      %dma_wait3A_1177 = arith.constant 0 : i32
      %dma_wait3A_1178 = tpu.memref_slice %arg5[%sub3A_1170, %dma_wait3A_1177] : memref<819200x128xf32, #tpu.memory_space<hbm>> -> memref<400x64xf32, #tpu.memory_space<hbm>>
      %dma_wait3A_1179 = tpu.memref_slice %arg10[%dma_wait3A_1172] : memref<4x!tpu.dma_semaphore, #tpu.memory_space<semaphore_mem>> -> memref<1x!tpu.dma_semaphore, #tpu.memory_space<semaphore_mem>>
      %dma_wait3A_1180 = tpu.memref_squeeze %dma_wait3A_1179 : memref<1x!tpu.dma_semaphore, #tpu.memory_space<semaphore_mem>> -> memref<!tpu.dma_semaphore, #tpu.memory_space<semaphore_mem>>
      %dma_wait3A_1181 = arith.constant 0 : i32
      %dma_wait3A_1182 = tpu.memref_slice %arg5[%sub3A_1170, %dma_wait3A_1181] : memref<819200x128xf32, #tpu.memory_space<hbm>> -> memref<400x64xf32, #tpu.memory_space<hbm>>
      %dma_wait3A_1183 = arith.constant 0 : i32
      %dma_wait3A_1184 = arith.constant 0 : i32
      %dma_wait3A_1185 = tpu.memref_slice %arg7[%dma_wait3A_1171, %dma_wait3A_1183, %dma_wait3A_1184] : memref<4x400x64xf32, #tpu.memory_space<vmem>> -> memref<1x400x64xf32, #tpu.memory_space<vmem>>
      %dma_wait3A_1186 = tpu.memref_squeeze %dma_wait3A_1185 : memref<1x400x64xf32, #tpu.memory_space<vmem>> -> memref<400x64xf32, #tpu.memory_space<vmem>>
      tpu.wait_dma2 semaphore(%dma_wait3A_1180 : memref<!tpu.dma_semaphore, #tpu.memory_space<semaphore_mem>>) src(%dma_wait3A_1186 : memref<400x64xf32, #tpu.memory_space<vmem>>) dst(%dma_wait3A_1182 : memref<400x64xf32, #tpu.memory_space<hbm>>)
      %run_scoped3A_1187 = arith.constant 2 : i32
      "tpu.region"() ({
        %run_scoped3A_1334 = tpu.sem_alloc : memref<!tpu.dma_semaphore, #tpu.memory_space<semaphore_mem>>
        %dma_start3A_1335 = arith.constant 0 : i32
        %dma_start3A_1336 = tpu.memref_slice %arg6[%run_scoped3A_1187, %dma_start3A_1335] : memref<4x400xi32, #tpu.memory_space<vmem>> -> memref<1x400xi32, #tpu.memory_space<vmem>>
        %dma_start3A_1337 = tpu.memref_squeeze %dma_start3A_1336 : memref<1x400xi32, #tpu.memory_space<vmem>> -> memref<400xi32, #tpu.memory_space<vmem>>
        %dma_start3A_1338 = tpu.memref_slice %arg2[%add3A_1168] : memref<819200xi32, #tpu.memory_space<hbm>> -> memref<400xi32, #tpu.memory_space<hbm>>
        %dma_start3A_1339 = arith.constant 0 : i32
        %dma_start3A_1340 = tpu.memref_slice %arg6[%run_scoped3A_1187, %dma_start3A_1339] : memref<4x400xi32, #tpu.memory_space<vmem>> -> memref<1x400xi32, #tpu.memory_space<vmem>>
        %dma_start3A_1341 = tpu.memref_squeeze %dma_start3A_1340 : memref<1x400xi32, #tpu.memory_space<vmem>> -> memref<400xi32, #tpu.memory_space<vmem>>
        %dma_start3A_1342 = tpu.memref_slice %arg2[%add3A_1168] : memref<819200xi32, #tpu.memory_space<hbm>> -> memref<400xi32, #tpu.memory_space<hbm>>
        tpu.enqueue_dma source(%dma_start3A_1342 : memref<400xi32, #tpu.memory_space<hbm>>) target(%dma_start3A_1341 : memref<400xi32, #tpu.memory_space<vmem>>) target_semaphore(%run_scoped3A_1334 : memref<!tpu.dma_semaphore, #tpu.memory_space<semaphore_mem>>)
        %dma_wait3A_1343 = arith.constant 0 : i32
        %dma_wait3A_1344 = tpu.memref_slice %arg6[%run_scoped3A_1187, %dma_wait3A_1343] : memref<4x400xi32, #tpu.memory_space<vmem>> -> memref<1x400xi32, #tpu.memory_space<vmem>>
        %dma_wait3A_1345 = tpu.memref_squeeze %dma_wait3A_1344 : memref<1x400xi32, #tpu.memory_space<vmem>> -> memref<400xi32, #tpu.memory_space<vmem>>
        %dma_wait3A_1346 = tpu.memref_slice %arg2[%add3A_1168] : memref<819200xi32, #tpu.memory_space<hbm>> -> memref<400xi32, #tpu.memory_space<hbm>>
        %dma_wait3A_1347 = arith.constant 0 : i32
        %dma_wait3A_1348 = tpu.memref_slice %arg6[%run_scoped3A_1187, %dma_wait3A_1347] : memref<4x400xi32, #tpu.memory_space<vmem>> -> memref<1x400xi32, #tpu.memory_space<vmem>>
        %dma_wait3A_1349 = tpu.memref_squeeze %dma_wait3A_1348 : memref<1x400xi32, #tpu.memory_space<vmem>> -> memref<400xi32, #tpu.memory_space<vmem>>
        %dma_wait3A_1350 = tpu.memref_slice %arg2[%add3A_1168] : memref<819200xi32, #tpu.memory_space<hbm>> -> memref<400xi32, #tpu.memory_space<hbm>>
        tpu.wait_dma2 semaphore(%run_scoped3A_1334 : memref<!tpu.dma_semaphore, #tpu.memory_space<semaphore_mem>>) src(%dma_wait3A_1350 : memref<400xi32, #tpu.memory_space<hbm>>) dst(%dma_wait3A_1349 : memref<400xi32, #tpu.memory_space<vmem>>)
        tpu.yield
      }) : () -> ()
      %dma_start3A_1188 = arith.constant 2 : i32
      %dma_start3A_1189 = arith.constant 2 : i32
      %dma_start3A_1190 = arith.constant 2 : i32
      %dma_start3A_1191 = arith.constant 0 : i32
      %dma_start3A_1192 = arith.constant 0 : i32
      %dma_start3A_1193 = tpu.memref_slice %arg7[%dma_start3A_1189, %dma_start3A_1191, %dma_start3A_1192] : memref<4x400x64xf32, #tpu.memory_space<vmem>> -> memref<1x128x64xf32, #tpu.memory_space<vmem>>
      %dma_start3A_1194 = tpu.memref_squeeze %dma_start3A_1193 : memref<1x128x64xf32, #tpu.memory_space<vmem>> -> memref<128x64xf32, #tpu.memory_space<vmem>>
      %dma_start3A_1195 = arith.constant 0 : i32
      %dma_start3A_1196 = tpu.memref_slice %arg6[%dma_start3A_1188, %dma_start3A_1195] : memref<4x400xi32, #tpu.memory_space<vmem>> -> memref<1x128xi32, #tpu.memory_space<vmem>>
      %dma_start3A_1197 = tpu.memref_squeeze %dma_start3A_1196 : memref<1x128xi32, #tpu.memory_space<vmem>> -> memref<128xi32, #tpu.memory_space<vmem>>
      %dma_start3A_1198 = arith.constant 0 : i32
      %dma_start3A_1199 = arith.constant 0 : i32
      %dma_start3A_1200 = tpu.memref_slice %arg4[%dma_start3A_1198, %dma_start3A_1199] : memref<100000x64xf32, #tpu.memory_space<hbm>> -> memref<100000x64xf32, #tpu.memory_space<hbm>>
      %dma_start3A_1201 = tpu.memref_slice %arg9[%dma_start3A_1190] : memref<4x!tpu.dma_semaphore, #tpu.memory_space<semaphore_mem>> -> memref<1x!tpu.dma_semaphore, #tpu.memory_space<semaphore_mem>>
      %dma_start3A_1202 = tpu.memref_squeeze %dma_start3A_1201 : memref<1x!tpu.dma_semaphore, #tpu.memory_space<semaphore_mem>> -> memref<!tpu.dma_semaphore, #tpu.memory_space<semaphore_mem>>
      tpu.enqueue_indirect_dma source(%dma_start3A_1200 : memref<100000x64xf32, #tpu.memory_space<hbm>>) target(%dma_start3A_1194 : memref<128x64xf32, #tpu.memory_space<vmem>>) offsets(%dma_start3A_1197 : memref<128xi32, #tpu.memory_space<vmem>>) semaphore(%dma_start3A_1202 : memref<!tpu.dma_semaphore, #tpu.memory_space<semaphore_mem>>)
      %dma_start3A_1203 = arith.constant 2 : i32
      %dma_start3A_1204 = arith.constant 2 : i32
      %dma_start3A_1205 = arith.constant 2 : i32
      %dma_start3A_1206 = arith.constant 128 : i32
      %dma_start3A_1207 = arith.constant 0 : i32
      %dma_start3A_1208 = tpu.memref_slice %arg7[%dma_start3A_1204, %dma_start3A_1206, %dma_start3A_1207] : memref<4x400x64xf32, #tpu.memory_space<vmem>> -> memref<1x128x64xf32, #tpu.memory_space<vmem>>
      %dma_start3A_1209 = tpu.memref_squeeze %dma_start3A_1208 : memref<1x128x64xf32, #tpu.memory_space<vmem>> -> memref<128x64xf32, #tpu.memory_space<vmem>>
      %dma_start3A_1210 = arith.constant 128 : i32
      %dma_start3A_1211 = tpu.memref_slice %arg6[%dma_start3A_1203, %dma_start3A_1210] : memref<4x400xi32, #tpu.memory_space<vmem>> -> memref<1x128xi32, #tpu.memory_space<vmem>>
      %dma_start3A_1212 = tpu.memref_squeeze %dma_start3A_1211 : memref<1x128xi32, #tpu.memory_space<vmem>> -> memref<128xi32, #tpu.memory_space<vmem>>
      %dma_start3A_1213 = arith.constant 0 : i32
      %dma_start3A_1214 = arith.constant 0 : i32
      %dma_start3A_1215 = tpu.memref_slice %arg4[%dma_start3A_1213, %dma_start3A_1214] : memref<100000x64xf32, #tpu.memory_space<hbm>> -> memref<100000x64xf32, #tpu.memory_space<hbm>>
      %dma_start3A_1216 = tpu.memref_slice %arg9[%dma_start3A_1205] : memref<4x!tpu.dma_semaphore, #tpu.memory_space<semaphore_mem>> -> memref<1x!tpu.dma_semaphore, #tpu.memory_space<semaphore_mem>>
      %dma_start3A_1217 = tpu.memref_squeeze %dma_start3A_1216 : memref<1x!tpu.dma_semaphore, #tpu.memory_space<semaphore_mem>> -> memref<!tpu.dma_semaphore, #tpu.memory_space<semaphore_mem>>
      tpu.enqueue_indirect_dma source(%dma_start3A_1215 : memref<100000x64xf32, #tpu.memory_space<hbm>>) target(%dma_start3A_1209 : memref<128x64xf32, #tpu.memory_space<vmem>>) offsets(%dma_start3A_1212 : memref<128xi32, #tpu.memory_space<vmem>>) semaphore(%dma_start3A_1217 : memref<!tpu.dma_semaphore, #tpu.memory_space<semaphore_mem>>)
      %dma_start3A_1218 = arith.constant 2 : i32
      %dma_start3A_1219 = arith.constant 2 : i32
      %dma_start3A_1220 = arith.constant 2 : i32
      %dma_start3A_1221 = arith.constant 256 : i32
      %dma_start3A_1222 = arith.constant 0 : i32
      %dma_start3A_1223 = tpu.memref_slice %arg7[%dma_start3A_1219, %dma_start3A_1221, %dma_start3A_1222] : memref<4x400x64xf32, #tpu.memory_space<vmem>> -> memref<1x128x64xf32, #tpu.memory_space<vmem>>
      %dma_start3A_1224 = tpu.memref_squeeze %dma_start3A_1223 : memref<1x128x64xf32, #tpu.memory_space<vmem>> -> memref<128x64xf32, #tpu.memory_space<vmem>>
      %dma_start3A_1225 = arith.constant 256 : i32
      %dma_start3A_1226 = tpu.memref_slice %arg6[%dma_start3A_1218, %dma_start3A_1225] : memref<4x400xi32, #tpu.memory_space<vmem>> -> memref<1x128xi32, #tpu.memory_space<vmem>>
      %dma_start3A_1227 = tpu.memref_squeeze %dma_start3A_1226 : memref<1x128xi32, #tpu.memory_space<vmem>> -> memref<128xi32, #tpu.memory_space<vmem>>
      %dma_start3A_1228 = arith.constant 0 : i32
      %dma_start3A_1229 = arith.constant 0 : i32
      %dma_start3A_1230 = tpu.memref_slice %arg4[%dma_start3A_1228, %dma_start3A_1229] : memref<100000x64xf32, #tpu.memory_space<hbm>> -> memref<100000x64xf32, #tpu.memory_space<hbm>>
      %dma_start3A_1231 = tpu.memref_slice %arg9[%dma_start3A_1220] : memref<4x!tpu.dma_semaphore, #tpu.memory_space<semaphore_mem>> -> memref<1x!tpu.dma_semaphore, #tpu.memory_space<semaphore_mem>>
      %dma_start3A_1232 = tpu.memref_squeeze %dma_start3A_1231 : memref<1x!tpu.dma_semaphore, #tpu.memory_space<semaphore_mem>> -> memref<!tpu.dma_semaphore, #tpu.memory_space<semaphore_mem>>
      tpu.enqueue_indirect_dma source(%dma_start3A_1230 : memref<100000x64xf32, #tpu.memory_space<hbm>>) target(%dma_start3A_1224 : memref<128x64xf32, #tpu.memory_space<vmem>>) offsets(%dma_start3A_1227 : memref<128xi32, #tpu.memory_space<vmem>>) semaphore(%dma_start3A_1232 : memref<!tpu.dma_semaphore, #tpu.memory_space<semaphore_mem>>)
      %dma_start3A_1233 = arith.constant 2 : i32
      %dma_start3A_1234 = arith.constant 2 : i32
      %dma_start3A_1235 = arith.constant 2 : i32
      %dma_start3A_1236 = arith.constant 384 : i32
      %dma_start3A_1237 = arith.constant 0 : i32
      %dma_start3A_1238 = tpu.memref_slice %arg7[%dma_start3A_1234, %dma_start3A_1236, %dma_start3A_1237] : memref<4x400x64xf32, #tpu.memory_space<vmem>> -> memref<1x16x64xf32, #tpu.memory_space<vmem>>
      %dma_start3A_1239 = tpu.memref_squeeze %dma_start3A_1238 : memref<1x16x64xf32, #tpu.memory_space<vmem>> -> memref<16x64xf32, #tpu.memory_space<vmem>>
      %dma_start3A_1240 = arith.constant 384 : i32
      %dma_start3A_1241 = tpu.memref_slice %arg6[%dma_start3A_1233, %dma_start3A_1240] : memref<4x400xi32, #tpu.memory_space<vmem>> -> memref<1x16xi32, #tpu.memory_space<vmem>>
      %dma_start3A_1242 = tpu.memref_squeeze %dma_start3A_1241 : memref<1x16xi32, #tpu.memory_space<vmem>> -> memref<16xi32, #tpu.memory_space<vmem>>
      %dma_start3A_1243 = arith.constant 0 : i32
      %dma_start3A_1244 = arith.constant 0 : i32
      %dma_start3A_1245 = tpu.memref_slice %arg4[%dma_start3A_1243, %dma_start3A_1244] : memref<100000x64xf32, #tpu.memory_space<hbm>> -> memref<100000x64xf32, #tpu.memory_space<hbm>>
      %dma_start3A_1246 = tpu.memref_slice %arg9[%dma_start3A_1235] : memref<4x!tpu.dma_semaphore, #tpu.memory_space<semaphore_mem>> -> memref<1x!tpu.dma_semaphore, #tpu.memory_space<semaphore_mem>>
      %dma_start3A_1247 = tpu.memref_squeeze %dma_start3A_1246 : memref<1x!tpu.dma_semaphore, #tpu.memory_space<semaphore_mem>> -> memref<!tpu.dma_semaphore, #tpu.memory_space<semaphore_mem>>
      tpu.enqueue_indirect_dma source(%dma_start3A_1245 : memref<100000x64xf32, #tpu.memory_space<hbm>>) target(%dma_start3A_1239 : memref<16x64xf32, #tpu.memory_space<vmem>>) offsets(%dma_start3A_1242 : memref<16xi32, #tpu.memory_space<vmem>>) semaphore(%dma_start3A_1247 : memref<!tpu.dma_semaphore, #tpu.memory_space<semaphore_mem>>)
      %add3A_1248 = arith.constant 4 : i32
      %add3A_1249 = arith.addi %mul3A_654, %add3A_1248 : i32
      %add3A_1250 = arith.constant 3 : i32
      %add3A_1251 = arith.addi %add3A_1249, %add3A_1250 : i32
      %mul3A_1252 = arith.constant 400 : i32
      %mul3A_1253 = arith.muli %add3A_1251, %mul3A_1252 : i32
      %add3A_1254 = arith.addi %mul3A_2, %mul3A_1253 : i32
      %sub3A_1255 = arith.constant 1600 : i32
      %sub3A_1256 = arith.subi %add3A_1254, %sub3A_1255 : i32
      %dma_wait3A_1257 = arith.constant 3 : i32
      %dma_wait3A_1258 = arith.constant 3 : i32
      %dma_wait3A_1259 = arith.constant 0 : i32
      %dma_wait3A_1260 = arith.constant 0 : i32
      %dma_wait3A_1261 = tpu.memref_slice %arg7[%dma_wait3A_1257, %dma_wait3A_1259, %dma_wait3A_1260] : memref<4x400x64xf32, #tpu.memory_space<vmem>> -> memref<1x400x64xf32, #tpu.memory_space<vmem>>
      %dma_wait3A_1262 = tpu.memref_squeeze %dma_wait3A_1261 : memref<1x400x64xf32, #tpu.memory_space<vmem>> -> memref<400x64xf32, #tpu.memory_space<vmem>>
      %dma_wait3A_1263 = arith.constant 0 : i32
      %dma_wait3A_1264 = tpu.memref_slice %arg5[%sub3A_1256, %dma_wait3A_1263] : memref<819200x128xf32, #tpu.memory_space<hbm>> -> memref<400x64xf32, #tpu.memory_space<hbm>>
      %dma_wait3A_1265 = tpu.memref_slice %arg10[%dma_wait3A_1258] : memref<4x!tpu.dma_semaphore, #tpu.memory_space<semaphore_mem>> -> memref<1x!tpu.dma_semaphore, #tpu.memory_space<semaphore_mem>>
      %dma_wait3A_1266 = tpu.memref_squeeze %dma_wait3A_1265 : memref<1x!tpu.dma_semaphore, #tpu.memory_space<semaphore_mem>> -> memref<!tpu.dma_semaphore, #tpu.memory_space<semaphore_mem>>
      %dma_wait3A_1267 = arith.constant 0 : i32
      %dma_wait3A_1268 = tpu.memref_slice %arg5[%sub3A_1256, %dma_wait3A_1267] : memref<819200x128xf32, #tpu.memory_space<hbm>> -> memref<400x64xf32, #tpu.memory_space<hbm>>
      %dma_wait3A_1269 = arith.constant 0 : i32
      %dma_wait3A_1270 = arith.constant 0 : i32
      %dma_wait3A_1271 = tpu.memref_slice %arg7[%dma_wait3A_1257, %dma_wait3A_1269, %dma_wait3A_1270] : memref<4x400x64xf32, #tpu.memory_space<vmem>> -> memref<1x400x64xf32, #tpu.memory_space<vmem>>
      %dma_wait3A_1272 = tpu.memref_squeeze %dma_wait3A_1271 : memref<1x400x64xf32, #tpu.memory_space<vmem>> -> memref<400x64xf32, #tpu.memory_space<vmem>>
      tpu.wait_dma2 semaphore(%dma_wait3A_1266 : memref<!tpu.dma_semaphore, #tpu.memory_space<semaphore_mem>>) src(%dma_wait3A_1272 : memref<400x64xf32, #tpu.memory_space<vmem>>) dst(%dma_wait3A_1268 : memref<400x64xf32, #tpu.memory_space<hbm>>)
      %run_scoped3A_1273 = arith.constant 3 : i32
      "tpu.region"() ({
        %run_scoped3A_1334 = tpu.sem_alloc : memref<!tpu.dma_semaphore, #tpu.memory_space<semaphore_mem>>
        %dma_start3A_1335 = arith.constant 0 : i32
        %dma_start3A_1336 = tpu.memref_slice %arg6[%run_scoped3A_1273, %dma_start3A_1335] : memref<4x400xi32, #tpu.memory_space<vmem>> -> memref<1x400xi32, #tpu.memory_space<vmem>>
        %dma_start3A_1337 = tpu.memref_squeeze %dma_start3A_1336 : memref<1x400xi32, #tpu.memory_space<vmem>> -> memref<400xi32, #tpu.memory_space<vmem>>
        %dma_start3A_1338 = tpu.memref_slice %arg2[%add3A_1254] : memref<819200xi32, #tpu.memory_space<hbm>> -> memref<400xi32, #tpu.memory_space<hbm>>
        %dma_start3A_1339 = arith.constant 0 : i32
        %dma_start3A_1340 = tpu.memref_slice %arg6[%run_scoped3A_1273, %dma_start3A_1339] : memref<4x400xi32, #tpu.memory_space<vmem>> -> memref<1x400xi32, #tpu.memory_space<vmem>>
        %dma_start3A_1341 = tpu.memref_squeeze %dma_start3A_1340 : memref<1x400xi32, #tpu.memory_space<vmem>> -> memref<400xi32, #tpu.memory_space<vmem>>
        %dma_start3A_1342 = tpu.memref_slice %arg2[%add3A_1254] : memref<819200xi32, #tpu.memory_space<hbm>> -> memref<400xi32, #tpu.memory_space<hbm>>
        tpu.enqueue_dma source(%dma_start3A_1342 : memref<400xi32, #tpu.memory_space<hbm>>) target(%dma_start3A_1341 : memref<400xi32, #tpu.memory_space<vmem>>) target_semaphore(%run_scoped3A_1334 : memref<!tpu.dma_semaphore, #tpu.memory_space<semaphore_mem>>)
        %dma_wait3A_1343 = arith.constant 0 : i32
        %dma_wait3A_1344 = tpu.memref_slice %arg6[%run_scoped3A_1273, %dma_wait3A_1343] : memref<4x400xi32, #tpu.memory_space<vmem>> -> memref<1x400xi32, #tpu.memory_space<vmem>>
        %dma_wait3A_1345 = tpu.memref_squeeze %dma_wait3A_1344 : memref<1x400xi32, #tpu.memory_space<vmem>> -> memref<400xi32, #tpu.memory_space<vmem>>
        %dma_wait3A_1346 = tpu.memref_slice %arg2[%add3A_1254] : memref<819200xi32, #tpu.memory_space<hbm>> -> memref<400xi32, #tpu.memory_space<hbm>>
        %dma_wait3A_1347 = arith.constant 0 : i32
        %dma_wait3A_1348 = tpu.memref_slice %arg6[%run_scoped3A_1273, %dma_wait3A_1347] : memref<4x400xi32, #tpu.memory_space<vmem>> -> memref<1x400xi32, #tpu.memory_space<vmem>>
        %dma_wait3A_1349 = tpu.memref_squeeze %dma_wait3A_1348 : memref<1x400xi32, #tpu.memory_space<vmem>> -> memref<400xi32, #tpu.memory_space<vmem>>
        %dma_wait3A_1350 = tpu.memref_slice %arg2[%add3A_1254] : memref<819200xi32, #tpu.memory_space<hbm>> -> memref<400xi32, #tpu.memory_space<hbm>>
        tpu.wait_dma2 semaphore(%run_scoped3A_1334 : memref<!tpu.dma_semaphore, #tpu.memory_space<semaphore_mem>>) src(%dma_wait3A_1350 : memref<400xi32, #tpu.memory_space<hbm>>) dst(%dma_wait3A_1349 : memref<400xi32, #tpu.memory_space<vmem>>)
        tpu.yield
      }) : () -> ()
      %dma_start3A_1274 = arith.constant 3 : i32
      %dma_start3A_1275 = arith.constant 3 : i32
      %dma_start3A_1276 = arith.constant 3 : i32
      %dma_start3A_1277 = arith.constant 0 : i32
      %dma_start3A_1278 = arith.constant 0 : i32
      %dma_start3A_1279 = tpu.memref_slice %arg7[%dma_start3A_1275, %dma_start3A_1277, %dma_start3A_1278] : memref<4x400x64xf32, #tpu.memory_space<vmem>> -> memref<1x128x64xf32, #tpu.memory_space<vmem>>
      %dma_start3A_1280 = tpu.memref_squeeze %dma_start3A_1279 : memref<1x128x64xf32, #tpu.memory_space<vmem>> -> memref<128x64xf32, #tpu.memory_space<vmem>>
      %dma_start3A_1281 = arith.constant 0 : i32
      %dma_start3A_1282 = tpu.memref_slice %arg6[%dma_start3A_1274, %dma_start3A_1281] : memref<4x400xi32, #tpu.memory_space<vmem>> -> memref<1x128xi32, #tpu.memory_space<vmem>>
      %dma_start3A_1283 = tpu.memref_squeeze %dma_start3A_1282 : memref<1x128xi32, #tpu.memory_space<vmem>> -> memref<128xi32, #tpu.memory_space<vmem>>
      %dma_start3A_1284 = arith.constant 0 : i32
      %dma_start3A_1285 = arith.constant 0 : i32
      %dma_start3A_1286 = tpu.memref_slice %arg4[%dma_start3A_1284, %dma_start3A_1285] : memref<100000x64xf32, #tpu.memory_space<hbm>> -> memref<100000x64xf32, #tpu.memory_space<hbm>>
      %dma_start3A_1287 = tpu.memref_slice %arg9[%dma_start3A_1276] : memref<4x!tpu.dma_semaphore, #tpu.memory_space<semaphore_mem>> -> memref<1x!tpu.dma_semaphore, #tpu.memory_space<semaphore_mem>>
      %dma_start3A_1288 = tpu.memref_squeeze %dma_start3A_1287 : memref<1x!tpu.dma_semaphore, #tpu.memory_space<semaphore_mem>> -> memref<!tpu.dma_semaphore, #tpu.memory_space<semaphore_mem>>
      tpu.enqueue_indirect_dma source(%dma_start3A_1286 : memref<100000x64xf32, #tpu.memory_space<hbm>>) target(%dma_start3A_1280 : memref<128x64xf32, #tpu.memory_space<vmem>>) offsets(%dma_start3A_1283 : memref<128xi32, #tpu.memory_space<vmem>>) semaphore(%dma_start3A_1288 : memref<!tpu.dma_semaphore, #tpu.memory_space<semaphore_mem>>)
      %dma_start3A_1289 = arith.constant 3 : i32
      %dma_start3A_1290 = arith.constant 3 : i32
      %dma_start3A_1291 = arith.constant 3 : i32
      %dma_start3A_1292 = arith.constant 128 : i32
      %dma_start3A_1293 = arith.constant 0 : i32
      %dma_start3A_1294 = tpu.memref_slice %arg7[%dma_start3A_1290, %dma_start3A_1292, %dma_start3A_1293] : memref<4x400x64xf32, #tpu.memory_space<vmem>> -> memref<1x128x64xf32, #tpu.memory_space<vmem>>
      %dma_start3A_1295 = tpu.memref_squeeze %dma_start3A_1294 : memref<1x128x64xf32, #tpu.memory_space<vmem>> -> memref<128x64xf32, #tpu.memory_space<vmem>>
      %dma_start3A_1296 = arith.constant 128 : i32
      %dma_start3A_1297 = tpu.memref_slice %arg6[%dma_start3A_1289, %dma_start3A_1296] : memref<4x400xi32, #tpu.memory_space<vmem>> -> memref<1x128xi32, #tpu.memory_space<vmem>>
      %dma_start3A_1298 = tpu.memref_squeeze %dma_start3A_1297 : memref<1x128xi32, #tpu.memory_space<vmem>> -> memref<128xi32, #tpu.memory_space<vmem>>
      %dma_start3A_1299 = arith.constant 0 : i32
      %dma_start3A_1300 = arith.constant 0 : i32
      %dma_start3A_1301 = tpu.memref_slice %arg4[%dma_start3A_1299, %dma_start3A_1300] : memref<100000x64xf32, #tpu.memory_space<hbm>> -> memref<100000x64xf32, #tpu.memory_space<hbm>>
      %dma_start3A_1302 = tpu.memref_slice %arg9[%dma_start3A_1291] : memref<4x!tpu.dma_semaphore, #tpu.memory_space<semaphore_mem>> -> memref<1x!tpu.dma_semaphore, #tpu.memory_space<semaphore_mem>>
      %dma_start3A_1303 = tpu.memref_squeeze %dma_start3A_1302 : memref<1x!tpu.dma_semaphore, #tpu.memory_space<semaphore_mem>> -> memref<!tpu.dma_semaphore, #tpu.memory_space<semaphore_mem>>
      tpu.enqueue_indirect_dma source(%dma_start3A_1301 : memref<100000x64xf32, #tpu.memory_space<hbm>>) target(%dma_start3A_1295 : memref<128x64xf32, #tpu.memory_space<vmem>>) offsets(%dma_start3A_1298 : memref<128xi32, #tpu.memory_space<vmem>>) semaphore(%dma_start3A_1303 : memref<!tpu.dma_semaphore, #tpu.memory_space<semaphore_mem>>)
      %dma_start3A_1304 = arith.constant 3 : i32
      %dma_start3A_1305 = arith.constant 3 : i32
      %dma_start3A_1306 = arith.constant 3 : i32
      %dma_start3A_1307 = arith.constant 256 : i32
      %dma_start3A_1308 = arith.constant 0 : i32
      %dma_start3A_1309 = tpu.memref_slice %arg7[%dma_start3A_1305, %dma_start3A_1307, %dma_start3A_1308] : memref<4x400x64xf32, #tpu.memory_space<vmem>> -> memref<1x128x64xf32, #tpu.memory_space<vmem>>
      %dma_start3A_1310 = tpu.memref_squeeze %dma_start3A_1309 : memref<1x128x64xf32, #tpu.memory_space<vmem>> -> memref<128x64xf32, #tpu.memory_space<vmem>>
      %dma_start3A_1311 = arith.constant 256 : i32
      %dma_start3A_1312 = tpu.memref_slice %arg6[%dma_start3A_1304, %dma_start3A_1311] : memref<4x400xi32, #tpu.memory_space<vmem>> -> memref<1x128xi32, #tpu.memory_space<vmem>>
      %dma_start3A_1313 = tpu.memref_squeeze %dma_start3A_1312 : memref<1x128xi32, #tpu.memory_space<vmem>> -> memref<128xi32, #tpu.memory_space<vmem>>
      %dma_start3A_1314 = arith.constant 0 : i32
      %dma_start3A_1315 = arith.constant 0 : i32
      %dma_start3A_1316 = tpu.memref_slice %arg4[%dma_start3A_1314, %dma_start3A_1315] : memref<100000x64xf32, #tpu.memory_space<hbm>> -> memref<100000x64xf32, #tpu.memory_space<hbm>>
      %dma_start3A_1317 = tpu.memref_slice %arg9[%dma_start3A_1306] : memref<4x!tpu.dma_semaphore, #tpu.memory_space<semaphore_mem>> -> memref<1x!tpu.dma_semaphore, #tpu.memory_space<semaphore_mem>>
      %dma_start3A_1318 = tpu.memref_squeeze %dma_start3A_1317 : memref<1x!tpu.dma_semaphore, #tpu.memory_space<semaphore_mem>> -> memref<!tpu.dma_semaphore, #tpu.memory_space<semaphore_mem>>
      tpu.enqueue_indirect_dma source(%dma_start3A_1316 : memref<100000x64xf32, #tpu.memory_space<hbm>>) target(%dma_start3A_1310 : memref<128x64xf32, #tpu.memory_space<vmem>>) offsets(%dma_start3A_1313 : memref<128xi32, #tpu.memory_space<vmem>>) semaphore(%dma_start3A_1318 : memref<!tpu.dma_semaphore, #tpu.memory_space<semaphore_mem>>)
      %dma_start3A_1319 = arith.constant 3 : i32
      %dma_start3A_1320 = arith.constant 3 : i32
      %dma_start3A_1321 = arith.constant 3 : i32
      %dma_start3A_1322 = arith.constant 384 : i32
      %dma_start3A_1323 = arith.constant 0 : i32
      %dma_start3A_1324 = tpu.memref_slice %arg7[%dma_start3A_1320, %dma_start3A_1322, %dma_start3A_1323] : memref<4x400x64xf32, #tpu.memory_space<vmem>> -> memref<1x16x64xf32, #tpu.memory_space<vmem>>
      %dma_start3A_1325 = tpu.memref_squeeze %dma_start3A_1324 : memref<1x16x64xf32, #tpu.memory_space<vmem>> -> memref<16x64xf32, #tpu.memory_space<vmem>>
      %dma_start3A_1326 = arith.constant 384 : i32
      %dma_start3A_1327 = tpu.memref_slice %arg6[%dma_start3A_1319, %dma_start3A_1326] : memref<4x400xi32, #tpu.memory_space<vmem>> -> memref<1x16xi32, #tpu.memory_space<vmem>>
      %dma_start3A_1328 = tpu.memref_squeeze %dma_start3A_1327 : memref<1x16xi32, #tpu.memory_space<vmem>> -> memref<16xi32, #tpu.memory_space<vmem>>
      %dma_start3A_1329 = arith.constant 0 : i32
      %dma_start3A_1330 = arith.constant 0 : i32
      %dma_start3A_1331 = tpu.memref_slice %arg4[%dma_start3A_1329, %dma_start3A_1330] : memref<100000x64xf32, #tpu.memory_space<hbm>> -> memref<100000x64xf32, #tpu.memory_space<hbm>>
      %dma_start3A_1332 = tpu.memref_slice %arg9[%dma_start3A_1321] : memref<4x!tpu.dma_semaphore, #tpu.memory_space<semaphore_mem>> -> memref<1x!tpu.dma_semaphore, #tpu.memory_space<semaphore_mem>>
      %dma_start3A_1333 = tpu.memref_squeeze %dma_start3A_1332 : memref<1x!tpu.dma_semaphore, #tpu.memory_space<semaphore_mem>> -> memref<!tpu.dma_semaphore, #tpu.memory_space<semaphore_mem>>
      tpu.enqueue_indirect_dma source(%dma_start3A_1331 : memref<100000x64xf32, #tpu.memory_space<hbm>>) target(%dma_start3A_1325 : memref<16x64xf32, #tpu.memory_space<vmem>>) offsets(%dma_start3A_1328 : memref<16xi32, #tpu.memory_space<vmem>>) semaphore(%dma_start3A_1333 : memref<!tpu.dma_semaphore, #tpu.memory_space<semaphore_mem>>)
    }
    %scan3A_257 = arith.constant 15 : i32
    %dma_wait3A = arith.constant 0 : i32
    %dma_wait3A_258 = arith.constant 0 : i32
    %dma_wait3A_259 = arith.constant 0 : i32
    %dma_wait3A_260 = arith.constant 0 : i32
    %dma_wait3A_261 = arith.constant 0 : i32
    %dma_wait3A_262 = tpu.memref_slice %arg7[%dma_wait3A_258, %dma_wait3A_260, %dma_wait3A_261] : memref<4x400x64xf32, #tpu.memory_space<vmem>> -> memref<1x128x64xf32, #tpu.memory_space<vmem>>
    %dma_wait3A_263 = tpu.memref_squeeze %dma_wait3A_262 : memref<1x128x64xf32, #tpu.memory_space<vmem>> -> memref<128x64xf32, #tpu.memory_space<vmem>>
    %dma_wait3A_264 = arith.constant 0 : i32
    %dma_wait3A_265 = tpu.memref_slice %arg6[%dma_wait3A, %dma_wait3A_264] : memref<4x400xi32, #tpu.memory_space<vmem>> -> memref<1x128xi32, #tpu.memory_space<vmem>>
    %dma_wait3A_266 = tpu.memref_squeeze %dma_wait3A_265 : memref<1x128xi32, #tpu.memory_space<vmem>> -> memref<128xi32, #tpu.memory_space<vmem>>
    %dma_wait3A_267 = arith.constant 0 : i32
    %dma_wait3A_268 = arith.constant 0 : i32
    %dma_wait3A_269 = tpu.memref_slice %arg4[%dma_wait3A_267, %dma_wait3A_268] : memref<100000x64xf32, #tpu.memory_space<hbm>> -> memref<100000x64xf32, #tpu.memory_space<hbm>>
    %dma_wait3A_270 = tpu.memref_slice %arg9[%dma_wait3A_259] : memref<4x!tpu.dma_semaphore, #tpu.memory_space<semaphore_mem>> -> memref<1x!tpu.dma_semaphore, #tpu.memory_space<semaphore_mem>>
    %dma_wait3A_271 = tpu.memref_squeeze %dma_wait3A_270 : memref<1x!tpu.dma_semaphore, #tpu.memory_space<semaphore_mem>> -> memref<!tpu.dma_semaphore, #tpu.memory_space<semaphore_mem>>
    tpu.wait_indirect_dma semaphore(%dma_wait3A_271 : memref<!tpu.dma_semaphore, #tpu.memory_space<semaphore_mem>>) src(%dma_wait3A_269 : memref<100000x64xf32, #tpu.memory_space<hbm>>) dst(%dma_wait3A_263 : memref<128x64xf32, #tpu.memory_space<vmem>>)
    %dma_wait3A_272 = arith.constant 0 : i32
    %dma_wait3A_273 = arith.constant 0 : i32
    %dma_wait3A_274 = arith.constant 0 : i32
    %dma_wait3A_275 = arith.constant 128 : i32
    %dma_wait3A_276 = arith.constant 0 : i32
    %dma_wait3A_277 = tpu.memref_slice %arg7[%dma_wait3A_273, %dma_wait3A_275, %dma_wait3A_276] : memref<4x400x64xf32, #tpu.memory_space<vmem>> -> memref<1x128x64xf32, #tpu.memory_space<vmem>>
    %dma_wait3A_278 = tpu.memref_squeeze %dma_wait3A_277 : memref<1x128x64xf32, #tpu.memory_space<vmem>> -> memref<128x64xf32, #tpu.memory_space<vmem>>
    %dma_wait3A_279 = arith.constant 128 : i32
    %dma_wait3A_280 = tpu.memref_slice %arg6[%dma_wait3A_272, %dma_wait3A_279] : memref<4x400xi32, #tpu.memory_space<vmem>> -> memref<1x128xi32, #tpu.memory_space<vmem>>
    %dma_wait3A_281 = tpu.memref_squeeze %dma_wait3A_280 : memref<1x128xi32, #tpu.memory_space<vmem>> -> memref<128xi32, #tpu.memory_space<vmem>>
    %dma_wait3A_282 = arith.constant 0 : i32
    %dma_wait3A_283 = arith.constant 0 : i32
    %dma_wait3A_284 = tpu.memref_slice %arg4[%dma_wait3A_282, %dma_wait3A_283] : memref<100000x64xf32, #tpu.memory_space<hbm>> -> memref<100000x64xf32, #tpu.memory_space<hbm>>
    %dma_wait3A_285 = tpu.memref_slice %arg9[%dma_wait3A_274] : memref<4x!tpu.dma_semaphore, #tpu.memory_space<semaphore_mem>> -> memref<1x!tpu.dma_semaphore, #tpu.memory_space<semaphore_mem>>
    %dma_wait3A_286 = tpu.memref_squeeze %dma_wait3A_285 : memref<1x!tpu.dma_semaphore, #tpu.memory_space<semaphore_mem>> -> memref<!tpu.dma_semaphore, #tpu.memory_space<semaphore_mem>>
    tpu.wait_indirect_dma semaphore(%dma_wait3A_286 : memref<!tpu.dma_semaphore, #tpu.memory_space<semaphore_mem>>) src(%dma_wait3A_284 : memref<100000x64xf32, #tpu.memory_space<hbm>>) dst(%dma_wait3A_278 : memref<128x64xf32, #tpu.memory_space<vmem>>)
    %dma_wait3A_287 = arith.constant 0 : i32
    %dma_wait3A_288 = arith.constant 0 : i32
    %dma_wait3A_289 = arith.constant 0 : i32
    %dma_wait3A_290 = arith.constant 256 : i32
    %dma_wait3A_291 = arith.constant 0 : i32
    %dma_wait3A_292 = tpu.memref_slice %arg7[%dma_wait3A_288, %dma_wait3A_290, %dma_wait3A_291] : memref<4x400x64xf32, #tpu.memory_space<vmem>> -> memref<1x128x64xf32, #tpu.memory_space<vmem>>
    %dma_wait3A_293 = tpu.memref_squeeze %dma_wait3A_292 : memref<1x128x64xf32, #tpu.memory_space<vmem>> -> memref<128x64xf32, #tpu.memory_space<vmem>>
    %dma_wait3A_294 = arith.constant 256 : i32
    %dma_wait3A_295 = tpu.memref_slice %arg6[%dma_wait3A_287, %dma_wait3A_294] : memref<4x400xi32, #tpu.memory_space<vmem>> -> memref<1x128xi32, #tpu.memory_space<vmem>>
    %dma_wait3A_296 = tpu.memref_squeeze %dma_wait3A_295 : memref<1x128xi32, #tpu.memory_space<vmem>> -> memref<128xi32, #tpu.memory_space<vmem>>
    %dma_wait3A_297 = arith.constant 0 : i32
    %dma_wait3A_298 = arith.constant 0 : i32
    %dma_wait3A_299 = tpu.memref_slice %arg4[%dma_wait3A_297, %dma_wait3A_298] : memref<100000x64xf32, #tpu.memory_space<hbm>> -> memref<100000x64xf32, #tpu.memory_space<hbm>>
    %dma_wait3A_300 = tpu.memref_slice %arg9[%dma_wait3A_289] : memref<4x!tpu.dma_semaphore, #tpu.memory_space<semaphore_mem>> -> memref<1x!tpu.dma_semaphore, #tpu.memory_space<semaphore_mem>>
    %dma_wait3A_301 = tpu.memref_squeeze %dma_wait3A_300 : memref<1x!tpu.dma_semaphore, #tpu.memory_space<semaphore_mem>> -> memref<!tpu.dma_semaphore, #tpu.memory_space<semaphore_mem>>
    tpu.wait_indirect_dma semaphore(%dma_wait3A_301 : memref<!tpu.dma_semaphore, #tpu.memory_space<semaphore_mem>>) src(%dma_wait3A_299 : memref<100000x64xf32, #tpu.memory_space<hbm>>) dst(%dma_wait3A_293 : memref<128x64xf32, #tpu.memory_space<vmem>>)
    %dma_wait3A_302 = arith.constant 0 : i32
    %dma_wait3A_303 = arith.constant 0 : i32
    %dma_wait3A_304 = arith.constant 0 : i32
    %dma_wait3A_305 = arith.constant 384 : i32
    %dma_wait3A_306 = arith.constant 0 : i32
    %dma_wait3A_307 = tpu.memref_slice %arg7[%dma_wait3A_303, %dma_wait3A_305, %dma_wait3A_306] : memref<4x400x64xf32, #tpu.memory_space<vmem>> -> memref<1x16x64xf32, #tpu.memory_space<vmem>>
    %dma_wait3A_308 = tpu.memref_squeeze %dma_wait3A_307 : memref<1x16x64xf32, #tpu.memory_space<vmem>> -> memref<16x64xf32, #tpu.memory_space<vmem>>
    %dma_wait3A_309 = arith.constant 384 : i32
    %dma_wait3A_310 = tpu.memref_slice %arg6[%dma_wait3A_302, %dma_wait3A_309] : memref<4x400xi32, #tpu.memory_space<vmem>> -> memref<1x16xi32, #tpu.memory_space<vmem>>
    %dma_wait3A_311 = tpu.memref_squeeze %dma_wait3A_310 : memref<1x16xi32, #tpu.memory_space<vmem>> -> memref<16xi32, #tpu.memory_space<vmem>>
    %dma_wait3A_312 = arith.constant 0 : i32
    %dma_wait3A_313 = arith.constant 0 : i32
    %dma_wait3A_314 = tpu.memref_slice %arg4[%dma_wait3A_312, %dma_wait3A_313] : memref<100000x64xf32, #tpu.memory_space<hbm>> -> memref<100000x64xf32, #tpu.memory_space<hbm>>
    %dma_wait3A_315 = tpu.memref_slice %arg9[%dma_wait3A_304] : memref<4x!tpu.dma_semaphore, #tpu.memory_space<semaphore_mem>> -> memref<1x!tpu.dma_semaphore, #tpu.memory_space<semaphore_mem>>
    %dma_wait3A_316 = tpu.memref_squeeze %dma_wait3A_315 : memref<1x!tpu.dma_semaphore, #tpu.memory_space<semaphore_mem>> -> memref<!tpu.dma_semaphore, #tpu.memory_space<semaphore_mem>>
    tpu.wait_indirect_dma semaphore(%dma_wait3A_316 : memref<!tpu.dma_semaphore, #tpu.memory_space<semaphore_mem>>) src(%dma_wait3A_314 : memref<100000x64xf32, #tpu.memory_space<hbm>>) dst(%dma_wait3A_308 : memref<16x64xf32, #tpu.memory_space<vmem>>)
    %parallel_loop3A = arith.constant 0 : i32
    %parallel_loop3A_317 = arith.constant 200 : i32
    %parallel_loop3A_318 = arith.constant 1 : i32
    scf.for %parallel_loop3A_652 = %parallel_loop3A to %parallel_loop3A_317 step %parallel_loop3A_318  : i32 {
      %parallel_loop3A_653 = arith.constant 64 : i32
      %parallel_loop3A_654 = arith.muli %parallel_loop3A_652, %parallel_loop3A_653 : i32
      %parallel_loop3A_655 = arith.constant 0 : i32
      %parallel_loop3A_656 = arith.addi %parallel_loop3A_654, %parallel_loop3A_655 : i32
      %parallel_loop3A_657 = arith.constant 0 : i32
      %parallel_loop3A_658 = arith.addi %parallel_loop3A_652, %parallel_loop3A_657 : i32
      %parallel_loop3A_659 = arith.constant 0 : i32
      %parallel_loop3A_660 = arith.index_cast %parallel_loop3A_659 : i32 to index
      %parallel_loop3A_661 = arith.index_cast %parallel_loop3A_658 : i32 to index
      %parallel_loop3A_662 = arith.constant 0 : index
      %parallel_loop3A_663 = tpu.vector_load %arg7[%parallel_loop3A_660, %parallel_loop3A_661, %parallel_loop3A_662] {strides = array<i32>} : memref<4x400x64xf32, #tpu.memory_space<vmem>>, vector<1x1x16xf32>,
      %parallel_loop3A_664 = vector.shape_cast %parallel_loop3A_663 : vector<1x1x16xf32> to vector<16xf32>
      %parallel_loop3A_665 = arith.index_cast %parallel_loop3A_656 : i32 to index
      %parallel_loop3A_666 = tpu.vector_load %arg8[%parallel_loop3A_665] {strides = array<i32>} : memref<12800xf32, #tpu.memory_space<vmem>>, vector<16xf32>,
      %parallel_loop3A_667 = vector.shape_cast %parallel_loop3A_666 : vector<16xf32> to vector<16xf32>
      %parallel_loop3A_668 = arith.addf %parallel_loop3A_664, %parallel_loop3A_667 : vector<16xf32>
      %parallel_loop3A_669 = arith.constant 0 : i32
      %parallel_loop3A_670 = arith.addi %parallel_loop3A_652, %parallel_loop3A_669 : i32
      %parallel_loop3A_671 = arith.constant 0 : i32
      %parallel_loop3A_672 = arith.index_cast %parallel_loop3A_671 : i32 to index
      %parallel_loop3A_673 = arith.index_cast %parallel_loop3A_670 : i32 to index
      %parallel_loop3A_674 = arith.constant 0 : index
      %parallel_loop3A_675 = tpu.vector_load %arg7[%parallel_loop3A_672, %parallel_loop3A_673, %parallel_loop3A_674] {strides = array<i32>} : memref<4x400x64xf32, #tpu.memory_space<vmem>>, vector<1x1x16xf32>,
      %parallel_loop3A_676 = vector.shape_cast %parallel_loop3A_675 : vector<1x1x16xf32> to vector<16xf32>
      %parallel_loop3A_677 = vector.shape_cast %parallel_loop3A_668 : vector<16xf32> to vector<1x1x16xf32>
      tpu.vector_store %arg7[%parallel_loop3A_672, %parallel_loop3A_673, %parallel_loop3A_674], %parallel_loop3A_677 {strides = array<i32>} : memref<4x400x64xf32, #tpu.memory_space<vmem>>, vector<1x1x16xf32>,
      %parallel_loop3A_678 = arith.constant 64 : i32
      %parallel_loop3A_679 = arith.muli %parallel_loop3A_652, %parallel_loop3A_678 : i32
      %parallel_loop3A_680 = arith.constant 16 : i32
      %parallel_loop3A_681 = arith.addi %parallel_loop3A_679, %parallel_loop3A_680 : i32
      %parallel_loop3A_682 = arith.constant 0 : i32
      %parallel_loop3A_683 = arith.addi %parallel_loop3A_652, %parallel_loop3A_682 : i32
      %parallel_loop3A_684 = arith.constant 0 : i32
      %parallel_loop3A_685 = arith.index_cast %parallel_loop3A_684 : i32 to index
      %parallel_loop3A_686 = arith.index_cast %parallel_loop3A_683 : i32 to index
      %parallel_loop3A_687 = arith.constant 16 : index
      %parallel_loop3A_688 = tpu.vector_load %arg7[%parallel_loop3A_685, %parallel_loop3A_686, %parallel_loop3A_687] {strides = array<i32>} : memref<4x400x64xf32, #tpu.memory_space<vmem>>, vector<1x1x16xf32>,
      %parallel_loop3A_689 = vector.shape_cast %parallel_loop3A_688 : vector<1x1x16xf32> to vector<16xf32>
      %parallel_loop3A_690 = arith.index_cast %parallel_loop3A_681 : i32 to index
      %parallel_loop3A_691 = tpu.vector_load %arg8[%parallel_loop3A_690] {strides = array<i32>} : memref<12800xf32, #tpu.memory_space<vmem>>, vector<16xf32>,
      %parallel_loop3A_692 = vector.shape_cast %parallel_loop3A_691 : vector<16xf32> to vector<16xf32>
      %parallel_loop3A_693 = arith.addf %parallel_loop3A_689, %parallel_loop3A_692 : vector<16xf32>
      %parallel_loop3A_694 = arith.constant 0 : i32
      %parallel_loop3A_695 = arith.addi %parallel_loop3A_652, %parallel_loop3A_694 : i32
      %parallel_loop3A_696 = arith.constant 0 : i32
      %parallel_loop3A_697 = arith.index_cast %parallel_loop3A_696 : i32 to index
      %parallel_loop3A_698 = arith.index_cast %parallel_loop3A_695 : i32 to index
      %parallel_loop3A_699 = arith.constant 16 : index
      %parallel_loop3A_700 = tpu.vector_load %arg7[%parallel_loop3A_697, %parallel_loop3A_698, %parallel_loop3A_699] {strides = array<i32>} : memref<4x400x64xf32, #tpu.memory_space<vmem>>, vector<1x1x16xf32>,
      %parallel_loop3A_701 = vector.shape_cast %parallel_loop3A_700 : vector<1x1x16xf32> to vector<16xf32>
      %parallel_loop3A_702 = vector.shape_cast %parallel_loop3A_693 : vector<16xf32> to vector<1x1x16xf32>
      tpu.vector_store %arg7[%parallel_loop3A_697, %parallel_loop3A_698, %parallel_loop3A_699], %parallel_loop3A_702 {strides = array<i32>} : memref<4x400x64xf32, #tpu.memory_space<vmem>>, vector<1x1x16xf32>,
      %parallel_loop3A_703 = arith.constant 64 : i32
      %parallel_loop3A_704 = arith.muli %parallel_loop3A_652, %parallel_loop3A_703 : i32
      %parallel_loop3A_705 = arith.constant 32 : i32
      %parallel_loop3A_706 = arith.addi %parallel_loop3A_704, %parallel_loop3A_705 : i32
      %parallel_loop3A_707 = arith.constant 0 : i32
      %parallel_loop3A_708 = arith.addi %parallel_loop3A_652, %parallel_loop3A_707 : i32
      %parallel_loop3A_709 = arith.constant 0 : i32
      %parallel_loop3A_710 = arith.index_cast %parallel_loop3A_709 : i32 to index
      %parallel_loop3A_711 = arith.index_cast %parallel_loop3A_708 : i32 to index
      %parallel_loop3A_712 = arith.constant 32 : index
      %parallel_loop3A_713 = tpu.vector_load %arg7[%parallel_loop3A_710, %parallel_loop3A_711, %parallel_loop3A_712] {strides = array<i32>} : memref<4x400x64xf32, #tpu.memory_space<vmem>>, vector<1x1x16xf32>,
      %parallel_loop3A_714 = vector.shape_cast %parallel_loop3A_713 : vector<1x1x16xf32> to vector<16xf32>
      %parallel_loop3A_715 = arith.index_cast %parallel_loop3A_706 : i32 to index
      %parallel_loop3A_716 = tpu.vector_load %arg8[%parallel_loop3A_715] {strides = array<i32>} : memref<12800xf32, #tpu.memory_space<vmem>>, vector<16xf32>,
      %parallel_loop3A_717 = vector.shape_cast %parallel_loop3A_716 : vector<16xf32> to vector<16xf32>
      %parallel_loop3A_718 = arith.addf %parallel_loop3A_714, %parallel_loop3A_717 : vector<16xf32>
      %parallel_loop3A_719 = arith.constant 0 : i32
      %parallel_loop3A_720 = arith.addi %parallel_loop3A_652, %parallel_loop3A_719 : i32
      %parallel_loop3A_721 = arith.constant 0 : i32
      %parallel_loop3A_722 = arith.index_cast %parallel_loop3A_721 : i32 to index
      %parallel_loop3A_723 = arith.index_cast %parallel_loop3A_720 : i32 to index
      %parallel_loop3A_724 = arith.constant 32 : index
      %parallel_loop3A_725 = tpu.vector_load %arg7[%parallel_loop3A_722, %parallel_loop3A_723, %parallel_loop3A_724] {strides = array<i32>} : memref<4x400x64xf32, #tpu.memory_space<vmem>>, vector<1x1x16xf32>,
      %parallel_loop3A_726 = vector.shape_cast %parallel_loop3A_725 : vector<1x1x16xf32> to vector<16xf32>
      %parallel_loop3A_727 = vector.shape_cast %parallel_loop3A_718 : vector<16xf32> to vector<1x1x16xf32>
      tpu.vector_store %arg7[%parallel_loop3A_722, %parallel_loop3A_723, %parallel_loop3A_724], %parallel_loop3A_727 {strides = array<i32>} : memref<4x400x64xf32, #tpu.memory_space<vmem>>, vector<1x1x16xf32>,
      %parallel_loop3A_728 = arith.constant 64 : i32
      %parallel_loop3A_729 = arith.muli %parallel_loop3A_652, %parallel_loop3A_728 : i32
      %parallel_loop3A_730 = arith.constant 48 : i32
      %parallel_loop3A_731 = arith.addi %parallel_loop3A_729, %parallel_loop3A_730 : i32
      %parallel_loop3A_732 = arith.constant 0 : i32
      %parallel_loop3A_733 = arith.addi %parallel_loop3A_652, %parallel_loop3A_732 : i32
      %parallel_loop3A_734 = arith.constant 0 : i32
      %parallel_loop3A_735 = arith.index_cast %parallel_loop3A_734 : i32 to index
      %parallel_loop3A_736 = arith.index_cast %parallel_loop3A_733 : i32 to index
      %parallel_loop3A_737 = arith.constant 48 : index
      %parallel_loop3A_738 = tpu.vector_load %arg7[%parallel_loop3A_735, %parallel_loop3A_736, %parallel_loop3A_737] {strides = array<i32>} : memref<4x400x64xf32, #tpu.memory_space<vmem>>, vector<1x1x16xf32>,
      %parallel_loop3A_739 = vector.shape_cast %parallel_loop3A_738 : vector<1x1x16xf32> to vector<16xf32>
      %parallel_loop3A_740 = arith.index_cast %parallel_loop3A_731 : i32 to index
      %parallel_loop3A_741 = tpu.vector_load %arg8[%parallel_loop3A_740] {strides = array<i32>} : memref<12800xf32, #tpu.memory_space<vmem>>, vector<16xf32>,
      %parallel_loop3A_742 = vector.shape_cast %parallel_loop3A_741 : vector<16xf32> to vector<16xf32>
      %parallel_loop3A_743 = arith.addf %parallel_loop3A_739, %parallel_loop3A_742 : vector<16xf32>
      %parallel_loop3A_744 = arith.constant 0 : i32
      %parallel_loop3A_745 = arith.addi %parallel_loop3A_652, %parallel_loop3A_744 : i32
      %parallel_loop3A_746 = arith.constant 0 : i32
      %parallel_loop3A_747 = arith.index_cast %parallel_loop3A_746 : i32 to index
      %parallel_loop3A_748 = arith.index_cast %parallel_loop3A_745 : i32 to index
      %parallel_loop3A_749 = arith.constant 48 : index
      %parallel_loop3A_750 = tpu.vector_load %arg7[%parallel_loop3A_747, %parallel_loop3A_748, %parallel_loop3A_749] {strides = array<i32>} : memref<4x400x64xf32, #tpu.memory_space<vmem>>, vector<1x1x16xf32>,
      %parallel_loop3A_751 = vector.shape_cast %parallel_loop3A_750 : vector<1x1x16xf32> to vector<16xf32>
      %parallel_loop3A_752 = vector.shape_cast %parallel_loop3A_743 : vector<16xf32> to vector<1x1x16xf32>
      tpu.vector_store %arg7[%parallel_loop3A_747, %parallel_loop3A_748, %parallel_loop3A_749], %parallel_loop3A_752 {strides = array<i32>} : memref<4x400x64xf32, #tpu.memory_space<vmem>>, vector<1x1x16xf32>,
      %parallel_loop3A_753 = arith.constant 64 : i32
      %parallel_loop3A_754 = arith.muli %parallel_loop3A_652, %parallel_loop3A_753 : i32
      %parallel_loop3A_755 = arith.constant 0 : i32
      %parallel_loop3A_756 = arith.addi %parallel_loop3A_754, %parallel_loop3A_755 : i32
      %parallel_loop3A_757 = arith.constant 200 : i32
      %parallel_loop3A_758 = arith.addi %parallel_loop3A_652, %parallel_loop3A_757 : i32
      %parallel_loop3A_759 = arith.constant 0 : i32
      %parallel_loop3A_760 = arith.index_cast %parallel_loop3A_759 : i32 to index
      %parallel_loop3A_761 = arith.index_cast %parallel_loop3A_758 : i32 to index
      %parallel_loop3A_762 = arith.constant 0 : index
      %parallel_loop3A_763 = tpu.vector_load %arg7[%parallel_loop3A_760, %parallel_loop3A_761, %parallel_loop3A_762] {strides = array<i32>} : memref<4x400x64xf32, #tpu.memory_space<vmem>>, vector<1x1x16xf32>,
      %parallel_loop3A_764 = vector.shape_cast %parallel_loop3A_763 : vector<1x1x16xf32> to vector<16xf32>
      %parallel_loop3A_765 = arith.index_cast %parallel_loop3A_756 : i32 to index
      %parallel_loop3A_766 = tpu.vector_load %arg8[%parallel_loop3A_765] {strides = array<i32>} : memref<12800xf32, #tpu.memory_space<vmem>>, vector<16xf32>,
      %parallel_loop3A_767 = vector.shape_cast %parallel_loop3A_766 : vector<16xf32> to vector<16xf32>
      %parallel_loop3A_768 = arith.addf %parallel_loop3A_764, %parallel_loop3A_767 : vector<16xf32>
      %parallel_loop3A_769 = arith.constant 200 : i32
      %parallel_loop3A_770 = arith.addi %parallel_loop3A_652, %parallel_loop3A_769 : i32
      %parallel_loop3A_771 = arith.constant 0 : i32
      %parallel_loop3A_772 = arith.index_cast %parallel_loop3A_771 : i32 to index
      %parallel_loop3A_773 = arith.index_cast %parallel_loop3A_770 : i32 to index
      %parallel_loop3A_774 = arith.constant 0 : index
      %parallel_loop3A_775 = tpu.vector_load %arg7[%parallel_loop3A_772, %parallel_loop3A_773, %parallel_loop3A_774] {strides = array<i32>} : memref<4x400x64xf32, #tpu.memory_space<vmem>>, vector<1x1x16xf32>,
      %parallel_loop3A_776 = vector.shape_cast %parallel_loop3A_775 : vector<1x1x16xf32> to vector<16xf32>
      %parallel_loop3A_777 = vector.shape_cast %parallel_loop3A_768 : vector<16xf32> to vector<1x1x16xf32>
      tpu.vector_store %arg7[%parallel_loop3A_772, %parallel_loop3A_773, %parallel_loop3A_774], %parallel_loop3A_777 {strides = array<i32>} : memref<4x400x64xf32, #tpu.memory_space<vmem>>, vector<1x1x16xf32>,
      %parallel_loop3A_778 = arith.constant 64 : i32
      %parallel_loop3A_779 = arith.muli %parallel_loop3A_652, %parallel_loop3A_778 : i32
      %parallel_loop3A_780 = arith.constant 16 : i32
      %parallel_loop3A_781 = arith.addi %parallel_loop3A_779, %parallel_loop3A_780 : i32
      %parallel_loop3A_782 = arith.constant 200 : i32
      %parallel_loop3A_783 = arith.addi %parallel_loop3A_652, %parallel_loop3A_782 : i32
      %parallel_loop3A_784 = arith.constant 0 : i32
      %parallel_loop3A_785 = arith.index_cast %parallel_loop3A_784 : i32 to index
      %parallel_loop3A_786 = arith.index_cast %parallel_loop3A_783 : i32 to index
      %parallel_loop3A_787 = arith.constant 16 : index
      %parallel_loop3A_788 = tpu.vector_load %arg7[%parallel_loop3A_785, %parallel_loop3A_786, %parallel_loop3A_787] {strides = array<i32>} : memref<4x400x64xf32, #tpu.memory_space<vmem>>, vector<1x1x16xf32>,
      %parallel_loop3A_789 = vector.shape_cast %parallel_loop3A_788 : vector<1x1x16xf32> to vector<16xf32>
      %parallel_loop3A_790 = arith.index_cast %parallel_loop3A_781 : i32 to index
      %parallel_loop3A_791 = tpu.vector_load %arg8[%parallel_loop3A_790] {strides = array<i32>} : memref<12800xf32, #tpu.memory_space<vmem>>, vector<16xf32>,
      %parallel_loop3A_792 = vector.shape_cast %parallel_loop3A_791 : vector<16xf32> to vector<16xf32>
      %parallel_loop3A_793 = arith.addf %parallel_loop3A_789, %parallel_loop3A_792 : vector<16xf32>
      %parallel_loop3A_794 = arith.constant 200 : i32
      %parallel_loop3A_795 = arith.addi %parallel_loop3A_652, %parallel_loop3A_794 : i32
      %parallel_loop3A_796 = arith.constant 0 : i32
      %parallel_loop3A_797 = arith.index_cast %parallel_loop3A_796 : i32 to index
      %parallel_loop3A_798 = arith.index_cast %parallel_loop3A_795 : i32 to index
      %parallel_loop3A_799 = arith.constant 16 : index
      %parallel_loop3A_800 = tpu.vector_load %arg7[%parallel_loop3A_797, %parallel_loop3A_798, %parallel_loop3A_799] {strides = array<i32>} : memref<4x400x64xf32, #tpu.memory_space<vmem>>, vector<1x1x16xf32>,
      %parallel_loop3A_801 = vector.shape_cast %parallel_loop3A_800 : vector<1x1x16xf32> to vector<16xf32>
      %parallel_loop3A_802 = vector.shape_cast %parallel_loop3A_793 : vector<16xf32> to vector<1x1x16xf32>
      tpu.vector_store %arg7[%parallel_loop3A_797, %parallel_loop3A_798, %parallel_loop3A_799], %parallel_loop3A_802 {strides = array<i32>} : memref<4x400x64xf32, #tpu.memory_space<vmem>>, vector<1x1x16xf32>,
      %parallel_loop3A_803 = arith.constant 64 : i32
      %parallel_loop3A_804 = arith.muli %parallel_loop3A_652, %parallel_loop3A_803 : i32
      %parallel_loop3A_805 = arith.constant 32 : i32
      %parallel_loop3A_806 = arith.addi %parallel_loop3A_804, %parallel_loop3A_805 : i32
      %parallel_loop3A_807 = arith.constant 200 : i32
      %parallel_loop3A_808 = arith.addi %parallel_loop3A_652, %parallel_loop3A_807 : i32
      %parallel_loop3A_809 = arith.constant 0 : i32
      %parallel_loop3A_810 = arith.index_cast %parallel_loop3A_809 : i32 to index
      %parallel_loop3A_811 = arith.index_cast %parallel_loop3A_808 : i32 to index
      %parallel_loop3A_812 = arith.constant 32 : index
      %parallel_loop3A_813 = tpu.vector_load %arg7[%parallel_loop3A_810, %parallel_loop3A_811, %parallel_loop3A_812] {strides = array<i32>} : memref<4x400x64xf32, #tpu.memory_space<vmem>>, vector<1x1x16xf32>,
      %parallel_loop3A_814 = vector.shape_cast %parallel_loop3A_813 : vector<1x1x16xf32> to vector<16xf32>
      %parallel_loop3A_815 = arith.index_cast %parallel_loop3A_806 : i32 to index
      %parallel_loop3A_816 = tpu.vector_load %arg8[%parallel_loop3A_815] {strides = array<i32>} : memref<12800xf32, #tpu.memory_space<vmem>>, vector<16xf32>,
      %parallel_loop3A_817 = vector.shape_cast %parallel_loop3A_816 : vector<16xf32> to vector<16xf32>
      %parallel_loop3A_818 = arith.addf %parallel_loop3A_814, %parallel_loop3A_817 : vector<16xf32>
      %parallel_loop3A_819 = arith.constant 200 : i32
      %parallel_loop3A_820 = arith.addi %parallel_loop3A_652, %parallel_loop3A_819 : i32
      %parallel_loop3A_821 = arith.constant 0 : i32
      %parallel_loop3A_822 = arith.index_cast %parallel_loop3A_821 : i32 to index
      %parallel_loop3A_823 = arith.index_cast %parallel_loop3A_820 : i32 to index
      %parallel_loop3A_824 = arith.constant 32 : index
      %parallel_loop3A_825 = tpu.vector_load %arg7[%parallel_loop3A_822, %parallel_loop3A_823, %parallel_loop3A_824] {strides = array<i32>} : memref<4x400x64xf32, #tpu.memory_space<vmem>>, vector<1x1x16xf32>,
      %parallel_loop3A_826 = vector.shape_cast %parallel_loop3A_825 : vector<1x1x16xf32> to vector<16xf32>
      %parallel_loop3A_827 = vector.shape_cast %parallel_loop3A_818 : vector<16xf32> to vector<1x1x16xf32>
      tpu.vector_store %arg7[%parallel_loop3A_822, %parallel_loop3A_823, %parallel_loop3A_824], %parallel_loop3A_827 {strides = array<i32>} : memref<4x400x64xf32, #tpu.memory_space<vmem>>, vector<1x1x16xf32>,
      %parallel_loop3A_828 = arith.constant 64 : i32
      %parallel_loop3A_829 = arith.muli %parallel_loop3A_652, %parallel_loop3A_828 : i32
      %parallel_loop3A_830 = arith.constant 48 : i32
      %parallel_loop3A_831 = arith.addi %parallel_loop3A_829, %parallel_loop3A_830 : i32
      %parallel_loop3A_832 = arith.constant 200 : i32
      %parallel_loop3A_833 = arith.addi %parallel_loop3A_652, %parallel_loop3A_832 : i32
      %parallel_loop3A_834 = arith.constant 0 : i32
      %parallel_loop3A_835 = arith.index_cast %parallel_loop3A_834 : i32 to index
      %parallel_loop3A_836 = arith.index_cast %parallel_loop3A_833 : i32 to index
      %parallel_loop3A_837 = arith.constant 48 : index
      %parallel_loop3A_838 = tpu.vector_load %arg7[%parallel_loop3A_835, %parallel_loop3A_836, %parallel_loop3A_837] {strides = array<i32>} : memref<4x400x64xf32, #tpu.memory_space<vmem>>, vector<1x1x16xf32>,
      %parallel_loop3A_839 = vector.shape_cast %parallel_loop3A_838 : vector<1x1x16xf32> to vector<16xf32>
      %parallel_loop3A_840 = arith.index_cast %parallel_loop3A_831 : i32 to index
      %parallel_loop3A_841 = tpu.vector_load %arg8[%parallel_loop3A_840] {strides = array<i32>} : memref<12800xf32, #tpu.memory_space<vmem>>, vector<16xf32>,
      %parallel_loop3A_842 = vector.shape_cast %parallel_loop3A_841 : vector<16xf32> to vector<16xf32>
      %parallel_loop3A_843 = arith.addf %parallel_loop3A_839, %parallel_loop3A_842 : vector<16xf32>
      %parallel_loop3A_844 = arith.constant 200 : i32
      %parallel_loop3A_845 = arith.addi %parallel_loop3A_652, %parallel_loop3A_844 : i32
      %parallel_loop3A_846 = arith.constant 0 : i32
      %parallel_loop3A_847 = arith.index_cast %parallel_loop3A_846 : i32 to index
      %parallel_loop3A_848 = arith.index_cast %parallel_loop3A_845 : i32 to index
      %parallel_loop3A_849 = arith.constant 48 : index
      %parallel_loop3A_850 = tpu.vector_load %arg7[%parallel_loop3A_847, %parallel_loop3A_848, %parallel_loop3A_849] {strides = array<i32>} : memref<4x400x64xf32, #tpu.memory_space<vmem>>, vector<1x1x16xf32>,
      %parallel_loop3A_851 = vector.shape_cast %parallel_loop3A_850 : vector<1x1x16xf32> to vector<16xf32>
      %parallel_loop3A_852 = vector.shape_cast %parallel_loop3A_843 : vector<16xf32> to vector<1x1x16xf32>
      tpu.vector_store %arg7[%parallel_loop3A_847, %parallel_loop3A_848, %parallel_loop3A_849], %parallel_loop3A_852 {strides = array<i32>} : memref<4x400x64xf32, #tpu.memory_space<vmem>>, vector<1x1x16xf32>,
    } {sc.loop_unroll_factor = 2 : i64, sc.parallel_access}
    %add3A_319 = arith.constant 24000 : i32
    %add3A_320 = arith.addi %mul3A_2, %add3A_319 : i32
    %dma_start3A_321 = arith.constant 0 : i32
    %dma_start3A_322 = arith.constant 0 : i32
    %dma_start3A_323 = arith.constant 0 : i32
    %dma_start3A_324 = arith.constant 0 : i32
    %dma_start3A_325 = tpu.memref_slice %arg7[%dma_start3A_321, %dma_start3A_323, %dma_start3A_324] : memref<4x400x64xf32, #tpu.memory_space<vmem>> -> memref<1x400x64xf32, #tpu.memory_space<vmem>>
    %dma_start3A_326 = tpu.memref_squeeze %dma_start3A_325 : memref<1x400x64xf32, #tpu.memory_space<vmem>> -> memref<400x64xf32, #tpu.memory_space<vmem>>
    %dma_start3A_327 = arith.constant 0 : i32
    %dma_start3A_328 = tpu.memref_slice %arg5[%add3A_320, %dma_start3A_327] : memref<819200x128xf32, #tpu.memory_space<hbm>> -> memref<400x64xf32, #tpu.memory_space<hbm>>
    %dma_start3A_329 = tpu.memref_slice %arg10[%dma_start3A_322] : memref<4x!tpu.dma_semaphore, #tpu.memory_space<semaphore_mem>> -> memref<1x!tpu.dma_semaphore, #tpu.memory_space<semaphore_mem>>
    %dma_start3A_330 = tpu.memref_squeeze %dma_start3A_329 : memref<1x!tpu.dma_semaphore, #tpu.memory_space<semaphore_mem>> -> memref<!tpu.dma_semaphore, #tpu.memory_space<semaphore_mem>>
    %dma_start3A_331 = arith.constant 0 : i32
    %dma_start3A_332 = tpu.memref_slice %arg5[%add3A_320, %dma_start3A_331] : memref<819200x128xf32, #tpu.memory_space<hbm>> -> memref<400x64xf32, #tpu.memory_space<hbm>>
    %dma_start3A_333 = arith.constant 0 : i32
    %dma_start3A_334 = arith.constant 0 : i32
    %dma_start3A_335 = tpu.memref_slice %arg7[%dma_start3A_321, %dma_start3A_333, %dma_start3A_334] : memref<4x400x64xf32, #tpu.memory_space<vmem>> -> memref<1x400x64xf32, #tpu.memory_space<vmem>>
    %dma_start3A_336 = tpu.memref_squeeze %dma_start3A_335 : memref<1x400x64xf32, #tpu.memory_space<vmem>> -> memref<400x64xf32, #tpu.memory_space<vmem>>
    tpu.enqueue_dma source(%dma_start3A_336 : memref<400x64xf32, #tpu.memory_space<vmem>>) target(%dma_start3A_332 : memref<400x64xf32, #tpu.memory_space<hbm>>) target_semaphore(%dma_start3A_330 : memref<!tpu.dma_semaphore, #tpu.memory_space<semaphore_mem>>)
    %dma_wait3A_337 = arith.constant 1 : i32
    %dma_wait3A_338 = arith.constant 1 : i32
    %dma_wait3A_339 = arith.constant 1 : i32
    %dma_wait3A_340 = arith.constant 0 : i32
    %dma_wait3A_341 = arith.constant 0 : i32
    %dma_wait3A_342 = tpu.memref_slice %arg7[%dma_wait3A_338, %dma_wait3A_340, %dma_wait3A_341] : memref<4x400x64xf32, #tpu.memory_space<vmem>> -> memref<1x128x64xf32, #tpu.memory_space<vmem>>
    %dma_wait3A_343 = tpu.memref_squeeze %dma_wait3A_342 : memref<1x128x64xf32, #tpu.memory_space<vmem>> -> memref<128x64xf32, #tpu.memory_space<vmem>>
    %dma_wait3A_344 = arith.constant 0 : i32
    %dma_wait3A_345 = tpu.memref_slice %arg6[%dma_wait3A_337, %dma_wait3A_344] : memref<4x400xi32, #tpu.memory_space<vmem>> -> memref<1x128xi32, #tpu.memory_space<vmem>>
    %dma_wait3A_346 = tpu.memref_squeeze %dma_wait3A_345 : memref<1x128xi32, #tpu.memory_space<vmem>> -> memref<128xi32, #tpu.memory_space<vmem>>
    %dma_wait3A_347 = arith.constant 0 : i32
    %dma_wait3A_348 = arith.constant 0 : i32
    %dma_wait3A_349 = tpu.memref_slice %arg4[%dma_wait3A_347, %dma_wait3A_348] : memref<100000x64xf32, #tpu.memory_space<hbm>> -> memref<100000x64xf32, #tpu.memory_space<hbm>>
    %dma_wait3A_350 = tpu.memref_slice %arg9[%dma_wait3A_339] : memref<4x!tpu.dma_semaphore, #tpu.memory_space<semaphore_mem>> -> memref<1x!tpu.dma_semaphore, #tpu.memory_space<semaphore_mem>>
    %dma_wait3A_351 = tpu.memref_squeeze %dma_wait3A_350 : memref<1x!tpu.dma_semaphore, #tpu.memory_space<semaphore_mem>> -> memref<!tpu.dma_semaphore, #tpu.memory_space<semaphore_mem>>
    tpu.wait_indirect_dma semaphore(%dma_wait3A_351 : memref<!tpu.dma_semaphore, #tpu.memory_space<semaphore_mem>>) src(%dma_wait3A_349 : memref<100000x64xf32, #tpu.memory_space<hbm>>) dst(%dma_wait3A_343 : memref<128x64xf32, #tpu.memory_space<vmem>>)
    %dma_wait3A_352 = arith.constant 1 : i32
    %dma_wait3A_353 = arith.constant 1 : i32
    %dma_wait3A_354 = arith.constant 1 : i32
    %dma_wait3A_355 = arith.constant 128 : i32
    %dma_wait3A_356 = arith.constant 0 : i32
    %dma_wait3A_357 = tpu.memref_slice %arg7[%dma_wait3A_353, %dma_wait3A_355, %dma_wait3A_356] : memref<4x400x64xf32, #tpu.memory_space<vmem>> -> memref<1x128x64xf32, #tpu.memory_space<vmem>>
    %dma_wait3A_358 = tpu.memref_squeeze %dma_wait3A_357 : memref<1x128x64xf32, #tpu.memory_space<vmem>> -> memref<128x64xf32, #tpu.memory_space<vmem>>
    %dma_wait3A_359 = arith.constant 128 : i32
    %dma_wait3A_360 = tpu.memref_slice %arg6[%dma_wait3A_352, %dma_wait3A_359] : memref<4x400xi32, #tpu.memory_space<vmem>> -> memref<1x128xi32, #tpu.memory_space<vmem>>
    %dma_wait3A_361 = tpu.memref_squeeze %dma_wait3A_360 : memref<1x128xi32, #tpu.memory_space<vmem>> -> memref<128xi32, #tpu.memory_space<vmem>>
    %dma_wait3A_362 = arith.constant 0 : i32
    %dma_wait3A_363 = arith.constant 0 : i32
    %dma_wait3A_364 = tpu.memref_slice %arg4[%dma_wait3A_362, %dma_wait3A_363] : memref<100000x64xf32, #tpu.memory_space<hbm>> -> memref<100000x64xf32, #tpu.memory_space<hbm>>
    %dma_wait3A_365 = tpu.memref_slice %arg9[%dma_wait3A_354] : memref<4x!tpu.dma_semaphore, #tpu.memory_space<semaphore_mem>> -> memref<1x!tpu.dma_semaphore, #tpu.memory_space<semaphore_mem>>
    %dma_wait3A_366 = tpu.memref_squeeze %dma_wait3A_365 : memref<1x!tpu.dma_semaphore, #tpu.memory_space<semaphore_mem>> -> memref<!tpu.dma_semaphore, #tpu.memory_space<semaphore_mem>>
    tpu.wait_indirect_dma semaphore(%dma_wait3A_366 : memref<!tpu.dma_semaphore, #tpu.memory_space<semaphore_mem>>) src(%dma_wait3A_364 : memref<100000x64xf32, #tpu.memory_space<hbm>>) dst(%dma_wait3A_358 : memref<128x64xf32, #tpu.memory_space<vmem>>)
    %dma_wait3A_367 = arith.constant 1 : i32
    %dma_wait3A_368 = arith.constant 1 : i32
    %dma_wait3A_369 = arith.constant 1 : i32
    %dma_wait3A_370 = arith.constant 256 : i32
    %dma_wait3A_371 = arith.constant 0 : i32
    %dma_wait3A_372 = tpu.memref_slice %arg7[%dma_wait3A_368, %dma_wait3A_370, %dma_wait3A_371] : memref<4x400x64xf32, #tpu.memory_space<vmem>> -> memref<1x128x64xf32, #tpu.memory_space<vmem>>
    %dma_wait3A_373 = tpu.memref_squeeze %dma_wait3A_372 : memref<1x128x64xf32, #tpu.memory_space<vmem>> -> memref<128x64xf32, #tpu.memory_space<vmem>>
    %dma_wait3A_374 = arith.constant 256 : i32
    %dma_wait3A_375 = tpu.memref_slice %arg6[%dma_wait3A_367, %dma_wait3A_374] : memref<4x400xi32, #tpu.memory_space<vmem>> -> memref<1x128xi32, #tpu.memory_space<vmem>>
    %dma_wait3A_376 = tpu.memref_squeeze %dma_wait3A_375 : memref<1x128xi32, #tpu.memory_space<vmem>> -> memref<128xi32, #tpu.memory_space<vmem>>
    %dma_wait3A_377 = arith.constant 0 : i32
    %dma_wait3A_378 = arith.constant 0 : i32
    %dma_wait3A_379 = tpu.memref_slice %arg4[%dma_wait3A_377, %dma_wait3A_378] : memref<100000x64xf32, #tpu.memory_space<hbm>> -> memref<100000x64xf32, #tpu.memory_space<hbm>>
    %dma_wait3A_380 = tpu.memref_slice %arg9[%dma_wait3A_369] : memref<4x!tpu.dma_semaphore, #tpu.memory_space<semaphore_mem>> -> memref<1x!tpu.dma_semaphore, #tpu.memory_space<semaphore_mem>>
    %dma_wait3A_381 = tpu.memref_squeeze %dma_wait3A_380 : memref<1x!tpu.dma_semaphore, #tpu.memory_space<semaphore_mem>> -> memref<!tpu.dma_semaphore, #tpu.memory_space<semaphore_mem>>
    tpu.wait_indirect_dma semaphore(%dma_wait3A_381 : memref<!tpu.dma_semaphore, #tpu.memory_space<semaphore_mem>>) src(%dma_wait3A_379 : memref<100000x64xf32, #tpu.memory_space<hbm>>) dst(%dma_wait3A_373 : memref<128x64xf32, #tpu.memory_space<vmem>>)
    %dma_wait3A_382 = arith.constant 1 : i32
    %dma_wait3A_383 = arith.constant 1 : i32
    %dma_wait3A_384 = arith.constant 1 : i32
    %dma_wait3A_385 = arith.constant 384 : i32
    %dma_wait3A_386 = arith.constant 0 : i32
    %dma_wait3A_387 = tpu.memref_slice %arg7[%dma_wait3A_383, %dma_wait3A_385, %dma_wait3A_386] : memref<4x400x64xf32, #tpu.memory_space<vmem>> -> memref<1x16x64xf32, #tpu.memory_space<vmem>>
    %dma_wait3A_388 = tpu.memref_squeeze %dma_wait3A_387 : memref<1x16x64xf32, #tpu.memory_space<vmem>> -> memref<16x64xf32, #tpu.memory_space<vmem>>
    %dma_wait3A_389 = arith.constant 384 : i32
    %dma_wait3A_390 = tpu.memref_slice %arg6[%dma_wait3A_382, %dma_wait3A_389] : memref<4x400xi32, #tpu.memory_space<vmem>> -> memref<1x16xi32, #tpu.memory_space<vmem>>
    %dma_wait3A_391 = tpu.memref_squeeze %dma_wait3A_390 : memref<1x16xi32, #tpu.memory_space<vmem>> -> memref<16xi32, #tpu.memory_space<vmem>>
    %dma_wait3A_392 = arith.constant 0 : i32
    %dma_wait3A_393 = arith.constant 0 : i32
    %dma_wait3A_394 = tpu.memref_slice %arg4[%dma_wait3A_392, %dma_wait3A_393] : memref<100000x64xf32, #tpu.memory_space<hbm>> -> memref<100000x64xf32, #tpu.memory_space<hbm>>
    %dma_wait3A_395 = tpu.memref_slice %arg9[%dma_wait3A_384] : memref<4x!tpu.dma_semaphore, #tpu.memory_space<semaphore_mem>> -> memref<1x!tpu.dma_semaphore, #tpu.memory_space<semaphore_mem>>
    %dma_wait3A_396 = tpu.memref_squeeze %dma_wait3A_395 : memref<1x!tpu.dma_semaphore, #tpu.memory_space<semaphore_mem>> -> memref<!tpu.dma_semaphore, #tpu.memory_space<semaphore_mem>>
    tpu.wait_indirect_dma semaphore(%dma_wait3A_396 : memref<!tpu.dma_semaphore, #tpu.memory_space<semaphore_mem>>) src(%dma_wait3A_394 : memref<100000x64xf32, #tpu.memory_space<hbm>>) dst(%dma_wait3A_388 : memref<16x64xf32, #tpu.memory_space<vmem>>)
    %parallel_loop3A_397 = arith.constant 0 : i32
    %parallel_loop3A_398 = arith.constant 200 : i32
    %parallel_loop3A_399 = arith.constant 1 : i32
    scf.for %parallel_loop3A_652 = %parallel_loop3A_397 to %parallel_loop3A_398 step %parallel_loop3A_399  : i32 {
      %parallel_loop3A_653 = arith.constant 64 : i32
      %parallel_loop3A_654 = arith.muli %parallel_loop3A_652, %parallel_loop3A_653 : i32
      %parallel_loop3A_655 = arith.constant 0 : i32
      %parallel_loop3A_656 = arith.addi %parallel_loop3A_654, %parallel_loop3A_655 : i32
      %parallel_loop3A_657 = arith.constant 0 : i32
      %parallel_loop3A_658 = arith.addi %parallel_loop3A_652, %parallel_loop3A_657 : i32
      %parallel_loop3A_659 = arith.constant 1 : i32
      %parallel_loop3A_660 = arith.index_cast %parallel_loop3A_659 : i32 to index
      %parallel_loop3A_661 = arith.index_cast %parallel_loop3A_658 : i32 to index
      %parallel_loop3A_662 = arith.constant 0 : index
      %parallel_loop3A_663 = tpu.vector_load %arg7[%parallel_loop3A_660, %parallel_loop3A_661, %parallel_loop3A_662] {strides = array<i32>} : memref<4x400x64xf32, #tpu.memory_space<vmem>>, vector<1x1x16xf32>,
      %parallel_loop3A_664 = vector.shape_cast %parallel_loop3A_663 : vector<1x1x16xf32> to vector<16xf32>
      %parallel_loop3A_665 = arith.index_cast %parallel_loop3A_656 : i32 to index
      %parallel_loop3A_666 = tpu.vector_load %arg8[%parallel_loop3A_665] {strides = array<i32>} : memref<12800xf32, #tpu.memory_space<vmem>>, vector<16xf32>,
      %parallel_loop3A_667 = vector.shape_cast %parallel_loop3A_666 : vector<16xf32> to vector<16xf32>
      %parallel_loop3A_668 = arith.addf %parallel_loop3A_664, %parallel_loop3A_667 : vector<16xf32>
      %parallel_loop3A_669 = arith.constant 0 : i32
      %parallel_loop3A_670 = arith.addi %parallel_loop3A_652, %parallel_loop3A_669 : i32
      %parallel_loop3A_671 = arith.constant 1 : i32
      %parallel_loop3A_672 = arith.index_cast %parallel_loop3A_671 : i32 to index
      %parallel_loop3A_673 = arith.index_cast %parallel_loop3A_670 : i32 to index
      %parallel_loop3A_674 = arith.constant 0 : index
      %parallel_loop3A_675 = tpu.vector_load %arg7[%parallel_loop3A_672, %parallel_loop3A_673, %parallel_loop3A_674] {strides = array<i32>} : memref<4x400x64xf32, #tpu.memory_space<vmem>>, vector<1x1x16xf32>,
      %parallel_loop3A_676 = vector.shape_cast %parallel_loop3A_675 : vector<1x1x16xf32> to vector<16xf32>
      %parallel_loop3A_677 = vector.shape_cast %parallel_loop3A_668 : vector<16xf32> to vector<1x1x16xf32>
      tpu.vector_store %arg7[%parallel_loop3A_672, %parallel_loop3A_673, %parallel_loop3A_674], %parallel_loop3A_677 {strides = array<i32>} : memref<4x400x64xf32, #tpu.memory_space<vmem>>, vector<1x1x16xf32>,
      %parallel_loop3A_678 = arith.constant 64 : i32
      %parallel_loop3A_679 = arith.muli %parallel_loop3A_652, %parallel_loop3A_678 : i32
      %parallel_loop3A_680 = arith.constant 16 : i32
      %parallel_loop3A_681 = arith.addi %parallel_loop3A_679, %parallel_loop3A_680 : i32
      %parallel_loop3A_682 = arith.constant 0 : i32
      %parallel_loop3A_683 = arith.addi %parallel_loop3A_652, %parallel_loop3A_682 : i32
      %parallel_loop3A_684 = arith.constant 1 : i32
      %parallel_loop3A_685 = arith.index_cast %parallel_loop3A_684 : i32 to index
      %parallel_loop3A_686 = arith.index_cast %parallel_loop3A_683 : i32 to index
      %parallel_loop3A_687 = arith.constant 16 : index
      %parallel_loop3A_688 = tpu.vector_load %arg7[%parallel_loop3A_685, %parallel_loop3A_686, %parallel_loop3A_687] {strides = array<i32>} : memref<4x400x64xf32, #tpu.memory_space<vmem>>, vector<1x1x16xf32>,
      %parallel_loop3A_689 = vector.shape_cast %parallel_loop3A_688 : vector<1x1x16xf32> to vector<16xf32>
      %parallel_loop3A_690 = arith.index_cast %parallel_loop3A_681 : i32 to index
      %parallel_loop3A_691 = tpu.vector_load %arg8[%parallel_loop3A_690] {strides = array<i32>} : memref<12800xf32, #tpu.memory_space<vmem>>, vector<16xf32>,
      %parallel_loop3A_692 = vector.shape_cast %parallel_loop3A_691 : vector<16xf32> to vector<16xf32>
      %parallel_loop3A_693 = arith.addf %parallel_loop3A_689, %parallel_loop3A_692 : vector<16xf32>
      %parallel_loop3A_694 = arith.constant 0 : i32
      %parallel_loop3A_695 = arith.addi %parallel_loop3A_652, %parallel_loop3A_694 : i32
      %parallel_loop3A_696 = arith.constant 1 : i32
      %parallel_loop3A_697 = arith.index_cast %parallel_loop3A_696 : i32 to index
      %parallel_loop3A_698 = arith.index_cast %parallel_loop3A_695 : i32 to index
      %parallel_loop3A_699 = arith.constant 16 : index
      %parallel_loop3A_700 = tpu.vector_load %arg7[%parallel_loop3A_697, %parallel_loop3A_698, %parallel_loop3A_699] {strides = array<i32>} : memref<4x400x64xf32, #tpu.memory_space<vmem>>, vector<1x1x16xf32>,
      %parallel_loop3A_701 = vector.shape_cast %parallel_loop3A_700 : vector<1x1x16xf32> to vector<16xf32>
      %parallel_loop3A_702 = vector.shape_cast %parallel_loop3A_693 : vector<16xf32> to vector<1x1x16xf32>
      tpu.vector_store %arg7[%parallel_loop3A_697, %parallel_loop3A_698, %parallel_loop3A_699], %parallel_loop3A_702 {strides = array<i32>} : memref<4x400x64xf32, #tpu.memory_space<vmem>>, vector<1x1x16xf32>,
      %parallel_loop3A_703 = arith.constant 64 : i32
      %parallel_loop3A_704 = arith.muli %parallel_loop3A_652, %parallel_loop3A_703 : i32
      %parallel_loop3A_705 = arith.constant 32 : i32
      %parallel_loop3A_706 = arith.addi %parallel_loop3A_704, %parallel_loop3A_705 : i32
      %parallel_loop3A_707 = arith.constant 0 : i32
      %parallel_loop3A_708 = arith.addi %parallel_loop3A_652, %parallel_loop3A_707 : i32
      %parallel_loop3A_709 = arith.constant 1 : i32
      %parallel_loop3A_710 = arith.index_cast %parallel_loop3A_709 : i32 to index
      %parallel_loop3A_711 = arith.index_cast %parallel_loop3A_708 : i32 to index
      %parallel_loop3A_712 = arith.constant 32 : index
      %parallel_loop3A_713 = tpu.vector_load %arg7[%parallel_loop3A_710, %parallel_loop3A_711, %parallel_loop3A_712] {strides = array<i32>} : memref<4x400x64xf32, #tpu.memory_space<vmem>>, vector<1x1x16xf32>,
      %parallel_loop3A_714 = vector.shape_cast %parallel_loop3A_713 : vector<1x1x16xf32> to vector<16xf32>
      %parallel_loop3A_715 = arith.index_cast %parallel_loop3A_706 : i32 to index
      %parallel_loop3A_716 = tpu.vector_load %arg8[%parallel_loop3A_715] {strides = array<i32>} : memref<12800xf32, #tpu.memory_space<vmem>>, vector<16xf32>,
      %parallel_loop3A_717 = vector.shape_cast %parallel_loop3A_716 : vector<16xf32> to vector<16xf32>
      %parallel_loop3A_718 = arith.addf %parallel_loop3A_714, %parallel_loop3A_717 : vector<16xf32>
      %parallel_loop3A_719 = arith.constant 0 : i32
      %parallel_loop3A_720 = arith.addi %parallel_loop3A_652, %parallel_loop3A_719 : i32
      %parallel_loop3A_721 = arith.constant 1 : i32
      %parallel_loop3A_722 = arith.index_cast %parallel_loop3A_721 : i32 to index
      %parallel_loop3A_723 = arith.index_cast %parallel_loop3A_720 : i32 to index
      %parallel_loop3A_724 = arith.constant 32 : index
      %parallel_loop3A_725 = tpu.vector_load %arg7[%parallel_loop3A_722, %parallel_loop3A_723, %parallel_loop3A_724] {strides = array<i32>} : memref<4x400x64xf32, #tpu.memory_space<vmem>>, vector<1x1x16xf32>,
      %parallel_loop3A_726 = vector.shape_cast %parallel_loop3A_725 : vector<1x1x16xf32> to vector<16xf32>
      %parallel_loop3A_727 = vector.shape_cast %parallel_loop3A_718 : vector<16xf32> to vector<1x1x16xf32>
      tpu.vector_store %arg7[%parallel_loop3A_722, %parallel_loop3A_723, %parallel_loop3A_724], %parallel_loop3A_727 {strides = array<i32>} : memref<4x400x64xf32, #tpu.memory_space<vmem>>, vector<1x1x16xf32>,
      %parallel_loop3A_728 = arith.constant 64 : i32
      %parallel_loop3A_729 = arith.muli %parallel_loop3A_652, %parallel_loop3A_728 : i32
      %parallel_loop3A_730 = arith.constant 48 : i32
      %parallel_loop3A_731 = arith.addi %parallel_loop3A_729, %parallel_loop3A_730 : i32
      %parallel_loop3A_732 = arith.constant 0 : i32
      %parallel_loop3A_733 = arith.addi %parallel_loop3A_652, %parallel_loop3A_732 : i32
      %parallel_loop3A_734 = arith.constant 1 : i32
      %parallel_loop3A_735 = arith.index_cast %parallel_loop3A_734 : i32 to index
      %parallel_loop3A_736 = arith.index_cast %parallel_loop3A_733 : i32 to index
      %parallel_loop3A_737 = arith.constant 48 : index
      %parallel_loop3A_738 = tpu.vector_load %arg7[%parallel_loop3A_735, %parallel_loop3A_736, %parallel_loop3A_737] {strides = array<i32>} : memref<4x400x64xf32, #tpu.memory_space<vmem>>, vector<1x1x16xf32>,
      %parallel_loop3A_739 = vector.shape_cast %parallel_loop3A_738 : vector<1x1x16xf32> to vector<16xf32>
      %parallel_loop3A_740 = arith.index_cast %parallel_loop3A_731 : i32 to index
      %parallel_loop3A_741 = tpu.vector_load %arg8[%parallel_loop3A_740] {strides = array<i32>} : memref<12800xf32, #tpu.memory_space<vmem>>, vector<16xf32>,
      %parallel_loop3A_742 = vector.shape_cast %parallel_loop3A_741 : vector<16xf32> to vector<16xf32>
      %parallel_loop3A_743 = arith.addf %parallel_loop3A_739, %parallel_loop3A_742 : vector<16xf32>
      %parallel_loop3A_744 = arith.constant 0 : i32
      %parallel_loop3A_745 = arith.addi %parallel_loop3A_652, %parallel_loop3A_744 : i32
      %parallel_loop3A_746 = arith.constant 1 : i32
      %parallel_loop3A_747 = arith.index_cast %parallel_loop3A_746 : i32 to index
      %parallel_loop3A_748 = arith.index_cast %parallel_loop3A_745 : i32 to index
      %parallel_loop3A_749 = arith.constant 48 : index
      %parallel_loop3A_750 = tpu.vector_load %arg7[%parallel_loop3A_747, %parallel_loop3A_748, %parallel_loop3A_749] {strides = array<i32>} : memref<4x400x64xf32, #tpu.memory_space<vmem>>, vector<1x1x16xf32>,
      %parallel_loop3A_751 = vector.shape_cast %parallel_loop3A_750 : vector<1x1x16xf32> to vector<16xf32>
      %parallel_loop3A_752 = vector.shape_cast %parallel_loop3A_743 : vector<16xf32> to vector<1x1x16xf32>
      tpu.vector_store %arg7[%parallel_loop3A_747, %parallel_loop3A_748, %parallel_loop3A_749], %parallel_loop3A_752 {strides = array<i32>} : memref<4x400x64xf32, #tpu.memory_space<vmem>>, vector<1x1x16xf32>,
      %parallel_loop3A_753 = arith.constant 64 : i32
      %parallel_loop3A_754 = arith.muli %parallel_loop3A_652, %parallel_loop3A_753 : i32
      %parallel_loop3A_755 = arith.constant 0 : i32
      %parallel_loop3A_756 = arith.addi %parallel_loop3A_754, %parallel_loop3A_755 : i32
      %parallel_loop3A_757 = arith.constant 200 : i32
      %parallel_loop3A_758 = arith.addi %parallel_loop3A_652, %parallel_loop3A_757 : i32
      %parallel_loop3A_759 = arith.constant 1 : i32
      %parallel_loop3A_760 = arith.index_cast %parallel_loop3A_759 : i32 to index
      %parallel_loop3A_761 = arith.index_cast %parallel_loop3A_758 : i32 to index
      %parallel_loop3A_762 = arith.constant 0 : index
      %parallel_loop3A_763 = tpu.vector_load %arg7[%parallel_loop3A_760, %parallel_loop3A_761, %parallel_loop3A_762] {strides = array<i32>} : memref<4x400x64xf32, #tpu.memory_space<vmem>>, vector<1x1x16xf32>,
      %parallel_loop3A_764 = vector.shape_cast %parallel_loop3A_763 : vector<1x1x16xf32> to vector<16xf32>
      %parallel_loop3A_765 = arith.index_cast %parallel_loop3A_756 : i32 to index
      %parallel_loop3A_766 = tpu.vector_load %arg8[%parallel_loop3A_765] {strides = array<i32>} : memref<12800xf32, #tpu.memory_space<vmem>>, vector<16xf32>,
      %parallel_loop3A_767 = vector.shape_cast %parallel_loop3A_766 : vector<16xf32> to vector<16xf32>
      %parallel_loop3A_768 = arith.addf %parallel_loop3A_764, %parallel_loop3A_767 : vector<16xf32>
      %parallel_loop3A_769 = arith.constant 200 : i32
      %parallel_loop3A_770 = arith.addi %parallel_loop3A_652, %parallel_loop3A_769 : i32
      %parallel_loop3A_771 = arith.constant 1 : i32
      %parallel_loop3A_772 = arith.index_cast %parallel_loop3A_771 : i32 to index
      %parallel_loop3A_773 = arith.index_cast %parallel_loop3A_770 : i32 to index
      %parallel_loop3A_774 = arith.constant 0 : index
      %parallel_loop3A_775 = tpu.vector_load %arg7[%parallel_loop3A_772, %parallel_loop3A_773, %parallel_loop3A_774] {strides = array<i32>} : memref<4x400x64xf32, #tpu.memory_space<vmem>>, vector<1x1x16xf32>,
      %parallel_loop3A_776 = vector.shape_cast %parallel_loop3A_775 : vector<1x1x16xf32> to vector<16xf32>
      %parallel_loop3A_777 = vector.shape_cast %parallel_loop3A_768 : vector<16xf32> to vector<1x1x16xf32>
      tpu.vector_store %arg7[%parallel_loop3A_772, %parallel_loop3A_773, %parallel_loop3A_774], %parallel_loop3A_777 {strides = array<i32>} : memref<4x400x64xf32, #tpu.memory_space<vmem>>, vector<1x1x16xf32>,
      %parallel_loop3A_778 = arith.constant 64 : i32
      %parallel_loop3A_779 = arith.muli %parallel_loop3A_652, %parallel_loop3A_778 : i32
      %parallel_loop3A_780 = arith.constant 16 : i32
      %parallel_loop3A_781 = arith.addi %parallel_loop3A_779, %parallel_loop3A_780 : i32
      %parallel_loop3A_782 = arith.constant 200 : i32
      %parallel_loop3A_783 = arith.addi %parallel_loop3A_652, %parallel_loop3A_782 : i32
      %parallel_loop3A_784 = arith.constant 1 : i32
      %parallel_loop3A_785 = arith.index_cast %parallel_loop3A_784 : i32 to index
      %parallel_loop3A_786 = arith.index_cast %parallel_loop3A_783 : i32 to index
      %parallel_loop3A_787 = arith.constant 16 : index
      %parallel_loop3A_788 = tpu.vector_load %arg7[%parallel_loop3A_785, %parallel_loop3A_786, %parallel_loop3A_787] {strides = array<i32>} : memref<4x400x64xf32, #tpu.memory_space<vmem>>, vector<1x1x16xf32>,
      %parallel_loop3A_789 = vector.shape_cast %parallel_loop3A_788 : vector<1x1x16xf32> to vector<16xf32>
      %parallel_loop3A_790 = arith.index_cast %parallel_loop3A_781 : i32 to index
      %parallel_loop3A_791 = tpu.vector_load %arg8[%parallel_loop3A_790] {strides = array<i32>} : memref<12800xf32, #tpu.memory_space<vmem>>, vector<16xf32>,
      %parallel_loop3A_792 = vector.shape_cast %parallel_loop3A_791 : vector<16xf32> to vector<16xf32>
      %parallel_loop3A_793 = arith.addf %parallel_loop3A_789, %parallel_loop3A_792 : vector<16xf32>
      %parallel_loop3A_794 = arith.constant 200 : i32
      %parallel_loop3A_795 = arith.addi %parallel_loop3A_652, %parallel_loop3A_794 : i32
      %parallel_loop3A_796 = arith.constant 1 : i32
      %parallel_loop3A_797 = arith.index_cast %parallel_loop3A_796 : i32 to index
      %parallel_loop3A_798 = arith.index_cast %parallel_loop3A_795 : i32 to index
      %parallel_loop3A_799 = arith.constant 16 : index
      %parallel_loop3A_800 = tpu.vector_load %arg7[%parallel_loop3A_797, %parallel_loop3A_798, %parallel_loop3A_799] {strides = array<i32>} : memref<4x400x64xf32, #tpu.memory_space<vmem>>, vector<1x1x16xf32>,
      %parallel_loop3A_801 = vector.shape_cast %parallel_loop3A_800 : vector<1x1x16xf32> to vector<16xf32>
      %parallel_loop3A_802 = vector.shape_cast %parallel_loop3A_793 : vector<16xf32> to vector<1x1x16xf32>
      tpu.vector_store %arg7[%parallel_loop3A_797, %parallel_loop3A_798, %parallel_loop3A_799], %parallel_loop3A_802 {strides = array<i32>} : memref<4x400x64xf32, #tpu.memory_space<vmem>>, vector<1x1x16xf32>,
      %parallel_loop3A_803 = arith.constant 64 : i32
      %parallel_loop3A_804 = arith.muli %parallel_loop3A_652, %parallel_loop3A_803 : i32
      %parallel_loop3A_805 = arith.constant 32 : i32
      %parallel_loop3A_806 = arith.addi %parallel_loop3A_804, %parallel_loop3A_805 : i32
      %parallel_loop3A_807 = arith.constant 200 : i32
      %parallel_loop3A_808 = arith.addi %parallel_loop3A_652, %parallel_loop3A_807 : i32
      %parallel_loop3A_809 = arith.constant 1 : i32
      %parallel_loop3A_810 = arith.index_cast %parallel_loop3A_809 : i32 to index
      %parallel_loop3A_811 = arith.index_cast %parallel_loop3A_808 : i32 to index
      %parallel_loop3A_812 = arith.constant 32 : index
      %parallel_loop3A_813 = tpu.vector_load %arg7[%parallel_loop3A_810, %parallel_loop3A_811, %parallel_loop3A_812] {strides = array<i32>} : memref<4x400x64xf32, #tpu.memory_space<vmem>>, vector<1x1x16xf32>,
      %parallel_loop3A_814 = vector.shape_cast %parallel_loop3A_813 : vector<1x1x16xf32> to vector<16xf32>
      %parallel_loop3A_815 = arith.index_cast %parallel_loop3A_806 : i32 to index
      %parallel_loop3A_816 = tpu.vector_load %arg8[%parallel_loop3A_815] {strides = array<i32>} : memref<12800xf32, #tpu.memory_space<vmem>>, vector<16xf32>,
      %parallel_loop3A_817 = vector.shape_cast %parallel_loop3A_816 : vector<16xf32> to vector<16xf32>
      %parallel_loop3A_818 = arith.addf %parallel_loop3A_814, %parallel_loop3A_817 : vector<16xf32>
      %parallel_loop3A_819 = arith.constant 200 : i32
      %parallel_loop3A_820 = arith.addi %parallel_loop3A_652, %parallel_loop3A_819 : i32
      %parallel_loop3A_821 = arith.constant 1 : i32
      %parallel_loop3A_822 = arith.index_cast %parallel_loop3A_821 : i32 to index
      %parallel_loop3A_823 = arith.index_cast %parallel_loop3A_820 : i32 to index
      %parallel_loop3A_824 = arith.constant 32 : index
      %parallel_loop3A_825 = tpu.vector_load %arg7[%parallel_loop3A_822, %parallel_loop3A_823, %parallel_loop3A_824] {strides = array<i32>} : memref<4x400x64xf32, #tpu.memory_space<vmem>>, vector<1x1x16xf32>,
      %parallel_loop3A_826 = vector.shape_cast %parallel_loop3A_825 : vector<1x1x16xf32> to vector<16xf32>
      %parallel_loop3A_827 = vector.shape_cast %parallel_loop3A_818 : vector<16xf32> to vector<1x1x16xf32>
      tpu.vector_store %arg7[%parallel_loop3A_822, %parallel_loop3A_823, %parallel_loop3A_824], %parallel_loop3A_827 {strides = array<i32>} : memref<4x400x64xf32, #tpu.memory_space<vmem>>, vector<1x1x16xf32>,
      %parallel_loop3A_828 = arith.constant 64 : i32
      %parallel_loop3A_829 = arith.muli %parallel_loop3A_652, %parallel_loop3A_828 : i32
      %parallel_loop3A_830 = arith.constant 48 : i32
      %parallel_loop3A_831 = arith.addi %parallel_loop3A_829, %parallel_loop3A_830 : i32
      %parallel_loop3A_832 = arith.constant 200 : i32
      %parallel_loop3A_833 = arith.addi %parallel_loop3A_652, %parallel_loop3A_832 : i32
      %parallel_loop3A_834 = arith.constant 1 : i32
      %parallel_loop3A_835 = arith.index_cast %parallel_loop3A_834 : i32 to index
      %parallel_loop3A_836 = arith.index_cast %parallel_loop3A_833 : i32 to index
      %parallel_loop3A_837 = arith.constant 48 : index
      %parallel_loop3A_838 = tpu.vector_load %arg7[%parallel_loop3A_835, %parallel_loop3A_836, %parallel_loop3A_837] {strides = array<i32>} : memref<4x400x64xf32, #tpu.memory_space<vmem>>, vector<1x1x16xf32>,
      %parallel_loop3A_839 = vector.shape_cast %parallel_loop3A_838 : vector<1x1x16xf32> to vector<16xf32>
      %parallel_loop3A_840 = arith.index_cast %parallel_loop3A_831 : i32 to index
      %parallel_loop3A_841 = tpu.vector_load %arg8[%parallel_loop3A_840] {strides = array<i32>} : memref<12800xf32, #tpu.memory_space<vmem>>, vector<16xf32>,
      %parallel_loop3A_842 = vector.shape_cast %parallel_loop3A_841 : vector<16xf32> to vector<16xf32>
      %parallel_loop3A_843 = arith.addf %parallel_loop3A_839, %parallel_loop3A_842 : vector<16xf32>
      %parallel_loop3A_844 = arith.constant 200 : i32
      %parallel_loop3A_845 = arith.addi %parallel_loop3A_652, %parallel_loop3A_844 : i32
      %parallel_loop3A_846 = arith.constant 1 : i32
      %parallel_loop3A_847 = arith.index_cast %parallel_loop3A_846 : i32 to index
      %parallel_loop3A_848 = arith.index_cast %parallel_loop3A_845 : i32 to index
      %parallel_loop3A_849 = arith.constant 48 : index
      %parallel_loop3A_850 = tpu.vector_load %arg7[%parallel_loop3A_847, %parallel_loop3A_848, %parallel_loop3A_849] {strides = array<i32>} : memref<4x400x64xf32, #tpu.memory_space<vmem>>, vector<1x1x16xf32>,
      %parallel_loop3A_851 = vector.shape_cast %parallel_loop3A_850 : vector<1x1x16xf32> to vector<16xf32>
      %parallel_loop3A_852 = vector.shape_cast %parallel_loop3A_843 : vector<16xf32> to vector<1x1x16xf32>
      tpu.vector_store %arg7[%parallel_loop3A_847, %parallel_loop3A_848, %parallel_loop3A_849], %parallel_loop3A_852 {strides = array<i32>} : memref<4x400x64xf32, #tpu.memory_space<vmem>>, vector<1x1x16xf32>,
    } {sc.loop_unroll_factor = 2 : i64, sc.parallel_access}
    %add3A_400 = arith.constant 24400 : i32
    %add3A_401 = arith.addi %mul3A_2, %add3A_400 : i32
    %dma_start3A_402 = arith.constant 1 : i32
    %dma_start3A_403 = arith.constant 1 : i32
    %dma_start3A_404 = arith.constant 0 : i32
    %dma_start3A_405 = arith.constant 0 : i32
    %dma_start3A_406 = tpu.memref_slice %arg7[%dma_start3A_402, %dma_start3A_404, %dma_start3A_405] : memref<4x400x64xf32, #tpu.memory_space<vmem>> -> memref<1x400x64xf32, #tpu.memory_space<vmem>>
    %dma_start3A_407 = tpu.memref_squeeze %dma_start3A_406 : memref<1x400x64xf32, #tpu.memory_space<vmem>> -> memref<400x64xf32, #tpu.memory_space<vmem>>
    %dma_start3A_408 = arith.constant 0 : i32
    %dma_start3A_409 = tpu.memref_slice %arg5[%add3A_401, %dma_start3A_408] : memref<819200x128xf32, #tpu.memory_space<hbm>> -> memref<400x64xf32, #tpu.memory_space<hbm>>
    %dma_start3A_410 = tpu.memref_slice %arg10[%dma_start3A_403] : memref<4x!tpu.dma_semaphore, #tpu.memory_space<semaphore_mem>> -> memref<1x!tpu.dma_semaphore, #tpu.memory_space<semaphore_mem>>
    %dma_start3A_411 = tpu.memref_squeeze %dma_start3A_410 : memref<1x!tpu.dma_semaphore, #tpu.memory_space<semaphore_mem>> -> memref<!tpu.dma_semaphore, #tpu.memory_space<semaphore_mem>>
    %dma_start3A_412 = arith.constant 0 : i32
    %dma_start3A_413 = tpu.memref_slice %arg5[%add3A_401, %dma_start3A_412] : memref<819200x128xf32, #tpu.memory_space<hbm>> -> memref<400x64xf32, #tpu.memory_space<hbm>>
    %dma_start3A_414 = arith.constant 0 : i32
    %dma_start3A_415 = arith.constant 0 : i32
    %dma_start3A_416 = tpu.memref_slice %arg7[%dma_start3A_402, %dma_start3A_414, %dma_start3A_415] : memref<4x400x64xf32, #tpu.memory_space<vmem>> -> memref<1x400x64xf32, #tpu.memory_space<vmem>>
    %dma_start3A_417 = tpu.memref_squeeze %dma_start3A_416 : memref<1x400x64xf32, #tpu.memory_space<vmem>> -> memref<400x64xf32, #tpu.memory_space<vmem>>
    tpu.enqueue_dma source(%dma_start3A_417 : memref<400x64xf32, #tpu.memory_space<vmem>>) target(%dma_start3A_413 : memref<400x64xf32, #tpu.memory_space<hbm>>) target_semaphore(%dma_start3A_411 : memref<!tpu.dma_semaphore, #tpu.memory_space<semaphore_mem>>)
    %dma_wait3A_418 = arith.constant 2 : i32
    %dma_wait3A_419 = arith.constant 2 : i32
    %dma_wait3A_420 = arith.constant 2 : i32
    %dma_wait3A_421 = arith.constant 0 : i32
    %dma_wait3A_422 = arith.constant 0 : i32
    %dma_wait3A_423 = tpu.memref_slice %arg7[%dma_wait3A_419, %dma_wait3A_421, %dma_wait3A_422] : memref<4x400x64xf32, #tpu.memory_space<vmem>> -> memref<1x128x64xf32, #tpu.memory_space<vmem>>
    %dma_wait3A_424 = tpu.memref_squeeze %dma_wait3A_423 : memref<1x128x64xf32, #tpu.memory_space<vmem>> -> memref<128x64xf32, #tpu.memory_space<vmem>>
    %dma_wait3A_425 = arith.constant 0 : i32
    %dma_wait3A_426 = tpu.memref_slice %arg6[%dma_wait3A_418, %dma_wait3A_425] : memref<4x400xi32, #tpu.memory_space<vmem>> -> memref<1x128xi32, #tpu.memory_space<vmem>>
    %dma_wait3A_427 = tpu.memref_squeeze %dma_wait3A_426 : memref<1x128xi32, #tpu.memory_space<vmem>> -> memref<128xi32, #tpu.memory_space<vmem>>
    %dma_wait3A_428 = arith.constant 0 : i32
    %dma_wait3A_429 = arith.constant 0 : i32
    %dma_wait3A_430 = tpu.memref_slice %arg4[%dma_wait3A_428, %dma_wait3A_429] : memref<100000x64xf32, #tpu.memory_space<hbm>> -> memref<100000x64xf32, #tpu.memory_space<hbm>>
    %dma_wait3A_431 = tpu.memref_slice %arg9[%dma_wait3A_420] : memref<4x!tpu.dma_semaphore, #tpu.memory_space<semaphore_mem>> -> memref<1x!tpu.dma_semaphore, #tpu.memory_space<semaphore_mem>>
    %dma_wait3A_432 = tpu.memref_squeeze %dma_wait3A_431 : memref<1x!tpu.dma_semaphore, #tpu.memory_space<semaphore_mem>> -> memref<!tpu.dma_semaphore, #tpu.memory_space<semaphore_mem>>
    tpu.wait_indirect_dma semaphore(%dma_wait3A_432 : memref<!tpu.dma_semaphore, #tpu.memory_space<semaphore_mem>>) src(%dma_wait3A_430 : memref<100000x64xf32, #tpu.memory_space<hbm>>) dst(%dma_wait3A_424 : memref<128x64xf32, #tpu.memory_space<vmem>>)
    %dma_wait3A_433 = arith.constant 2 : i32
    %dma_wait3A_434 = arith.constant 2 : i32
    %dma_wait3A_435 = arith.constant 2 : i32
    %dma_wait3A_436 = arith.constant 128 : i32
    %dma_wait3A_437 = arith.constant 0 : i32
    %dma_wait3A_438 = tpu.memref_slice %arg7[%dma_wait3A_434, %dma_wait3A_436, %dma_wait3A_437] : memref<4x400x64xf32, #tpu.memory_space<vmem>> -> memref<1x128x64xf32, #tpu.memory_space<vmem>>
    %dma_wait3A_439 = tpu.memref_squeeze %dma_wait3A_438 : memref<1x128x64xf32, #tpu.memory_space<vmem>> -> memref<128x64xf32, #tpu.memory_space<vmem>>
    %dma_wait3A_440 = arith.constant 128 : i32
    %dma_wait3A_441 = tpu.memref_slice %arg6[%dma_wait3A_433, %dma_wait3A_440] : memref<4x400xi32, #tpu.memory_space<vmem>> -> memref<1x128xi32, #tpu.memory_space<vmem>>
    %dma_wait3A_442 = tpu.memref_squeeze %dma_wait3A_441 : memref<1x128xi32, #tpu.memory_space<vmem>> -> memref<128xi32, #tpu.memory_space<vmem>>
    %dma_wait3A_443 = arith.constant 0 : i32
    %dma_wait3A_444 = arith.constant 0 : i32
    %dma_wait3A_445 = tpu.memref_slice %arg4[%dma_wait3A_443, %dma_wait3A_444] : memref<100000x64xf32, #tpu.memory_space<hbm>> -> memref<100000x64xf32, #tpu.memory_space<hbm>>
    %dma_wait3A_446 = tpu.memref_slice %arg9[%dma_wait3A_435] : memref<4x!tpu.dma_semaphore, #tpu.memory_space<semaphore_mem>> -> memref<1x!tpu.dma_semaphore, #tpu.memory_space<semaphore_mem>>
    %dma_wait3A_447 = tpu.memref_squeeze %dma_wait3A_446 : memref<1x!tpu.dma_semaphore, #tpu.memory_space<semaphore_mem>> -> memref<!tpu.dma_semaphore, #tpu.memory_space<semaphore_mem>>
    tpu.wait_indirect_dma semaphore(%dma_wait3A_447 : memref<!tpu.dma_semaphore, #tpu.memory_space<semaphore_mem>>) src(%dma_wait3A_445 : memref<100000x64xf32, #tpu.memory_space<hbm>>) dst(%dma_wait3A_439 : memref<128x64xf32, #tpu.memory_space<vmem>>)
    %dma_wait3A_448 = arith.constant 2 : i32
    %dma_wait3A_449 = arith.constant 2 : i32
    %dma_wait3A_450 = arith.constant 2 : i32
    %dma_wait3A_451 = arith.constant 256 : i32
    %dma_wait3A_452 = arith.constant 0 : i32
    %dma_wait3A_453 = tpu.memref_slice %arg7[%dma_wait3A_449, %dma_wait3A_451, %dma_wait3A_452] : memref<4x400x64xf32, #tpu.memory_space<vmem>> -> memref<1x128x64xf32, #tpu.memory_space<vmem>>
    %dma_wait3A_454 = tpu.memref_squeeze %dma_wait3A_453 : memref<1x128x64xf32, #tpu.memory_space<vmem>> -> memref<128x64xf32, #tpu.memory_space<vmem>>
    %dma_wait3A_455 = arith.constant 256 : i32
    %dma_wait3A_456 = tpu.memref_slice %arg6[%dma_wait3A_448, %dma_wait3A_455] : memref<4x400xi32, #tpu.memory_space<vmem>> -> memref<1x128xi32, #tpu.memory_space<vmem>>
    %dma_wait3A_457 = tpu.memref_squeeze %dma_wait3A_456 : memref<1x128xi32, #tpu.memory_space<vmem>> -> memref<128xi32, #tpu.memory_space<vmem>>
    %dma_wait3A_458 = arith.constant 0 : i32
    %dma_wait3A_459 = arith.constant 0 : i32
    %dma_wait3A_460 = tpu.memref_slice %arg4[%dma_wait3A_458, %dma_wait3A_459] : memref<100000x64xf32, #tpu.memory_space<hbm>> -> memref<100000x64xf32, #tpu.memory_space<hbm>>
    %dma_wait3A_461 = tpu.memref_slice %arg9[%dma_wait3A_450] : memref<4x!tpu.dma_semaphore, #tpu.memory_space<semaphore_mem>> -> memref<1x!tpu.dma_semaphore, #tpu.memory_space<semaphore_mem>>
    %dma_wait3A_462 = tpu.memref_squeeze %dma_wait3A_461 : memref<1x!tpu.dma_semaphore, #tpu.memory_space<semaphore_mem>> -> memref<!tpu.dma_semaphore, #tpu.memory_space<semaphore_mem>>
    tpu.wait_indirect_dma semaphore(%dma_wait3A_462 : memref<!tpu.dma_semaphore, #tpu.memory_space<semaphore_mem>>) src(%dma_wait3A_460 : memref<100000x64xf32, #tpu.memory_space<hbm>>) dst(%dma_wait3A_454 : memref<128x64xf32, #tpu.memory_space<vmem>>)
    %dma_wait3A_463 = arith.constant 2 : i32
    %dma_wait3A_464 = arith.constant 2 : i32
    %dma_wait3A_465 = arith.constant 2 : i32
    %dma_wait3A_466 = arith.constant 384 : i32
    %dma_wait3A_467 = arith.constant 0 : i32
    %dma_wait3A_468 = tpu.memref_slice %arg7[%dma_wait3A_464, %dma_wait3A_466, %dma_wait3A_467] : memref<4x400x64xf32, #tpu.memory_space<vmem>> -> memref<1x16x64xf32, #tpu.memory_space<vmem>>
    %dma_wait3A_469 = tpu.memref_squeeze %dma_wait3A_468 : memref<1x16x64xf32, #tpu.memory_space<vmem>> -> memref<16x64xf32, #tpu.memory_space<vmem>>
    %dma_wait3A_470 = arith.constant 384 : i32
    %dma_wait3A_471 = tpu.memref_slice %arg6[%dma_wait3A_463, %dma_wait3A_470] : memref<4x400xi32, #tpu.memory_space<vmem>> -> memref<1x16xi32, #tpu.memory_space<vmem>>
    %dma_wait3A_472 = tpu.memref_squeeze %dma_wait3A_471 : memref<1x16xi32, #tpu.memory_space<vmem>> -> memref<16xi32, #tpu.memory_space<vmem>>
    %dma_wait3A_473 = arith.constant 0 : i32
    %dma_wait3A_474 = arith.constant 0 : i32
    %dma_wait3A_475 = tpu.memref_slice %arg4[%dma_wait3A_473, %dma_wait3A_474] : memref<100000x64xf32, #tpu.memory_space<hbm>> -> memref<100000x64xf32, #tpu.memory_space<hbm>>
    %dma_wait3A_476 = tpu.memref_slice %arg9[%dma_wait3A_465] : memref<4x!tpu.dma_semaphore, #tpu.memory_space<semaphore_mem>> -> memref<1x!tpu.dma_semaphore, #tpu.memory_space<semaphore_mem>>
    %dma_wait3A_477 = tpu.memref_squeeze %dma_wait3A_476 : memref<1x!tpu.dma_semaphore, #tpu.memory_space<semaphore_mem>> -> memref<!tpu.dma_semaphore, #tpu.memory_space<semaphore_mem>>
    tpu.wait_indirect_dma semaphore(%dma_wait3A_477 : memref<!tpu.dma_semaphore, #tpu.memory_space<semaphore_mem>>) src(%dma_wait3A_475 : memref<100000x64xf32, #tpu.memory_space<hbm>>) dst(%dma_wait3A_469 : memref<16x64xf32, #tpu.memory_space<vmem>>)
    %parallel_loop3A_478 = arith.constant 0 : i32
    %parallel_loop3A_479 = arith.constant 200 : i32
    %parallel_loop3A_480 = arith.constant 1 : i32
    scf.for %parallel_loop3A_652 = %parallel_loop3A_478 to %parallel_loop3A_479 step %parallel_loop3A_480  : i32 {
      %parallel_loop3A_653 = arith.constant 64 : i32
      %parallel_loop3A_654 = arith.muli %parallel_loop3A_652, %parallel_loop3A_653 : i32
      %parallel_loop3A_655 = arith.constant 0 : i32
      %parallel_loop3A_656 = arith.addi %parallel_loop3A_654, %parallel_loop3A_655 : i32
      %parallel_loop3A_657 = arith.constant 0 : i32
      %parallel_loop3A_658 = arith.addi %parallel_loop3A_652, %parallel_loop3A_657 : i32
      %parallel_loop3A_659 = arith.constant 2 : i32
      %parallel_loop3A_660 = arith.index_cast %parallel_loop3A_659 : i32 to index
      %parallel_loop3A_661 = arith.index_cast %parallel_loop3A_658 : i32 to index
      %parallel_loop3A_662 = arith.constant 0 : index
      %parallel_loop3A_663 = tpu.vector_load %arg7[%parallel_loop3A_660, %parallel_loop3A_661, %parallel_loop3A_662] {strides = array<i32>} : memref<4x400x64xf32, #tpu.memory_space<vmem>>, vector<1x1x16xf32>,
      %parallel_loop3A_664 = vector.shape_cast %parallel_loop3A_663 : vector<1x1x16xf32> to vector<16xf32>
      %parallel_loop3A_665 = arith.index_cast %parallel_loop3A_656 : i32 to index
      %parallel_loop3A_666 = tpu.vector_load %arg8[%parallel_loop3A_665] {strides = array<i32>} : memref<12800xf32, #tpu.memory_space<vmem>>, vector<16xf32>,
      %parallel_loop3A_667 = vector.shape_cast %parallel_loop3A_666 : vector<16xf32> to vector<16xf32>
      %parallel_loop3A_668 = arith.addf %parallel_loop3A_664, %parallel_loop3A_667 : vector<16xf32>
      %parallel_loop3A_669 = arith.constant 0 : i32
      %parallel_loop3A_670 = arith.addi %parallel_loop3A_652, %parallel_loop3A_669 : i32
      %parallel_loop3A_671 = arith.constant 2 : i32
      %parallel_loop3A_672 = arith.index_cast %parallel_loop3A_671 : i32 to index
      %parallel_loop3A_673 = arith.index_cast %parallel_loop3A_670 : i32 to index
      %parallel_loop3A_674 = arith.constant 0 : index
      %parallel_loop3A_675 = tpu.vector_load %arg7[%parallel_loop3A_672, %parallel_loop3A_673, %parallel_loop3A_674] {strides = array<i32>} : memref<4x400x64xf32, #tpu.memory_space<vmem>>, vector<1x1x16xf32>,
      %parallel_loop3A_676 = vector.shape_cast %parallel_loop3A_675 : vector<1x1x16xf32> to vector<16xf32>
      %parallel_loop3A_677 = vector.shape_cast %parallel_loop3A_668 : vector<16xf32> to vector<1x1x16xf32>
      tpu.vector_store %arg7[%parallel_loop3A_672, %parallel_loop3A_673, %parallel_loop3A_674], %parallel_loop3A_677 {strides = array<i32>} : memref<4x400x64xf32, #tpu.memory_space<vmem>>, vector<1x1x16xf32>,
      %parallel_loop3A_678 = arith.constant 64 : i32
      %parallel_loop3A_679 = arith.muli %parallel_loop3A_652, %parallel_loop3A_678 : i32
      %parallel_loop3A_680 = arith.constant 16 : i32
      %parallel_loop3A_681 = arith.addi %parallel_loop3A_679, %parallel_loop3A_680 : i32
      %parallel_loop3A_682 = arith.constant 0 : i32
      %parallel_loop3A_683 = arith.addi %parallel_loop3A_652, %parallel_loop3A_682 : i32
      %parallel_loop3A_684 = arith.constant 2 : i32
      %parallel_loop3A_685 = arith.index_cast %parallel_loop3A_684 : i32 to index
      %parallel_loop3A_686 = arith.index_cast %parallel_loop3A_683 : i32 to index
      %parallel_loop3A_687 = arith.constant 16 : index
      %parallel_loop3A_688 = tpu.vector_load %arg7[%parallel_loop3A_685, %parallel_loop3A_686, %parallel_loop3A_687] {strides = array<i32>} : memref<4x400x64xf32, #tpu.memory_space<vmem>>, vector<1x1x16xf32>,
      %parallel_loop3A_689 = vector.shape_cast %parallel_loop3A_688 : vector<1x1x16xf32> to vector<16xf32>
      %parallel_loop3A_690 = arith.index_cast %parallel_loop3A_681 : i32 to index
      %parallel_loop3A_691 = tpu.vector_load %arg8[%parallel_loop3A_690] {strides = array<i32>} : memref<12800xf32, #tpu.memory_space<vmem>>, vector<16xf32>,
      %parallel_loop3A_692 = vector.shape_cast %parallel_loop3A_691 : vector<16xf32> to vector<16xf32>
      %parallel_loop3A_693 = arith.addf %parallel_loop3A_689, %parallel_loop3A_692 : vector<16xf32>
      %parallel_loop3A_694 = arith.constant 0 : i32
      %parallel_loop3A_695 = arith.addi %parallel_loop3A_652, %parallel_loop3A_694 : i32
      %parallel_loop3A_696 = arith.constant 2 : i32
      %parallel_loop3A_697 = arith.index_cast %parallel_loop3A_696 : i32 to index
      %parallel_loop3A_698 = arith.index_cast %parallel_loop3A_695 : i32 to index
      %parallel_loop3A_699 = arith.constant 16 : index
      %parallel_loop3A_700 = tpu.vector_load %arg7[%parallel_loop3A_697, %parallel_loop3A_698, %parallel_loop3A_699] {strides = array<i32>} : memref<4x400x64xf32, #tpu.memory_space<vmem>>, vector<1x1x16xf32>,
      %parallel_loop3A_701 = vector.shape_cast %parallel_loop3A_700 : vector<1x1x16xf32> to vector<16xf32>
      %parallel_loop3A_702 = vector.shape_cast %parallel_loop3A_693 : vector<16xf32> to vector<1x1x16xf32>
      tpu.vector_store %arg7[%parallel_loop3A_697, %parallel_loop3A_698, %parallel_loop3A_699], %parallel_loop3A_702 {strides = array<i32>} : memref<4x400x64xf32, #tpu.memory_space<vmem>>, vector<1x1x16xf32>,
      %parallel_loop3A_703 = arith.constant 64 : i32
      %parallel_loop3A_704 = arith.muli %parallel_loop3A_652, %parallel_loop3A_703 : i32
      %parallel_loop3A_705 = arith.constant 32 : i32
      %parallel_loop3A_706 = arith.addi %parallel_loop3A_704, %parallel_loop3A_705 : i32
      %parallel_loop3A_707 = arith.constant 0 : i32
      %parallel_loop3A_708 = arith.addi %parallel_loop3A_652, %parallel_loop3A_707 : i32
      %parallel_loop3A_709 = arith.constant 2 : i32
      %parallel_loop3A_710 = arith.index_cast %parallel_loop3A_709 : i32 to index
      %parallel_loop3A_711 = arith.index_cast %parallel_loop3A_708 : i32 to index
      %parallel_loop3A_712 = arith.constant 32 : index
      %parallel_loop3A_713 = tpu.vector_load %arg7[%parallel_loop3A_710, %parallel_loop3A_711, %parallel_loop3A_712] {strides = array<i32>} : memref<4x400x64xf32, #tpu.memory_space<vmem>>, vector<1x1x16xf32>,
      %parallel_loop3A_714 = vector.shape_cast %parallel_loop3A_713 : vector<1x1x16xf32> to vector<16xf32>
      %parallel_loop3A_715 = arith.index_cast %parallel_loop3A_706 : i32 to index
      %parallel_loop3A_716 = tpu.vector_load %arg8[%parallel_loop3A_715] {strides = array<i32>} : memref<12800xf32, #tpu.memory_space<vmem>>, vector<16xf32>,
      %parallel_loop3A_717 = vector.shape_cast %parallel_loop3A_716 : vector<16xf32> to vector<16xf32>
      %parallel_loop3A_718 = arith.addf %parallel_loop3A_714, %parallel_loop3A_717 : vector<16xf32>
      %parallel_loop3A_719 = arith.constant 0 : i32
      %parallel_loop3A_720 = arith.addi %parallel_loop3A_652, %parallel_loop3A_719 : i32
      %parallel_loop3A_721 = arith.constant 2 : i32
      %parallel_loop3A_722 = arith.index_cast %parallel_loop3A_721 : i32 to index
      %parallel_loop3A_723 = arith.index_cast %parallel_loop3A_720 : i32 to index
      %parallel_loop3A_724 = arith.constant 32 : index
      %parallel_loop3A_725 = tpu.vector_load %arg7[%parallel_loop3A_722, %parallel_loop3A_723, %parallel_loop3A_724] {strides = array<i32>} : memref<4x400x64xf32, #tpu.memory_space<vmem>>, vector<1x1x16xf32>,
      %parallel_loop3A_726 = vector.shape_cast %parallel_loop3A_725 : vector<1x1x16xf32> to vector<16xf32>
      %parallel_loop3A_727 = vector.shape_cast %parallel_loop3A_718 : vector<16xf32> to vector<1x1x16xf32>
      tpu.vector_store %arg7[%parallel_loop3A_722, %parallel_loop3A_723, %parallel_loop3A_724], %parallel_loop3A_727 {strides = array<i32>} : memref<4x400x64xf32, #tpu.memory_space<vmem>>, vector<1x1x16xf32>,
      %parallel_loop3A_728 = arith.constant 64 : i32
      %parallel_loop3A_729 = arith.muli %parallel_loop3A_652, %parallel_loop3A_728 : i32
      %parallel_loop3A_730 = arith.constant 48 : i32
      %parallel_loop3A_731 = arith.addi %parallel_loop3A_729, %parallel_loop3A_730 : i32
      %parallel_loop3A_732 = arith.constant 0 : i32
      %parallel_loop3A_733 = arith.addi %parallel_loop3A_652, %parallel_loop3A_732 : i32
      %parallel_loop3A_734 = arith.constant 2 : i32
      %parallel_loop3A_735 = arith.index_cast %parallel_loop3A_734 : i32 to index
      %parallel_loop3A_736 = arith.index_cast %parallel_loop3A_733 : i32 to index
      %parallel_loop3A_737 = arith.constant 48 : index
      %parallel_loop3A_738 = tpu.vector_load %arg7[%parallel_loop3A_735, %parallel_loop3A_736, %parallel_loop3A_737] {strides = array<i32>} : memref<4x400x64xf32, #tpu.memory_space<vmem>>, vector<1x1x16xf32>,
      %parallel_loop3A_739 = vector.shape_cast %parallel_loop3A_738 : vector<1x1x16xf32> to vector<16xf32>
      %parallel_loop3A_740 = arith.index_cast %parallel_loop3A_731 : i32 to index
      %parallel_loop3A_741 = tpu.vector_load %arg8[%parallel_loop3A_740] {strides = array<i32>} : memref<12800xf32, #tpu.memory_space<vmem>>, vector<16xf32>,
      %parallel_loop3A_742 = vector.shape_cast %parallel_loop3A_741 : vector<16xf32> to vector<16xf32>
      %parallel_loop3A_743 = arith.addf %parallel_loop3A_739, %parallel_loop3A_742 : vector<16xf32>
      %parallel_loop3A_744 = arith.constant 0 : i32
      %parallel_loop3A_745 = arith.addi %parallel_loop3A_652, %parallel_loop3A_744 : i32
      %parallel_loop3A_746 = arith.constant 2 : i32
      %parallel_loop3A_747 = arith.index_cast %parallel_loop3A_746 : i32 to index
      %parallel_loop3A_748 = arith.index_cast %parallel_loop3A_745 : i32 to index
      %parallel_loop3A_749 = arith.constant 48 : index
      %parallel_loop3A_750 = tpu.vector_load %arg7[%parallel_loop3A_747, %parallel_loop3A_748, %parallel_loop3A_749] {strides = array<i32>} : memref<4x400x64xf32, #tpu.memory_space<vmem>>, vector<1x1x16xf32>,
      %parallel_loop3A_751 = vector.shape_cast %parallel_loop3A_750 : vector<1x1x16xf32> to vector<16xf32>
      %parallel_loop3A_752 = vector.shape_cast %parallel_loop3A_743 : vector<16xf32> to vector<1x1x16xf32>
      tpu.vector_store %arg7[%parallel_loop3A_747, %parallel_loop3A_748, %parallel_loop3A_749], %parallel_loop3A_752 {strides = array<i32>} : memref<4x400x64xf32, #tpu.memory_space<vmem>>, vector<1x1x16xf32>,
      %parallel_loop3A_753 = arith.constant 64 : i32
      %parallel_loop3A_754 = arith.muli %parallel_loop3A_652, %parallel_loop3A_753 : i32
      %parallel_loop3A_755 = arith.constant 0 : i32
      %parallel_loop3A_756 = arith.addi %parallel_loop3A_754, %parallel_loop3A_755 : i32
      %parallel_loop3A_757 = arith.constant 200 : i32
      %parallel_loop3A_758 = arith.addi %parallel_loop3A_652, %parallel_loop3A_757 : i32
      %parallel_loop3A_759 = arith.constant 2 : i32
      %parallel_loop3A_760 = arith.index_cast %parallel_loop3A_759 : i32 to index
      %parallel_loop3A_761 = arith.index_cast %parallel_loop3A_758 : i32 to index
      %parallel_loop3A_762 = arith.constant 0 : index
      %parallel_loop3A_763 = tpu.vector_load %arg7[%parallel_loop3A_760, %parallel_loop3A_761, %parallel_loop3A_762] {strides = array<i32>} : memref<4x400x64xf32, #tpu.memory_space<vmem>>, vector<1x1x16xf32>,
      %parallel_loop3A_764 = vector.shape_cast %parallel_loop3A_763 : vector<1x1x16xf32> to vector<16xf32>
      %parallel_loop3A_765 = arith.index_cast %parallel_loop3A_756 : i32 to index
      %parallel_loop3A_766 = tpu.vector_load %arg8[%parallel_loop3A_765] {strides = array<i32>} : memref<12800xf32, #tpu.memory_space<vmem>>, vector<16xf32>,
      %parallel_loop3A_767 = vector.shape_cast %parallel_loop3A_766 : vector<16xf32> to vector<16xf32>
      %parallel_loop3A_768 = arith.addf %parallel_loop3A_764, %parallel_loop3A_767 : vector<16xf32>
      %parallel_loop3A_769 = arith.constant 200 : i32
      %parallel_loop3A_770 = arith.addi %parallel_loop3A_652, %parallel_loop3A_769 : i32
      %parallel_loop3A_771 = arith.constant 2 : i32
      %parallel_loop3A_772 = arith.index_cast %parallel_loop3A_771 : i32 to index
      %parallel_loop3A_773 = arith.index_cast %parallel_loop3A_770 : i32 to index
      %parallel_loop3A_774 = arith.constant 0 : index
      %parallel_loop3A_775 = tpu.vector_load %arg7[%parallel_loop3A_772, %parallel_loop3A_773, %parallel_loop3A_774] {strides = array<i32>} : memref<4x400x64xf32, #tpu.memory_space<vmem>>, vector<1x1x16xf32>,
      %parallel_loop3A_776 = vector.shape_cast %parallel_loop3A_775 : vector<1x1x16xf32> to vector<16xf32>
      %parallel_loop3A_777 = vector.shape_cast %parallel_loop3A_768 : vector<16xf32> to vector<1x1x16xf32>
      tpu.vector_store %arg7[%parallel_loop3A_772, %parallel_loop3A_773, %parallel_loop3A_774], %parallel_loop3A_777 {strides = array<i32>} : memref<4x400x64xf32, #tpu.memory_space<vmem>>, vector<1x1x16xf32>,
      %parallel_loop3A_778 = arith.constant 64 : i32
      %parallel_loop3A_779 = arith.muli %parallel_loop3A_652, %parallel_loop3A_778 : i32
      %parallel_loop3A_780 = arith.constant 16 : i32
      %parallel_loop3A_781 = arith.addi %parallel_loop3A_779, %parallel_loop3A_780 : i32
      %parallel_loop3A_782 = arith.constant 200 : i32
      %parallel_loop3A_783 = arith.addi %parallel_loop3A_652, %parallel_loop3A_782 : i32
      %parallel_loop3A_784 = arith.constant 2 : i32
      %parallel_loop3A_785 = arith.index_cast %parallel_loop3A_784 : i32 to index
      %parallel_loop3A_786 = arith.index_cast %parallel_loop3A_783 : i32 to index
      %parallel_loop3A_787 = arith.constant 16 : index
      %parallel_loop3A_788 = tpu.vector_load %arg7[%parallel_loop3A_785, %parallel_loop3A_786, %parallel_loop3A_787] {strides = array<i32>} : memref<4x400x64xf32, #tpu.memory_space<vmem>>, vector<1x1x16xf32>,
      %parallel_loop3A_789 = vector.shape_cast %parallel_loop3A_788 : vector<1x1x16xf32> to vector<16xf32>
      %parallel_loop3A_790 = arith.index_cast %parallel_loop3A_781 : i32 to index
      %parallel_loop3A_791 = tpu.vector_load %arg8[%parallel_loop3A_790] {strides = array<i32>} : memref<12800xf32, #tpu.memory_space<vmem>>, vector<16xf32>,
      %parallel_loop3A_792 = vector.shape_cast %parallel_loop3A_791 : vector<16xf32> to vector<16xf32>
      %parallel_loop3A_793 = arith.addf %parallel_loop3A_789, %parallel_loop3A_792 : vector<16xf32>
      %parallel_loop3A_794 = arith.constant 200 : i32
      %parallel_loop3A_795 = arith.addi %parallel_loop3A_652, %parallel_loop3A_794 : i32
      %parallel_loop3A_796 = arith.constant 2 : i32
      %parallel_loop3A_797 = arith.index_cast %parallel_loop3A_796 : i32 to index
      %parallel_loop3A_798 = arith.index_cast %parallel_loop3A_795 : i32 to index
      %parallel_loop3A_799 = arith.constant 16 : index
      %parallel_loop3A_800 = tpu.vector_load %arg7[%parallel_loop3A_797, %parallel_loop3A_798, %parallel_loop3A_799] {strides = array<i32>} : memref<4x400x64xf32, #tpu.memory_space<vmem>>, vector<1x1x16xf32>,
      %parallel_loop3A_801 = vector.shape_cast %parallel_loop3A_800 : vector<1x1x16xf32> to vector<16xf32>
      %parallel_loop3A_802 = vector.shape_cast %parallel_loop3A_793 : vector<16xf32> to vector<1x1x16xf32>
      tpu.vector_store %arg7[%parallel_loop3A_797, %parallel_loop3A_798, %parallel_loop3A_799], %parallel_loop3A_802 {strides = array<i32>} : memref<4x400x64xf32, #tpu.memory_space<vmem>>, vector<1x1x16xf32>,
      %parallel_loop3A_803 = arith.constant 64 : i32
      %parallel_loop3A_804 = arith.muli %parallel_loop3A_652, %parallel_loop3A_803 : i32
      %parallel_loop3A_805 = arith.constant 32 : i32
      %parallel_loop3A_806 = arith.addi %parallel_loop3A_804, %parallel_loop3A_805 : i32
      %parallel_loop3A_807 = arith.constant 200 : i32
      %parallel_loop3A_808 = arith.addi %parallel_loop3A_652, %parallel_loop3A_807 : i32
      %parallel_loop3A_809 = arith.constant 2 : i32
      %parallel_loop3A_810 = arith.index_cast %parallel_loop3A_809 : i32 to index
      %parallel_loop3A_811 = arith.index_cast %parallel_loop3A_808 : i32 to index
      %parallel_loop3A_812 = arith.constant 32 : index
      %parallel_loop3A_813 = tpu.vector_load %arg7[%parallel_loop3A_810, %parallel_loop3A_811, %parallel_loop3A_812] {strides = array<i32>} : memref<4x400x64xf32, #tpu.memory_space<vmem>>, vector<1x1x16xf32>,
      %parallel_loop3A_814 = vector.shape_cast %parallel_loop3A_813 : vector<1x1x16xf32> to vector<16xf32>
      %parallel_loop3A_815 = arith.index_cast %parallel_loop3A_806 : i32 to index
      %parallel_loop3A_816 = tpu.vector_load %arg8[%parallel_loop3A_815] {strides = array<i32>} : memref<12800xf32, #tpu.memory_space<vmem>>, vector<16xf32>,
      %parallel_loop3A_817 = vector.shape_cast %parallel_loop3A_816 : vector<16xf32> to vector<16xf32>
      %parallel_loop3A_818 = arith.addf %parallel_loop3A_814, %parallel_loop3A_817 : vector<16xf32>
      %parallel_loop3A_819 = arith.constant 200 : i32
      %parallel_loop3A_820 = arith.addi %parallel_loop3A_652, %parallel_loop3A_819 : i32
      %parallel_loop3A_821 = arith.constant 2 : i32
      %parallel_loop3A_822 = arith.index_cast %parallel_loop3A_821 : i32 to index
      %parallel_loop3A_823 = arith.index_cast %parallel_loop3A_820 : i32 to index
      %parallel_loop3A_824 = arith.constant 32 : index
      %parallel_loop3A_825 = tpu.vector_load %arg7[%parallel_loop3A_822, %parallel_loop3A_823, %parallel_loop3A_824] {strides = array<i32>} : memref<4x400x64xf32, #tpu.memory_space<vmem>>, vector<1x1x16xf32>,
      %parallel_loop3A_826 = vector.shape_cast %parallel_loop3A_825 : vector<1x1x16xf32> to vector<16xf32>
      %parallel_loop3A_827 = vector.shape_cast %parallel_loop3A_818 : vector<16xf32> to vector<1x1x16xf32>
      tpu.vector_store %arg7[%parallel_loop3A_822, %parallel_loop3A_823, %parallel_loop3A_824], %parallel_loop3A_827 {strides = array<i32>} : memref<4x400x64xf32, #tpu.memory_space<vmem>>, vector<1x1x16xf32>,
      %parallel_loop3A_828 = arith.constant 64 : i32
      %parallel_loop3A_829 = arith.muli %parallel_loop3A_652, %parallel_loop3A_828 : i32
      %parallel_loop3A_830 = arith.constant 48 : i32
      %parallel_loop3A_831 = arith.addi %parallel_loop3A_829, %parallel_loop3A_830 : i32
      %parallel_loop3A_832 = arith.constant 200 : i32
      %parallel_loop3A_833 = arith.addi %parallel_loop3A_652, %parallel_loop3A_832 : i32
      %parallel_loop3A_834 = arith.constant 2 : i32
      %parallel_loop3A_835 = arith.index_cast %parallel_loop3A_834 : i32 to index
      %parallel_loop3A_836 = arith.index_cast %parallel_loop3A_833 : i32 to index
      %parallel_loop3A_837 = arith.constant 48 : index
      %parallel_loop3A_838 = tpu.vector_load %arg7[%parallel_loop3A_835, %parallel_loop3A_836, %parallel_loop3A_837] {strides = array<i32>} : memref<4x400x64xf32, #tpu.memory_space<vmem>>, vector<1x1x16xf32>,
      %parallel_loop3A_839 = vector.shape_cast %parallel_loop3A_838 : vector<1x1x16xf32> to vector<16xf32>
      %parallel_loop3A_840 = arith.index_cast %parallel_loop3A_831 : i32 to index
      %parallel_loop3A_841 = tpu.vector_load %arg8[%parallel_loop3A_840] {strides = array<i32>} : memref<12800xf32, #tpu.memory_space<vmem>>, vector<16xf32>,
      %parallel_loop3A_842 = vector.shape_cast %parallel_loop3A_841 : vector<16xf32> to vector<16xf32>
      %parallel_loop3A_843 = arith.addf %parallel_loop3A_839, %parallel_loop3A_842 : vector<16xf32>
      %parallel_loop3A_844 = arith.constant 200 : i32
      %parallel_loop3A_845 = arith.addi %parallel_loop3A_652, %parallel_loop3A_844 : i32
      %parallel_loop3A_846 = arith.constant 2 : i32
      %parallel_loop3A_847 = arith.index_cast %parallel_loop3A_846 : i32 to index
      %parallel_loop3A_848 = arith.index_cast %parallel_loop3A_845 : i32 to index
      %parallel_loop3A_849 = arith.constant 48 : index
      %parallel_loop3A_850 = tpu.vector_load %arg7[%parallel_loop3A_847, %parallel_loop3A_848, %parallel_loop3A_849] {strides = array<i32>} : memref<4x400x64xf32, #tpu.memory_space<vmem>>, vector<1x1x16xf32>,
      %parallel_loop3A_851 = vector.shape_cast %parallel_loop3A_850 : vector<1x1x16xf32> to vector<16xf32>
      %parallel_loop3A_852 = vector.shape_cast %parallel_loop3A_843 : vector<16xf32> to vector<1x1x16xf32>
      tpu.vector_store %arg7[%parallel_loop3A_847, %parallel_loop3A_848, %parallel_loop3A_849], %parallel_loop3A_852 {strides = array<i32>} : memref<4x400x64xf32, #tpu.memory_space<vmem>>, vector<1x1x16xf32>,
    } {sc.loop_unroll_factor = 2 : i64, sc.parallel_access}
    %add3A_481 = arith.constant 24800 : i32
    %add3A_482 = arith.addi %mul3A_2, %add3A_481 : i32
    %dma_start3A_483 = arith.constant 2 : i32
    %dma_start3A_484 = arith.constant 2 : i32
    %dma_start3A_485 = arith.constant 0 : i32
    %dma_start3A_486 = arith.constant 0 : i32
    %dma_start3A_487 = tpu.memref_slice %arg7[%dma_start3A_483, %dma_start3A_485, %dma_start3A_486] : memref<4x400x64xf32, #tpu.memory_space<vmem>> -> memref<1x400x64xf32, #tpu.memory_space<vmem>>
    %dma_start3A_488 = tpu.memref_squeeze %dma_start3A_487 : memref<1x400x64xf32, #tpu.memory_space<vmem>> -> memref<400x64xf32, #tpu.memory_space<vmem>>
    %dma_start3A_489 = arith.constant 0 : i32
    %dma_start3A_490 = tpu.memref_slice %arg5[%add3A_482, %dma_start3A_489] : memref<819200x128xf32, #tpu.memory_space<hbm>> -> memref<400x64xf32, #tpu.memory_space<hbm>>
    %dma_start3A_491 = tpu.memref_slice %arg10[%dma_start3A_484] : memref<4x!tpu.dma_semaphore, #tpu.memory_space<semaphore_mem>> -> memref<1x!tpu.dma_semaphore, #tpu.memory_space<semaphore_mem>>
    %dma_start3A_492 = tpu.memref_squeeze %dma_start3A_491 : memref<1x!tpu.dma_semaphore, #tpu.memory_space<semaphore_mem>> -> memref<!tpu.dma_semaphore, #tpu.memory_space<semaphore_mem>>
    %dma_start3A_493 = arith.constant 0 : i32
    %dma_start3A_494 = tpu.memref_slice %arg5[%add3A_482, %dma_start3A_493] : memref<819200x128xf32, #tpu.memory_space<hbm>> -> memref<400x64xf32, #tpu.memory_space<hbm>>
    %dma_start3A_495 = arith.constant 0 : i32
    %dma_start3A_496 = arith.constant 0 : i32
    %dma_start3A_497 = tpu.memref_slice %arg7[%dma_start3A_483, %dma_start3A_495, %dma_start3A_496] : memref<4x400x64xf32, #tpu.memory_space<vmem>> -> memref<1x400x64xf32, #tpu.memory_space<vmem>>
    %dma_start3A_498 = tpu.memref_squeeze %dma_start3A_497 : memref<1x400x64xf32, #tpu.memory_space<vmem>> -> memref<400x64xf32, #tpu.memory_space<vmem>>
    tpu.enqueue_dma source(%dma_start3A_498 : memref<400x64xf32, #tpu.memory_space<vmem>>) target(%dma_start3A_494 : memref<400x64xf32, #tpu.memory_space<hbm>>) target_semaphore(%dma_start3A_492 : memref<!tpu.dma_semaphore, #tpu.memory_space<semaphore_mem>>)
    %dma_wait3A_499 = arith.constant 3 : i32
    %dma_wait3A_500 = arith.constant 3 : i32
    %dma_wait3A_501 = arith.constant 3 : i32
    %dma_wait3A_502 = arith.constant 0 : i32
    %dma_wait3A_503 = arith.constant 0 : i32
    %dma_wait3A_504 = tpu.memref_slice %arg7[%dma_wait3A_500, %dma_wait3A_502, %dma_wait3A_503] : memref<4x400x64xf32, #tpu.memory_space<vmem>> -> memref<1x128x64xf32, #tpu.memory_space<vmem>>
    %dma_wait3A_505 = tpu.memref_squeeze %dma_wait3A_504 : memref<1x128x64xf32, #tpu.memory_space<vmem>> -> memref<128x64xf32, #tpu.memory_space<vmem>>
    %dma_wait3A_506 = arith.constant 0 : i32
    %dma_wait3A_507 = tpu.memref_slice %arg6[%dma_wait3A_499, %dma_wait3A_506] : memref<4x400xi32, #tpu.memory_space<vmem>> -> memref<1x128xi32, #tpu.memory_space<vmem>>
    %dma_wait3A_508 = tpu.memref_squeeze %dma_wait3A_507 : memref<1x128xi32, #tpu.memory_space<vmem>> -> memref<128xi32, #tpu.memory_space<vmem>>
    %dma_wait3A_509 = arith.constant 0 : i32
    %dma_wait3A_510 = arith.constant 0 : i32
    %dma_wait3A_511 = tpu.memref_slice %arg4[%dma_wait3A_509, %dma_wait3A_510] : memref<100000x64xf32, #tpu.memory_space<hbm>> -> memref<100000x64xf32, #tpu.memory_space<hbm>>
    %dma_wait3A_512 = tpu.memref_slice %arg9[%dma_wait3A_501] : memref<4x!tpu.dma_semaphore, #tpu.memory_space<semaphore_mem>> -> memref<1x!tpu.dma_semaphore, #tpu.memory_space<semaphore_mem>>
    %dma_wait3A_513 = tpu.memref_squeeze %dma_wait3A_512 : memref<1x!tpu.dma_semaphore, #tpu.memory_space<semaphore_mem>> -> memref<!tpu.dma_semaphore, #tpu.memory_space<semaphore_mem>>
    tpu.wait_indirect_dma semaphore(%dma_wait3A_513 : memref<!tpu.dma_semaphore, #tpu.memory_space<semaphore_mem>>) src(%dma_wait3A_511 : memref<100000x64xf32, #tpu.memory_space<hbm>>) dst(%dma_wait3A_505 : memref<128x64xf32, #tpu.memory_space<vmem>>)
    %dma_wait3A_514 = arith.constant 3 : i32
    %dma_wait3A_515 = arith.constant 3 : i32
    %dma_wait3A_516 = arith.constant 3 : i32
    %dma_wait3A_517 = arith.constant 128 : i32
    %dma_wait3A_518 = arith.constant 0 : i32
    %dma_wait3A_519 = tpu.memref_slice %arg7[%dma_wait3A_515, %dma_wait3A_517, %dma_wait3A_518] : memref<4x400x64xf32, #tpu.memory_space<vmem>> -> memref<1x128x64xf32, #tpu.memory_space<vmem>>
    %dma_wait3A_520 = tpu.memref_squeeze %dma_wait3A_519 : memref<1x128x64xf32, #tpu.memory_space<vmem>> -> memref<128x64xf32, #tpu.memory_space<vmem>>
    %dma_wait3A_521 = arith.constant 128 : i32
    %dma_wait3A_522 = tpu.memref_slice %arg6[%dma_wait3A_514, %dma_wait3A_521] : memref<4x400xi32, #tpu.memory_space<vmem>> -> memref<1x128xi32, #tpu.memory_space<vmem>>
    %dma_wait3A_523 = tpu.memref_squeeze %dma_wait3A_522 : memref<1x128xi32, #tpu.memory_space<vmem>> -> memref<128xi32, #tpu.memory_space<vmem>>
    %dma_wait3A_524 = arith.constant 0 : i32
    %dma_wait3A_525 = arith.constant 0 : i32
    %dma_wait3A_526 = tpu.memref_slice %arg4[%dma_wait3A_524, %dma_wait3A_525] : memref<100000x64xf32, #tpu.memory_space<hbm>> -> memref<100000x64xf32, #tpu.memory_space<hbm>>
    %dma_wait3A_527 = tpu.memref_slice %arg9[%dma_wait3A_516] : memref<4x!tpu.dma_semaphore, #tpu.memory_space<semaphore_mem>> -> memref<1x!tpu.dma_semaphore, #tpu.memory_space<semaphore_mem>>
    %dma_wait3A_528 = tpu.memref_squeeze %dma_wait3A_527 : memref<1x!tpu.dma_semaphore, #tpu.memory_space<semaphore_mem>> -> memref<!tpu.dma_semaphore, #tpu.memory_space<semaphore_mem>>
    tpu.wait_indirect_dma semaphore(%dma_wait3A_528 : memref<!tpu.dma_semaphore, #tpu.memory_space<semaphore_mem>>) src(%dma_wait3A_526 : memref<100000x64xf32, #tpu.memory_space<hbm>>) dst(%dma_wait3A_520 : memref<128x64xf32, #tpu.memory_space<vmem>>)
    %dma_wait3A_529 = arith.constant 3 : i32
    %dma_wait3A_530 = arith.constant 3 : i32
    %dma_wait3A_531 = arith.constant 3 : i32
    %dma_wait3A_532 = arith.constant 256 : i32
    %dma_wait3A_533 = arith.constant 0 : i32
    %dma_wait3A_534 = tpu.memref_slice %arg7[%dma_wait3A_530, %dma_wait3A_532, %dma_wait3A_533] : memref<4x400x64xf32, #tpu.memory_space<vmem>> -> memref<1x128x64xf32, #tpu.memory_space<vmem>>
    %dma_wait3A_535 = tpu.memref_squeeze %dma_wait3A_534 : memref<1x128x64xf32, #tpu.memory_space<vmem>> -> memref<128x64xf32, #tpu.memory_space<vmem>>
    %dma_wait3A_536 = arith.constant 256 : i32
    %dma_wait3A_537 = tpu.memref_slice %arg6[%dma_wait3A_529, %dma_wait3A_536] : memref<4x400xi32, #tpu.memory_space<vmem>> -> memref<1x128xi32, #tpu.memory_space<vmem>>
    %dma_wait3A_538 = tpu.memref_squeeze %dma_wait3A_537 : memref<1x128xi32, #tpu.memory_space<vmem>> -> memref<128xi32, #tpu.memory_space<vmem>>
    %dma_wait3A_539 = arith.constant 0 : i32
    %dma_wait3A_540 = arith.constant 0 : i32
    %dma_wait3A_541 = tpu.memref_slice %arg4[%dma_wait3A_539, %dma_wait3A_540] : memref<100000x64xf32, #tpu.memory_space<hbm>> -> memref<100000x64xf32, #tpu.memory_space<hbm>>
    %dma_wait3A_542 = tpu.memref_slice %arg9[%dma_wait3A_531] : memref<4x!tpu.dma_semaphore, #tpu.memory_space<semaphore_mem>> -> memref<1x!tpu.dma_semaphore, #tpu.memory_space<semaphore_mem>>
    %dma_wait3A_543 = tpu.memref_squeeze %dma_wait3A_542 : memref<1x!tpu.dma_semaphore, #tpu.memory_space<semaphore_mem>> -> memref<!tpu.dma_semaphore, #tpu.memory_space<semaphore_mem>>
    tpu.wait_indirect_dma semaphore(%dma_wait3A_543 : memref<!tpu.dma_semaphore, #tpu.memory_space<semaphore_mem>>) src(%dma_wait3A_541 : memref<100000x64xf32, #tpu.memory_space<hbm>>) dst(%dma_wait3A_535 : memref<128x64xf32, #tpu.memory_space<vmem>>)
    %dma_wait3A_544 = arith.constant 3 : i32
    %dma_wait3A_545 = arith.constant 3 : i32
    %dma_wait3A_546 = arith.constant 3 : i32
    %dma_wait3A_547 = arith.constant 384 : i32
    %dma_wait3A_548 = arith.constant 0 : i32
    %dma_wait3A_549 = tpu.memref_slice %arg7[%dma_wait3A_545, %dma_wait3A_547, %dma_wait3A_548] : memref<4x400x64xf32, #tpu.memory_space<vmem>> -> memref<1x16x64xf32, #tpu.memory_space<vmem>>
    %dma_wait3A_550 = tpu.memref_squeeze %dma_wait3A_549 : memref<1x16x64xf32, #tpu.memory_space<vmem>> -> memref<16x64xf32, #tpu.memory_space<vmem>>
    %dma_wait3A_551 = arith.constant 384 : i32
    %dma_wait3A_552 = tpu.memref_slice %arg6[%dma_wait3A_544, %dma_wait3A_551] : memref<4x400xi32, #tpu.memory_space<vmem>> -> memref<1x16xi32, #tpu.memory_space<vmem>>
    %dma_wait3A_553 = tpu.memref_squeeze %dma_wait3A_552 : memref<1x16xi32, #tpu.memory_space<vmem>> -> memref<16xi32, #tpu.memory_space<vmem>>
    %dma_wait3A_554 = arith.constant 0 : i32
    %dma_wait3A_555 = arith.constant 0 : i32
    %dma_wait3A_556 = tpu.memref_slice %arg4[%dma_wait3A_554, %dma_wait3A_555] : memref<100000x64xf32, #tpu.memory_space<hbm>> -> memref<100000x64xf32, #tpu.memory_space<hbm>>
    %dma_wait3A_557 = tpu.memref_slice %arg9[%dma_wait3A_546] : memref<4x!tpu.dma_semaphore, #tpu.memory_space<semaphore_mem>> -> memref<1x!tpu.dma_semaphore, #tpu.memory_space<semaphore_mem>>
    %dma_wait3A_558 = tpu.memref_squeeze %dma_wait3A_557 : memref<1x!tpu.dma_semaphore, #tpu.memory_space<semaphore_mem>> -> memref<!tpu.dma_semaphore, #tpu.memory_space<semaphore_mem>>
    tpu.wait_indirect_dma semaphore(%dma_wait3A_558 : memref<!tpu.dma_semaphore, #tpu.memory_space<semaphore_mem>>) src(%dma_wait3A_556 : memref<100000x64xf32, #tpu.memory_space<hbm>>) dst(%dma_wait3A_550 : memref<16x64xf32, #tpu.memory_space<vmem>>)
    %parallel_loop3A_559 = arith.constant 0 : i32
    %parallel_loop3A_560 = arith.constant 200 : i32
    %parallel_loop3A_561 = arith.constant 1 : i32
    scf.for %parallel_loop3A_652 = %parallel_loop3A_559 to %parallel_loop3A_560 step %parallel_loop3A_561  : i32 {
      %parallel_loop3A_653 = arith.constant 64 : i32
      %parallel_loop3A_654 = arith.muli %parallel_loop3A_652, %parallel_loop3A_653 : i32
      %parallel_loop3A_655 = arith.constant 0 : i32
      %parallel_loop3A_656 = arith.addi %parallel_loop3A_654, %parallel_loop3A_655 : i32
      %parallel_loop3A_657 = arith.constant 0 : i32
      %parallel_loop3A_658 = arith.addi %parallel_loop3A_652, %parallel_loop3A_657 : i32
      %parallel_loop3A_659 = arith.constant 3 : i32
      %parallel_loop3A_660 = arith.index_cast %parallel_loop3A_659 : i32 to index
      %parallel_loop3A_661 = arith.index_cast %parallel_loop3A_658 : i32 to index
      %parallel_loop3A_662 = arith.constant 0 : index
      %parallel_loop3A_663 = tpu.vector_load %arg7[%parallel_loop3A_660, %parallel_loop3A_661, %parallel_loop3A_662] {strides = array<i32>} : memref<4x400x64xf32, #tpu.memory_space<vmem>>, vector<1x1x16xf32>,
      %parallel_loop3A_664 = vector.shape_cast %parallel_loop3A_663 : vector<1x1x16xf32> to vector<16xf32>
      %parallel_loop3A_665 = arith.index_cast %parallel_loop3A_656 : i32 to index
      %parallel_loop3A_666 = tpu.vector_load %arg8[%parallel_loop3A_665] {strides = array<i32>} : memref<12800xf32, #tpu.memory_space<vmem>>, vector<16xf32>,
      %parallel_loop3A_667 = vector.shape_cast %parallel_loop3A_666 : vector<16xf32> to vector<16xf32>
      %parallel_loop3A_668 = arith.addf %parallel_loop3A_664, %parallel_loop3A_667 : vector<16xf32>
      %parallel_loop3A_669 = arith.constant 0 : i32
      %parallel_loop3A_670 = arith.addi %parallel_loop3A_652, %parallel_loop3A_669 : i32
      %parallel_loop3A_671 = arith.constant 3 : i32
      %parallel_loop3A_672 = arith.index_cast %parallel_loop3A_671 : i32 to index
      %parallel_loop3A_673 = arith.index_cast %parallel_loop3A_670 : i32 to index
      %parallel_loop3A_674 = arith.constant 0 : index
      %parallel_loop3A_675 = tpu.vector_load %arg7[%parallel_loop3A_672, %parallel_loop3A_673, %parallel_loop3A_674] {strides = array<i32>} : memref<4x400x64xf32, #tpu.memory_space<vmem>>, vector<1x1x16xf32>,
      %parallel_loop3A_676 = vector.shape_cast %parallel_loop3A_675 : vector<1x1x16xf32> to vector<16xf32>
      %parallel_loop3A_677 = vector.shape_cast %parallel_loop3A_668 : vector<16xf32> to vector<1x1x16xf32>
      tpu.vector_store %arg7[%parallel_loop3A_672, %parallel_loop3A_673, %parallel_loop3A_674], %parallel_loop3A_677 {strides = array<i32>} : memref<4x400x64xf32, #tpu.memory_space<vmem>>, vector<1x1x16xf32>,
      %parallel_loop3A_678 = arith.constant 64 : i32
      %parallel_loop3A_679 = arith.muli %parallel_loop3A_652, %parallel_loop3A_678 : i32
      %parallel_loop3A_680 = arith.constant 16 : i32
      %parallel_loop3A_681 = arith.addi %parallel_loop3A_679, %parallel_loop3A_680 : i32
      %parallel_loop3A_682 = arith.constant 0 : i32
      %parallel_loop3A_683 = arith.addi %parallel_loop3A_652, %parallel_loop3A_682 : i32
      %parallel_loop3A_684 = arith.constant 3 : i32
      %parallel_loop3A_685 = arith.index_cast %parallel_loop3A_684 : i32 to index
      %parallel_loop3A_686 = arith.index_cast %parallel_loop3A_683 : i32 to index
      %parallel_loop3A_687 = arith.constant 16 : index
      %parallel_loop3A_688 = tpu.vector_load %arg7[%parallel_loop3A_685, %parallel_loop3A_686, %parallel_loop3A_687] {strides = array<i32>} : memref<4x400x64xf32, #tpu.memory_space<vmem>>, vector<1x1x16xf32>,
      %parallel_loop3A_689 = vector.shape_cast %parallel_loop3A_688 : vector<1x1x16xf32> to vector<16xf32>
      %parallel_loop3A_690 = arith.index_cast %parallel_loop3A_681 : i32 to index
      %parallel_loop3A_691 = tpu.vector_load %arg8[%parallel_loop3A_690] {strides = array<i32>} : memref<12800xf32, #tpu.memory_space<vmem>>, vector<16xf32>,
      %parallel_loop3A_692 = vector.shape_cast %parallel_loop3A_691 : vector<16xf32> to vector<16xf32>
      %parallel_loop3A_693 = arith.addf %parallel_loop3A_689, %parallel_loop3A_692 : vector<16xf32>
      %parallel_loop3A_694 = arith.constant 0 : i32
      %parallel_loop3A_695 = arith.addi %parallel_loop3A_652, %parallel_loop3A_694 : i32
      %parallel_loop3A_696 = arith.constant 3 : i32
      %parallel_loop3A_697 = arith.index_cast %parallel_loop3A_696 : i32 to index
      %parallel_loop3A_698 = arith.index_cast %parallel_loop3A_695 : i32 to index
      %parallel_loop3A_699 = arith.constant 16 : index
      %parallel_loop3A_700 = tpu.vector_load %arg7[%parallel_loop3A_697, %parallel_loop3A_698, %parallel_loop3A_699] {strides = array<i32>} : memref<4x400x64xf32, #tpu.memory_space<vmem>>, vector<1x1x16xf32>,
      %parallel_loop3A_701 = vector.shape_cast %parallel_loop3A_700 : vector<1x1x16xf32> to vector<16xf32>
      %parallel_loop3A_702 = vector.shape_cast %parallel_loop3A_693 : vector<16xf32> to vector<1x1x16xf32>
      tpu.vector_store %arg7[%parallel_loop3A_697, %parallel_loop3A_698, %parallel_loop3A_699], %parallel_loop3A_702 {strides = array<i32>} : memref<4x400x64xf32, #tpu.memory_space<vmem>>, vector<1x1x16xf32>,
      %parallel_loop3A_703 = arith.constant 64 : i32
      %parallel_loop3A_704 = arith.muli %parallel_loop3A_652, %parallel_loop3A_703 : i32
      %parallel_loop3A_705 = arith.constant 32 : i32
      %parallel_loop3A_706 = arith.addi %parallel_loop3A_704, %parallel_loop3A_705 : i32
      %parallel_loop3A_707 = arith.constant 0 : i32
      %parallel_loop3A_708 = arith.addi %parallel_loop3A_652, %parallel_loop3A_707 : i32
      %parallel_loop3A_709 = arith.constant 3 : i32
      %parallel_loop3A_710 = arith.index_cast %parallel_loop3A_709 : i32 to index
      %parallel_loop3A_711 = arith.index_cast %parallel_loop3A_708 : i32 to index
      %parallel_loop3A_712 = arith.constant 32 : index
      %parallel_loop3A_713 = tpu.vector_load %arg7[%parallel_loop3A_710, %parallel_loop3A_711, %parallel_loop3A_712] {strides = array<i32>} : memref<4x400x64xf32, #tpu.memory_space<vmem>>, vector<1x1x16xf32>,
      %parallel_loop3A_714 = vector.shape_cast %parallel_loop3A_713 : vector<1x1x16xf32> to vector<16xf32>
      %parallel_loop3A_715 = arith.index_cast %parallel_loop3A_706 : i32 to index
      %parallel_loop3A_716 = tpu.vector_load %arg8[%parallel_loop3A_715] {strides = array<i32>} : memref<12800xf32, #tpu.memory_space<vmem>>, vector<16xf32>,
      %parallel_loop3A_717 = vector.shape_cast %parallel_loop3A_716 : vector<16xf32> to vector<16xf32>
      %parallel_loop3A_718 = arith.addf %parallel_loop3A_714, %parallel_loop3A_717 : vector<16xf32>
      %parallel_loop3A_719 = arith.constant 0 : i32
      %parallel_loop3A_720 = arith.addi %parallel_loop3A_652, %parallel_loop3A_719 : i32
      %parallel_loop3A_721 = arith.constant 3 : i32
      %parallel_loop3A_722 = arith.index_cast %parallel_loop3A_721 : i32 to index
      %parallel_loop3A_723 = arith.index_cast %parallel_loop3A_720 : i32 to index
      %parallel_loop3A_724 = arith.constant 32 : index
      %parallel_loop3A_725 = tpu.vector_load %arg7[%parallel_loop3A_722, %parallel_loop3A_723, %parallel_loop3A_724] {strides = array<i32>} : memref<4x400x64xf32, #tpu.memory_space<vmem>>, vector<1x1x16xf32>,
      %parallel_loop3A_726 = vector.shape_cast %parallel_loop3A_725 : vector<1x1x16xf32> to vector<16xf32>
      %parallel_loop3A_727 = vector.shape_cast %parallel_loop3A_718 : vector<16xf32> to vector<1x1x16xf32>
      tpu.vector_store %arg7[%parallel_loop3A_722, %parallel_loop3A_723, %parallel_loop3A_724], %parallel_loop3A_727 {strides = array<i32>} : memref<4x400x64xf32, #tpu.memory_space<vmem>>, vector<1x1x16xf32>,
      %parallel_loop3A_728 = arith.constant 64 : i32
      %parallel_loop3A_729 = arith.muli %parallel_loop3A_652, %parallel_loop3A_728 : i32
      %parallel_loop3A_730 = arith.constant 48 : i32
      %parallel_loop3A_731 = arith.addi %parallel_loop3A_729, %parallel_loop3A_730 : i32
      %parallel_loop3A_732 = arith.constant 0 : i32
      %parallel_loop3A_733 = arith.addi %parallel_loop3A_652, %parallel_loop3A_732 : i32
      %parallel_loop3A_734 = arith.constant 3 : i32
      %parallel_loop3A_735 = arith.index_cast %parallel_loop3A_734 : i32 to index
      %parallel_loop3A_736 = arith.index_cast %parallel_loop3A_733 : i32 to index
      %parallel_loop3A_737 = arith.constant 48 : index
      %parallel_loop3A_738 = tpu.vector_load %arg7[%parallel_loop3A_735, %parallel_loop3A_736, %parallel_loop3A_737] {strides = array<i32>} : memref<4x400x64xf32, #tpu.memory_space<vmem>>, vector<1x1x16xf32>,
      %parallel_loop3A_739 = vector.shape_cast %parallel_loop3A_738 : vector<1x1x16xf32> to vector<16xf32>
      %parallel_loop3A_740 = arith.index_cast %parallel_loop3A_731 : i32 to index
      %parallel_loop3A_741 = tpu.vector_load %arg8[%parallel_loop3A_740] {strides = array<i32>} : memref<12800xf32, #tpu.memory_space<vmem>>, vector<16xf32>,
      %parallel_loop3A_742 = vector.shape_cast %parallel_loop3A_741 : vector<16xf32> to vector<16xf32>
      %parallel_loop3A_743 = arith.addf %parallel_loop3A_739, %parallel_loop3A_742 : vector<16xf32>
      %parallel_loop3A_744 = arith.constant 0 : i32
      %parallel_loop3A_745 = arith.addi %parallel_loop3A_652, %parallel_loop3A_744 : i32
      %parallel_loop3A_746 = arith.constant 3 : i32
      %parallel_loop3A_747 = arith.index_cast %parallel_loop3A_746 : i32 to index
      %parallel_loop3A_748 = arith.index_cast %parallel_loop3A_745 : i32 to index
      %parallel_loop3A_749 = arith.constant 48 : index
      %parallel_loop3A_750 = tpu.vector_load %arg7[%parallel_loop3A_747, %parallel_loop3A_748, %parallel_loop3A_749] {strides = array<i32>} : memref<4x400x64xf32, #tpu.memory_space<vmem>>, vector<1x1x16xf32>,
      %parallel_loop3A_751 = vector.shape_cast %parallel_loop3A_750 : vector<1x1x16xf32> to vector<16xf32>
      %parallel_loop3A_752 = vector.shape_cast %parallel_loop3A_743 : vector<16xf32> to vector<1x1x16xf32>
      tpu.vector_store %arg7[%parallel_loop3A_747, %parallel_loop3A_748, %parallel_loop3A_749], %parallel_loop3A_752 {strides = array<i32>} : memref<4x400x64xf32, #tpu.memory_space<vmem>>, vector<1x1x16xf32>,
      %parallel_loop3A_753 = arith.constant 64 : i32
      %parallel_loop3A_754 = arith.muli %parallel_loop3A_652, %parallel_loop3A_753 : i32
      %parallel_loop3A_755 = arith.constant 0 : i32
      %parallel_loop3A_756 = arith.addi %parallel_loop3A_754, %parallel_loop3A_755 : i32
      %parallel_loop3A_757 = arith.constant 200 : i32
      %parallel_loop3A_758 = arith.addi %parallel_loop3A_652, %parallel_loop3A_757 : i32
      %parallel_loop3A_759 = arith.constant 3 : i32
      %parallel_loop3A_760 = arith.index_cast %parallel_loop3A_759 : i32 to index
      %parallel_loop3A_761 = arith.index_cast %parallel_loop3A_758 : i32 to index
      %parallel_loop3A_762 = arith.constant 0 : index
      %parallel_loop3A_763 = tpu.vector_load %arg7[%parallel_loop3A_760, %parallel_loop3A_761, %parallel_loop3A_762] {strides = array<i32>} : memref<4x400x64xf32, #tpu.memory_space<vmem>>, vector<1x1x16xf32>,
      %parallel_loop3A_764 = vector.shape_cast %parallel_loop3A_763 : vector<1x1x16xf32> to vector<16xf32>
      %parallel_loop3A_765 = arith.index_cast %parallel_loop3A_756 : i32 to index
      %parallel_loop3A_766 = tpu.vector_load %arg8[%parallel_loop3A_765] {strides = array<i32>} : memref<12800xf32, #tpu.memory_space<vmem>>, vector<16xf32>,
      %parallel_loop3A_767 = vector.shape_cast %parallel_loop3A_766 : vector<16xf32> to vector<16xf32>
      %parallel_loop3A_768 = arith.addf %parallel_loop3A_764, %parallel_loop3A_767 : vector<16xf32>
      %parallel_loop3A_769 = arith.constant 200 : i32
      %parallel_loop3A_770 = arith.addi %parallel_loop3A_652, %parallel_loop3A_769 : i32
      %parallel_loop3A_771 = arith.constant 3 : i32
      %parallel_loop3A_772 = arith.index_cast %parallel_loop3A_771 : i32 to index
      %parallel_loop3A_773 = arith.index_cast %parallel_loop3A_770 : i32 to index
      %parallel_loop3A_774 = arith.constant 0 : index
      %parallel_loop3A_775 = tpu.vector_load %arg7[%parallel_loop3A_772, %parallel_loop3A_773, %parallel_loop3A_774] {strides = array<i32>} : memref<4x400x64xf32, #tpu.memory_space<vmem>>, vector<1x1x16xf32>,
      %parallel_loop3A_776 = vector.shape_cast %parallel_loop3A_775 : vector<1x1x16xf32> to vector<16xf32>
      %parallel_loop3A_777 = vector.shape_cast %parallel_loop3A_768 : vector<16xf32> to vector<1x1x16xf32>
      tpu.vector_store %arg7[%parallel_loop3A_772, %parallel_loop3A_773, %parallel_loop3A_774], %parallel_loop3A_777 {strides = array<i32>} : memref<4x400x64xf32, #tpu.memory_space<vmem>>, vector<1x1x16xf32>,
      %parallel_loop3A_778 = arith.constant 64 : i32
      %parallel_loop3A_779 = arith.muli %parallel_loop3A_652, %parallel_loop3A_778 : i32
      %parallel_loop3A_780 = arith.constant 16 : i32
      %parallel_loop3A_781 = arith.addi %parallel_loop3A_779, %parallel_loop3A_780 : i32
      %parallel_loop3A_782 = arith.constant 200 : i32
      %parallel_loop3A_783 = arith.addi %parallel_loop3A_652, %parallel_loop3A_782 : i32
      %parallel_loop3A_784 = arith.constant 3 : i32
      %parallel_loop3A_785 = arith.index_cast %parallel_loop3A_784 : i32 to index
      %parallel_loop3A_786 = arith.index_cast %parallel_loop3A_783 : i32 to index
      %parallel_loop3A_787 = arith.constant 16 : index
      %parallel_loop3A_788 = tpu.vector_load %arg7[%parallel_loop3A_785, %parallel_loop3A_786, %parallel_loop3A_787] {strides = array<i32>} : memref<4x400x64xf32, #tpu.memory_space<vmem>>, vector<1x1x16xf32>,
      %parallel_loop3A_789 = vector.shape_cast %parallel_loop3A_788 : vector<1x1x16xf32> to vector<16xf32>
      %parallel_loop3A_790 = arith.index_cast %parallel_loop3A_781 : i32 to index
      %parallel_loop3A_791 = tpu.vector_load %arg8[%parallel_loop3A_790] {strides = array<i32>} : memref<12800xf32, #tpu.memory_space<vmem>>, vector<16xf32>,
      %parallel_loop3A_792 = vector.shape_cast %parallel_loop3A_791 : vector<16xf32> to vector<16xf32>
      %parallel_loop3A_793 = arith.addf %parallel_loop3A_789, %parallel_loop3A_792 : vector<16xf32>
      %parallel_loop3A_794 = arith.constant 200 : i32
      %parallel_loop3A_795 = arith.addi %parallel_loop3A_652, %parallel_loop3A_794 : i32
      %parallel_loop3A_796 = arith.constant 3 : i32
      %parallel_loop3A_797 = arith.index_cast %parallel_loop3A_796 : i32 to index
      %parallel_loop3A_798 = arith.index_cast %parallel_loop3A_795 : i32 to index
      %parallel_loop3A_799 = arith.constant 16 : index
      %parallel_loop3A_800 = tpu.vector_load %arg7[%parallel_loop3A_797, %parallel_loop3A_798, %parallel_loop3A_799] {strides = array<i32>} : memref<4x400x64xf32, #tpu.memory_space<vmem>>, vector<1x1x16xf32>,
      %parallel_loop3A_801 = vector.shape_cast %parallel_loop3A_800 : vector<1x1x16xf32> to vector<16xf32>
      %parallel_loop3A_802 = vector.shape_cast %parallel_loop3A_793 : vector<16xf32> to vector<1x1x16xf32>
      tpu.vector_store %arg7[%parallel_loop3A_797, %parallel_loop3A_798, %parallel_loop3A_799], %parallel_loop3A_802 {strides = array<i32>} : memref<4x400x64xf32, #tpu.memory_space<vmem>>, vector<1x1x16xf32>,
      %parallel_loop3A_803 = arith.constant 64 : i32
      %parallel_loop3A_804 = arith.muli %parallel_loop3A_652, %parallel_loop3A_803 : i32
      %parallel_loop3A_805 = arith.constant 32 : i32
      %parallel_loop3A_806 = arith.addi %parallel_loop3A_804, %parallel_loop3A_805 : i32
      %parallel_loop3A_807 = arith.constant 200 : i32
      %parallel_loop3A_808 = arith.addi %parallel_loop3A_652, %parallel_loop3A_807 : i32
      %parallel_loop3A_809 = arith.constant 3 : i32
      %parallel_loop3A_810 = arith.index_cast %parallel_loop3A_809 : i32 to index
      %parallel_loop3A_811 = arith.index_cast %parallel_loop3A_808 : i32 to index
      %parallel_loop3A_812 = arith.constant 32 : index
      %parallel_loop3A_813 = tpu.vector_load %arg7[%parallel_loop3A_810, %parallel_loop3A_811, %parallel_loop3A_812] {strides = array<i32>} : memref<4x400x64xf32, #tpu.memory_space<vmem>>, vector<1x1x16xf32>,
      %parallel_loop3A_814 = vector.shape_cast %parallel_loop3A_813 : vector<1x1x16xf32> to vector<16xf32>
      %parallel_loop3A_815 = arith.index_cast %parallel_loop3A_806 : i32 to index
      %parallel_loop3A_816 = tpu.vector_load %arg8[%parallel_loop3A_815] {strides = array<i32>} : memref<12800xf32, #tpu.memory_space<vmem>>, vector<16xf32>,
      %parallel_loop3A_817 = vector.shape_cast %parallel_loop3A_816 : vector<16xf32> to vector<16xf32>
      %parallel_loop3A_818 = arith.addf %parallel_loop3A_814, %parallel_loop3A_817 : vector<16xf32>
      %parallel_loop3A_819 = arith.constant 200 : i32
      %parallel_loop3A_820 = arith.addi %parallel_loop3A_652, %parallel_loop3A_819 : i32
      %parallel_loop3A_821 = arith.constant 3 : i32
      %parallel_loop3A_822 = arith.index_cast %parallel_loop3A_821 : i32 to index
      %parallel_loop3A_823 = arith.index_cast %parallel_loop3A_820 : i32 to index
      %parallel_loop3A_824 = arith.constant 32 : index
      %parallel_loop3A_825 = tpu.vector_load %arg7[%parallel_loop3A_822, %parallel_loop3A_823, %parallel_loop3A_824] {strides = array<i32>} : memref<4x400x64xf32, #tpu.memory_space<vmem>>, vector<1x1x16xf32>,
      %parallel_loop3A_826 = vector.shape_cast %parallel_loop3A_825 : vector<1x1x16xf32> to vector<16xf32>
      %parallel_loop3A_827 = vector.shape_cast %parallel_loop3A_818 : vector<16xf32> to vector<1x1x16xf32>
      tpu.vector_store %arg7[%parallel_loop3A_822, %parallel_loop3A_823, %parallel_loop3A_824], %parallel_loop3A_827 {strides = array<i32>} : memref<4x400x64xf32, #tpu.memory_space<vmem>>, vector<1x1x16xf32>,
      %parallel_loop3A_828 = arith.constant 64 : i32
      %parallel_loop3A_829 = arith.muli %parallel_loop3A_652, %parallel_loop3A_828 : i32
      %parallel_loop3A_830 = arith.constant 48 : i32
      %parallel_loop3A_831 = arith.addi %parallel_loop3A_829, %parallel_loop3A_830 : i32
      %parallel_loop3A_832 = arith.constant 200 : i32
      %parallel_loop3A_833 = arith.addi %parallel_loop3A_652, %parallel_loop3A_832 : i32
      %parallel_loop3A_834 = arith.constant 3 : i32
      %parallel_loop3A_835 = arith.index_cast %parallel_loop3A_834 : i32 to index
      %parallel_loop3A_836 = arith.index_cast %parallel_loop3A_833 : i32 to index
      %parallel_loop3A_837 = arith.constant 48 : index
      %parallel_loop3A_838 = tpu.vector_load %arg7[%parallel_loop3A_835, %parallel_loop3A_836, %parallel_loop3A_837] {strides = array<i32>} : memref<4x400x64xf32, #tpu.memory_space<vmem>>, vector<1x1x16xf32>,
      %parallel_loop3A_839 = vector.shape_cast %parallel_loop3A_838 : vector<1x1x16xf32> to vector<16xf32>
      %parallel_loop3A_840 = arith.index_cast %parallel_loop3A_831 : i32 to index
      %parallel_loop3A_841 = tpu.vector_load %arg8[%parallel_loop3A_840] {strides = array<i32>} : memref<12800xf32, #tpu.memory_space<vmem>>, vector<16xf32>,
      %parallel_loop3A_842 = vector.shape_cast %parallel_loop3A_841 : vector<16xf32> to vector<16xf32>
      %parallel_loop3A_843 = arith.addf %parallel_loop3A_839, %parallel_loop3A_842 : vector<16xf32>
      %parallel_loop3A_844 = arith.constant 200 : i32
      %parallel_loop3A_845 = arith.addi %parallel_loop3A_652, %parallel_loop3A_844 : i32
      %parallel_loop3A_846 = arith.constant 3 : i32
      %parallel_loop3A_847 = arith.index_cast %parallel_loop3A_846 : i32 to index
      %parallel_loop3A_848 = arith.index_cast %parallel_loop3A_845 : i32 to index
      %parallel_loop3A_849 = arith.constant 48 : index
      %parallel_loop3A_850 = tpu.vector_load %arg7[%parallel_loop3A_847, %parallel_loop3A_848, %parallel_loop3A_849] {strides = array<i32>} : memref<4x400x64xf32, #tpu.memory_space<vmem>>, vector<1x1x16xf32>,
      %parallel_loop3A_851 = vector.shape_cast %parallel_loop3A_850 : vector<1x1x16xf32> to vector<16xf32>
      %parallel_loop3A_852 = vector.shape_cast %parallel_loop3A_843 : vector<16xf32> to vector<1x1x16xf32>
      tpu.vector_store %arg7[%parallel_loop3A_847, %parallel_loop3A_848, %parallel_loop3A_849], %parallel_loop3A_852 {strides = array<i32>} : memref<4x400x64xf32, #tpu.memory_space<vmem>>, vector<1x1x16xf32>,
    } {sc.loop_unroll_factor = 2 : i64, sc.parallel_access}
    %add3A_562 = arith.constant 25200 : i32
    %add3A_563 = arith.addi %mul3A_2, %add3A_562 : i32
    %dma_start3A_564 = arith.constant 3 : i32
    %dma_start3A_565 = arith.constant 3 : i32
    %dma_start3A_566 = arith.constant 0 : i32
    %dma_start3A_567 = arith.constant 0 : i32
    %dma_start3A_568 = tpu.memref_slice %arg7[%dma_start3A_564, %dma_start3A_566, %dma_start3A_567] : memref<4x400x64xf32, #tpu.memory_space<vmem>> -> memref<1x400x64xf32, #tpu.memory_space<vmem>>
    %dma_start3A_569 = tpu.memref_squeeze %dma_start3A_568 : memref<1x400x64xf32, #tpu.memory_space<vmem>> -> memref<400x64xf32, #tpu.memory_space<vmem>>
    %dma_start3A_570 = arith.constant 0 : i32
    %dma_start3A_571 = tpu.memref_slice %arg5[%add3A_563, %dma_start3A_570] : memref<819200x128xf32, #tpu.memory_space<hbm>> -> memref<400x64xf32, #tpu.memory_space<hbm>>
    %dma_start3A_572 = tpu.memref_slice %arg10[%dma_start3A_565] : memref<4x!tpu.dma_semaphore, #tpu.memory_space<semaphore_mem>> -> memref<1x!tpu.dma_semaphore, #tpu.memory_space<semaphore_mem>>
    %dma_start3A_573 = tpu.memref_squeeze %dma_start3A_572 : memref<1x!tpu.dma_semaphore, #tpu.memory_space<semaphore_mem>> -> memref<!tpu.dma_semaphore, #tpu.memory_space<semaphore_mem>>
    %dma_start3A_574 = arith.constant 0 : i32
    %dma_start3A_575 = tpu.memref_slice %arg5[%add3A_563, %dma_start3A_574] : memref<819200x128xf32, #tpu.memory_space<hbm>> -> memref<400x64xf32, #tpu.memory_space<hbm>>
    %dma_start3A_576 = arith.constant 0 : i32
    %dma_start3A_577 = arith.constant 0 : i32
    %dma_start3A_578 = tpu.memref_slice %arg7[%dma_start3A_564, %dma_start3A_576, %dma_start3A_577] : memref<4x400x64xf32, #tpu.memory_space<vmem>> -> memref<1x400x64xf32, #tpu.memory_space<vmem>>
    %dma_start3A_579 = tpu.memref_squeeze %dma_start3A_578 : memref<1x400x64xf32, #tpu.memory_space<vmem>> -> memref<400x64xf32, #tpu.memory_space<vmem>>
    tpu.enqueue_dma source(%dma_start3A_579 : memref<400x64xf32, #tpu.memory_space<vmem>>) target(%dma_start3A_575 : memref<400x64xf32, #tpu.memory_space<hbm>>) target_semaphore(%dma_start3A_573 : memref<!tpu.dma_semaphore, #tpu.memory_space<semaphore_mem>>)
    %add3A_580 = arith.constant 24000 : i32
    %add3A_581 = arith.addi %mul3A_2, %add3A_580 : i32
    %dma_wait3A_582 = arith.constant 0 : i32
    %dma_wait3A_583 = arith.constant 0 : i32
    %dma_wait3A_584 = arith.constant 0 : i32
    %dma_wait3A_585 = arith.constant 0 : i32
    %dma_wait3A_586 = tpu.memref_slice %arg7[%dma_wait3A_582, %dma_wait3A_584, %dma_wait3A_585] : memref<4x400x64xf32, #tpu.memory_space<vmem>> -> memref<1x400x64xf32, #tpu.memory_space<vmem>>
    %dma_wait3A_587 = tpu.memref_squeeze %dma_wait3A_586 : memref<1x400x64xf32, #tpu.memory_space<vmem>> -> memref<400x64xf32, #tpu.memory_space<vmem>>
    %dma_wait3A_588 = arith.constant 0 : i32
    %dma_wait3A_589 = tpu.memref_slice %arg5[%add3A_581, %dma_wait3A_588] : memref<819200x128xf32, #tpu.memory_space<hbm>> -> memref<400x64xf32, #tpu.memory_space<hbm>>
    %dma_wait3A_590 = tpu.memref_slice %arg10[%dma_wait3A_583] : memref<4x!tpu.dma_semaphore, #tpu.memory_space<semaphore_mem>> -> memref<1x!tpu.dma_semaphore, #tpu.memory_space<semaphore_mem>>
    %dma_wait3A_591 = tpu.memref_squeeze %dma_wait3A_590 : memref<1x!tpu.dma_semaphore, #tpu.memory_space<semaphore_mem>> -> memref<!tpu.dma_semaphore, #tpu.memory_space<semaphore_mem>>
    %dma_wait3A_592 = arith.constant 0 : i32
    %dma_wait3A_593 = tpu.memref_slice %arg5[%add3A_581, %dma_wait3A_592] : memref<819200x128xf32, #tpu.memory_space<hbm>> -> memref<400x64xf32, #tpu.memory_space<hbm>>
    %dma_wait3A_594 = arith.constant 0 : i32
    %dma_wait3A_595 = arith.constant 0 : i32
    %dma_wait3A_596 = tpu.memref_slice %arg7[%dma_wait3A_582, %dma_wait3A_594, %dma_wait3A_595] : memref<4x400x64xf32, #tpu.memory_space<vmem>> -> memref<1x400x64xf32, #tpu.memory_space<vmem>>
    %dma_wait3A_597 = tpu.memref_squeeze %dma_wait3A_596 : memref<1x400x64xf32, #tpu.memory_space<vmem>> -> memref<400x64xf32, #tpu.memory_space<vmem>>
    tpu.wait_dma2 semaphore(%dma_wait3A_591 : memref<!tpu.dma_semaphore, #tpu.memory_space<semaphore_mem>>) src(%dma_wait3A_597 : memref<400x64xf32, #tpu.memory_space<vmem>>) dst(%dma_wait3A_593 : memref<400x64xf32, #tpu.memory_space<hbm>>)
    %add3A_598 = arith.constant 24400 : i32
    %add3A_599 = arith.addi %mul3A_2, %add3A_598 : i32
    %dma_wait3A_600 = arith.constant 1 : i32
    %dma_wait3A_601 = arith.constant 1 : i32
    %dma_wait3A_602 = arith.constant 0 : i32
    %dma_wait3A_603 = arith.constant 0 : i32
    %dma_wait3A_604 = tpu.memref_slice %arg7[%dma_wait3A_600, %dma_wait3A_602, %dma_wait3A_603] : memref<4x400x64xf32, #tpu.memory_space<vmem>> -> memref<1x400x64xf32, #tpu.memory_space<vmem>>
    %dma_wait3A_605 = tpu.memref_squeeze %dma_wait3A_604 : memref<1x400x64xf32, #tpu.memory_space<vmem>> -> memref<400x64xf32, #tpu.memory_space<vmem>>
    %dma_wait3A_606 = arith.constant 0 : i32
    %dma_wait3A_607 = tpu.memref_slice %arg5[%add3A_599, %dma_wait3A_606] : memref<819200x128xf32, #tpu.memory_space<hbm>> -> memref<400x64xf32, #tpu.memory_space<hbm>>
    %dma_wait3A_608 = tpu.memref_slice %arg10[%dma_wait3A_601] : memref<4x!tpu.dma_semaphore, #tpu.memory_space<semaphore_mem>> -> memref<1x!tpu.dma_semaphore, #tpu.memory_space<semaphore_mem>>
    %dma_wait3A_609 = tpu.memref_squeeze %dma_wait3A_608 : memref<1x!tpu.dma_semaphore, #tpu.memory_space<semaphore_mem>> -> memref<!tpu.dma_semaphore, #tpu.memory_space<semaphore_mem>>
    %dma_wait3A_610 = arith.constant 0 : i32
    %dma_wait3A_611 = tpu.memref_slice %arg5[%add3A_599, %dma_wait3A_610] : memref<819200x128xf32, #tpu.memory_space<hbm>> -> memref<400x64xf32, #tpu.memory_space<hbm>>
    %dma_wait3A_612 = arith.constant 0 : i32
    %dma_wait3A_613 = arith.constant 0 : i32
    %dma_wait3A_614 = tpu.memref_slice %arg7[%dma_wait3A_600, %dma_wait3A_612, %dma_wait3A_613] : memref<4x400x64xf32, #tpu.memory_space<vmem>> -> memref<1x400x64xf32, #tpu.memory_space<vmem>>
    %dma_wait3A_615 = tpu.memref_squeeze %dma_wait3A_614 : memref<1x400x64xf32, #tpu.memory_space<vmem>> -> memref<400x64xf32, #tpu.memory_space<vmem>>
    tpu.wait_dma2 semaphore(%dma_wait3A_609 : memref<!tpu.dma_semaphore, #tpu.memory_space<semaphore_mem>>) src(%dma_wait3A_615 : memref<400x64xf32, #tpu.memory_space<vmem>>) dst(%dma_wait3A_611 : memref<400x64xf32, #tpu.memory_space<hbm>>)
    %add3A_616 = arith.constant 24800 : i32
    %add3A_617 = arith.addi %mul3A_2, %add3A_616 : i32
    %dma_wait3A_618 = arith.constant 2 : i32
    %dma_wait3A_619 = arith.constant 2 : i32
    %dma_wait3A_620 = arith.constant 0 : i32
    %dma_wait3A_621 = arith.constant 0 : i32
    %dma_wait3A_622 = tpu.memref_slice %arg7[%dma_wait3A_618, %dma_wait3A_620, %dma_wait3A_621] : memref<4x400x64xf32, #tpu.memory_space<vmem>> -> memref<1x400x64xf32, #tpu.memory_space<vmem>>
    %dma_wait3A_623 = tpu.memref_squeeze %dma_wait3A_622 : memref<1x400x64xf32, #tpu.memory_space<vmem>> -> memref<400x64xf32, #tpu.memory_space<vmem>>
    %dma_wait3A_624 = arith.constant 0 : i32
    %dma_wait3A_625 = tpu.memref_slice %arg5[%add3A_617, %dma_wait3A_624] : memref<819200x128xf32, #tpu.memory_space<hbm>> -> memref<400x64xf32, #tpu.memory_space<hbm>>
    %dma_wait3A_626 = tpu.memref_slice %arg10[%dma_wait3A_619] : memref<4x!tpu.dma_semaphore, #tpu.memory_space<semaphore_mem>> -> memref<1x!tpu.dma_semaphore, #tpu.memory_space<semaphore_mem>>
    %dma_wait3A_627 = tpu.memref_squeeze %dma_wait3A_626 : memref<1x!tpu.dma_semaphore, #tpu.memory_space<semaphore_mem>> -> memref<!tpu.dma_semaphore, #tpu.memory_space<semaphore_mem>>
    %dma_wait3A_628 = arith.constant 0 : i32
    %dma_wait3A_629 = tpu.memref_slice %arg5[%add3A_617, %dma_wait3A_628] : memref<819200x128xf32, #tpu.memory_space<hbm>> -> memref<400x64xf32, #tpu.memory_space<hbm>>
    %dma_wait3A_630 = arith.constant 0 : i32
    %dma_wait3A_631 = arith.constant 0 : i32
    %dma_wait3A_632 = tpu.memref_slice %arg7[%dma_wait3A_618, %dma_wait3A_630, %dma_wait3A_631] : memref<4x400x64xf32, #tpu.memory_space<vmem>> -> memref<1x400x64xf32, #tpu.memory_space<vmem>>
    %dma_wait3A_633 = tpu.memref_squeeze %dma_wait3A_632 : memref<1x400x64xf32, #tpu.memory_space<vmem>> -> memref<400x64xf32, #tpu.memory_space<vmem>>
    tpu.wait_dma2 semaphore(%dma_wait3A_627 : memref<!tpu.dma_semaphore, #tpu.memory_space<semaphore_mem>>) src(%dma_wait3A_633 : memref<400x64xf32, #tpu.memory_space<vmem>>) dst(%dma_wait3A_629 : memref<400x64xf32, #tpu.memory_space<hbm>>)
    %add3A_634 = arith.constant 25200 : i32
    %add3A_635 = arith.addi %mul3A_2, %add3A_634 : i32
    %dma_wait3A_636 = arith.constant 3 : i32
    %dma_wait3A_637 = arith.constant 3 : i32
    %dma_wait3A_638 = arith.constant 0 : i32
    %dma_wait3A_639 = arith.constant 0 : i32
    %dma_wait3A_640 = tpu.memref_slice %arg7[%dma_wait3A_636, %dma_wait3A_638, %dma_wait3A_639] : memref<4x400x64xf32, #tpu.memory_space<vmem>> -> memref<1x400x64xf32, #tpu.memory_space<vmem>>
    %dma_wait3A_641 = tpu.memref_squeeze %dma_wait3A_640 : memref<1x400x64xf32, #tpu.memory_space<vmem>> -> memref<400x64xf32, #tpu.memory_space<vmem>>
    %dma_wait3A_642 = arith.constant 0 : i32
    %dma_wait3A_643 = tpu.memref_slice %arg5[%add3A_635, %dma_wait3A_642] : memref<819200x128xf32, #tpu.memory_space<hbm>> -> memref<400x64xf32, #tpu.memory_space<hbm>>
    %dma_wait3A_644 = tpu.memref_slice %arg10[%dma_wait3A_637] : memref<4x!tpu.dma_semaphore, #tpu.memory_space<semaphore_mem>> -> memref<1x!tpu.dma_semaphore, #tpu.memory_space<semaphore_mem>>
    %dma_wait3A_645 = tpu.memref_squeeze %dma_wait3A_644 : memref<1x!tpu.dma_semaphore, #tpu.memory_space<semaphore_mem>> -> memref<!tpu.dma_semaphore, #tpu.memory_space<semaphore_mem>>
    %dma_wait3A_646 = arith.constant 0 : i32
    %dma_wait3A_647 = tpu.memref_slice %arg5[%add3A_635, %dma_wait3A_646] : memref<819200x128xf32, #tpu.memory_space<hbm>> -> memref<400x64xf32, #tpu.memory_space<hbm>>
    %dma_wait3A_648 = arith.constant 0 : i32
    %dma_wait3A_649 = arith.constant 0 : i32
    %dma_wait3A_650 = tpu.memref_slice %arg7[%dma_wait3A_636, %dma_wait3A_648, %dma_wait3A_649] : memref<4x400x64xf32, #tpu.memory_space<vmem>> -> memref<1x400x64xf32, #tpu.memory_space<vmem>>
    %dma_wait3A_651 = tpu.memref_squeeze %dma_wait3A_650 : memref<1x400x64xf32, #tpu.memory_space<vmem>> -> memref<400x64xf32, #tpu.memory_space<vmem>>
    tpu.wait_dma2 semaphore(%dma_wait3A_645 : memref<!tpu.dma_semaphore, #tpu.memory_space<semaphore_mem>>) src(%dma_wait3A_651 : memref<400x64xf32, #tpu.memory_space<vmem>>) dst(%dma_wait3A_647 : memref<400x64xf32, #tpu.memory_space<hbm>>)
    return
  }
}

</mosaic_0001>

<sc_bundles>
// kernel: kernel.3.cloned.1.call-start
scs
__scs_entry_jumppad:
0x0: {  	(pc) =	sbr.rel $0x88, $3  }
0x1: {  	(tag) =	ssettag $0x0;
	lr =	simm.s32 $0x1  }
0x2: {  	[smem:$0x3F9E] =	sst lr;
	_ =	strace $0xD0000000  }
0x3: {  	_ = 	snop  }
0x4: {  	_ = 	snop  }
0x5: {  	_ = 	snop  }
0x6: {  	_ = 	snop  }
0x7: {  	_ = 	snop  }
__scs_overlays_trampoline_lowered:
0x8: {  	[smem:$0x3FAD] =	sst s0  }
0x9: {  	[smem:$0x3FAE] =	sst s1  }
0xa: {  	[smem:$0x3FAF] =	sst s2  }
0xb: {  	[smem:$0x3FB0] =	sst s3  }
0xc: {  	[smem:$0x3FB1] =	sst s4  }
0xd: {  	[smem:$0x3FB2] =	sst s5  }
0xe: {  	[smem:$0x3FB3] =	sst s6  }
0xf: {  	[smem:$0x3FB4] =	sst s7  }
0x10: {  	[smem:$0x3FB5] =	sst s8  }
0x11: {  	[smem:$0x3FB6] =	sst s9;
	s0 =	simm.s32 @!p0 $0x0  }
0x12: {  	s1 =	sld [smem:$0x3F9C];
	s0 =	simm.s32 @p0 $0x1  }
0x13: {  	[smem:$0x3FB7] =	sst s0;
	s0 =	simm.s32 @!p1 $0x0  }
0x14: {  	s2 =	sld [smem:$0x3F9B];
	s0 =	simm.s32 @p1 $0x1  }
0x15: {  	[smem:$0x3FB8] =	sst s0;
	s0 =	simm.s32 @!p2 $0x0  }
0x16: {  	s3 =	sld [smem:$0x3FDB];
	s0 =	simm.s32 @p2 $0x1  }
0x17: {  	s4 =	simm.s32 $0x1BF5;
	[smem:$0x3FBA] =	sst s0  }
0x18: {  	s0 =	sld [smem:$0x3F9D];
	_ =	swait.ge [sflag:s4], $0x0  }
0x19: {  	s7 =	sld [smem:$0x3F9E]  }
0x1a: {  	s8 =	sadd.s32 $0xFFFFE003, lr  }
0x1b: {  	s9 =	sadd.s32 $0xFFFFFEF7, lr;
	s5 =	simm.s32 $0xFFFFFFFF;
	p2 =	slt.u32 s8, $0xFFFFF086  }
0x1c: {  	p1 =	slt.u32 s9, $0xF7A;
	s5 =	simm.s32 @!p2 $0x0  }
0x1d: {  	s5 =	simm.s32 @p1 $0x1;
	p0 =	seq.s32 s7, s2  }
0x1e: {  	s7 =	smul.u32 @!p0 $0xF7A, s2;
	p2 =	seq.s32 @!p0 s5, $0x0  }
0x1f: {  	s9 =	smul.u32 $0xF7A, s1;
	s8 =	simm.s32 @!p0 $0x1BF5;
	p2 =	por !p2, p0  }
0x20: {  	[sflag:s8] =	ssyncset.s32 @!p0 $0xFFFFF086;
	s6 =	sadd.s32 @!p0 s3, s7;
	s7 =	simm.s32 @!p0 $0x108  }
0x21: {  	s3 =	sadd.s32 s3, s9;
	s6 =	sadd.s32 @!p0 $0x88, s6;
	s7 =	simm.s32 @p2 $0x1082  }
0x22: {  	[simem:s7], [sflag:s8] =	dma.local @!p0 [hbm:s6], $0xF7A  }
0x23: {  	s9 =	sor.u32 $0xD0000000, s2;
	s6 =	simm.s32 $0x108;
	_ =	swait.ge @!p0 [sflag:s8], $0x0  }
0x24: {  	s3 =	sadd.s32 $0x88, s3;
	s6 =	simm.s32 @!p1 $0x1082;
	[sflag:s4] =	ssyncset.s32 $0xFFFFF086  }
0x25: {  	[simem:s6], [sflag:s4] =	dma.local [hbm:s3], $0xF7A  }
0x26: {  	[smem:$0x3F9E] =	sst s1;
	(tag) =	ssettag s2;
	_ =	strace s9  }
0x27: {  	s1 =	sld [smem:$0x3FAE]  }
0x28: {  	s2 =	sld [smem:$0x3FAF]  }
0x29: {  	s4 =	sld [smem:$0x3FB1]  }
0x2a: {  	p0 =	seq.s32 s5, $0x0;
	s5 =	sld [smem:$0x3FB2]  }
0x2b: {  	s6 =	sld [smem:$0x3FB3]  }
0x2c: {  	s7 =	sld [smem:$0x3FB4]  }
0x2d: {  	s3 =	simm.s32 $0x108;
	s8 =	sld [smem:$0x3FB5]  }
0x2e: {  	s3 =	simm.s32 @!p0 $0x1082;
	s9 =	sld [smem:$0x3FB6]  }
0x2f: {  	lr =	sadd.s32 s0, s3;
	s0 =	sld [smem:$0x3FAD]  }
0x30: {  	s3 =	sld [smem:$0x3FB0]  }
0x31: {  	[smem:$0x3FB9] =	sst s10  }
0x32: {  	s10 =	sld [smem:$0x3FB7];
	_ =	sdelay $0x3  }
0x33: {  	p0 =	seq.s32 s10, $0x1;
	s10 =	sld [smem:$0x3FB9];
	_ =	sdelay $0x3  }
0x34: {  	[smem:$0x3FB9] =	sst s10  }
0x35: {  	s10 =	sld [smem:$0x3FB8];
	_ =	sdelay $0x3  }
0x36: {  	p1 =	seq.s32 s10, $0x1;
	s10 =	sld [smem:$0x3FB9];
	_ =	sdelay $0x3  }
0x37: {  	[smem:$0x3FB9] =	sst s10  }
0x38: {  	s10 =	sld [smem:$0x3FBA]  }
0x39: {  	_ = 	snop;
	(pc) =	sbr.ind lr, $3  }
0x3a: {  	_ = 	snop  }
0x3b: {  	_ = 	snop  }
0x3c: {  	p2 =	seq.s32 s10, $0x1;
	s10 =	sld [smem:$0x3FB9]  }
0x3d: {  	_ =	shalt  }
0x3e: {  	_ =	shalt  }
0x3f: {  	_ =	shalt  }
0x40: {  	_ =	shalt  }
0x41: {  	_ =	shalt  }
0x42: {  	_ =	shalt  }
0x43: {  	_ =	shalt  }
0x44: {  	_ =	shalt  }
0x45: {  	_ =	shalt  }
0x46: {  	_ =	shalt  }
0x47: {  	_ =	shalt  }
0x48: {  	_ =	shalt  }
0x49: {  	_ =	shalt  }
0x4a: {  	_ =	shalt  }
0x4b: {  	_ =	shalt  }
0x4c: {  	_ =	shalt  }
0x4d: {  	_ =	shalt  }
0x4e: {  	_ =	shalt  }
0x4f: {  	_ =	shalt  }
0x50: {  	_ =	shalt  }
0x51: {  	_ =	shalt  }
0x52: {  	_ =	shalt  }
0x53: {  	_ =	shalt  }
0x54: {  	_ =	shalt  }
0x55: {  	_ =	shalt  }
0x56: {  	_ =	shalt  }
0x57: {  	_ =	shalt  }
0x58: {  	_ =	shalt  }
0x59: {  	_ =	shalt  }
0x5a: {  	_ =	shalt  }
0x5b: {  	_ =	shalt  }
0x5c: {  	_ =	shalt  }
0x5d: {  	_ =	shalt  }
0x5e: {  	_ =	shalt  }
0x5f: {  	_ =	shalt  }
0x60: {  	_ =	shalt  }
0x61: {  	_ =	shalt  }
0x62: {  	_ =	shalt  }
0x63: {  	_ =	shalt  }
0x64: {  	_ =	shalt  }
0x65: {  	_ =	shalt  }
0x66: {  	_ =	shalt  }
0x67: {  	_ =	shalt  }
0x68: {  	_ =	shalt  }
0x69: {  	_ =	shalt  }
0x6a: {  	_ =	shalt  }
0x6b: {  	_ =	shalt  }
0x6c: {  	_ =	shalt  }
0x6d: {  	_ =	shalt  }
0x6e: {  	_ =	shalt  }
0x6f: {  	_ =	shalt  }
0x70: {  	_ =	shalt  }
0x71: {  	_ =	shalt  }
0x72: {  	_ =	shalt  }
0x73: {  	_ =	shalt  }
0x74: {  	_ =	shalt  }
0x75: {  	_ =	shalt  }
0x76: {  	_ =	shalt  }
0x77: {  	_ =	shalt  }
0x78: {  	_ =	shalt  }
0x79: {  	_ =	shalt  }
0x7a: {  	_ =	shalt  }
0x7b: {  	_ =	shalt  }
0x7c: {  	_ =	shalt  }
0x7d: {  	_ =	shalt  }
0x7e: {  	_ =	shalt  }
0x7f: {  	_ =	shalt  }
0x80: {  	_ =	shalt  }
0x81: {  	_ =	shalt  }
0x82: {  	_ =	shalt  }
0x83: {  	_ =	shalt  }
0x84: {  	_ =	shalt  }
0x85: {  	_ =	shalt  }
0x86: {  	_ =	shalt  }
0x87: {  	_ =	shalt  }
.Lfunc_end0:
.L_simem_size_0:
called_computation.1_lowered:
.L_overlay_start_0:
0x88: {  	s2 =	sld [smem:$0x3FD9]  }
0x89: {  	s3 =	sld [smem:$0x3FFE];
	_ =	sdelay $0x1  }
0x8a: {  	s1 =	srdreg.scid  }
0x8b: {  	s0 =	sand.u32 $0x1, s1  }
0x8c: {  	s16 =	sshll.u32 s0, $0xA;
	s2 =	sadd.s32 s3, s2  }
0x8d: {  	s2 =	sadd.s32 s2, s16  }
0x8e: {  	[smem:$0x3FC5] =	sst s2  }
0x8f: {  	_ = 	snop  }
0x90: {  	(tm) =	ssettm $0x1  }
0x91: {  	s17 =	sld [smem:$0x3FFB];
	_ =	sdelay $0x3  }
0x92: {  	_ =	strace s17  }
0x93: {  	s2 =	sld [smem:$0x3FFC];
	_ =	sdelay $0x3  }
0x94: {  	_ =	strace s2  }
0x95: {  	s2 =	sld [smem:$0x3FFD];
	_ =	sdelay $0x3  }
0x96: {  	_ =	strace s2  }
0x97: {  	_ =	strace $0x8FFFFFFF  }
0x98: {  	s18 =	sld [smem:$0x3FDB];
	_ =	sdelay $0x1  }
0x99: {  	s19 =	simm.s32 $_scs_section_size  }
0x9a: {  	s4 =	simm.s32 $_size__tile_overlayer_lowered;
	s5 =	simm.s32 $_tile_overlayer_lowered  }
0x9b: {  	s22 =	simm.s32 $0x1BFF;
	s21 =	sshll.u32 s5, $0x1;
	s2 =	sadd.s32 s19, s18  }
0x9c: {  	s6 =	simm.s32 $0x0;
	s20 =	sshll.u32 s4, $0x1;
	s4 =	sadd.s32 s21, s2  }
0x9d: {  	[timem:s6], [sflag:s22] =	dma.local [hbm:s4], s20  }
0x9e: {  	_ =	swait.ge [sflag:s22], s20  }
0x9f: {  	s3 =	ssub.s32 $0x0, s20;
	[sflag:s22] =	ssyncset.done $0x0  }
0xa0: {  	[sflag:s22] =	ssyncadd.s32 s3;
	_ =	sdelay $0x1  }
0xa1: {  	s23 =	simm.s32 $0x1B8B  }
0xa2: {  	_ =	swait.ge [sflag:s23], $0x1  }
0xa3: {  	[sflag:s23] =	ssyncset.done $0x0  }
0xa4: {  	s25 =	simm.s32 $0x1B8E;
	s24 =	sld [smem:$0x3FFE];
	[sflag:s23] =	ssyncadd.s32 $0xFFFFFFFF  }
0xa5: {  	s26 =	simm.s32 $execute0_lowered;
	[smem:$0x3FD2] =	sst s25  }
0xa6: {  	s4 =	sshll.u32 s26, $0x1;
	_ =	strace $0x80000046;
	[dreg:$0x1] =	wrdreg $0xFFFFFFFF  }
0xa7: {  	s28 =	simm.s32 $_size_execute0_lowered;
	s2 =	sadd.s32 s2, s4;
	[dreg:$0x0] =	wrdreg $0x0  }
0xa8: {  	s4 =	sshll.u32 s28, $0x1;
	[dreg:$0x2] =	wrdreg s2  }
0xa9: {  	[dreg:$0x3] =	wrdreg s4  }
0xaa: {  	[dreg:$0x4] =	wrdreg $0xC0  }
0xab: {  	_ =	task [dreg:s6], $0x5FFFF  }
0xac: {  	[dreg:$0x1] =	wrdreg $0xFFFFFFFF  }
0xad: {  	[dreg:$0x0] =	wrdreg $0x60  }
0xae: {  	[dreg:$0x2] =	wrdreg s24  }
0xaf: {  	[dreg:$0x3] =	wrdreg $0x9  }
0xb0: {  	_ =	task.clear_ibuf [dreg:s6], $0x4FFFF;
	_ =	strace $0x90000046  }
0xb1: {  	s29 =	simm.s32 $0x9;
	_ =	strace $0x80000048  }
0xb2: {  	_ =	swait.ge [sflag:s29], $0x1  }
0xb3: {  	[sflag:s29] =	ssyncadd.s32 $0xFFFFFFFF  }
0xb4: {  	_ =	strace $0x90000048  }
0xb5: {  	_ =	sfence  }
0xb6: {  	s30 =	sld [smem:$0x0];
	_ =	sdelay $0x2  }
0xb7: {  	s31 =	sshll.u32 s1, $0xD;
	s1 =	sshrl.u32 s1, $0x2  }
0xb8: {  	s3 =	sand.u32 $0x4000, s31;
	s1 =	sadd.s32 s1, s30  }
0xb9: {  	s0 =	sor.u32 s3, s0;
	s1 =	sshll.u32 s1, $0x11  }
0xba: {  	s0 =	sor.u32 s1, s0  }
0xbb: {  	s0 =	sadd.s32 $0x8F2B, s0  }
0xbc: {  	[sflag:s0] =	ssyncadd.remote.s32 $0x1  }
0xbd: {  	_ =	sfence.sel $0xFFFF  }
0xbe: {  	[dreg:$0x0] =	wrdreg $0xFFFFFFFF;
	(pc) =	sbr.abs _section_cstart, $3  }
0xbf: {  	[dreg:$0x1] =	wrdreg $0xFFFFFFFF  }
0xc0: {  	_ =	task.clear_ibuf [dreg:s6], $0x2FFFF;
	_ =	strace $0x9FFFFFFF  }
0xc1: {  	(tm) =	ssettm $0x7FFFFFFF  }
tec
execute0_lowered:
.L_overlay_start_1:
0x0: {  	(tag) =	ssettag $0x1  }
0x1: {  	s0 =	rddreg [dreg:$0x0]  }
0x2: {  	s2 =	simm.s32 $0x0;
	s1 =	srdreg.scid;
	s3 =	stileid.u32  }
0x3: {  	s28 =	simm.s32 $0x640;
	s10 =	simm.s32 $0x6A40;
	s29 =	simm.s32 $0x6  }
0x4: {  	s30 =	simm.s32 $0x7;
	s31 =	simm.s32 $0x8;
	[smem:$0x7FF] =	sst s2  }
0x5: {  	s1 =	sand.u32 $0x1, s1;
	s4 =	sshll.u32 s3, $0x1;
	s3 =	sadd.s32 $0x1000, s0  }
0x6: {  	s5 =	sadd.s32 $0x800, s0;
	s6 =	sadd.s32 $0x1A000, s0;
	s4 =	sor.u32 s1, s4  }
0x7: {  	s7 =	sadd.s32 $0xDD600, s0;
	s1 =	ssub.s32 $0x2, s1;
	s11 =	smul.u32 $0x6400, s4  }
0x8: {  	_ =	strace $0x80000047;
	[dreg:$0x2] =	wrdreg s5;
	s12 =	sshrl.u32 s1, $0x1  }
0x9: {  	s4 =	smul.u32 $0x320000, s4;
	s8 =	sadd.s32 $0x4B0, s11;
	[dreg:$0x3] =	wrdreg s11  }
0xa: {  	s0 =	ssub.s32 s1, s12;
	s17 =	sor.u32 $0x190, s11;
	[dreg:$0x4] =	wrdreg s8  }
0xb: {  	s12 =	simm.s32 $0x4B0;
	s18 =	sor.u32 $0x320, s11;
	[dreg:$0x9] =	wrdreg s17  }
0xc: {  	s13 =	sshrl.u32 s11, $0x3;
	s20 =	sadd.s32 $0x640, s11;
	[dreg:$0xa] =	wrdreg s18  }
0xd: {  	s19 =	sshrl.u32 s4, $0x3;
	s21 =	sadd.s32 $0x7D0, s11;
	[dreg:$0xb] =	wrdreg s20  }
0xe: {  	s22 =	sadd.s32 $0x960, s11;
	s23 =	sadd.s32 $0xAF0, s11;
	[dreg:$0xc] =	wrdreg s21  }
0xf: {  	s0 =	smax.u32 s0, $0x1;
	s4 =	simm.s32 $0x190;
	[dreg:$0xd] =	wrdreg s22  }
0x10: {  	s11 =	simm.s32 $0x2;
	s9 =	sadd.s32 s3, s13;
	[dreg:$0xe] =	wrdreg s23  }
0x11: {  	s14 =	sshrl.u32 s8, $0x3;
	[dreg:$0x13] =	wrdreg s0;
	s0 =	simm.s32 $0x10  }
0x12: {  	s23 =	simm.s32 $0x320;
	s15 =	sadd.s32 $0x32, s9;
	[dreg:$0x5] =	wrdreg s9  }
0x13: {  	s20 =	simm.s32 $0x3;
	s1 =	sadd.s32 s3, s14;
	[dreg:$0x6] =	wrdreg s15  }
0x14: {  	s16 =	sadd.s32 $0x64, s9;
	[dreg:$0x8] =	wrdreg s1;
	s1 =	sadd.s32 s7, s19  }
0x15: {  	s21 =	simm.s32 $0x4;
	[dreg:$0x7] =	wrdreg s16;
	s24 =	sadd.s32 $0x5DC00, s1  }
0x16: {  	s22 =	simm.s32 $0x5;
	s25 =	sadd.s32 $0x5F500, s1;
	[dreg:$0xf] =	wrdreg s24  }
0x17: {  	s8 =	simm.s32 $0x0;
	s26 =	sadd.s32 $0x60E00, s1;
	[dreg:$0x10] =	wrdreg s25  }
0x18: {  	s9 =	simm.s32 $0xCE40;
	s1 =	sadd.s32 $0x62700, s1;
	[dreg:$0x11] =	wrdreg s26  }
0x19: {  	s19 =	simm.s32 $0x13240;
	[dreg:$0x12] =	wrdreg s1;
	s25 =	simm.s32 $0x9  }
0x1a: {  	s26 =	simm.s32 $0x80;
	s1 =	simm.s32 $0x1;
	s24 =	simm.s32 $0x40  }
.LBB2_1:
0x1b: {  	[dreg:$0x14] =	wrdreg s8  }
0x1c: {  	s5 =	rddreg [dreg:$0x2];
	s13 =	simm.s32 $0x19640  }
0x1d: {  	[tilespmem:s13], [sflag:$0x9] =	stream.linear.gather [hbm4b:s5+s2], $0x3200, $0x38;
	[tilespmem:$0x1C840] =	vst v63  }
0x1e: {  	_ =	swait.ge [sflag:s25], $0x3200  }
0x1f: {  	[sflag:s25] =	ssyncset.done $0x0  }
0x20: {  	s14 =	rddreg [dreg:$0x5];
	[sflag:s25] =	ssyncadd.s32 $0xFFFFCE00  }
0x21: {  	[tilespmem:s2], [sflag:$0x9] =	stream.linear.gather [hbm4b:s14+s2], $0x190, $0x38;
	[tilespmem:$0x1C840] =	vst v63  }
0x22: {  	_ =	swait.ge [sflag:s25], $0x190  }
0x23: {  	[sflag:s25] =	ssyncset.done $0x0  }
0x24: {  	[sflag:s25] =	ssyncadd.s32 $0xFFFFFE70  }
0x25: {  	[tilespmem:s28], [sflag:$0x1] =	stream.indirect.gather [hbm4b:s6+s26], $0x40, s2, s26, $0xb8;
	[tilespmem:$0x1C840] =	vst v63  }
0x26: {  	s15 =	simm.s32 $0x2640  }
0x27: {  	[tilespmem:s15], [sflag:$0x1] =	stream.indirect.gather [hbm4b:s6+s26], $0x40, s26, s26, $0xb8;
	[tilespmem:$0x1C840] =	vst v63  }
0x28: {  	s16 =	simm.s32 $0x100;
	s17 =	simm.s32 $0x4640  }
0x29: {  	[tilespmem:s17], [sflag:$0x1] =	stream.indirect.gather [hbm4b:s6+s26], $0x40, s16, s26, $0xb8;
	[tilespmem:$0x1C840] =	vst v63  }
0x2a: {  	s18 =	simm.s32 $0x180;
	s28 =	simm.s32 $0x6640  }
0x2b: {  	[tilespmem:s28], [sflag:$0x1] =	stream.indirect.gather [hbm4b:s6+s0], $0x40, s18, s0, $0xb8;
	[tilespmem:$0x1C840] =	vst v63  }
0x2c: {  	s13 =	rddreg [dreg:$0x6]  }
0x2d: {  	[tilespmem:s4], [sflag:$0x9] =	stream.linear.gather [hbm4b:s13+s2], $0x190, $0x38;
	[tilespmem:$0x1C840] =	vst v63  }
0x2e: {  	_ =	swait.ge [sflag:s25], $0x190  }
0x2f: {  	[sflag:s25] =	ssyncset.done $0x0  }
0x30: {  	[sflag:s25] =	ssyncadd.s32 $0xFFFFFE70  }
0x31: {  	[tilespmem:s10], [sflag:$0x2] =	stream.indirect.gather [hbm4b:s6+s26], $0x40, s4, s26, $0xb8;
	[tilespmem:$0x1C840] =	vst v63  }
0x32: {  	s14 =	simm.s32 $0x210;
	s15 =	simm.s32 $0x8A40  }
0x33: {  	[tilespmem:s15], [sflag:$0x2] =	stream.indirect.gather [hbm4b:s6+s26], $0x40, s14, s26, $0xb8;
	[tilespmem:$0x1C840] =	vst v63  }
0x34: {  	s16 =	simm.s32 $0x290;
	s17 =	simm.s32 $0xAA40  }
0x35: {  	[tilespmem:s17], [sflag:$0x2] =	stream.indirect.gather [hbm4b:s6+s26], $0x40, s16, s26, $0xb8;
	[tilespmem:$0x1C840] =	vst v63  }
0x36: {  	s18 =	simm.s32 $0x310;
	s28 =	simm.s32 $0xCA40  }
0x37: {  	[tilespmem:s28], [sflag:$0x2] =	stream.indirect.gather [hbm4b:s6+s0], $0x40, s18, s0, $0xb8;
	[tilespmem:$0x1C840] =	vst v63  }
0x38: {  	s13 =	rddreg [dreg:$0x7]  }
0x39: {  	[tilespmem:s23], [sflag:$0x9] =	stream.linear.gather [hbm4b:s13+s2], $0x190, $0x38;
	[tilespmem:$0x1C840] =	vst v63  }
0x3a: {  	_ =	swait.ge [sflag:s25], $0x190  }
0x3b: {  	[sflag:s25] =	ssyncset.done $0x0  }
0x3c: {  	[sflag:s25] =	ssyncadd.s32 $0xFFFFFE70  }
0x3d: {  	[tilespmem:s9], [sflag:$0x3] =	stream.indirect.gather [hbm4b:s6+s26], $0x40, s23, s26, $0xb8;
	[tilespmem:$0x1C840] =	vst v63  }
0x3e: {  	s14 =	simm.s32 $0x3A0;
	s15 =	simm.s32 $0xEE40  }
0x3f: {  	[tilespmem:s15], [sflag:$0x3] =	stream.indirect.gather [hbm4b:s6+s26], $0x40, s14, s26, $0xb8;
	[tilespmem:$0x1C840] =	vst v63  }
0x40: {  	s16 =	simm.s32 $0x420;
	s17 =	simm.s32 $0x10E40  }
0x41: {  	[tilespmem:s17], [sflag:$0x3] =	stream.indirect.gather [hbm4b:s6+s26], $0x40, s16, s26, $0xb8;
	[tilespmem:$0x1C840] =	vst v63  }
0x42: {  	s18 =	simm.s32 $0x4A0;
	s28 =	simm.s32 $0x12E40  }
0x43: {  	[tilespmem:s28], [sflag:$0x3] =	stream.indirect.gather [hbm4b:s6+s0], $0x40, s18, s0, $0xb8;
	[tilespmem:$0x1C840] =	vst v63  }
0x44: {  	s13 =	rddreg [dreg:$0x8]  }
0x45: {  	[tilespmem:s12], [sflag:$0x9] =	stream.linear.gather [hbm4b:s13+s2], $0x190, $0x38;
	[tilespmem:$0x1C840] =	vst v63  }
0x46: {  	_ =	swait.ge [sflag:s25], $0x190  }
0x47: {  	[sflag:s25] =	ssyncset.done $0x0  }
0x48: {  	[sflag:s25] =	ssyncadd.s32 $0xFFFFFE70  }
0x49: {  	[tilespmem:s19], [sflag:$0x4] =	stream.indirect.gather [hbm4b:s6+s26], $0x40, s12, s26, $0xb8;
	[tilespmem:$0x1C840] =	vst v63  }
0x4a: {  	s14 =	simm.s32 $0x530;
	s15 =	simm.s32 $0x15240  }
0x4b: {  	[tilespmem:s15], [sflag:$0x4] =	stream.indirect.gather [hbm4b:s6+s26], $0x40, s14, s26, $0xb8;
	[tilespmem:$0x1C840] =	vst v63  }
0x4c: {  	s16 =	simm.s32 $0x5B0;
	s17 =	simm.s32 $0x17240  }
0x4d: {  	[tilespmem:s17], [sflag:$0x4] =	stream.indirect.gather [hbm4b:s6+s26], $0x40, s16, s26, $0xb8;
	[tilespmem:$0x1C840] =	vst v63  }
0x4e: {  	s8 =	simm.s32 $0x0;
	s18 =	simm.s32 $0x630;
	s28 =	simm.s32 $0x19240  }
0x4f: {  	[tilespmem:s28], [sflag:$0x4] =	stream.indirect.gather [hbm4b:s6+s0], $0x40, s18, s0, $0xb8;
	[tilespmem:$0x1C840] =	vst v63  }
.LBB2_2:
0x50: {  	_ =	swait.ge [sflag:s1], $0x2000  }
0x51: {  	[sflag:s1] =	ssyncset.done $0x0  }
0x52: {  	[sflag:s1] =	ssyncadd.s32 $0xFFFFE000  }
0x53: {  	_ =	swait.ge [sflag:s1], $0x2000  }
0x54: {  	[sflag:s1] =	ssyncset.done $0x0  }
0x55: {  	[sflag:s1] =	ssyncadd.s32 $0xFFFFE000  }
0x56: {  	_ =	swait.ge [sflag:s1], $0x2000  }
0x57: {  	[sflag:s1] =	ssyncset.done $0x0  }
0x58: {  	[sflag:s1] =	ssyncadd.s32 $0xFFFFE000  }
0x59: {  	_ =	swait.ge [sflag:s1], $0x400  }
0x5a: {  	[sflag:s1] =	ssyncset.done $0x0  }
0x5b: {  	s14 =	simm.s32 $0x38B0;
	[sflag:s1] =	ssyncadd.s32 $0xFFFFFC00  }
0x5c: {  	s17 =	simm.s32 $0x19680;
	v0 =	vld [tilespmem:s14+$0xFFFFCDD0]  }
0x5d: {  	v1 =	vld [tilespmem:s17+$0x0];
	_ =	sdelay $0x3  }
0x5e: {  	v2 =	vld [tilespmem:s14+$0xFFFFCD90]  }
0x5f: {  	v0 =	vadd.f32 v1, v0;
	v1 =	vld [tilespmem:s17+$0xFFFFFFC0];
	_ =	sdelay $0x1  }
0x60: {  	[tilespmem:s14+$0xFFFFCDD0] =	vst v0;
	v0 =	vld [tilespmem:s14+$0xFFFFCDE0]  }
0x61: {  	v3 =	vld [tilespmem:s17+$0x10];
	_ =	sdelay $0x1  }
0x62: {  	v1 =	vadd.f32 v1, v2;
	_ =	sdelay $0x1  }
0x63: {  	v4 =	vld [tilespmem:s14+$0xFFFFCDA0];
	[tilespmem:s14+$0xFFFFCD90] =	vst v1  }
0x64: {  	v0 =	vadd.f32 v3, v0;
	v1 =	vld [tilespmem:s17+$0xFFFFFFD0];
	_ =	sdelay $0x1  }
0x65: {  	[tilespmem:s14+$0xFFFFCDE0] =	vst v0;
	v0 =	vld [tilespmem:s14+$0xFFFFCDF0]  }
0x66: {  	v3 =	vld [tilespmem:s17+$0x20]  }
0x67: {  	v5 =	vld [tilespmem:s14+$0xFFFFCDC0]  }
0x68: {  	s5 =	simm.s32 $0x3930;
	v6 =	vld [tilespmem:s14+$0xFFFFFFA0];
	v1 =	vadd.f32 v1, v4  }
0x69: {  	v7 =	vld [tilespmem:s5+$0xFFFFCDD0]  }
0x6a: {  	v2 =	vld [tilespmem:s14+$0xFFFFCDB0];
	[tilespmem:s14+$0xFFFFCDA0] =	vst v1  }
0x6b: {  	v0 =	vadd.f32 v3, v0;
	v1 =	vld [tilespmem:s17+$0xFFFFFFE0]  }
0x6c: {  	v8 =	vld [tilespmem:s14+$0xFFFFFFB0]  }
0x6d: {  	[tilespmem:s14+$0xFFFFCDF0] =	vst v0;
	v0 =	vld [tilespmem:s14+$0xFFFFCE00]  }
0x6e: {  	s13 =	simm.s32 $0x19700;
	v3 =	vld [tilespmem:s17+$0x30]  }
0x6f: {  	v10 =	vld [tilespmem:s13+$0xFFFFFFC0]  }
0x70: {  	v1 =	vadd.f32 v1, v2;
	v2 =	vld [tilespmem:s13+$0x0]  }
0x71: {  	v12 =	vld [tilespmem:s5+$0xFFFFCDA0]  }
0x72: {  	s16 =	simm.s32 $0x19780;
	v13 =	vld [tilespmem:s5+$0xFFFFFFA0]  }
0x73: {  	v15 =	vld [tilespmem:s16+$0xFFFFFFC0];
	v0 =	vadd.f32 v3, v0  }
0x74: {  	[tilespmem:s14+$0xFFFFCDB0] =	vst v1;
	v1 =	vld [tilespmem:s14+$0xFFFFFFD0]  }
0x75: {  	[tilespmem:s14+$0xFFFFCE00] =	vst v0;
	v2 =	vadd.f32 v2, v7;
	v7 =	vld [tilespmem:s5+$0xFFFFCD90]  }
0x76: {  	s15 =	simm.s32 $0x39B0;
	v9 =	vld [tilespmem:s17+$0x0]  }
0x77: {  	v16 =	vld [tilespmem:s15+$0xFFFFCD90]  }
0x78: {  	v3 =	vld [tilespmem:s17+$0xFFFFFFF0]  }
0x79: {  	v17 =	vld [tilespmem:s5+$0xFFFFFFE0]  }
0x7a: {  	[tilespmem:s5+$0xFFFFCDD0] =	vst v2;
	v2 =	vld [tilespmem:s5+$0xFFFFCDE0];
	v7 =	vadd.f32 v10, v7  }
0x7b: {  	v11 =	vld [tilespmem:s13+$0x10];
	v1 =	vadd.f32 v9, v1  }
0x7c: {  	v9 =	vld [tilespmem:s14+$0xFFFFFFE0];
	[tilespmem:s5+$0xFFFFCD90] =	vst v7  }
0x7d: {  	[tilespmem:s14+$0xFFFFFFD0] =	vst v1;
	v1 =	vadd.f32 v3, v5;
	v5 =	vld [tilespmem:s13+$0xFFFFFFD0]  }
0x7e: {  	v3 =	vld [tilespmem:s17+$0x10]  }
0x7f: {  	v60 =	vld [tilespmem:s15+$0xFFFFCDB0]  }
0x80: {  	v4 =	vld [tilespmem:s14+$0xFFFFFF90];
	v2 =	vadd.f32 v11, v2;
	[tilespmem:s14+$0xFFFFCDC0] =	vst v1  }
0x81: {  	v1 =	vld [tilespmem:s17+$0xFFFFFFC0]  }
0x82: {  	[tilespmem:s5+$0xFFFFCDE0] =	vst v2;
	v2 =	vld [tilespmem:s5+$0xFFFFCDF0]  }
0x83: {  	v5 =	vadd.f32 v5, v12;
	v3 =	vadd.f32 v3, v9;
	v9 =	vld [tilespmem:s13+$0x20]  }
0x84: {  	v18 =	vld [tilespmem:s5+$0xFFFFFFF0];
	v15 =	vadd.f32 v15, v16  }
0x85: {  	v10 =	vld [tilespmem:s5+$0xFFFFCDB0];
	[tilespmem:s5+$0xFFFFCDA0] =	vst v5  }
0x86: {  	[tilespmem:s15+$0xFFFFCD90] =	vst v15;
	v1 =	vadd.f32 v1, v4;
	v4 =	vld [tilespmem:s13+$0xFFFFFFE0]  }
0x87: {  	v15 =	vld [tilespmem:s16+$0xFFFFFFD0]  }
0x88: {  	v0 =	vld [tilespmem:s14+$0xFFFFFFC0];
	[tilespmem:s14+$0xFFFFFF90] =	vst v1;
	v1 =	vadd.f32 v9, v2  }
0x89: {  	v7 =	vld [tilespmem:s5+$0xFFFFCDC0]  }
0x8a: {  	v5 =	vld [tilespmem:s5+$0xFFFFCE00];
	[tilespmem:s5+$0xFFFFCDF0] =	vst v1  }
0x8b: {  	v4 =	vadd.f32 v4, v10;
	v10 =	vld [tilespmem:s13+$0x30]  }
0x8c: {  	v2 =	vld [tilespmem:s17+$0xFFFFFFD0]  }
0x8d: {  	v11 =	vld [tilespmem:s14+$0xFFFFFFF0]  }
0x8e: {  	v12 =	vld [tilespmem:s5+$0xFFFFFF90];
	[tilespmem:s14+$0xFFFFFFE0] =	vst v3  }
0x8f: {  	v3 =	vld [tilespmem:s17+$0x20]  }
0x90: {  	[tilespmem:s5+$0xFFFFCDB0] =	vst v4;
	v4 =	vld [tilespmem:s15+$0xFFFFCDD0];
	v5 =	vadd.f32 v10, v5  }
0x91: {  	v2 =	vadd.f32 v2, v6;
	v6 =	vld [tilespmem:s16+$0x0]  }
0x92: {  	v10 =	vld [tilespmem:s5+$0xFFFFFFD0];
	[tilespmem:s5+$0xFFFFCE00] =	vst v5  }
0x93: {  	v5 =	vld [tilespmem:s13+$0x0]  }
0x94: {  	v9 =	vld [tilespmem:s14+$0x0];
	v3 =	vadd.f32 v3, v11  }
0x95: {  	v1 =	vld [tilespmem:s5+$0xFFFFFFB0]  }
0x96: {  	[tilespmem:s14+$0xFFFFFFF0] =	vst v3;
	v3 =	vld [tilespmem:s13+$0xFFFFFFF0];
	v4 =	vadd.f32 v6, v4  }
0x97: {  	v6 =	vld [tilespmem:s15+$0xFFFFCDA0]  }
0x98: {  	[tilespmem:s15+$0xFFFFCDD0] =	vst v4;
	v4 =	vld [tilespmem:s15+$0xFFFFCDE0];
	v5 =	vadd.f32 v5, v10  }
0x99: {  	v10 =	vld [tilespmem:s16+$0x10]  }
0x9a: {  	v11 =	vld [tilespmem:s17+$0x30];
	[tilespmem:s5+$0xFFFFFFD0] =	vst v5  }
0x9b: {  	v3 =	vadd.f32 v3, v7;
	v7 =	vld [tilespmem:s13+$0x10]  }
0x9c: {  	[tilespmem:s14+$0xFFFFFFA0] =	vst v2;
	v2 =	vld [tilespmem:s5+$0xFFFFFFC0]  }
0x9d: {  	v14 =	vld [tilespmem:s17+$0xFFFFFFE0];
	[tilespmem:s5+$0xFFFFCDC0] =	vst v3;
	v6 =	vadd.f32 v15, v6  }
0x9e: {  	v3 =	vadd.f32 v10, v4;
	v10 =	vld [tilespmem:s13+$0xFFFFFFC0]  }
0x9f: {  	[tilespmem:s15+$0xFFFFCDA0] =	vst v6;
	v6 =	vld [tilespmem:s15+$0xFFFFFFB0]  }
0xa0: {  	v5 =	vld [tilespmem:s15+$0xFFFFCDC0];
	[tilespmem:s15+$0xFFFFCDE0] =	vst v3;
	v3 =	vadd.f32 v7, v17  }
0xa1: {  	v7 =	vld [tilespmem:s15+$0xFFFFCDF0]  }
0xa2: {  	v15 =	vld [tilespmem:s16+$0x20];
	[tilespmem:s5+$0xFFFFFFE0] =	vst v3  }
0xa3: {  	v10 =	vadd.f32 v10, v12;
	v12 =	vld [tilespmem:s13+$0x20]  }
0xa4: {  	v61 =	vld [tilespmem:s16+$0xFFFFFFE0]  }
0xa5: {  	v4 =	vld [tilespmem:s15+$0xFFFFFF90];
	[tilespmem:s5+$0xFFFFFF90] =	vst v10  }
0xa6: {  	v10 =	vld [tilespmem:s13+$0xFFFFFFD0]  }
0xa7: {  	v3 =	vld [tilespmem:s15+$0xFFFFFFA0];
	v7 =	vadd.f32 v15, v7  }
0xa8: {  	v15 =	vld [tilespmem:s5+$0x0];
	v12 =	vadd.f32 v12, v18  }
0xa9: {  	[tilespmem:s15+$0xFFFFCDF0] =	vst v7;
	v7 =	vadd.f32 v14, v8;
	v14 =	vld [tilespmem:s15+$0xFFFFCE00]  }
0xaa: {  	v8 =	vadd.f32 v61, v60;
	v62 =	vld [tilespmem:s16+$0x30];
	[tilespmem:s5+$0xFFFFFFF0] =	vst v12  }
0xab: {  	[tilespmem:s14+$0xFFFFFFB0] =	vst v7;
	v7 =	vadd.f32 v10, v13;
	v63 =	vld [tilespmem:s13+$0x30]  }
0xac: {  	[tilespmem:s15+$0xFFFFCDB0] =	vst v8;
	v8 =	vld [tilespmem:s17+$0xFFFFFFF0]  }
0xad: {  	v12 =	vld [tilespmem:s16+$0xFFFFFFF0];
	[tilespmem:s5+$0xFFFFFFA0] =	vst v7  }
0xae: {  	v10 =	vadd.f32 v11, v9;
	v9 =	vld [tilespmem:s13+$0xFFFFFFE0]  }
0xaf: {  	v7 =	vld [tilespmem:s15+$0xFFFFFFC0];
	v13 =	vadd.f32 v62, v14  }
0xb0: {  	s18 =	simm.s32 $0x4;
	s28 =	simm.s32 $0x3A30;
	s17 =	simm.s32 $0x19780;
	[tilespmem:s14+$0x0] =	vst v10;
	v10 =	vld [tilespmem:s15+$0xFFFFFFD0];
	v11 =	vadd.f32 v63, v15  }
.LBB2_3:
0xb1: {  	v14 =	vld [tilespmem:s28+$0xFFFFCDD0];
	[tilespmem:s15+$0xFFFFCE00] =	vst v13;
	s16 =	sadd.s32 $0x80, s16;
	v8 =	vadd.f32 v8, v0;
	v0 =	vmov v2  }
0xb2: {  	v13 =	vld [tilespmem:s16+$0x0];
	v12 =	vadd.f32 v12, v5;
	[tilespmem:s5+$0x0] =	vst v11  }
0xb3: {  	s18 =	sadd.s32 $0x2, s18;
	v5 =	vld [tilespmem:s17+$0x0];
	v9 =	vadd.f32 v9, v1;
	[tilespmem:s14+$0xFFFFFFC0] =	vst v8;
	v1 =	vmov v6;
	s14 =	smov.u32 s5;
	s5 =	smov.u32 s15  }
0xb4: {  	p0 =	slt.u32 s18, $0xC6;
	s15 =	smov.u32 s28;
	v6 =	vld [tilespmem:s16+$0xFFFFFFC0];
	[tilespmem:s5+$0xFFFFCDC0] =	vst v12;
	v2 =	vmov v7  }
0xb5: {  	v7 =	vld [tilespmem:s28+$0xFFFFCD90];
	[tilespmem:s14+$0xFFFFFFB0] =	vst v9  }
0xb6: {  	v8 =	vld [tilespmem:s28+$0xFFFFCDA0]  }
0xb7: {  	v9 =	vld [tilespmem:s28+$0xFFFFCDB0];
	v11 =	vadd.f32 v13, v14  }
0xb8: {  	v5 =	vadd.f32 v5, v10;
	v10 =	vld [tilespmem:s5+$0xFFFFFFE0]  }
0xb9: {  	[tilespmem:s28+$0xFFFFCDD0] =	vst v11;
	v11 =	vld [tilespmem:s28+$0xFFFFCDE0]  }
0xba: {  	v6 =	vadd.f32 v6, v7;
	v7 =	vld [tilespmem:s16+$0x10];
	[tilespmem:s5+$0xFFFFFFD0] =	vst v5  }
0xbb: {  	v12 =	vld [tilespmem:s17+$0x10]  }
0xbc: {  	[tilespmem:s28+$0xFFFFCD90] =	vst v6;
	v5 =	vld [tilespmem:s28+$0xFFFFCDC0]  }
0xbd: {  	v6 =	vld [tilespmem:s16+$0xFFFFFFD0]  }
0xbe: {  	v13 =	vld [tilespmem:s17+$0xFFFFFFC0]  }
0xbf: {  	v14 =	vld [tilespmem:s28+$0xFFFFFF90];
	v7 =	vadd.f32 v7, v11  }
0xc0: {  	v10 =	vadd.f32 v12, v10;
	v11 =	vld [tilespmem:s5+$0xFFFFFFF0]  }
0xc1: {  	[tilespmem:s28+$0xFFFFCDE0] =	vst v7;
	v7 =	vld [tilespmem:s28+$0xFFFFCDF0]  }
0xc2: {  	v6 =	vadd.f32 v6, v8;
	v8 =	vld [tilespmem:s16+$0x20];
	[tilespmem:s5+$0xFFFFFFE0] =	vst v10  }
0xc3: {  	v10 =	vadd.f32 v13, v4;
	v12 =	vld [tilespmem:s17+$0x20]  }
0xc4: {  	[tilespmem:s28+$0xFFFFCDA0] =	vst v6;
	v13 =	vld [tilespmem:s28+$0xFFFFFFA0];
	v4 =	vmov v14  }
0xc5: {  	v14 =	vld [tilespmem:s16+$0xFFFFFFE0];
	[tilespmem:s5+$0xFFFFFF90] =	vst v10  }
0xc6: {  	v10 =	vld [tilespmem:s17+$0xFFFFFFD0]  }
0xc7: {  	v6 =	vld [tilespmem:s28+$0xFFFFFFB0];
	v7 =	vadd.f32 v8, v7  }
0xc8: {  	v8 =	vadd.f32 v12, v11;
	v11 =	vld [tilespmem:s5+$0x0]  }
0xc9: {  	[tilespmem:s28+$0xFFFFCDF0] =	vst v7;
	v15 =	vld [tilespmem:s28+$0xFFFFCE00]  }
0xca: {  	v7 =	vadd.f32 v14, v9;
	v14 =	vld [tilespmem:s16+$0x30];
	[tilespmem:s5+$0xFFFFFFF0] =	vst v8  }
0xcb: {  	v9 =	vadd.f32 v10, v3;
	v16 =	vld [tilespmem:s17+$0x30];
	v3 =	vmov v13  }
.Ltmp0:
0xcc: {  	[tilespmem:s28+$0xFFFFCDB0] =	vst v7;
	v8 =	vld [tilespmem:s13+$0xFFFFFFF0];
	s13 =	smov.u32 s17;
	s17 =	smov.u32 s16;
	(pc) =	sbr.rel @p0 .LBB2_3-.Ltmp0, $4  }
0xcd: {  	v12 =	vld [tilespmem:s16+$0xFFFFFFF0];
	[tilespmem:s5+$0xFFFFFFA0] =	vst v9  }
0xce: {  	v9 =	vld [tilespmem:s13+$0xFFFFFFE0]  }
0xcf: {  	v7 =	vld [tilespmem:s28+$0xFFFFFFC0];
	v13 =	vadd.f32 v14, v15  }
0xd0: {  	s28 =	sadd.s32 $0x80, s28;
	v10 =	vld [tilespmem:s15+$0xFFFFFFD0];
	v11 =	vadd.f32 v16, v11  }
0xd1: {  	[tilespmem:s15+$0xFFFFCE00] =	vst v13  }
0xd2: {  	v5 =	vadd.f32 v12, v5;
	v54 =	vld [tilespmem:s17+$0x0];
	_ =	sdelay $0x1  }
0xd3: {  	[tilespmem:s15+$0xFFFFCDC0] =	vst v5  }
0xd4: {  	v5 =	vld [tilespmem:s17+$0xFFFFFFC0];
	_ =	sdelay $0x1  }
0xd5: {  	v10 =	vadd.f32 v54, v10;
	_ =	sdelay $0x1  }
0xd6: {  	v55 =	vld [tilespmem:s15+$0xFFFFFFE0];
	[tilespmem:s15+$0xFFFFFFD0] =	vst v10  }
0xd7: {  	v4 =	vadd.f32 v5, v4;
	v5 =	vld [tilespmem:s17+$0x10];
	_ =	sdelay $0x1  }
0xd8: {  	[tilespmem:s15+$0xFFFFFF90] =	vst v4  }
0xd9: {  	v4 =	vld [tilespmem:s17+$0xFFFFFFD0];
	_ =	sdelay $0x1  }
0xda: {  	v5 =	vadd.f32 v5, v55;
	_ =	sdelay $0x1  }
0xdb: {  	v56 =	vld [tilespmem:s15+$0xFFFFFFF0];
	[tilespmem:s15+$0xFFFFFFE0] =	vst v5  }
0xdc: {  	v3 =	vadd.f32 v4, v3;
	v4 =	vld [tilespmem:s17+$0x20];
	_ =	sdelay $0x2  }
0xdd: {  	[tilespmem:s15+$0xFFFFFFA0] =	vst v3  }
0xde: {  	v3 =	vld [tilespmem:s17+$0xFFFFFFE0]  }
0xdf: {  	v4 =	vadd.f32 v4, v56  }
0xe0: {  	v1 =	vadd.f32 v9, v1  }
0xe1: {  	v5 =	vld [tilespmem:s15+$0x0];
	[tilespmem:s15+$0xFFFFFFF0] =	vst v4  }
0xe2: {  	[tilespmem:s5+$0xFFFFFFB0] =	vst v1;
	v1 =	vld [tilespmem:s17+$0x30]  }
0xe3: {  	v3 =	vadd.f32 v3, v6;
	_ =	sdelay $0x1  }
0xe4: {  	v4 =	vld [tilespmem:s13+$0xFFFFFFF0];
	[tilespmem:s15+$0xFFFFFFB0] =	vst v3  }
0xe5: {  	v0 =	vadd.f32 v8, v0;
	v3 =	vld [tilespmem:s17+$0xFFFFFFF0]  }
0xe6: {  	[tilespmem:s5+$0x0] =	vst v11;
	v1 =	vadd.f32 v1, v5  }
0xe7: {  	[tilespmem:s14+$0xFFFFFFC0] =	vst v0  }
0xe8: {  	s13 =	smul.u32 $0x640, s8;
	[tilespmem:s15+$0x0] =	vst v1  }
0xe9: {  	v0 =	vadd.f32 v4, v2;
	s14 =	rddreg [dreg:$0x3]  }
0xea: {  	v1 =	vadd.f32 v3, v7;
	s14 =	sadd.s32 s14, s13  }
0xeb: {  	[tilespmem:s5+$0xFFFFFFC0] =	vst v0;
	s18 =	sshll.u32 s14, $0x4  }
0xec: {  	s28 =	simm.s32 $0x640;
	[tilespmem:s15+$0xFFFFFFC0] =	vst v1;
	s5 =	sadd.s32 s7, s18  }
0xed: {  	[hbm4b:s5+s24] =	stream.strided.scatter [tilespmem:s28], [sflag:$0x5], $0x6400, s26, s24, $0x38;
	[tilespmem:$0x1C840] =	vst v63  }
0xee: {  	_ =	swait.ge [sflag:s11], $0x2000  }
0xef: {  	[sflag:s11] =	ssyncset.done $0x0  }
0xf0: {  	[sflag:s11] =	ssyncadd.s32 $0xFFFFE000  }
0xf1: {  	_ =	swait.ge [sflag:s11], $0x2000  }
0xf2: {  	[sflag:s11] =	ssyncset.done $0x0  }
0xf3: {  	[sflag:s11] =	ssyncadd.s32 $0xFFFFE000  }
0xf4: {  	_ =	swait.ge [sflag:s11], $0x2000  }
0xf5: {  	[sflag:s11] =	ssyncset.done $0x0  }
0xf6: {  	[sflag:s11] =	ssyncadd.s32 $0xFFFFE000  }
0xf7: {  	_ =	swait.ge [sflag:s11], $0x400  }
0xf8: {  	[sflag:s11] =	ssyncset.done $0x0  }
0xf9: {  	s5 =	simm.s32 $0x0;
	[sflag:s11] =	ssyncadd.s32 $0xFFFFFC00  }
0xfa: {  	v0 =	vld [tilespmem:s5+$0x9CB0]  }
0xfb: {  	v1 =	vld [tilespmem:s5+$0x196B0]  }
0xfc: {  	v2 =	vld [tilespmem:s5+$0x6A40]  }
0xfd: {  	v3 =	vld [tilespmem:s5+$0x19640]  }
0xfe: {  	v4 =	vld [tilespmem:s5+$0x6A50]  }
0xff: {  	v5 =	vld [tilespmem:s5+$0x19650]  }
0x100: {  	v6 =	vld [tilespmem:s5+$0x6A60]  }
0x101: {  	v7 =	vld [tilespmem:s5+$0x19660]  }
0x102: {  	v57 =	vld [tilespmem:s5+$0x6A70]  }
0x103: {  	v58 =	vld [tilespmem:s5+$0x19670]  }
0x104: {  	v59 =	vld [tilespmem:s5+$0x9C50]  }
0x105: {  	v61 =	vld [tilespmem:s5+$0x6A90]  }
0x106: {  	v62 =	vld [tilespmem:s5+$0x19690];
	v2 =	vadd.f32 v3, v2  }
0x107: {  	v0 =	vadd.f32 v1, v0;
	v1 =	vld [tilespmem:s5+$0x19680]  }
0x108: {  	[tilespmem:s5+$0x6A40] =	vst v2;
	v2 =	vadd.f32 v5, v4;
	v4 =	vld [tilespmem:s5+$0x9C40]  }
0x109: {  	[tilespmem:s5+$0x9CB0] =	vst v0;
	v0 =	vld [tilespmem:s5+$0x6A80]  }
0x10a: {  	v60 =	vld [tilespmem:s5+$0x9C70];
	v6 =	vadd.f32 v7, v6  }
0x10b: {  	v14 =	vld [tilespmem:s5+$0x6AA0]  }
0x10c: {  	v15 =	vld [tilespmem:s5+$0x196A0];
	v63 =	vadd.f32 v62, v61;
	[tilespmem:s5+$0x6A60] =	vst v6  }
0x10d: {  	v5 =	vadd.f32 v5, v59;
	[tilespmem:s5+$0x6A50] =	vst v2;
	v2 =	vld [tilespmem:s5+$0x9C60]  }
0x10e: {  	[tilespmem:s5+$0x6A90] =	vst v63;
	v0 =	vadd.f32 v1, v0;
	v3 =	vadd.f32 v3, v4;
	v4 =	vld [tilespmem:s5+$0x19670]  }
0x10f: {  	v16 =	vld [tilespmem:s5+$0x6AB0];
	[tilespmem:s5+$0x9C50] =	vst v5;
	v1 =	vadd.f32 v58, v57  }
0x110: {  	v6 =	vld [tilespmem:s5+$0x196B0];
	[tilespmem:s5+$0x6A80] =	vst v0  }
0x111: {  	v5 =	vadd.f32 v15, v14;
	[tilespmem:s5+$0x6A70] =	vst v1;
	v0 =	vld [tilespmem:s5+$0x9C80]  }
0x112: {  	[tilespmem:s5+$0x9C40] =	vst v3;
	v1 =	vld [tilespmem:s5+$0x19680];
	v3 =	vadd.f32 v7, v2  }
0x113: {  	[tilespmem:s5+$0x6AA0] =	vst v5;
	v2 =	vld [tilespmem:s5+$0x9C90];
	v4 =	vadd.f32 v4, v60  }
0x114: {  	[tilespmem:s5+$0x9C60] =	vst v3;
	v3 =	vld [tilespmem:s5+$0x19690]  }
0x115: {  	s14 =	simm.s32 $0x0;
	s15 =	simm.s32 $0x200;
	v5 =	vadd.f32 v6, v16;
	[tilespmem:s5+$0x9C70] =	vst v4;
	v4 =	vld [tilespmem:s5+$0x9CA0]  }
.LBB2_5:
0x116: {  	s16 =	sshra.s32 s15, $0x2;
	v6 =	vld [tilespmem:s5+$0x196A0]  }
0x117: {  	s14 =	sadd.s32 $0x2, s14;
	v7 =	vld [tilespmem:s16+$0x9CB0];
	[tilespmem:s5+$0x6AB0] =	vst v5;
	v0 =	vadd.f32 v1, v0  }
0x118: {  	p0 =	slt.u32 s14, $0xC6;
	v1 =	vld [tilespmem:s16+$0x196B0]  }
0x119: {  	v5 =	vld [tilespmem:s16+$0x6A40];
	[tilespmem:s5+$0x9C80] =	vst v0;
	v0 =	vadd.f32 v3, v2  }
0x11a: {  	v2 =	vld [tilespmem:s16+$0x19640]  }
0x11b: {  	v3 =	vld [tilespmem:s16+$0x6A50];
	[tilespmem:s5+$0x9C90] =	vst v0;
	v0 =	vadd.f32 v6, v4  }
0x11c: {  	v4 =	vld [tilespmem:s16+$0x19650]  }
0x11d: {  	v6 =	vld [tilespmem:s16+$0x6A60];
	v1 =	vadd.f32 v1, v7;
	[tilespmem:s5+$0x9CA0] =	vst v0;
	s5 =	smov.u32 s16  }
0x11e: {  	v0 =	vld [tilespmem:s5+$0x19660]  }
0x11f: {  	v5 =	vadd.f32 v2, v5;
	v7 =	vld [tilespmem:s5+$0x6A70];
	[tilespmem:s5+$0x9CB0] =	vst v1  }
0x120: {  	v1 =	vld [tilespmem:s5+$0x19670]  }
0x121: {  	[tilespmem:s5+$0x6A40] =	vst v5;
	v3 =	vadd.f32 v4, v3;
	v5 =	vld [tilespmem:s5+$0x9C40]  }
0x122: {  	v8 =	vld [tilespmem:s5+$0x9C50]  }
0x123: {  	[tilespmem:s5+$0x6A50] =	vst v3;
	v3 =	vadd.f32 v0, v6;
	v6 =	vld [tilespmem:s5+$0x9C60]  }
0x124: {  	v9 =	vld [tilespmem:s5+$0x9C70]  }
0x125: {  	[tilespmem:s5+$0x6A60] =	vst v3;
	v1 =	vadd.f32 v1, v7;
	v3 =	vld [tilespmem:s5+$0x19670]  }
0x126: {  	v2 =	vadd.f32 v2, v5;
	v5 =	vld [tilespmem:s5+$0x6A80]  }
0x127: {  	[tilespmem:s5+$0x6A70] =	vst v1;
	v1 =	vadd.f32 v4, v8;
	v4 =	vld [tilespmem:s5+$0x19680]  }
0x128: {  	[tilespmem:s5+$0x9C40] =	vst v2;
	v0 =	vadd.f32 v0, v6;
	v2 =	vld [tilespmem:s5+$0x6A90]  }
0x129: {  	[tilespmem:s5+$0x9C50] =	vst v1;
	v1 =	vld [tilespmem:s5+$0x19690]  }
0x12a: {  	[tilespmem:s5+$0x9C60] =	vst v0;
	v0 =	vadd.f32 v3, v9;
	v3 =	vld [tilespmem:s5+$0x6AA0]  }
0x12b: {  	v6 =	vld [tilespmem:s5+$0x196A0]  }
0x12c: {  	[tilespmem:s5+$0x9C70] =	vst v0;
	v0 =	vadd.f32 v4, v5;
	v4 =	vld [tilespmem:s5+$0x6AB0]  }
0x12d: {  	v5 =	vld [tilespmem:s5+$0x196B0]  }
.Ltmp1:
0x12e: {  	[tilespmem:s5+$0x6A80] =	vst v0;
	v2 =	vadd.f32 v1, v2;
	v0 =	vld [tilespmem:s5+$0x9C80];
	(pc) =	sbr.rel @p0 .LBB2_5-.Ltmp1, $4  }
0x12f: {  	v1 =	vld [tilespmem:s5+$0x19680]  }
0x130: {  	[tilespmem:s5+$0x6A90] =	vst v2;
	v6 =	vadd.f32 v6, v3;
	v2 =	vld [tilespmem:s5+$0x9C90]  }
0x131: {  	v3 =	vld [tilespmem:s5+$0x19690]  }
0x132: {  	s15 =	sadd.s32 $0x200, s15;
	[tilespmem:s5+$0x6AA0] =	vst v6;
	v5 =	vadd.f32 v5, v4;
	v4 =	vld [tilespmem:s5+$0x9CA0]  }
0x133: {  	v6 =	vld [tilespmem:s5+$0x196A0];
	_ =	sdelay $0x1  }
0x134: {  	[tilespmem:s5+$0x6AB0] =	vst v5  }
0x135: {  	v0 =	vadd.f32 v1, v0;
	s14 =	rddreg [dreg:$0x9]  }
0x136: {  	v1 =	vadd.f32 v3, v2;
	s14 =	sadd.s32 s13, s14  }
0x137: {  	[tilespmem:s5+$0x9C80] =	vst v0;
	s14 =	sshll.u32 s14, $0x4;
	v0 =	vadd.f32 v6, v4  }
0x138: {  	[tilespmem:s5+$0x9C90] =	vst v1;
	s14 =	sand.u32 $0x1FFFFD00, s14  }
0x139: {  	s18 =	sadd.s32 s7, s14;
	[tilespmem:s5+$0x9CA0] =	vst v0  }
0x13a: {  	[hbm4b:s18+s24] =	stream.strided.scatter [tilespmem:s10], [sflag:$0x6], $0x6400, s26, s24, $0x38;
	[tilespmem:$0x1C840] =	vst v63  }
0x13b: {  	_ =	swait.ge [sflag:s20], $0x2000  }
0x13c: {  	[sflag:s20] =	ssyncset.done $0x0  }
0x13d: {  	[sflag:s20] =	ssyncadd.s32 $0xFFFFE000  }
0x13e: {  	_ =	swait.ge [sflag:s20], $0x2000  }
0x13f: {  	[sflag:s20] =	ssyncset.done $0x0  }
0x140: {  	[sflag:s20] =	ssyncadd.s32 $0xFFFFE000  }
0x141: {  	_ =	swait.ge [sflag:s20], $0x2000  }
0x142: {  	[sflag:s20] =	ssyncset.done $0x0  }
0x143: {  	[sflag:s20] =	ssyncadd.s32 $0xFFFFE000  }
0x144: {  	_ =	swait.ge [sflag:s20], $0x400  }
0x145: {  	[sflag:s20] =	ssyncset.done $0x0  }
0x146: {  	s5 =	simm.s32 $0x0;
	[sflag:s20] =	ssyncadd.s32 $0xFFFFFC00  }
0x147: {  	v0 =	vld [tilespmem:s5+$0x100B0]  }
0x148: {  	v1 =	vld [tilespmem:s5+$0x196B0]  }
0x149: {  	v2 =	vld [tilespmem:s5+$0xCE40]  }
0x14a: {  	v3 =	vld [tilespmem:s5+$0x19640]  }
0x14b: {  	v4 =	vld [tilespmem:s5+$0xCE50]  }
0x14c: {  	v5 =	vld [tilespmem:s5+$0x19650]  }
0x14d: {  	v6 =	vld [tilespmem:s5+$0xCE60]  }
0x14e: {  	v7 =	vld [tilespmem:s5+$0x19660]  }
0x14f: {  	v8 =	vld [tilespmem:s5+$0xCE70]  }
0x150: {  	v9 =	vld [tilespmem:s5+$0x19670]  }
0x151: {  	v10 =	vld [tilespmem:s5+$0x10050]  }
0x152: {  	v12 =	vld [tilespmem:s5+$0xCE90]  }
0x153: {  	v13 =	vld [tilespmem:s5+$0x19690];
	v2 =	vadd.f32 v3, v2  }
0x154: {  	v0 =	vadd.f32 v1, v0;
	v1 =	vld [tilespmem:s5+$0x19680]  }
0x155: {  	[tilespmem:s5+$0xCE40] =	vst v2;
	v2 =	vadd.f32 v5, v4;
	v4 =	vld [tilespmem:s5+$0x10040]  }
0x156: {  	[tilespmem:s5+$0x100B0] =	vst v0;
	v0 =	vld [tilespmem:s5+$0xCE80]  }
0x157: {  	v11 =	vld [tilespmem:s5+$0x10070];
	v6 =	vadd.f32 v7, v6  }
0x158: {  	v14 =	vld [tilespmem:s5+$0xCEA0]  }
0x159: {  	v15 =	vld [tilespmem:s5+$0x196A0];
	v63 =	vadd.f32 v13, v12;
	[tilespmem:s5+$0xCE60] =	vst v6  }
0x15a: {  	v5 =	vadd.f32 v5, v10;
	[tilespmem:s5+$0xCE50] =	vst v2;
	v2 =	vld [tilespmem:s5+$0x10060]  }
0x15b: {  	[tilespmem:s5+$0xCE90] =	vst v63;
	v0 =	vadd.f32 v1, v0;
	v3 =	vadd.f32 v3, v4;
	v4 =	vld [tilespmem:s5+$0x19670]  }
0x15c: {  	v16 =	vld [tilespmem:s5+$0xCEB0];
	[tilespmem:s5+$0x10050] =	vst v5;
	v1 =	vadd.f32 v9, v8  }
0x15d: {  	v6 =	vld [tilespmem:s5+$0x196B0];
	[tilespmem:s5+$0xCE80] =	vst v0  }
0x15e: {  	v5 =	vadd.f32 v15, v14;
	[tilespmem:s5+$0xCE70] =	vst v1;
	v0 =	vld [tilespmem:s5+$0x10080]  }
0x15f: {  	[tilespmem:s5+$0x10040] =	vst v3;
	v1 =	vld [tilespmem:s5+$0x19680];
	v3 =	vadd.f32 v7, v2  }
0x160: {  	[tilespmem:s5+$0xCEA0] =	vst v5;
	v2 =	vld [tilespmem:s5+$0x10090];
	v4 =	vadd.f32 v4, v11  }
0x161: {  	[tilespmem:s5+$0x10060] =	vst v3;
	v3 =	vld [tilespmem:s5+$0x19690]  }
0x162: {  	s15 =	simm.s32 $0x200;
	s14 =	simm.s32 $0x0;
	v5 =	vadd.f32 v6, v16;
	[tilespmem:s5+$0x10070] =	vst v4;
	v4 =	vld [tilespmem:s5+$0x100A0]  }
.LBB2_7:
0x163: {  	s16 =	sshra.s32 s15, $0x2;
	v6 =	vld [tilespmem:s5+$0x196A0]  }
0x164: {  	s14 =	sadd.s32 $0x2, s14;
	v7 =	vld [tilespmem:s16+$0x100B0];
	[tilespmem:s5+$0xCEB0] =	vst v5;
	v0 =	vadd.f32 v1, v0  }
0x165: {  	p0 =	slt.u32 s14, $0xC6;
	v1 =	vld [tilespmem:s16+$0x196B0]  }
0x166: {  	v5 =	vld [tilespmem:s16+$0xCE40];
	[tilespmem:s5+$0x10080] =	vst v0;
	v0 =	vadd.f32 v3, v2  }
0x167: {  	v2 =	vld [tilespmem:s16+$0x19640]  }
0x168: {  	v3 =	vld [tilespmem:s16+$0xCE50];
	[tilespmem:s5+$0x10090] =	vst v0;
	v0 =	vadd.f32 v6, v4  }
0x169: {  	v4 =	vld [tilespmem:s16+$0x19650]  }
0x16a: {  	v6 =	vld [tilespmem:s16+$0xCE60];
	v1 =	vadd.f32 v1, v7;
	[tilespmem:s5+$0x100A0] =	vst v0;
	s5 =	smov.u32 s16  }
0x16b: {  	v0 =	vld [tilespmem:s5+$0x19660]  }
0x16c: {  	v5 =	vadd.f32 v2, v5;
	v7 =	vld [tilespmem:s5+$0xCE70];
	[tilespmem:s5+$0x100B0] =	vst v1  }
0x16d: {  	v1 =	vld [tilespmem:s5+$0x19670]  }
0x16e: {  	[tilespmem:s5+$0xCE40] =	vst v5;
	v3 =	vadd.f32 v4, v3;
	v5 =	vld [tilespmem:s5+$0x10040]  }
0x16f: {  	v8 =	vld [tilespmem:s5+$0x10050]  }
0x170: {  	[tilespmem:s5+$0xCE50] =	vst v3;
	v3 =	vadd.f32 v0, v6;
	v6 =	vld [tilespmem:s5+$0x10060]  }
0x171: {  	v9 =	vld [tilespmem:s5+$0x10070]  }
0x172: {  	[tilespmem:s5+$0xCE60] =	vst v3;
	v1 =	vadd.f32 v1, v7;
	v3 =	vld [tilespmem:s5+$0x19670]  }
0x173: {  	v2 =	vadd.f32 v2, v5;
	v5 =	vld [tilespmem:s5+$0xCE80]  }
0x174: {  	[tilespmem:s5+$0xCE70] =	vst v1;
	v1 =	vadd.f32 v4, v8;
	v4 =	vld [tilespmem:s5+$0x19680]  }
0x175: {  	[tilespmem:s5+$0x10040] =	vst v2;
	v0 =	vadd.f32 v0, v6;
	v2 =	vld [tilespmem:s5+$0xCE90]  }
0x176: {  	[tilespmem:s5+$0x10050] =	vst v1;
	v1 =	vld [tilespmem:s5+$0x19690]  }
0x177: {  	[tilespmem:s5+$0x10060] =	vst v0;
	v0 =	vadd.f32 v3, v9;
	v3 =	vld [tilespmem:s5+$0xCEA0]  }
0x178: {  	v6 =	vld [tilespmem:s5+$0x196A0]  }
0x179: {  	[tilespmem:s5+$0x10070] =	vst v0;
	v0 =	vadd.f32 v4, v5;
	v4 =	vld [tilespmem:s5+$0xCEB0]  }
0x17a: {  	v5 =	vld [tilespmem:s5+$0x196B0]  }
.Ltmp2:
0x17b: {  	[tilespmem:s5+$0xCE80] =	vst v0;
	v2 =	vadd.f32 v1, v2;
	v0 =	vld [tilespmem:s5+$0x10080];
	(pc) =	sbr.rel @p0 .LBB2_7-.Ltmp2, $4  }
0x17c: {  	v1 =	vld [tilespmem:s5+$0x19680]  }
0x17d: {  	[tilespmem:s5+$0xCE90] =	vst v2;
	v6 =	vadd.f32 v6, v3;
	v2 =	vld [tilespmem:s5+$0x10090]  }
0x17e: {  	v3 =	vld [tilespmem:s5+$0x19690]  }
0x17f: {  	s15 =	sadd.s32 $0x200, s15;
	[tilespmem:s5+$0xCEA0] =	vst v6;
	v5 =	vadd.f32 v5, v4;
	v4 =	vld [tilespmem:s5+$0x100A0]  }
0x180: {  	v6 =	vld [tilespmem:s5+$0x196A0];
	_ =	sdelay $0x1  }
0x181: {  	[tilespmem:s5+$0xCEB0] =	vst v5  }
0x182: {  	v0 =	vadd.f32 v1, v0;
	s14 =	rddreg [dreg:$0xa]  }
0x183: {  	v1 =	vadd.f32 v3, v2;
	s14 =	sadd.s32 s13, s14  }
0x184: {  	[tilespmem:s5+$0x10080] =	vst v0;
	s14 =	sshll.u32 s14, $0x4;
	v0 =	vadd.f32 v6, v4  }
0x185: {  	[tilespmem:s5+$0x10090] =	vst v1;
	s14 =	sand.u32 $0x1FFFFE00, s14  }
0x186: {  	s18 =	sadd.s32 s7, s14;
	[tilespmem:s5+$0x100A0] =	vst v0  }
0x187: {  	[hbm4b:s18+s24] =	stream.strided.scatter [tilespmem:s9], [sflag:$0x7], $0x6400, s26, s24, $0x38;
	[tilespmem:$0x1C840] =	vst v63  }
0x188: {  	_ =	swait.ge [sflag:s21], $0x2000  }
0x189: {  	[sflag:s21] =	ssyncset.done $0x0  }
0x18a: {  	[sflag:s21] =	ssyncadd.s32 $0xFFFFE000  }
0x18b: {  	_ =	swait.ge [sflag:s21], $0x2000  }
0x18c: {  	[sflag:s21] =	ssyncset.done $0x0  }
0x18d: {  	[sflag:s21] =	ssyncadd.s32 $0xFFFFE000  }
0x18e: {  	_ =	swait.ge [sflag:s21], $0x2000  }
0x18f: {  	[sflag:s21] =	ssyncset.done $0x0  }
0x190: {  	[sflag:s21] =	ssyncadd.s32 $0xFFFFE000  }
0x191: {  	_ =	swait.ge [sflag:s21], $0x400  }
0x192: {  	[sflag:s21] =	ssyncset.done $0x0  }
0x193: {  	s5 =	simm.s32 $0x0;
	[sflag:s21] =	ssyncadd.s32 $0xFFFFFC00  }
0x194: {  	v0 =	vld [tilespmem:s5+$0x164B0]  }
0x195: {  	v1 =	vld [tilespmem:s5+$0x196B0]  }
0x196: {  	v2 =	vld [tilespmem:s5+$0x13240]  }
0x197: {  	v3 =	vld [tilespmem:s5+$0x19640]  }
0x198: {  	v4 =	vld [tilespmem:s5+$0x13250]  }
0x199: {  	v5 =	vld [tilespmem:s5+$0x19650]  }
0x19a: {  	v6 =	vld [tilespmem:s5+$0x13260]  }
0x19b: {  	v7 =	vld [tilespmem:s5+$0x19660]  }
0x19c: {  	v8 =	vld [tilespmem:s5+$0x13270]  }
0x19d: {  	v9 =	vld [tilespmem:s5+$0x19670]  }
0x19e: {  	v10 =	vld [tilespmem:s5+$0x16450]  }
0x19f: {  	v12 =	vld [tilespmem:s5+$0x13290]  }
0x1a0: {  	v13 =	vld [tilespmem:s5+$0x19690];
	v2 =	vadd.f32 v3, v2  }
0x1a1: {  	v0 =	vadd.f32 v1, v0;
	v1 =	vld [tilespmem:s5+$0x19680]  }
0x1a2: {  	[tilespmem:s5+$0x13240] =	vst v2;
	v2 =	vadd.f32 v5, v4;
	v4 =	vld [tilespmem:s5+$0x16440]  }
0x1a3: {  	[tilespmem:s5+$0x164B0] =	vst v0;
	v0 =	vld [tilespmem:s5+$0x13280]  }
0x1a4: {  	v11 =	vld [tilespmem:s5+$0x16470];
	v6 =	vadd.f32 v7, v6  }
0x1a5: {  	v14 =	vld [tilespmem:s5+$0x132A0]  }
0x1a6: {  	v15 =	vld [tilespmem:s5+$0x196A0];
	v63 =	vadd.f32 v13, v12;
	[tilespmem:s5+$0x13260] =	vst v6  }
0x1a7: {  	v5 =	vadd.f32 v5, v10;
	[tilespmem:s5+$0x13250] =	vst v2;
	v2 =	vld [tilespmem:s5+$0x16460]  }
0x1a8: {  	[tilespmem:s5+$0x13290] =	vst v63;
	v0 =	vadd.f32 v1, v0;
	v3 =	vadd.f32 v3, v4;
	v4 =	vld [tilespmem:s5+$0x19670]  }
0x1a9: {  	v16 =	vld [tilespmem:s5+$0x132B0];
	[tilespmem:s5+$0x16450] =	vst v5;
	v1 =	vadd.f32 v9, v8  }
0x1aa: {  	v6 =	vld [tilespmem:s5+$0x196B0];
	[tilespmem:s5+$0x13280] =	vst v0  }
0x1ab: {  	v5 =	vadd.f32 v15, v14;
	[tilespmem:s5+$0x13270] =	vst v1;
	v0 =	vld [tilespmem:s5+$0x16480]  }
0x1ac: {  	[tilespmem:s5+$0x16440] =	vst v3;
	v1 =	vld [tilespmem:s5+$0x19680];
	v3 =	vadd.f32 v7, v2  }
0x1ad: {  	[tilespmem:s5+$0x132A0] =	vst v5;
	v2 =	vld [tilespmem:s5+$0x16490];
	v4 =	vadd.f32 v4, v11  }
0x1ae: {  	[tilespmem:s5+$0x16460] =	vst v3;
	v3 =	vld [tilespmem:s5+$0x19690]  }
0x1af: {  	s15 =	simm.s32 $0x200;
	s14 =	simm.s32 $0x0;
	v5 =	vadd.f32 v6, v16;
	[tilespmem:s5+$0x16470] =	vst v4;
	v4 =	vld [tilespmem:s5+$0x164A0]  }
.LBB2_9:
0x1b0: {  	s16 =	sshra.s32 s15, $0x2;
	v6 =	vld [tilespmem:s5+$0x196A0]  }
0x1b1: {  	s14 =	sadd.s32 $0x2, s14;
	v7 =	vld [tilespmem:s16+$0x164B0];
	[tilespmem:s5+$0x132B0] =	vst v5;
	v0 =	vadd.f32 v1, v0  }
0x1b2: {  	p0 =	slt.u32 s14, $0xC6;
	v1 =	vld [tilespmem:s16+$0x196B0]  }
0x1b3: {  	v5 =	vld [tilespmem:s16+$0x13240];
	[tilespmem:s5+$0x16480] =	vst v0;
	v0 =	vadd.f32 v3, v2  }
0x1b4: {  	v2 =	vld [tilespmem:s16+$0x19640]  }
0x1b5: {  	v3 =	vld [tilespmem:s16+$0x13250];
	[tilespmem:s5+$0x16490] =	vst v0;
	v0 =	vadd.f32 v6, v4  }
0x1b6: {  	v4 =	vld [tilespmem:s16+$0x19650]  }
0x1b7: {  	v6 =	vld [tilespmem:s16+$0x13260];
	v1 =	vadd.f32 v1, v7;
	[tilespmem:s5+$0x164A0] =	vst v0;
	s5 =	smov.u32 s16  }
0x1b8: {  	v0 =	vld [tilespmem:s5+$0x19660]  }
0x1b9: {  	v5 =	vadd.f32 v2, v5;
	v7 =	vld [tilespmem:s5+$0x13270];
	[tilespmem:s5+$0x164B0] =	vst v1  }
0x1ba: {  	v1 =	vld [tilespmem:s5+$0x19670]  }
0x1bb: {  	[tilespmem:s5+$0x13240] =	vst v5;
	v3 =	vadd.f32 v4, v3;
	v5 =	vld [tilespmem:s5+$0x16440]  }
0x1bc: {  	v8 =	vld [tilespmem:s5+$0x16450]  }
0x1bd: {  	[tilespmem:s5+$0x13250] =	vst v3;
	v3 =	vadd.f32 v0, v6;
	v6 =	vld [tilespmem:s5+$0x16460]  }
0x1be: {  	v9 =	vld [tilespmem:s5+$0x16470]  }
0x1bf: {  	[tilespmem:s5+$0x13260] =	vst v3;
	v1 =	vadd.f32 v1, v7;
	v3 =	vld [tilespmem:s5+$0x19670]  }
0x1c0: {  	v2 =	vadd.f32 v2, v5;
	v5 =	vld [tilespmem:s5+$0x13280]  }
0x1c1: {  	[tilespmem:s5+$0x13270] =	vst v1;
	v1 =	vadd.f32 v4, v8;
	v4 =	vld [tilespmem:s5+$0x19680]  }
0x1c2: {  	[tilespmem:s5+$0x16440] =	vst v2;
	v0 =	vadd.f32 v0, v6;
	v2 =	vld [tilespmem:s5+$0x13290]  }
0x1c3: {  	[tilespmem:s5+$0x16450] =	vst v1;
	v1 =	vld [tilespmem:s5+$0x19690]  }
0x1c4: {  	[tilespmem:s5+$0x16460] =	vst v0;
	v0 =	vadd.f32 v3, v9;
	v3 =	vld [tilespmem:s5+$0x132A0]  }
0x1c5: {  	v6 =	vld [tilespmem:s5+$0x196A0]  }
0x1c6: {  	[tilespmem:s5+$0x16470] =	vst v0;
	v0 =	vadd.f32 v4, v5;
	v4 =	vld [tilespmem:s5+$0x132B0]  }
0x1c7: {  	v5 =	vld [tilespmem:s5+$0x196B0]  }
.Ltmp3:
0x1c8: {  	[tilespmem:s5+$0x13280] =	vst v0;
	v2 =	vadd.f32 v1, v2;
	v0 =	vld [tilespmem:s5+$0x16480];
	(pc) =	sbr.rel @p0 .LBB2_9-.Ltmp3, $4  }
0x1c9: {  	v1 =	vld [tilespmem:s5+$0x19680]  }
0x1ca: {  	[tilespmem:s5+$0x13290] =	vst v2;
	v6 =	vadd.f32 v6, v3;
	v2 =	vld [tilespmem:s5+$0x16490]  }
0x1cb: {  	v3 =	vld [tilespmem:s5+$0x19690]  }
0x1cc: {  	s15 =	sadd.s32 $0x200, s15;
	[tilespmem:s5+$0x132A0] =	vst v6;
	v5 =	vadd.f32 v5, v4;
	v4 =	vld [tilespmem:s5+$0x164A0]  }
0x1cd: {  	v6 =	vld [tilespmem:s5+$0x196A0];
	_ =	sdelay $0x1  }
0x1ce: {  	[tilespmem:s5+$0x132B0] =	vst v5  }
0x1cf: {  	v0 =	vadd.f32 v1, v0;
	s14 =	rddreg [dreg:$0x4]  }
0x1d0: {  	v62 =	vadd.f32 v3, v2;
	s14 =	sadd.s32 s13, s14  }
0x1d1: {  	[tilespmem:s5+$0x16480] =	vst v0;
	s14 =	sshll.u32 s14, $0x4;
	v63 =	vadd.f32 v6, v4  }
0x1d2: {  	[tilespmem:s5+$0x16490] =	vst v62;
	s14 =	sand.u32 $0x1FFFFF00, s14  }
0x1d3: {  	s17 =	sadd.s32 s7, s14;
	[tilespmem:s5+$0x164A0] =	vst v63  }
0x1d4: {  	[hbm4b:s17+s24] =	stream.strided.scatter [tilespmem:s19], [sflag:$0x8], $0x6400, s26, s24, $0x38;
	[tilespmem:$0x1C840] =	vst v63  }
0x1d5: {  	_ =	swait.ge [sflag:s22], $0x6400  }
0x1d6: {  	s18 =	rddreg [dreg:$0xb]  }
0x1d7: {  	s5 =	sadd.s32 s13, s18  }
0x1d8: {  	[sflag:s22] =	ssyncset.done $0x0;
	s5 =	sshrl.u32 s5, $0x3  }
0x1d9: {  	[sflag:s22] =	ssyncadd.s32 $0xFFFF9C00;
	s5 =	sadd.s32 s3, s5  }
0x1da: {  	[tilespmem:s2], [sflag:$0x9] =	stream.linear.gather [hbm4b:s5+s2], $0x190, $0x38;
	[tilespmem:$0x1C840] =	vst v63  }
0x1db: {  	_ =	swait.ge [sflag:s25], $0x190  }
0x1dc: {  	[sflag:s25] =	ssyncset.done $0x0  }
0x1dd: {  	[sflag:s25] =	ssyncadd.s32 $0xFFFFFE70  }
0x1de: {  	[tilespmem:s28], [sflag:$0x1] =	stream.indirect.gather [hbm4b:s6+s26], $0x40, s2, s26, $0xb8;
	[tilespmem:$0x1C840] =	vst v63  }
0x1df: {  	s14 =	simm.s32 $0x2640  }
0x1e0: {  	[tilespmem:s14], [sflag:$0x1] =	stream.indirect.gather [hbm4b:s6+s26], $0x40, s26, s26, $0xb8;
	[tilespmem:$0x1C840] =	vst v63  }
0x1e1: {  	s15 =	simm.s32 $0x100;
	s16 =	simm.s32 $0x4640  }
0x1e2: {  	[tilespmem:s16], [sflag:$0x1] =	stream.indirect.gather [hbm4b:s6+s26], $0x40, s15, s26, $0xb8;
	[tilespmem:$0x1C840] =	vst v63  }
0x1e3: {  	s17 =	simm.s32 $0x180;
	s18 =	simm.s32 $0x6640  }
0x1e4: {  	[tilespmem:s18], [sflag:$0x1] =	stream.indirect.gather [hbm4b:s6+s0], $0x40, s17, s0, $0xb8;
	[tilespmem:$0x1C840] =	vst v63  }
0x1e5: {  	_ =	swait.ge [sflag:s29], $0x6400  }
0x1e6: {  	s14 =	rddreg [dreg:$0xc]  }
0x1e7: {  	s5 =	sadd.s32 s13, s14  }
0x1e8: {  	[sflag:s29] =	ssyncset.done $0x0;
	s5 =	sshrl.u32 s5, $0x3  }
0x1e9: {  	[sflag:s29] =	ssyncadd.s32 $0xFFFF9C00;
	s5 =	sadd.s32 s3, s5  }
0x1ea: {  	[tilespmem:s4], [sflag:$0x9] =	stream.linear.gather [hbm4b:s5+s2], $0x190, $0x38;
	[tilespmem:$0x1C840] =	vst v63  }
0x1eb: {  	_ =	swait.ge [sflag:s25], $0x190  }
0x1ec: {  	[sflag:s25] =	ssyncset.done $0x0  }
0x1ed: {  	[sflag:s25] =	ssyncadd.s32 $0xFFFFFE70  }
0x1ee: {  	[tilespmem:s10], [sflag:$0x2] =	stream.indirect.gather [hbm4b:s6+s26], $0x40, s4, s26, $0xb8;
	[tilespmem:$0x1C840] =	vst v63  }
0x1ef: {  	s15 =	simm.s32 $0x210;
	s16 =	simm.s32 $0x8A40  }
0x1f0: {  	[tilespmem:s16], [sflag:$0x2] =	stream.indirect.gather [hbm4b:s6+s26], $0x40, s15, s26, $0xb8;
	[tilespmem:$0x1C840] =	vst v63  }
0x1f1: {  	s17 =	simm.s32 $0x290;
	s18 =	simm.s32 $0xAA40  }
0x1f2: {  	[tilespmem:s18], [sflag:$0x2] =	stream.indirect.gather [hbm4b:s6+s26], $0x40, s17, s26, $0xb8;
	[tilespmem:$0x1C840] =	vst v63  }
0x1f3: {  	s14 =	simm.s32 $0x310;
	s15 =	simm.s32 $0xCA40  }
0x1f4: {  	[tilespmem:s15], [sflag:$0x2] =	stream.indirect.gather [hbm4b:s6+s0], $0x40, s14, s0, $0xb8;
	[tilespmem:$0x1C840] =	vst v63  }
0x1f5: {  	_ =	swait.ge [sflag:s30], $0x6400  }
0x1f6: {  	s16 =	rddreg [dreg:$0xd]  }
0x1f7: {  	s5 =	sadd.s32 s13, s16  }
0x1f8: {  	[sflag:s30] =	ssyncset.done $0x0;
	s5 =	sshrl.u32 s5, $0x3  }
0x1f9: {  	[sflag:s30] =	ssyncadd.s32 $0xFFFF9C00;
	s5 =	sadd.s32 s3, s5  }
0x1fa: {  	[tilespmem:s23], [sflag:$0x9] =	stream.linear.gather [hbm4b:s5+s2], $0x190, $0x38;
	[tilespmem:$0x1C840] =	vst v63  }
0x1fb: {  	_ =	swait.ge [sflag:s25], $0x190  }
0x1fc: {  	[sflag:s25] =	ssyncset.done $0x0  }
0x1fd: {  	[sflag:s25] =	ssyncadd.s32 $0xFFFFFE70  }
0x1fe: {  	[tilespmem:s9], [sflag:$0x3] =	stream.indirect.gather [hbm4b:s6+s26], $0x40, s23, s26, $0xb8;
	[tilespmem:$0x1C840] =	vst v63  }
0x1ff: {  	s17 =	simm.s32 $0x3A0;
	s18 =	simm.s32 $0xEE40  }
0x200: {  	[tilespmem:s18], [sflag:$0x3] =	stream.indirect.gather [hbm4b:s6+s26], $0x40, s17, s26, $0xb8;
	[tilespmem:$0x1C840] =	vst v63  }
0x201: {  	s14 =	simm.s32 $0x420;
	s15 =	simm.s32 $0x10E40  }
0x202: {  	[tilespmem:s15], [sflag:$0x3] =	stream.indirect.gather [hbm4b:s6+s26], $0x40, s14, s26, $0xb8;
	[tilespmem:$0x1C840] =	vst v63  }
0x203: {  	s16 =	simm.s32 $0x4A0;
	s17 =	simm.s32 $0x12E40  }
0x204: {  	[tilespmem:s17], [sflag:$0x3] =	stream.indirect.gather [hbm4b:s6+s0], $0x40, s16, s0, $0xb8;
	[tilespmem:$0x1C840] =	vst v63  }
0x205: {  	_ =	swait.ge [sflag:s31], $0x6400  }
0x206: {  	s18 =	rddreg [dreg:$0xe]  }
0x207: {  	s5 =	sadd.s32 s13, s18  }
0x208: {  	[sflag:s31] =	ssyncset.done $0x0;
	s5 =	sshrl.u32 s5, $0x3  }
0x209: {  	[sflag:s31] =	ssyncadd.s32 $0xFFFF9C00;
	s5 =	sadd.s32 s3, s5  }
0x20a: {  	[tilespmem:s12], [sflag:$0x9] =	stream.linear.gather [hbm4b:s5+s2], $0x190, $0x38;
	[tilespmem:$0x1C840] =	vst v63  }
0x20b: {  	_ =	swait.ge [sflag:s25], $0x190  }
0x20c: {  	[sflag:s25] =	ssyncset.done $0x0  }
0x20d: {  	s8 =	sadd.s32 $0x1, s8;
	[sflag:s25] =	ssyncadd.s32 $0xFFFFFE70  }
0x20e: {  	[tilespmem:s19], [sflag:$0x4] =	stream.indirect.gather [hbm4b:s6+s26], $0x40, s12, s26, $0xb8;
	[tilespmem:$0x1C840] =	vst v63  }
0x20f: {  	p0 =	sne.s32 s8, $0xF;
	s14 =	simm.s32 $0x15240;
	s13 =	simm.s32 $0x530  }
0x210: {  	[tilespmem:s14], [sflag:$0x4] =	stream.indirect.gather [hbm4b:s6+s26], $0x40, s13, s26, $0xb8;
	[tilespmem:$0x1C840] =	vst v63  }
.Ltmp4:
0x211: {  	_ = 	snop;
	(pc) =	sbr.rel @p0 .LBB2_2-.Ltmp4, $4  }
0x212: {  	s15 =	simm.s32 $0x5B0;
	s16 =	simm.s32 $0x17240  }
0x213: {  	[tilespmem:s16], [sflag:$0x4] =	stream.indirect.gather [hbm4b:s6+s26], $0x40, s15, s26, $0xb8;
	[tilespmem:$0x1C840] =	vst v63  }
0x214: {  	s17 =	simm.s32 $0x630;
	s18 =	simm.s32 $0x19240  }
0x215: {  	[tilespmem:s18], [sflag:$0x4] =	stream.indirect.gather [hbm4b:s6+s0], $0x40, s17, s0, $0xb8;
	[tilespmem:$0x1C840] =	vst v63  }
0x216: {  	_ =	swait.ge [sflag:s1], $0x2000  }
0x217: {  	[sflag:s1] =	ssyncset.done $0x0  }
0x218: {  	[sflag:s1] =	ssyncadd.s32 $0xFFFFE000  }
0x219: {  	_ =	swait.ge [sflag:s1], $0x2000  }
0x21a: {  	[sflag:s1] =	ssyncset.done $0x0  }
0x21b: {  	[sflag:s1] =	ssyncadd.s32 $0xFFFFE000  }
0x21c: {  	_ =	swait.ge [sflag:s1], $0x2000  }
0x21d: {  	[sflag:s1] =	ssyncset.done $0x0  }
0x21e: {  	[sflag:s1] =	ssyncadd.s32 $0xFFFFE000  }
0x21f: {  	_ =	swait.ge [sflag:s1], $0x400  }
0x220: {  	[sflag:s1] =	ssyncset.done $0x0  }
0x221: {  	s8 =	simm.s32 $0x38B0;
	[sflag:s1] =	ssyncadd.s32 $0xFFFFFC00  }
0x222: {  	s16 =	simm.s32 $0x19680;
	v0 =	vld [tilespmem:s8+$0xFFFFCDD0]  }
0x223: {  	v1 =	vld [tilespmem:s16+$0x0];
	_ =	sdelay $0x3  }
0x224: {  	v2 =	vld [tilespmem:s8+$0xFFFFCD90]  }
0x225: {  	v0 =	vadd.f32 v1, v0;
	v1 =	vld [tilespmem:s16+$0xFFFFFFC0];
	_ =	sdelay $0x1  }
0x226: {  	[tilespmem:s8+$0xFFFFCDD0] =	vst v0;
	v0 =	vld [tilespmem:s8+$0xFFFFCDE0]  }
0x227: {  	v3 =	vld [tilespmem:s16+$0x10];
	_ =	sdelay $0x1  }
0x228: {  	v1 =	vadd.f32 v1, v2;
	_ =	sdelay $0x1  }
0x229: {  	v4 =	vld [tilespmem:s8+$0xFFFFCDA0];
	[tilespmem:s8+$0xFFFFCD90] =	vst v1  }
0x22a: {  	v0 =	vadd.f32 v3, v0;
	v1 =	vld [tilespmem:s16+$0xFFFFFFD0];
	_ =	sdelay $0x1  }
0x22b: {  	[tilespmem:s8+$0xFFFFCDE0] =	vst v0;
	v0 =	vld [tilespmem:s8+$0xFFFFCDF0]  }
0x22c: {  	v3 =	vld [tilespmem:s16+$0x20]  }
0x22d: {  	v5 =	vld [tilespmem:s8+$0xFFFFCDC0]  }
0x22e: {  	s5 =	simm.s32 $0x3930;
	v6 =	vld [tilespmem:s8+$0xFFFFFFA0];
	v1 =	vadd.f32 v1, v4  }
0x22f: {  	v7 =	vld [tilespmem:s5+$0xFFFFCDD0]  }
0x230: {  	v2 =	vld [tilespmem:s8+$0xFFFFCDB0];
	[tilespmem:s8+$0xFFFFCDA0] =	vst v1  }
0x231: {  	v0 =	vadd.f32 v3, v0;
	v1 =	vld [tilespmem:s16+$0xFFFFFFE0]  }
0x232: {  	v8 =	vld [tilespmem:s8+$0xFFFFFFB0]  }
0x233: {  	[tilespmem:s8+$0xFFFFCDF0] =	vst v0;
	v0 =	vld [tilespmem:s8+$0xFFFFCE00]  }
0x234: {  	s13 =	simm.s32 $0x19700;
	v3 =	vld [tilespmem:s16+$0x30]  }
0x235: {  	v10 =	vld [tilespmem:s13+$0xFFFFFFC0]  }
0x236: {  	v1 =	vadd.f32 v1, v2;
	v2 =	vld [tilespmem:s13+$0x0]  }
0x237: {  	v12 =	vld [tilespmem:s5+$0xFFFFCDA0]  }
0x238: {  	s15 =	simm.s32 $0x19780;
	v13 =	vld [tilespmem:s5+$0xFFFFFFA0]  }
0x239: {  	v15 =	vld [tilespmem:s15+$0xFFFFFFC0];
	v0 =	vadd.f32 v3, v0  }
0x23a: {  	[tilespmem:s8+$0xFFFFCDB0] =	vst v1;
	v1 =	vld [tilespmem:s8+$0xFFFFFFD0]  }
0x23b: {  	[tilespmem:s8+$0xFFFFCE00] =	vst v0;
	v2 =	vadd.f32 v2, v7;
	v7 =	vld [tilespmem:s5+$0xFFFFCD90]  }
0x23c: {  	s14 =	simm.s32 $0x39B0;
	v9 =	vld [tilespmem:s16+$0x0]  }
0x23d: {  	v16 =	vld [tilespmem:s14+$0xFFFFCD90]  }
0x23e: {  	v3 =	vld [tilespmem:s16+$0xFFFFFFF0]  }
0x23f: {  	v17 =	vld [tilespmem:s5+$0xFFFFFFE0]  }
0x240: {  	[tilespmem:s5+$0xFFFFCDD0] =	vst v2;
	v2 =	vld [tilespmem:s5+$0xFFFFCDE0];
	v7 =	vadd.f32 v10, v7  }
0x241: {  	v11 =	vld [tilespmem:s13+$0x10];
	v1 =	vadd.f32 v9, v1  }
0x242: {  	v9 =	vld [tilespmem:s8+$0xFFFFFFE0];
	[tilespmem:s5+$0xFFFFCD90] =	vst v7  }
0x243: {  	[tilespmem:s8+$0xFFFFFFD0] =	vst v1;
	v1 =	vadd.f32 v3, v5;
	v5 =	vld [tilespmem:s13+$0xFFFFFFD0]  }
0x244: {  	v3 =	vld [tilespmem:s16+$0x10]  }
0x245: {  	v60 =	vld [tilespmem:s14+$0xFFFFCDB0]  }
0x246: {  	v4 =	vld [tilespmem:s8+$0xFFFFFF90];
	v2 =	vadd.f32 v11, v2;
	[tilespmem:s8+$0xFFFFCDC0] =	vst v1  }
0x247: {  	v1 =	vld [tilespmem:s16+$0xFFFFFFC0]  }
0x248: {  	[tilespmem:s5+$0xFFFFCDE0] =	vst v2;
	v2 =	vld [tilespmem:s5+$0xFFFFCDF0]  }
0x249: {  	v5 =	vadd.f32 v5, v12;
	v3 =	vadd.f32 v3, v9;
	v9 =	vld [tilespmem:s13+$0x20]  }
0x24a: {  	v18 =	vld [tilespmem:s5+$0xFFFFFFF0];
	v15 =	vadd.f32 v15, v16  }
0x24b: {  	v10 =	vld [tilespmem:s5+$0xFFFFCDB0];
	[tilespmem:s5+$0xFFFFCDA0] =	vst v5  }
0x24c: {  	[tilespmem:s14+$0xFFFFCD90] =	vst v15;
	v1 =	vadd.f32 v1, v4;
	v4 =	vld [tilespmem:s13+$0xFFFFFFE0]  }
0x24d: {  	v15 =	vld [tilespmem:s15+$0xFFFFFFD0]  }
0x24e: {  	v0 =	vld [tilespmem:s8+$0xFFFFFFC0];
	[tilespmem:s8+$0xFFFFFF90] =	vst v1;
	v1 =	vadd.f32 v9, v2  }
0x24f: {  	v7 =	vld [tilespmem:s5+$0xFFFFCDC0]  }
0x250: {  	v5 =	vld [tilespmem:s5+$0xFFFFCE00];
	[tilespmem:s5+$0xFFFFCDF0] =	vst v1  }
0x251: {  	v4 =	vadd.f32 v4, v10;
	v10 =	vld [tilespmem:s13+$0x30]  }
0x252: {  	v2 =	vld [tilespmem:s16+$0xFFFFFFD0]  }
0x253: {  	v11 =	vld [tilespmem:s8+$0xFFFFFFF0]  }
0x254: {  	v12 =	vld [tilespmem:s5+$0xFFFFFF90];
	[tilespmem:s8+$0xFFFFFFE0] =	vst v3  }
0x255: {  	v3 =	vld [tilespmem:s16+$0x20]  }
0x256: {  	[tilespmem:s5+$0xFFFFCDB0] =	vst v4;
	v4 =	vld [tilespmem:s14+$0xFFFFCDD0];
	v5 =	vadd.f32 v10, v5  }
0x257: {  	v2 =	vadd.f32 v2, v6;
	v6 =	vld [tilespmem:s15+$0x0]  }
0x258: {  	v10 =	vld [tilespmem:s5+$0xFFFFFFD0];
	[tilespmem:s5+$0xFFFFCE00] =	vst v5  }
0x259: {  	v5 =	vld [tilespmem:s13+$0x0]  }
0x25a: {  	v9 =	vld [tilespmem:s8+$0x0];
	v3 =	vadd.f32 v3, v11  }
0x25b: {  	v1 =	vld [tilespmem:s5+$0xFFFFFFB0]  }
0x25c: {  	[tilespmem:s8+$0xFFFFFFF0] =	vst v3;
	v3 =	vld [tilespmem:s13+$0xFFFFFFF0];
	v4 =	vadd.f32 v6, v4  }
0x25d: {  	v6 =	vld [tilespmem:s14+$0xFFFFCDA0]  }
0x25e: {  	[tilespmem:s14+$0xFFFFCDD0] =	vst v4;
	v4 =	vld [tilespmem:s14+$0xFFFFCDE0];
	v5 =	vadd.f32 v5, v10  }
0x25f: {  	v10 =	vld [tilespmem:s15+$0x10]  }
0x260: {  	v11 =	vld [tilespmem:s16+$0x30];
	[tilespmem:s5+$0xFFFFFFD0] =	vst v5  }
0x261: {  	v3 =	vadd.f32 v3, v7;
	v7 =	vld [tilespmem:s13+$0x10]  }
0x262: {  	[tilespmem:s8+$0xFFFFFFA0] =	vst v2;
	v2 =	vld [tilespmem:s5+$0xFFFFFFC0]  }
0x263: {  	v14 =	vld [tilespmem:s16+$0xFFFFFFE0];
	[tilespmem:s5+$0xFFFFCDC0] =	vst v3;
	v6 =	vadd.f32 v15, v6  }
0x264: {  	v3 =	vadd.f32 v10, v4;
	v10 =	vld [tilespmem:s13+$0xFFFFFFC0]  }
0x265: {  	[tilespmem:s14+$0xFFFFCDA0] =	vst v6;
	v6 =	vld [tilespmem:s14+$0xFFFFFFB0]  }
0x266: {  	v5 =	vld [tilespmem:s14+$0xFFFFCDC0];
	[tilespmem:s14+$0xFFFFCDE0] =	vst v3;
	v3 =	vadd.f32 v7, v17  }
0x267: {  	v7 =	vld [tilespmem:s14+$0xFFFFCDF0]  }
0x268: {  	v15 =	vld [tilespmem:s15+$0x20];
	[tilespmem:s5+$0xFFFFFFE0] =	vst v3  }
0x269: {  	v10 =	vadd.f32 v10, v12;
	v12 =	vld [tilespmem:s13+$0x20]  }
0x26a: {  	v61 =	vld [tilespmem:s15+$0xFFFFFFE0]  }
0x26b: {  	v4 =	vld [tilespmem:s14+$0xFFFFFF90];
	[tilespmem:s5+$0xFFFFFF90] =	vst v10  }
0x26c: {  	v10 =	vld [tilespmem:s13+$0xFFFFFFD0]  }
0x26d: {  	v3 =	vld [tilespmem:s14+$0xFFFFFFA0];
	v7 =	vadd.f32 v15, v7  }
0x26e: {  	v15 =	vld [tilespmem:s5+$0x0];
	v12 =	vadd.f32 v12, v18  }
0x26f: {  	[tilespmem:s14+$0xFFFFCDF0] =	vst v7;
	v7 =	vadd.f32 v14, v8;
	v14 =	vld [tilespmem:s14+$0xFFFFCE00]  }
0x270: {  	v8 =	vadd.f32 v61, v60;
	v62 =	vld [tilespmem:s15+$0x30];
	[tilespmem:s5+$0xFFFFFFF0] =	vst v12  }
0x271: {  	[tilespmem:s8+$0xFFFFFFB0] =	vst v7;
	v7 =	vadd.f32 v10, v13;
	v63 =	vld [tilespmem:s13+$0x30]  }
0x272: {  	[tilespmem:s14+$0xFFFFCDB0] =	vst v8;
	v8 =	vld [tilespmem:s16+$0xFFFFFFF0]  }
0x273: {  	v12 =	vld [tilespmem:s15+$0xFFFFFFF0];
	[tilespmem:s5+$0xFFFFFFA0] =	vst v7  }
0x274: {  	v10 =	vadd.f32 v11, v9;
	v9 =	vld [tilespmem:s13+$0xFFFFFFE0]  }
0x275: {  	v7 =	vld [tilespmem:s14+$0xFFFFFFC0];
	v13 =	vadd.f32 v62, v14  }
0x276: {  	s17 =	simm.s32 $0x4;
	s18 =	simm.s32 $0x3A30;
	s16 =	simm.s32 $0x19780;
	[tilespmem:s8+$0x0] =	vst v10;
	v10 =	vld [tilespmem:s14+$0xFFFFFFD0];
	v11 =	vadd.f32 v63, v15  }
.LBB2_12:
0x277: {  	v14 =	vld [tilespmem:s18+$0xFFFFCDD0];
	[tilespmem:s14+$0xFFFFCE00] =	vst v13;
	s15 =	sadd.s32 $0x80, s15;
	v8 =	vadd.f32 v8, v0;
	v0 =	vmov v2  }
0x278: {  	v13 =	vld [tilespmem:s15+$0x0];
	v12 =	vadd.f32 v12, v5;
	[tilespmem:s5+$0x0] =	vst v11  }
0x279: {  	s17 =	sadd.s32 $0x2, s17;
	v5 =	vld [tilespmem:s16+$0x0];
	v9 =	vadd.f32 v9, v1;
	[tilespmem:s8+$0xFFFFFFC0] =	vst v8;
	v1 =	vmov v6;
	s8 =	smov.u32 s5;
	s5 =	smov.u32 s14  }
0x27a: {  	p0 =	slt.u32 s17, $0xC6;
	s14 =	smov.u32 s18;
	v6 =	vld [tilespmem:s15+$0xFFFFFFC0];
	[tilespmem:s5+$0xFFFFCDC0] =	vst v12;
	v2 =	vmov v7  }
0x27b: {  	v7 =	vld [tilespmem:s18+$0xFFFFCD90];
	[tilespmem:s8+$0xFFFFFFB0] =	vst v9  }
0x27c: {  	v8 =	vld [tilespmem:s18+$0xFFFFCDA0]  }
0x27d: {  	v9 =	vld [tilespmem:s18+$0xFFFFCDB0];
	v11 =	vadd.f32 v13, v14  }
0x27e: {  	v5 =	vadd.f32 v5, v10;
	v10 =	vld [tilespmem:s5+$0xFFFFFFE0]  }
0x27f: {  	[tilespmem:s18+$0xFFFFCDD0] =	vst v11;
	v11 =	vld [tilespmem:s18+$0xFFFFCDE0]  }
0x280: {  	v6 =	vadd.f32 v6, v7;
	v7 =	vld [tilespmem:s15+$0x10];
	[tilespmem:s5+$0xFFFFFFD0] =	vst v5  }
0x281: {  	v12 =	vld [tilespmem:s16+$0x10]  }
0x282: {  	[tilespmem:s18+$0xFFFFCD90] =	vst v6;
	v5 =	vld [tilespmem:s18+$0xFFFFCDC0]  }
0x283: {  	v6 =	vld [tilespmem:s15+$0xFFFFFFD0]  }
0x284: {  	v13 =	vld [tilespmem:s16+$0xFFFFFFC0]  }
0x285: {  	v14 =	vld [tilespmem:s18+$0xFFFFFF90];
	v7 =	vadd.f32 v7, v11  }
0x286: {  	v10 =	vadd.f32 v12, v10;
	v11 =	vld [tilespmem:s5+$0xFFFFFFF0]  }
0x287: {  	[tilespmem:s18+$0xFFFFCDE0] =	vst v7;
	v7 =	vld [tilespmem:s18+$0xFFFFCDF0]  }
0x288: {  	v6 =	vadd.f32 v6, v8;
	v8 =	vld [tilespmem:s15+$0x20];
	[tilespmem:s5+$0xFFFFFFE0] =	vst v10  }
0x289: {  	v10 =	vadd.f32 v13, v4;
	v12 =	vld [tilespmem:s16+$0x20]  }
0x28a: {  	[tilespmem:s18+$0xFFFFCDA0] =	vst v6;
	v13 =	vld [tilespmem:s18+$0xFFFFFFA0];
	v4 =	vmov v14  }
0x28b: {  	v14 =	vld [tilespmem:s15+$0xFFFFFFE0];
	[tilespmem:s5+$0xFFFFFF90] =	vst v10  }
0x28c: {  	v10 =	vld [tilespmem:s16+$0xFFFFFFD0]  }
0x28d: {  	v6 =	vld [tilespmem:s18+$0xFFFFFFB0];
	v7 =	vadd.f32 v8, v7  }
0x28e: {  	v8 =	vadd.f32 v12, v11;
	v11 =	vld [tilespmem:s5+$0x0]  }
0x28f: {  	[tilespmem:s18+$0xFFFFCDF0] =	vst v7;
	v15 =	vld [tilespmem:s18+$0xFFFFCE00]  }
0x290: {  	v7 =	vadd.f32 v14, v9;
	v14 =	vld [tilespmem:s15+$0x30];
	[tilespmem:s5+$0xFFFFFFF0] =	vst v8  }
0x291: {  	v9 =	vadd.f32 v10, v3;
	v16 =	vld [tilespmem:s16+$0x30];
	v3 =	vmov v13  }
.Ltmp5:
0x292: {  	[tilespmem:s18+$0xFFFFCDB0] =	vst v7;
	v8 =	vld [tilespmem:s13+$0xFFFFFFF0];
	s13 =	smov.u32 s16;
	s16 =	smov.u32 s15;
	(pc) =	sbr.rel @p0 .LBB2_12-.Ltmp5, $4  }
0x293: {  	v12 =	vld [tilespmem:s15+$0xFFFFFFF0];
	[tilespmem:s5+$0xFFFFFFA0] =	vst v9  }
0x294: {  	v9 =	vld [tilespmem:s13+$0xFFFFFFE0]  }
0x295: {  	v7 =	vld [tilespmem:s18+$0xFFFFFFC0];
	v13 =	vadd.f32 v14, v15  }
0x296: {  	s18 =	sadd.s32 $0x80, s18;
	v10 =	vld [tilespmem:s14+$0xFFFFFFD0];
	v11 =	vadd.f32 v16, v11  }
0x297: {  	_ = 	snop  }
0x298: {  	[tilespmem:s14+$0xFFFFCE00] =	vst v13;
	v5 =	vadd.f32 v12, v5  }
0x299: {  	v54 =	vld [tilespmem:s16+$0x0]  }
0x29a: {  	[tilespmem:s14+$0xFFFFCDC0] =	vst v5  }
0x29b: {  	v5 =	vld [tilespmem:s16+$0xFFFFFFC0];
	_ =	sdelay $0x2  }
0x29c: {  	v10 =	vadd.f32 v54, v10;
	_ =	sdelay $0x1  }
0x29d: {  	v55 =	vld [tilespmem:s14+$0xFFFFFFE0];
	[tilespmem:s14+$0xFFFFFFD0] =	vst v10;
	v4 =	vadd.f32 v5, v4  }
0x29e: {  	v5 =	vld [tilespmem:s16+$0x10]  }
0x29f: {  	[tilespmem:s14+$0xFFFFFF90] =	vst v4  }
0x2a0: {  	v4 =	vld [tilespmem:s16+$0xFFFFFFD0];
	_ =	sdelay $0x2  }
0x2a1: {  	v5 =	vadd.f32 v5, v55;
	_ =	sdelay $0x1  }
0x2a2: {  	v56 =	vld [tilespmem:s14+$0xFFFFFFF0];
	[tilespmem:s14+$0xFFFFFFE0] =	vst v5;
	v3 =	vadd.f32 v4, v3  }
0x2a3: {  	v4 =	vld [tilespmem:s16+$0x20]  }
0x2a4: {  	[tilespmem:s14+$0xFFFFFFA0] =	vst v3  }
0x2a5: {  	v3 =	vld [tilespmem:s16+$0xFFFFFFE0];
	_ =	sdelay $0x2  }
0x2a6: {  	v4 =	vadd.f32 v4, v56  }
0x2a7: {  	v1 =	vadd.f32 v9, v1  }
0x2a8: {  	v5 =	vld [tilespmem:s14+$0x0];
	[tilespmem:s14+$0xFFFFFFF0] =	vst v4;
	v3 =	vadd.f32 v3, v6  }
0x2a9: {  	[tilespmem:s5+$0xFFFFFFB0] =	vst v1;
	v1 =	vld [tilespmem:s16+$0x30]  }
0x2aa: {  	v4 =	vld [tilespmem:s13+$0xFFFFFFF0];
	[tilespmem:s14+$0xFFFFFFB0] =	vst v3  }
0x2ab: {  	v3 =	vld [tilespmem:s16+$0xFFFFFFF0];
	_ =	sdelay $0x1  }
0x2ac: {  	v0 =	vadd.f32 v8, v0  }
0x2ad: {  	[tilespmem:s5+$0x0] =	vst v11;
	v1 =	vadd.f32 v1, v5  }
0x2ae: {  	[tilespmem:s8+$0xFFFFFFC0] =	vst v0;
	v0 =	vadd.f32 v4, v2  }
0x2af: {  	[tilespmem:s14+$0x0] =	vst v1;
	v1 =	vadd.f32 v3, v7  }
0x2b0: {  	[tilespmem:s5+$0xFFFFFFC0] =	vst v0  }
0x2b1: {  	[tilespmem:s14+$0xFFFFFFC0] =	vst v1  }
0x2b2: {  	s5 =	rddreg [dreg:$0xf]  }
0x2b3: {  	[hbm4b:s5+s24] =	stream.strided.scatter [tilespmem:s28], [sflag:$0x5], $0x6400, s26, s24, $0x38;
	[tilespmem:$0x1C840] =	vst v63  }
0x2b4: {  	_ =	swait.ge [sflag:s11], $0x2000  }
0x2b5: {  	[sflag:s11] =	ssyncset.done $0x0  }
0x2b6: {  	[sflag:s11] =	ssyncadd.s32 $0xFFFFE000  }
0x2b7: {  	_ =	swait.ge [sflag:s11], $0x2000  }
0x2b8: {  	[sflag:s11] =	ssyncset.done $0x0  }
0x2b9: {  	[sflag:s11] =	ssyncadd.s32 $0xFFFFE000  }
0x2ba: {  	_ =	swait.ge [sflag:s11], $0x2000  }
0x2bb: {  	[sflag:s11] =	ssyncset.done $0x0  }
0x2bc: {  	[sflag:s11] =	ssyncadd.s32 $0xFFFFE000  }
0x2bd: {  	_ =	swait.ge [sflag:s11], $0x400  }
0x2be: {  	[sflag:s11] =	ssyncset.done $0x0  }
0x2bf: {  	s5 =	simm.s32 $0x0;
	[sflag:s11] =	ssyncadd.s32 $0xFFFFFC00  }
0x2c0: {  	v0 =	vld [tilespmem:s5+$0x9CB0]  }
0x2c1: {  	v1 =	vld [tilespmem:s5+$0x196B0]  }
0x2c2: {  	v2 =	vld [tilespmem:s5+$0x6A40]  }
0x2c3: {  	v3 =	vld [tilespmem:s5+$0x19640]  }
0x2c4: {  	v4 =	vld [tilespmem:s5+$0x6A50]  }
0x2c5: {  	v5 =	vld [tilespmem:s5+$0x19650]  }
0x2c6: {  	v6 =	vld [tilespmem:s5+$0x6A60]  }
0x2c7: {  	v7 =	vld [tilespmem:s5+$0x19660]  }
0x2c8: {  	v57 =	vld [tilespmem:s5+$0x6A70]  }
0x2c9: {  	v58 =	vld [tilespmem:s5+$0x19670]  }
0x2ca: {  	v59 =	vld [tilespmem:s5+$0x9C50]  }
0x2cb: {  	v61 =	vld [tilespmem:s5+$0x6A90]  }
0x2cc: {  	v62 =	vld [tilespmem:s5+$0x19690];
	v2 =	vadd.f32 v3, v2  }
0x2cd: {  	v0 =	vadd.f32 v1, v0;
	v1 =	vld [tilespmem:s5+$0x19680]  }
0x2ce: {  	[tilespmem:s5+$0x6A40] =	vst v2;
	v2 =	vadd.f32 v5, v4;
	v4 =	vld [tilespmem:s5+$0x9C40]  }
0x2cf: {  	[tilespmem:s5+$0x9CB0] =	vst v0;
	v0 =	vld [tilespmem:s5+$0x6A80]  }
0x2d0: {  	v60 =	vld [tilespmem:s5+$0x9C70];
	v6 =	vadd.f32 v7, v6  }
0x2d1: {  	v14 =	vld [tilespmem:s5+$0x6AA0]  }
0x2d2: {  	v15 =	vld [tilespmem:s5+$0x196A0];
	v63 =	vadd.f32 v62, v61;
	[tilespmem:s5+$0x6A60] =	vst v6  }
0x2d3: {  	v5 =	vadd.f32 v5, v59;
	[tilespmem:s5+$0x6A50] =	vst v2;
	v2 =	vld [tilespmem:s5+$0x9C60]  }
0x2d4: {  	[tilespmem:s5+$0x6A90] =	vst v63;
	v0 =	vadd.f32 v1, v0;
	v3 =	vadd.f32 v3, v4;
	v4 =	vld [tilespmem:s5+$0x19670]  }
0x2d5: {  	v16 =	vld [tilespmem:s5+$0x6AB0];
	[tilespmem:s5+$0x9C50] =	vst v5;
	v1 =	vadd.f32 v58, v57  }
0x2d6: {  	v6 =	vld [tilespmem:s5+$0x196B0];
	[tilespmem:s5+$0x6A80] =	vst v0  }
0x2d7: {  	v5 =	vadd.f32 v15, v14;
	[tilespmem:s5+$0x6A70] =	vst v1;
	v0 =	vld [tilespmem:s5+$0x9C80]  }
0x2d8: {  	[tilespmem:s5+$0x9C40] =	vst v3;
	v1 =	vld [tilespmem:s5+$0x19680];
	v3 =	vadd.f32 v7, v2  }
0x2d9: {  	[tilespmem:s5+$0x6AA0] =	vst v5;
	v2 =	vld [tilespmem:s5+$0x9C90];
	v4 =	vadd.f32 v4, v60  }
0x2da: {  	[tilespmem:s5+$0x9C60] =	vst v3;
	v3 =	vld [tilespmem:s5+$0x19690]  }
0x2db: {  	s8 =	simm.s32 $0x0;
	s13 =	simm.s32 $0x200;
	v5 =	vadd.f32 v6, v16;
	[tilespmem:s5+$0x9C70] =	vst v4;
	v4 =	vld [tilespmem:s5+$0x9CA0]  }
.LBB2_14:
0x2dc: {  	s14 =	sshra.s32 s13, $0x2;
	v6 =	vld [tilespmem:s5+$0x196A0]  }
0x2dd: {  	s8 =	sadd.s32 $0x2, s8;
	v7 =	vld [tilespmem:s14+$0x9CB0];
	[tilespmem:s5+$0x6AB0] =	vst v5;
	v0 =	vadd.f32 v1, v0  }
0x2de: {  	p0 =	slt.u32 s8, $0xC6;
	v1 =	vld [tilespmem:s14+$0x196B0]  }
0x2df: {  	v5 =	vld [tilespmem:s14+$0x6A40];
	[tilespmem:s5+$0x9C80] =	vst v0;
	v0 =	vadd.f32 v3, v2  }
0x2e0: {  	v2 =	vld [tilespmem:s14+$0x19640]  }
0x2e1: {  	v3 =	vld [tilespmem:s14+$0x6A50];
	[tilespmem:s5+$0x9C90] =	vst v0;
	v0 =	vadd.f32 v6, v4  }
0x2e2: {  	v4 =	vld [tilespmem:s14+$0x19650]  }
0x2e3: {  	v6 =	vld [tilespmem:s14+$0x6A60];
	v1 =	vadd.f32 v1, v7;
	[tilespmem:s5+$0x9CA0] =	vst v0;
	s5 =	smov.u32 s14  }
0x2e4: {  	v0 =	vld [tilespmem:s5+$0x19660]  }
0x2e5: {  	v5 =	vadd.f32 v2, v5;
	v7 =	vld [tilespmem:s5+$0x6A70];
	[tilespmem:s5+$0x9CB0] =	vst v1  }
0x2e6: {  	v1 =	vld [tilespmem:s5+$0x19670]  }
0x2e7: {  	[tilespmem:s5+$0x6A40] =	vst v5;
	v3 =	vadd.f32 v4, v3;
	v5 =	vld [tilespmem:s5+$0x9C40]  }
0x2e8: {  	v8 =	vld [tilespmem:s5+$0x9C50]  }
0x2e9: {  	[tilespmem:s5+$0x6A50] =	vst v3;
	v3 =	vadd.f32 v0, v6;
	v6 =	vld [tilespmem:s5+$0x9C60]  }
0x2ea: {  	v9 =	vld [tilespmem:s5+$0x9C70]  }
0x2eb: {  	[tilespmem:s5+$0x6A60] =	vst v3;
	v1 =	vadd.f32 v1, v7;
	v3 =	vld [tilespmem:s5+$0x19670]  }
0x2ec: {  	v2 =	vadd.f32 v2, v5;
	v5 =	vld [tilespmem:s5+$0x6A80]  }
0x2ed: {  	[tilespmem:s5+$0x6A70] =	vst v1;
	v1 =	vadd.f32 v4, v8;
	v4 =	vld [tilespmem:s5+$0x19680]  }
0x2ee: {  	[tilespmem:s5+$0x9C40] =	vst v2;
	v0 =	vadd.f32 v0, v6;
	v2 =	vld [tilespmem:s5+$0x6A90]  }
0x2ef: {  	[tilespmem:s5+$0x9C50] =	vst v1;
	v1 =	vld [tilespmem:s5+$0x19690]  }
0x2f0: {  	[tilespmem:s5+$0x9C60] =	vst v0;
	v0 =	vadd.f32 v3, v9;
	v3 =	vld [tilespmem:s5+$0x6AA0]  }
0x2f1: {  	v6 =	vld [tilespmem:s5+$0x196A0]  }
0x2f2: {  	[tilespmem:s5+$0x9C70] =	vst v0;
	v0 =	vadd.f32 v4, v5;
	v4 =	vld [tilespmem:s5+$0x6AB0]  }
0x2f3: {  	v5 =	vld [tilespmem:s5+$0x196B0]  }
.Ltmp6:
0x2f4: {  	[tilespmem:s5+$0x6A80] =	vst v0;
	v2 =	vadd.f32 v1, v2;
	v0 =	vld [tilespmem:s5+$0x9C80];
	(pc) =	sbr.rel @p0 .LBB2_14-.Ltmp6, $4  }
0x2f5: {  	v1 =	vld [tilespmem:s5+$0x19680]  }
0x2f6: {  	[tilespmem:s5+$0x6A90] =	vst v2;
	v6 =	vadd.f32 v6, v3;
	v2 =	vld [tilespmem:s5+$0x9C90]  }
0x2f7: {  	v3 =	vld [tilespmem:s5+$0x19690]  }
0x2f8: {  	s13 =	sadd.s32 $0x200, s13;
	[tilespmem:s5+$0x6AA0] =	vst v6;
	v5 =	vadd.f32 v5, v4;
	v4 =	vld [tilespmem:s5+$0x9CA0]  }
0x2f9: {  	v6 =	vld [tilespmem:s5+$0x196A0];
	_ =	sdelay $0x2  }
0x2fa: {  	v0 =	vadd.f32 v1, v0  }
0x2fb: {  	[tilespmem:s5+$0x6AB0] =	vst v5;
	v1 =	vadd.f32 v3, v2  }
0x2fc: {  	[tilespmem:s5+$0x9C80] =	vst v0;
	v0 =	vadd.f32 v6, v4  }
0x2fd: {  	[tilespmem:s5+$0x9C90] =	vst v1  }
0x2fe: {  	[tilespmem:s5+$0x9CA0] =	vst v0  }
0x2ff: {  	s5 =	rddreg [dreg:$0x10]  }
0x300: {  	[hbm4b:s5+s24] =	stream.strided.scatter [tilespmem:s10], [sflag:$0x6], $0x6400, s26, s24, $0x38;
	[tilespmem:$0x1C840] =	vst v63  }
0x301: {  	_ =	swait.ge [sflag:s20], $0x2000  }
0x302: {  	[sflag:s20] =	ssyncset.done $0x0  }
0x303: {  	[sflag:s20] =	ssyncadd.s32 $0xFFFFE000  }
0x304: {  	_ =	swait.ge [sflag:s20], $0x2000  }
0x305: {  	[sflag:s20] =	ssyncset.done $0x0  }
0x306: {  	[sflag:s20] =	ssyncadd.s32 $0xFFFFE000  }
0x307: {  	_ =	swait.ge [sflag:s20], $0x2000  }
0x308: {  	[sflag:s20] =	ssyncset.done $0x0  }
0x309: {  	[sflag:s20] =	ssyncadd.s32 $0xFFFFE000  }
0x30a: {  	_ =	swait.ge [sflag:s20], $0x400  }
0x30b: {  	[sflag:s20] =	ssyncset.done $0x0  }
0x30c: {  	s5 =	simm.s32 $0x0;
	[sflag:s20] =	ssyncadd.s32 $0xFFFFFC00  }
0x30d: {  	v0 =	vld [tilespmem:s5+$0x100B0]  }
0x30e: {  	v1 =	vld [tilespmem:s5+$0x196B0]  }
0x30f: {  	v2 =	vld [tilespmem:s5+$0xCE40]  }
0x310: {  	v3 =	vld [tilespmem:s5+$0x19640]  }
0x311: {  	v4 =	vld [tilespmem:s5+$0xCE50]  }
0x312: {  	v5 =	vld [tilespmem:s5+$0x19650]  }
0x313: {  	v6 =	vld [tilespmem:s5+$0xCE60]  }
0x314: {  	v7 =	vld [tilespmem:s5+$0x19660]  }
0x315: {  	v8 =	vld [tilespmem:s5+$0xCE70]  }
0x316: {  	v9 =	vld [tilespmem:s5+$0x19670]  }
0x317: {  	v10 =	vld [tilespmem:s5+$0x10050]  }
0x318: {  	v12 =	vld [tilespmem:s5+$0xCE90]  }
0x319: {  	v13 =	vld [tilespmem:s5+$0x19690];
	v2 =	vadd.f32 v3, v2  }
0x31a: {  	v0 =	vadd.f32 v1, v0;
	v1 =	vld [tilespmem:s5+$0x19680]  }
0x31b: {  	[tilespmem:s5+$0xCE40] =	vst v2;
	v2 =	vadd.f32 v5, v4;
	v4 =	vld [tilespmem:s5+$0x10040]  }
0x31c: {  	[tilespmem:s5+$0x100B0] =	vst v0;
	v0 =	vld [tilespmem:s5+$0xCE80]  }
0x31d: {  	v11 =	vld [tilespmem:s5+$0x10070];
	v6 =	vadd.f32 v7, v6  }
0x31e: {  	v14 =	vld [tilespmem:s5+$0xCEA0]  }
0x31f: {  	v15 =	vld [tilespmem:s5+$0x196A0];
	v63 =	vadd.f32 v13, v12;
	[tilespmem:s5+$0xCE60] =	vst v6  }
0x320: {  	v5 =	vadd.f32 v5, v10;
	[tilespmem:s5+$0xCE50] =	vst v2;
	v2 =	vld [tilespmem:s5+$0x10060]  }
0x321: {  	[tilespmem:s5+$0xCE90] =	vst v63;
	v0 =	vadd.f32 v1, v0;
	v3 =	vadd.f32 v3, v4;
	v4 =	vld [tilespmem:s5+$0x19670]  }
0x322: {  	v16 =	vld [tilespmem:s5+$0xCEB0];
	[tilespmem:s5+$0x10050] =	vst v5;
	v1 =	vadd.f32 v9, v8  }
0x323: {  	v6 =	vld [tilespmem:s5+$0x196B0];
	[tilespmem:s5+$0xCE80] =	vst v0  }
0x324: {  	v5 =	vadd.f32 v15, v14;
	[tilespmem:s5+$0xCE70] =	vst v1;
	v0 =	vld [tilespmem:s5+$0x10080]  }
0x325: {  	[tilespmem:s5+$0x10040] =	vst v3;
	v1 =	vld [tilespmem:s5+$0x19680];
	v3 =	vadd.f32 v7, v2  }
0x326: {  	[tilespmem:s5+$0xCEA0] =	vst v5;
	v2 =	vld [tilespmem:s5+$0x10090];
	v4 =	vadd.f32 v4, v11  }
0x327: {  	[tilespmem:s5+$0x10060] =	vst v3;
	v3 =	vld [tilespmem:s5+$0x19690]  }
0x328: {  	s8 =	simm.s32 $0x0;
	s13 =	simm.s32 $0x200;
	v5 =	vadd.f32 v6, v16;
	[tilespmem:s5+$0x10070] =	vst v4;
	v4 =	vld [tilespmem:s5+$0x100A0]  }
.LBB2_16:
0x329: {  	s14 =	sshra.s32 s13, $0x2;
	v6 =	vld [tilespmem:s5+$0x196A0]  }
0x32a: {  	s8 =	sadd.s32 $0x2, s8;
	v7 =	vld [tilespmem:s14+$0x100B0];
	[tilespmem:s5+$0xCEB0] =	vst v5;
	v0 =	vadd.f32 v1, v0  }
0x32b: {  	p0 =	slt.u32 s8, $0xC6;
	v1 =	vld [tilespmem:s14+$0x196B0]  }
0x32c: {  	v5 =	vld [tilespmem:s14+$0xCE40];
	[tilespmem:s5+$0x10080] =	vst v0;
	v0 =	vadd.f32 v3, v2  }
0x32d: {  	v2 =	vld [tilespmem:s14+$0x19640]  }
0x32e: {  	v3 =	vld [tilespmem:s14+$0xCE50];
	[tilespmem:s5+$0x10090] =	vst v0;
	v0 =	vadd.f32 v6, v4  }
0x32f: {  	v4 =	vld [tilespmem:s14+$0x19650]  }
0x330: {  	v6 =	vld [tilespmem:s14+$0xCE60];
	v1 =	vadd.f32 v1, v7;
	[tilespmem:s5+$0x100A0] =	vst v0;
	s5 =	smov.u32 s14  }
0x331: {  	v0 =	vld [tilespmem:s5+$0x19660]  }
0x332: {  	v5 =	vadd.f32 v2, v5;
	v7 =	vld [tilespmem:s5+$0xCE70];
	[tilespmem:s5+$0x100B0] =	vst v1  }
0x333: {  	v1 =	vld [tilespmem:s5+$0x19670]  }
0x334: {  	[tilespmem:s5+$0xCE40] =	vst v5;
	v3 =	vadd.f32 v4, v3;
	v5 =	vld [tilespmem:s5+$0x10040]  }
0x335: {  	v8 =	vld [tilespmem:s5+$0x10050]  }
0x336: {  	[tilespmem:s5+$0xCE50] =	vst v3;
	v3 =	vadd.f32 v0, v6;
	v6 =	vld [tilespmem:s5+$0x10060]  }
0x337: {  	v9 =	vld [tilespmem:s5+$0x10070]  }
0x338: {  	[tilespmem:s5+$0xCE60] =	vst v3;
	v1 =	vadd.f32 v1, v7;
	v3 =	vld [tilespmem:s5+$0x19670]  }
0x339: {  	v2 =	vadd.f32 v2, v5;
	v5 =	vld [tilespmem:s5+$0xCE80]  }
0x33a: {  	[tilespmem:s5+$0xCE70] =	vst v1;
	v1 =	vadd.f32 v4, v8;
	v4 =	vld [tilespmem:s5+$0x19680]  }
0x33b: {  	[tilespmem:s5+$0x10040] =	vst v2;
	v0 =	vadd.f32 v0, v6;
	v2 =	vld [tilespmem:s5+$0xCE90]  }
0x33c: {  	[tilespmem:s5+$0x10050] =	vst v1;
	v1 =	vld [tilespmem:s5+$0x19690]  }
0x33d: {  	[tilespmem:s5+$0x10060] =	vst v0;
	v0 =	vadd.f32 v3, v9;
	v3 =	vld [tilespmem:s5+$0xCEA0]  }
0x33e: {  	v6 =	vld [tilespmem:s5+$0x196A0]  }
0x33f: {  	[tilespmem:s5+$0x10070] =	vst v0;
	v0 =	vadd.f32 v4, v5;
	v4 =	vld [tilespmem:s5+$0xCEB0]  }
0x340: {  	v5 =	vld [tilespmem:s5+$0x196B0]  }
.Ltmp7:
0x341: {  	[tilespmem:s5+$0xCE80] =	vst v0;
	v2 =	vadd.f32 v1, v2;
	v0 =	vld [tilespmem:s5+$0x10080];
	(pc) =	sbr.rel @p0 .LBB2_16-.Ltmp7, $4  }
0x342: {  	v1 =	vld [tilespmem:s5+$0x19680]  }
0x343: {  	[tilespmem:s5+$0xCE90] =	vst v2;
	v6 =	vadd.f32 v6, v3;
	v2 =	vld [tilespmem:s5+$0x10090]  }
0x344: {  	v3 =	vld [tilespmem:s5+$0x19690]  }
0x345: {  	s13 =	sadd.s32 $0x200, s13;
	[tilespmem:s5+$0xCEA0] =	vst v6;
	v5 =	vadd.f32 v5, v4;
	v4 =	vld [tilespmem:s5+$0x100A0]  }
0x346: {  	v6 =	vld [tilespmem:s5+$0x196A0];
	_ =	sdelay $0x2  }
0x347: {  	v0 =	vadd.f32 v1, v0  }
0x348: {  	[tilespmem:s5+$0xCEB0] =	vst v5;
	v1 =	vadd.f32 v3, v2  }
0x349: {  	[tilespmem:s5+$0x10080] =	vst v0;
	v0 =	vadd.f32 v6, v4  }
0x34a: {  	[tilespmem:s5+$0x10090] =	vst v1  }
0x34b: {  	[tilespmem:s5+$0x100A0] =	vst v0  }
0x34c: {  	s5 =	rddreg [dreg:$0x11]  }
0x34d: {  	[hbm4b:s5+s24] =	stream.strided.scatter [tilespmem:s9], [sflag:$0x7], $0x6400, s26, s24, $0x38;
	[tilespmem:$0x1C840] =	vst v63  }
0x34e: {  	_ =	swait.ge [sflag:s21], $0x2000  }
0x34f: {  	[sflag:s21] =	ssyncset.done $0x0  }
0x350: {  	[sflag:s21] =	ssyncadd.s32 $0xFFFFE000  }
0x351: {  	_ =	swait.ge [sflag:s21], $0x2000  }
0x352: {  	[sflag:s21] =	ssyncset.done $0x0  }
0x353: {  	[sflag:s21] =	ssyncadd.s32 $0xFFFFE000  }
0x354: {  	_ =	swait.ge [sflag:s21], $0x2000  }
0x355: {  	[sflag:s21] =	ssyncset.done $0x0  }
0x356: {  	[sflag:s21] =	ssyncadd.s32 $0xFFFFE000  }
0x357: {  	_ =	swait.ge [sflag:s21], $0x400  }
0x358: {  	[sflag:s21] =	ssyncset.done $0x0  }
0x359: {  	s5 =	simm.s32 $0x0;
	[sflag:s21] =	ssyncadd.s32 $0xFFFFFC00  }
0x35a: {  	v0 =	vld [tilespmem:s5+$0x164B0]  }
0x35b: {  	v1 =	vld [tilespmem:s5+$0x196B0]  }
0x35c: {  	v2 =	vld [tilespmem:s5+$0x13240]  }
0x35d: {  	v3 =	vld [tilespmem:s5+$0x19640]  }
0x35e: {  	v4 =	vld [tilespmem:s5+$0x13250]  }
0x35f: {  	v5 =	vld [tilespmem:s5+$0x19650]  }
0x360: {  	v6 =	vld [tilespmem:s5+$0x13260]  }
0x361: {  	v7 =	vld [tilespmem:s5+$0x19660]  }
0x362: {  	v8 =	vld [tilespmem:s5+$0x13270]  }
0x363: {  	v9 =	vld [tilespmem:s5+$0x19670]  }
0x364: {  	v10 =	vld [tilespmem:s5+$0x16450]  }
0x365: {  	v12 =	vld [tilespmem:s5+$0x13290]  }
0x366: {  	v13 =	vld [tilespmem:s5+$0x19690];
	v2 =	vadd.f32 v3, v2  }
0x367: {  	v0 =	vadd.f32 v1, v0;
	v1 =	vld [tilespmem:s5+$0x19680]  }
0x368: {  	[tilespmem:s5+$0x13240] =	vst v2;
	v2 =	vadd.f32 v5, v4;
	v4 =	vld [tilespmem:s5+$0x16440]  }
0x369: {  	[tilespmem:s5+$0x164B0] =	vst v0;
	v0 =	vld [tilespmem:s5+$0x13280]  }
0x36a: {  	v11 =	vld [tilespmem:s5+$0x16470];
	v6 =	vadd.f32 v7, v6  }
0x36b: {  	v14 =	vld [tilespmem:s5+$0x132A0]  }
0x36c: {  	v15 =	vld [tilespmem:s5+$0x196A0];
	v63 =	vadd.f32 v13, v12;
	[tilespmem:s5+$0x13260] =	vst v6  }
0x36d: {  	v5 =	vadd.f32 v5, v10;
	[tilespmem:s5+$0x13250] =	vst v2;
	v2 =	vld [tilespmem:s5+$0x16460]  }
0x36e: {  	[tilespmem:s5+$0x13290] =	vst v63;
	v0 =	vadd.f32 v1, v0;
	v3 =	vadd.f32 v3, v4;
	v4 =	vld [tilespmem:s5+$0x19670]  }
0x36f: {  	v16 =	vld [tilespmem:s5+$0x132B0];
	[tilespmem:s5+$0x16450] =	vst v5;
	v1 =	vadd.f32 v9, v8  }
0x370: {  	v6 =	vld [tilespmem:s5+$0x196B0];
	[tilespmem:s5+$0x13280] =	vst v0  }
0x371: {  	v5 =	vadd.f32 v15, v14;
	[tilespmem:s5+$0x13270] =	vst v1;
	v0 =	vld [tilespmem:s5+$0x16480]  }
0x372: {  	[tilespmem:s5+$0x16440] =	vst v3;
	v1 =	vld [tilespmem:s5+$0x19680];
	v3 =	vadd.f32 v7, v2  }
0x373: {  	[tilespmem:s5+$0x132A0] =	vst v5;
	v2 =	vld [tilespmem:s5+$0x16490];
	v4 =	vadd.f32 v4, v11  }
0x374: {  	[tilespmem:s5+$0x16460] =	vst v3;
	v3 =	vld [tilespmem:s5+$0x19690]  }
0x375: {  	s8 =	simm.s32 $0x0;
	s13 =	simm.s32 $0x200;
	v5 =	vadd.f32 v6, v16;
	[tilespmem:s5+$0x16470] =	vst v4;
	v4 =	vld [tilespmem:s5+$0x164A0]  }
.LBB2_18:
0x376: {  	s14 =	sshra.s32 s13, $0x2;
	v6 =	vld [tilespmem:s5+$0x196A0]  }
0x377: {  	s8 =	sadd.s32 $0x2, s8;
	v7 =	vld [tilespmem:s14+$0x164B0];
	[tilespmem:s5+$0x132B0] =	vst v5;
	v0 =	vadd.f32 v1, v0  }
0x378: {  	p0 =	slt.u32 s8, $0xC6;
	v1 =	vld [tilespmem:s14+$0x196B0]  }
0x379: {  	v5 =	vld [tilespmem:s14+$0x13240];
	[tilespmem:s5+$0x16480] =	vst v0;
	v0 =	vadd.f32 v3, v2  }
0x37a: {  	v2 =	vld [tilespmem:s14+$0x19640]  }
0x37b: {  	v3 =	vld [tilespmem:s14+$0x13250];
	[tilespmem:s5+$0x16490] =	vst v0;
	v0 =	vadd.f32 v6, v4  }
0x37c: {  	v4 =	vld [tilespmem:s14+$0x19650]  }
0x37d: {  	v6 =	vld [tilespmem:s14+$0x13260];
	v1 =	vadd.f32 v1, v7;
	[tilespmem:s5+$0x164A0] =	vst v0;
	s5 =	smov.u32 s14  }
0x37e: {  	v0 =	vld [tilespmem:s5+$0x19660]  }
0x37f: {  	v5 =	vadd.f32 v2, v5;
	v7 =	vld [tilespmem:s5+$0x13270];
	[tilespmem:s5+$0x164B0] =	vst v1  }
0x380: {  	v1 =	vld [tilespmem:s5+$0x19670]  }
0x381: {  	[tilespmem:s5+$0x13240] =	vst v5;
	v3 =	vadd.f32 v4, v3;
	v5 =	vld [tilespmem:s5+$0x16440]  }
0x382: {  	v8 =	vld [tilespmem:s5+$0x16450]  }
0x383: {  	[tilespmem:s5+$0x13250] =	vst v3;
	v3 =	vadd.f32 v0, v6;
	v6 =	vld [tilespmem:s5+$0x16460]  }
0x384: {  	v9 =	vld [tilespmem:s5+$0x16470]  }
0x385: {  	[tilespmem:s5+$0x13260] =	vst v3;
	v1 =	vadd.f32 v1, v7;
	v3 =	vld [tilespmem:s5+$0x19670]  }
0x386: {  	v2 =	vadd.f32 v2, v5;
	v5 =	vld [tilespmem:s5+$0x13280]  }
0x387: {  	[tilespmem:s5+$0x13270] =	vst v1;
	v1 =	vadd.f32 v4, v8;
	v4 =	vld [tilespmem:s5+$0x19680]  }
0x388: {  	[tilespmem:s5+$0x16440] =	vst v2;
	v0 =	vadd.f32 v0, v6;
	v2 =	vld [tilespmem:s5+$0x13290]  }
0x389: {  	[tilespmem:s5+$0x16450] =	vst v1;
	v1 =	vld [tilespmem:s5+$0x19690]  }
0x38a: {  	[tilespmem:s5+$0x16460] =	vst v0;
	v0 =	vadd.f32 v3, v9;
	v3 =	vld [tilespmem:s5+$0x132A0]  }
0x38b: {  	v6 =	vld [tilespmem:s5+$0x196A0]  }
0x38c: {  	[tilespmem:s5+$0x16470] =	vst v0;
	v0 =	vadd.f32 v4, v5;
	v4 =	vld [tilespmem:s5+$0x132B0]  }
0x38d: {  	v5 =	vld [tilespmem:s5+$0x196B0]  }
.Ltmp8:
0x38e: {  	[tilespmem:s5+$0x13280] =	vst v0;
	v2 =	vadd.f32 v1, v2;
	v0 =	vld [tilespmem:s5+$0x16480];
	(pc) =	sbr.rel @p0 .LBB2_18-.Ltmp8, $4  }
0x38f: {  	v1 =	vld [tilespmem:s5+$0x19680]  }
0x390: {  	[tilespmem:s5+$0x13290] =	vst v2;
	v6 =	vadd.f32 v6, v3;
	v2 =	vld [tilespmem:s5+$0x16490]  }
0x391: {  	v3 =	vld [tilespmem:s5+$0x19690]  }
0x392: {  	s13 =	sadd.s32 $0x200, s13;
	[tilespmem:s5+$0x132A0] =	vst v6;
	v5 =	vadd.f32 v5, v4;
	v4 =	vld [tilespmem:s5+$0x164A0]  }
0x393: {  	v6 =	vld [tilespmem:s5+$0x196A0];
	_ =	sdelay $0x2  }
0x394: {  	v0 =	vadd.f32 v1, v0  }
0x395: {  	[tilespmem:s5+$0x132B0] =	vst v5;
	v62 =	vadd.f32 v3, v2  }
0x396: {  	[tilespmem:s5+$0x16480] =	vst v0;
	v63 =	vadd.f32 v6, v4  }
0x397: {  	[tilespmem:s5+$0x16490] =	vst v62  }
0x398: {  	[tilespmem:s5+$0x164A0] =	vst v63  }
0x399: {  	s5 =	rddreg [dreg:$0x12]  }
0x39a: {  	[hbm4b:s5+s24] =	stream.strided.scatter [tilespmem:s19], [sflag:$0x8], $0x6400, s26, s24, $0x38;
	[tilespmem:$0x1C840] =	vst v63  }
0x39b: {  	_ =	swait.ge [sflag:s22], $0x6400  }
0x39c: {  	[sflag:s22] =	ssyncset.done $0x0  }
0x39d: {  	[sflag:s22] =	ssyncadd.s32 $0xFFFF9C00  }
0x39e: {  	_ =	swait.ge [sflag:s29], $0x6400  }
0x39f: {  	[sflag:s29] =	ssyncset.done $0x0  }
0x3a0: {  	[sflag:s29] =	ssyncadd.s32 $0xFFFF9C00  }
0x3a1: {  	_ =	swait.ge [sflag:s30], $0x6400  }
0x3a2: {  	[sflag:s30] =	ssyncset.done $0x0  }
0x3a3: {  	[sflag:s30] =	ssyncadd.s32 $0xFFFF9C00  }
0x3a4: {  	_ =	swait.ge [sflag:s31], $0x6400  }
0x3a5: {  	s8 =	rddreg [dreg:$0x14]  }
0x3a6: {  	s18 =	rddreg [dreg:$0x13];
	s8 =	sadd.s32 $0x1, s8  }
0x3a7: {  	p0 =	sne.s32 s8, s18  }
.Ltmp9:
0x3a8: {  	_ = 	snop;
	(pc) =	sbr.rel @p0 .LBB2_1-.Ltmp9, $3  }
0x3a9: {  	_ =	sdelay $0x1  }
0x3aa: {  	[sflag:s31] =	ssyncset.done $0x0  }
0x3ab: {  	[sflag:s31] =	ssyncadd.s32 $0xFFFF9C00  }
0x3ac: {  	_ =	sfence.sel $0x180000  }
0x3ad: {  	[bflag:$0x0] =	sbarrier.arrive $0xFFFF  }
0x3ae: {  	_ =	strace $0x90000047  }
0x3af: {  	s0 =	stileid.u32;
	[bflag:$0x2] =	sbarrier.arrive $0xFFFF  }
0x3b0: {  	p0 =	sne.s32 s0, $0x0;
	s0 =	rddreg [dreg:$0x1]  }
0x3b1: {  	s0 =	sadd.s32 @!p0 $0x100000, s0  }
0x3b2: {  	[sflag:s0] =	ssyncadd.tile.s32 @!p0 $0x1;
	_ =	shalt  }
.Lfunc_end2:
_tile_overlayer_lowered:
.L_overlay_start_2:
0x3b3: {  	(tag) =	ssettag $0x2  }
0x3b4: {  	s0 =	rddreg [dreg:$0x0];
	s2 =	stileid.u32  }
0x3b5: {  	s1 =	rddreg [dreg:$0x1];
	p0 =	sne.s32 s2, $0x0  }
0x3b6: {  	s3 =	rddreg [dreg:$0x2];
	[bflag:$0x3] =	sbarrier.arrive $0xFFFF;
	s2 =	simm.s32 @!p0 $0x1C09  }
0x3b7: {  	[timem:s3], [sflag:s2] =	dma.local @!p0 [hbm:s0], s1  }
0x3b8: {  	s0 =	simm.s32 @!p0 $0x9  }
0x3b9: {  	_ =	swait.ge @!p0 [sflag:s0], s1  }
0x3ba: {  	s1 =	ssub.s32 @!p0 $0x0, s1;
	[sflag:s0] =	ssyncset.done @!p0 $0x0  }
0x3bb: {  	[sflag:s0] =	ssyncadd.s32 @!p0 s1  }
0x3bc: {  	[bflag:$0x3] =	sbarrier.arrive $0xFFFF  }
0x3bd: {  	_ =	shalt  }

// kernel: sparse-core-data-format-call.cloned.1.call-start
scs
called_computation_lowered:
.L_overlay_start_0:
0x0: {  	s2 =	sld [smem:$0x3FD9]  }
0x1: {  	s3 =	sld [smem:$0x3FFE];
	_ =	sdelay $0x1  }
0x2: {  	s1 =	srdreg.scid  }
0x3: {  	s0 =	sand.u32 $0x1, s1  }
0x4: {  	s18 =	sshll.u32 s0, $0xA;
	s2 =	sadd.s32 s3, s2  }
0x5: {  	s2 =	sadd.s32 s2, s18  }
0x6: {  	[smem:$0x3FC5] =	sst s2  }
0x7: {  	_ = 	snop  }
0x8: {  	s2 =	sld [smem:$0x3FD0];
	(tm) =	ssettm $0x1  }
0x9: {  	s19 =	sld [smem:$0x3FFB];
	_ =	sdelay $0x3  }
0xa: {  	_ =	strace s19  }
0xb: {  	s3 =	sld [smem:$0x3FFC];
	_ =	sdelay $0x3  }
0xc: {  	_ =	strace s3  }
0xd: {  	s3 =	sld [smem:$0x3FFD];
	_ =	sdelay $0x3  }
0xe: {  	_ =	strace s3  }
0xf: {  	_ =	strace $0x8FFFFFFF  }
0x10: {  	s20 =	sld [smem:$0x3FDB];
	_ =	sdelay $0x1  }
0x11: {  	s4 =	simm.s32 $_scs_section_size  }
0x12: {  	s5 =	simm.s32 $_size__tile_overlayer_lowered;
	s6 =	simm.s32 $_tile_overlayer_lowered  }
0x13: {  	s23 =	simm.s32 $0x1BFF;
	s22 =	sshll.u32 s6, $0x1;
	s3 =	sadd.s32 s4, s20  }
0x14: {  	s7 =	simm.s32 $0x0;
	s21 =	sshll.u32 s5, $0x1;
	s5 =	sadd.s32 s22, s3  }
0x15: {  	[timem:s7], [sflag:s23] =	dma.local [hbm:s5], s21  }
0x16: {  	_ =	swait.ge [sflag:s23], s21  }
0x17: {  	s4 =	ssub.s32 $0x0, s21;
	[sflag:s23] =	ssyncset.done $0x0  }
0x18: {  	[sflag:s23] =	ssyncadd.s32 s4;
	_ =	sdelay $0x1  }
0x19: {  	s24 =	simm.s32 $0x1B8B  }
0x1a: {  	_ =	swait.ge [sflag:s24], $0x1  }
0x1b: {  	[sflag:s24] =	ssyncset.done $0x0  }
0x1c: {  	s26 =	simm.s32 $0x1B8E;
	s25 =	sld [smem:$0x3FFE];
	[sflag:s24] =	ssyncadd.s32 $0xFFFFFFFF  }
0x1d: {  	s27 =	simm.s32 $execute0_lowered;
	[smem:$0x3FD2] =	sst s26  }
0x1e: {  	s5 =	sshll.u32 s27, $0x1;
	_ =	strace $0x80000049;
	[dreg:$0x1] =	wrdreg $0xFFFFFFFF  }
0x1f: {  	s28 =	simm.s32 $_size_execute0_lowered;
	s3 =	sadd.s32 s3, s5;
	[dreg:$0x0] =	wrdreg $0x0  }
0x20: {  	s5 =	sshll.u32 s28, $0x1;
	[dreg:$0x2] =	wrdreg s3  }
0x21: {  	[dreg:$0x3] =	wrdreg s5  }
0x22: {  	[dreg:$0x4] =	wrdreg $0xC0  }
0x23: {  	_ =	task [dreg:s7], $0x5FFFF  }
0x24: {  	[dreg:$0x1] =	wrdreg $0xFFFFFFFF  }
0x25: {  	[dreg:$0x0] =	wrdreg $0x60  }
0x26: {  	[dreg:$0x2] =	wrdreg s25  }
0x27: {  	[dreg:$0x3] =	wrdreg s2  }
0x28: {  	[dreg:$0x4] =	wrdreg $0x9  }
0x29: {  	_ =	task.clear_ibuf [dreg:s7], $0x5FFFF;
	_ =	strace $0x90000049  }
0x2a: {  	s29 =	simm.s32 $0x9;
	_ =	strace $0x8000004B  }
0x2b: {  	_ =	swait.ge [sflag:s29], $0x1  }
0x2c: {  	[sflag:s29] =	ssyncadd.s32 $0xFFFFFFFF  }
0x2d: {  	_ =	strace $0x9000004B  }
0x2e: {  	_ =	sfence  }
0x2f: {  	s30 =	sld [smem:$0x0];
	_ =	sdelay $0x2  }
0x30: {  	s31 =	sshll.u32 s1, $0xD;
	s1 =	sshrl.u32 s1, $0x2  }
0x31: {  	s3 =	sand.u32 $0x4000, s31;
	s1 =	sadd.s32 s1, s30  }
0x32: {  	s0 =	sor.u32 s3, s0;
	s1 =	sshll.u32 s1, $0x11  }
0x33: {  	s0 =	sor.u32 s1, s0  }
0x34: {  	s0 =	sadd.s32 $0x8F2B, s0  }
0x35: {  	[sflag:s0] =	ssyncadd.remote.s32 $0x1  }
0x36: {  	_ =	sfence.sel $0xFFFF  }
0x37: {  	[dreg:$0x0] =	wrdreg $0xFFFFFFFF;
	(pc) =	sbr.abs _section_cstart, $3  }
0x38: {  	[dreg:$0x1] =	wrdreg $0xFFFFFFFF  }
0x39: {  	_ =	task.clear_ibuf [dreg:s7], $0x2FFFF;
	_ =	strace $0x9FFFFFFF  }
0x3a: {  	(tm) =	ssettm $0x7FFFFFFF  }
0x3b: {  	_ =	shalt  }
tec
execute0_lowered:
.L_overlay_start_1:
0x0: {  	(tag) =	ssettag $0x1  }
0x1: {  	s0 =	srdreg.scid  }
0x2: {  	s1 =	sshll.u32 s0, $0x4  }
0x3: {  	s0 =	stileid.u32;
	s1 =	sand.u32 $0x10, s1  }
0x4: {  	s1 =	sor.u32 s0, s1  }
0x5: {  	s6 =	rddreg [dreg:$0x0];
	s4 =	simm.s32 $0x1;
	s2 =	sshll.u32 s1, $0x7  }
0x6: {  	s7 =	simm.s32 $0x2;
	s12 =	simm.s32 $0x0;
	s1 =	ssub.s32 $0x1000, s2  }
0x7: {  	s8 =	simm.s32 $0x8000;
	s13 =	simm.s32 $0x0;
	s3 =	sand.u32 $0xF80, s1  }
0x8: {  	s9 =	simm.s32 $0x0;
	s5 =	sshrl.u32 s1, $0xC;
	p0 =	sne.s32 s3, $0x0  }
.Ltmp0:
0x9: {  	s1 =	rddreg [dreg:$0x2];
	s4 =	simm.s32 @!p0 $0x0;
	(pc) =	sbr.rel .LBB1_1-.Ltmp0, $4  }
0xa: {  	s11 =	simm.s32 $0x0;
	s3 =	rddreg [dreg:$0x1];
	s5 =	sadd.s32 s4, s5  }
0xb: {  	_ =	strace $0x8000004A;
	s4 =	simm.s32 $0x1;
	s5 =	smul.u32 $0xC8, s5  }
0xc: {  	s6 =	sadd.s32 $0xDD600, s6;
	s10 =	smov.u32 s2;
	[sflag:s4] =	ssyncpa.u1 $0x0  }
0xd: {  	p0 =	por $0x0, $0x0;
	[sflag:s7] =	ssyncpa.u1 $0x0;
	s7 =	sor.u32 $0x1, s5  }
.LBB1_4:
0xe: {  	s16 =	sshll.u32 s13, $0x3;
	s17 =	sand.u32 $0x78, s13  }
0xf: {  	s30 =	sand.u32 $0x7E00, s13;
	s12 =	sshll.u32 s12, $0xF;
	s16 =	sand.u32 $0xC00, s16  }
0x10: {  	[tilespmem:s15+$0x810 ss:$0x81] =	vst.msk $0xffff, v2;
	s31 =	sand.u32 $0x7, s13;
	s16 =	sor.u32 s17, s16;
	s17 =	sadd.s32 s3, s30  }
0x11: {  	[tilespmem:s15+$0x1020 ss:$0x81] =	vst.msk $0xffff, v0;
	s13 =	sshll.u32 s31, $0x12;
	s12 =	sadd.s32 s12, s17;
	s16 =	sshrl.u32 s16, $0x3  }
0x12: {  	[tilespmem:s15+$0x0 ss:$0x81] =	vst.msk $0xffff, v1;
	s13 =	sor.u32 $0x400, s13;
	s12 =	sadd.s32 s16, s12  }
0x13: {  	[hbm4b:s12+s13] =	stream.strided.scatter [tilespmem:s14], [sflag:$0x2], $0x2000, s8, s13, $0x20;
	[tilespmem:$0x8080] =	vst v63  }
.LBB1_5:
0x14: {  	s14 =	sadd.s32 $0x1, s9  }
0x15: {  	s12 =	sadd.s32 $0x1000, s10;
	s16 =	smov.u32 s10;
	p2 =	sgt.s32 s14, $0xC7  }
0x16: {  	s16 =	smov.u32 @p2 s12  }
0x17: {  	s14 =	simm.s32 @p2 $0x0;
	p2 =	sgt.s32 s16, $0xFFF  }
0x18: {  	s16 =	smov.u32 @p2 s2;
	p2 =	sne.s32 s11, s7  }
.Ltmp1:
0x19: {  	p1 =	slt.u32 s11, $0x2;
	(pc) =	sbr.rel @!p2 .LBB1_6-.Ltmp1, $4  }
0x1a: {  	s15 =	simm.s32 @!p1 $0x2  }
0x1b: {  	s13 =	smov.u32 s10;
	p0 =	por !p0, !p0;
	_ =	swait.ge @!p1 [sflag:s15], $0x2000  }
0x1c: {  	s12 =	smov.u32 s9;
	[sflag:s15] =	ssyncset.done @!p1 $0x0;
	s9 =	smov.u32 s14  }
0x1d: {  	s11 =	sadd.s32 $0x1, s11;
	[sflag:s15] =	ssyncadd.s32 @!p1 $0xFFFFE000;
	s10 =	smov.u32 s16  }
.LBB1_1:
0x1e: {  	p1 =	sge.u32 s11, s5  }
0x1f: {  	s14 =	sand.u32 @!p1 $0x1FFFFFF, s9  }
0x20: {  	s15 =	smulhi.u32 @!p1 $0x147AE15, s14;
	_ =	sdelay $0x1  }
0x21: {  	s15 =	smul.u32 @!p1 $0xC8, s15  }
0x22: {  	s16 =	sxor.u32 @!p1 $0xFFFFFFFF, s11;
	s17 =	smul.u32 @!p1 $0xC80, s10  }
0x23: {  	s31 =	sadd.s32 $0xFFFFFFFF, s11;
	s16 =	sshll.u32 @!p1 s16, $0xD;
	s14 =	ssub.s32 @!p1 s14, s15  }
0x24: {  	s15 =	sand.u32 @!p1 $0x2000, s16;
	s16 =	sadd.s32 @!p1 s6, s17;
	s14 =	sshll.u32 @!p1 s14, $0x4  }
0x25: {  	s17 =	simm.s32 @!p1 $0x6400;
	s14 =	sadd.s32 @!p1 s14, s16;
	s16 =	simm.s32 @!p1 $0x40  }
0x26: {  	[tilespmem:s15], [sflag:$0x1] =	stream.strided.gather @!p1 [hbm4b:s14+s16], $0x2000, s17, s16, $0x38;
	[tilespmem:$0x8080] =	vst v63  }
0x27: {  	p1 =	sge.u32 s31, s5  }
.Ltmp2:
0x28: {  	_ = 	snop;
	(pc) =	sbr.rel @p1 .LBB1_5-.Ltmp2, $1  }
0x29: {  	_ =	sdelay $0x3  }
0x2a: {  	s14 =	simm.s32 $0x1  }
0x2b: {  	_ =	swait.ge [sflag:s4], $0x2000;
	s14 =	simm.s32 @!p0 $0x0  }
0x2c: {  	[sflag:s4] =	ssyncset.done $0x0;
	s15 =	sshll.u32 s14, $0xD  }
0x2d: {  	[sflag:s4] =	ssyncadd.s32 $0xFFFFE000;
	s18 =	sor.u32 $0x20, s15  }
0x2e: {  	s14 =	smul.u32 $0x8100, s14;
	v3 =	vld [tilespmem:s18+$0x10]  }
0x2f: {  	s30 =	sand.u32 $0x1, s11;
	v2 =	vld [tilespmem:s18+$0xFFFFFFF0]  }
0x30: {  	s15 =	smul.u32 $0x8100, s30;
	s14 =	sshrl.u32 s14, $0x2;
	v0 =	vld [tilespmem:s18+$0x0]  }
0x31: {  	v1 =	vld [tilespmem:s18+$0xFFFFFFE0];
	s16 =	sor.u32 $0x4000, s14  }
0x32: {  	s31 =	sshrl.u32 s15, $0x2;
	s15 =	sadd.s32 $0x0, s16  }
0x33: {  	s17 =	simm.s32 $0x4;
	s18 =	sadd.s32 $0x40, s18;
	s14 =	sor.u32 $0x4000, s31;
	[tilespmem:s15+$0x1830 ss:$0x81] =	vst.msk $0xffff, v3  }
.LBB1_3:
0x34: {  	v3 =	vld [tilespmem:s18+$0x10];
	p1 =	sne.s32 s17, $0x1FC;
	[tilespmem:s15+$0x810 ss:$0x81] =	vst.msk $0xffff, v2;
	s19 =	smov.u32 s17;
	s17 =	sadd.s32 $0x4, s17  }
.Ltmp3:
0x35: {  	v2 =	vld [tilespmem:s18+$0xFFFFFFF0];
	[tilespmem:s15+$0x1020 ss:$0x81] =	vst.msk $0xffff, v0;
	(pc) =	sbr.rel @p1 .LBB1_3-.Ltmp3, $4  }
0x36: {  	v0 =	vld [tilespmem:s18+$0x0];
	[tilespmem:s15+$0x0 ss:$0x81] =	vst.msk $0xffff, v1  }
0x37: {  	s15 =	sshra.s32 s19, $0x2;
	v1 =	vld [tilespmem:s18+$0xFFFFFFE0]  }
0x38: {  	s15 =	sadd.s32 s15, s16  }
0x39: {  	s18 =	sadd.s32 $0x40, s18;
	[tilespmem:s15+$0x1830 ss:$0x81] =	vst.msk $0xffff, v3  }
.Ltmp4:
0x3a: {  	_ = 	snop;
	(pc) =	sbr.rel .LBB1_4-.Ltmp4, $1  }
0x3b: {  	_ =	sdelay $0x3  }
.LBB1_6:
0x3c: {  	_ =	sfence.sel $0x180000  }
0x3d: {  	s2 =	simm.s32 $0x1;
	[bflag:$0x0] =	sbarrier.arrive $0xFFFF  }
0x3e: {  	s31 =	simm.s32 $0x2;
	[sflag:s2] =	ssyncpa.u1 $0x1  }
0x3f: {  	[sflag:s31] =	ssyncpa.u1 $0x1  }
0x40: {  	p0 =	sne.s32 s0, $0x0;
	_ =	strace $0x9000004A  }
0x41: {  	s0 =	sadd.s32 @!p0 $0x100000, s1;
	[bflag:$0x2] =	sbarrier.arrive $0xFFFF  }
0x42: {  	[sflag:s0] =	ssyncadd.tile.s32 @!p0 $0x1;
	_ =	shalt  }
.Lfunc_end1:
_tile_overlayer_lowered:
.L_overlay_start_2:
0x43: {  	(tag) =	ssettag $0x2  }
0x44: {  	s0 =	rddreg [dreg:$0x0];
	s2 =	stileid.u32  }
0x45: {  	s1 =	rddreg [dreg:$0x1];
	p0 =	sne.s32 s2, $0x0  }
0x46: {  	s3 =	rddreg [dreg:$0x2];
	[bflag:$0x3] =	sbarrier.arrive $0xFFFF;
	s2 =	simm.s32 @!p0 $0x1C01  }
0x47: {  	[timem:s3], [sflag:s2] =	dma.local @!p0 [hbm:s0], s1  }
0x48: {  	s0 =	simm.s32 @!p0 $0x1  }
0x49: {  	_ =	swait.ge @!p0 [sflag:s0], s1  }
0x4a: {  	s1 =	ssub.s32 @!p0 $0x0, s1;
	[sflag:s0] =	ssyncset.done @!p0 $0x0  }
0x4b: {  	[sflag:s0] =	ssyncadd.s32 @!p0 s1  }
0x4c: {  	[bflag:$0x3] =	sbarrier.arrive $0xFFFF  }
0x4d: {  	_ =	shalt  }

</sc_bundles>
